<compile_context>
chip_gen: v7x
topology: tpu7x:2x2x1
jax: 0.10.2.dev20260603
libtpu: 0.0.44.dev20260713+nightly
codegen_flags: <defaults>
</compile_context>

<pallas_src>
import functools

import jax
import jax.numpy as jnp
from jax import lax
from jax.experimental import pallas as pl
from jax.experimental.pallas import tpu as pltpu
from jax.experimental.pallas import tpu_sc as plsc

_K = 2
_SC_CHUNK = 512



def _router_body(C, x_ref, wr_ref, logits_ref, cw_ref, ridx_ref, src_ref):
    T, E = logits_ref.shape
    x = x_ref[...]
    wr = wr_ref[...]
    logits = jnp.dot(x, wr, preferred_element_type=jnp.float32)
    logits_ref[...] = logits

    m = jnp.max(logits, axis=-1, keepdims=True)
    ex = jnp.exp(logits - m)
    probs = ex / jnp.sum(ex, axis=-1, keepdims=True)

    lane = lax.broadcasted_iota(jnp.int32, (T, E), 1)
    p1 = jnp.max(probs, axis=-1, keepdims=True)
    i1 = jnp.min(jnp.where(probs == p1, lane, E), axis=-1, keepdims=True)
    probs2 = jnp.where(lane == i1, -1.0, probs)
    p2 = jnp.max(probs2, axis=-1, keepdims=True)
    i2 = jnp.min(jnp.where(probs2 == p2, lane, E), axis=-1, keepdims=True)
    wsum = p1 + p2
    w1 = p1 / wsum
    w2 = p2 / wsum

    ohsum = (lane == i1).astype(jnp.float32) + (lane == i2).astype(jnp.float32)
    inc = ohsum
    sh = 1
    while sh < T:
        inc = inc + jnp.concatenate(
            [jnp.zeros((sh, E), jnp.float32), inc[: T - sh]], axis=0)
        sh *= 2
    csum = inc - ohsum
    pos1 = jnp.sum(jnp.where(lane == i1, csum, 0.0), axis=-1,
                   keepdims=True).astype(jnp.int32)
    pos2 = jnp.sum(jnp.where(lane == i2, csum, 0.0), axis=-1,
                   keepdims=True).astype(jnp.int32)

    keep1 = pos1 < C
    keep2 = pos2 < C
    slot1 = i1 * C + pos1
    slot2 = i2 * C + pos2
    buf1 = jnp.where(keep1, slot1, E * C)
    buf2 = jnp.where(keep2, slot2, E * C)
    ridx_ref[:, 0:1] = jnp.where(keep1, slot1, 0)
    ridx_ref[:, 1:2] = jnp.where(keep2, slot2, 0)
    cw_ref[:, 0:1] = jnp.where(keep1, w1, 0.0)
    cw_ref[:, 1:2] = jnp.where(keep2, w2, 0.0)

    CH = _SC_CHUNK
    tok = lax.broadcasted_iota(jnp.int32, (T, CH), 0)
    for c in range(E * C // CH):
        slots = c * CH + lax.broadcasted_iota(jnp.int32, (T, CH), 1)
        m1 = jnp.where(buf1 == slots, 2 * tok + 1, 0)
        m2 = jnp.where(buf2 == slots, 2 * tok + 2, 0)
        ap1 = jnp.max(jnp.maximum(m1, m2), axis=0, keepdims=True)
        inv = ap1 - 1
        src_ref[c:c + 1, :] = jnp.where(inv < 0, 0, inv // _K)


def _router(x, wr, C):
    T, H = x.shape
    E = wr.shape[-1]
    n_src = (E * C) // _SC_CHUNK
    return pl.pallas_call(
        functools.partial(_router_body, C),
        out_shape=(
            jax.ShapeDtypeStruct((T, E), jnp.float32),
            jax.ShapeDtypeStruct((T, _K), jnp.float32),
            jax.ShapeDtypeStruct((T, _K), jnp.int32),
            jax.ShapeDtypeStruct((n_src, _SC_CHUNK), jnp.int32),
        ),
    )(x, wr)



def _sc_gather(table, idx):
    N = idx.shape[0]
    H = table.shape[1]
    info = plsc.get_sparse_core_info()
    nw = info.num_cores * info.num_subcores
    per_w = N // nw
    ch = min(32, per_w)
    mesh = plsc.VectorSubcoreMesh(core_axis_name="c", subcore_axis_name="s")

    @functools.partial(
        pl.kernel,
        out_type=jax.ShapeDtypeStruct((N, H), jnp.float32),
        mesh=mesh,
        scratch_types=[
            pltpu.VMEM((ch,), jnp.int32),
            pltpu.VMEM((ch, H), jnp.float32),
            pltpu.SemaphoreType.DMA,
        ],
    )
    def gather_k(table_hbm, idx_hbm, out_hbm, idx_v, rows_v, sem):
        wid = lax.axis_index("s") * info.num_cores + lax.axis_index("c")
        for c in range(per_w // ch):
            base = wid * per_w + c * ch
            pltpu.sync_copy(idx_hbm.at[pl.ds(base, ch)], idx_v)
            pltpu.async_copy(table_hbm.at[idx_v], rows_v, sem).wait()
            pltpu.sync_copy(rows_v, out_hbm.at[pl.ds(base, ch)])

    return gather_k(table, idx)



_IT = 512


def _mlp_body(I, x_ref, wg_ref, wu_ref, wd_ref, o_ref):
    it = pl.program_id(1)
    x = x_ref[0]
    wg = wg_ref[0]
    wu = wu_ref[0]
    wd = wd_ref[0]
    g = jnp.dot(x, wg, preferred_element_type=jnp.float32)
    u = jnp.dot(x, wu, preferred_element_type=jnp.float32)
    act = g * (1.0 / (1.0 + jnp.exp(-g))) * u
    valid = I - it * _IT
    act = jnp.where(
        lax.broadcasted_iota(jnp.int32, act.shape, 1) < valid, act, 0.0)
    wd = jnp.where(
        lax.broadcasted_iota(jnp.int32, wd.shape, 0) < valid, wd, 0.0)
    part = jnp.dot(act, wd, preferred_element_type=jnp.float32)

    @pl.when(it == 0)
    def _():
        o_ref[0] = part

    @pl.when(it != 0)
    def _():
        o_ref[0] += part


def _mlp(expert_in, wg, wu, wd):
    E, C, H = expert_in.shape
    I = wg.shape[-1]
    grid = (E, -(-I // _IT))
    return pl.pallas_call(
        functools.partial(_mlp_body, I),
        grid=grid,
        in_specs=[
            pl.BlockSpec((1, C, H), lambda e, it: (e, 0, 0)),
            pl.BlockSpec((1, H, _IT), lambda e, it: (e, 0, it)),
            pl.BlockSpec((1, H, _IT), lambda e, it: (e, 0, it)),
            pl.BlockSpec((1, _IT, H), lambda e, it: (e, it, 0)),
        ],
        out_specs=pl.BlockSpec((1, C, H), lambda e, it: (e, 0, 0)),
        out_shape=jax.ShapeDtypeStruct((E, C, H), jnp.float32),
        compiler_params=pltpu.CompilerParams(
            dimension_semantics=("parallel", "arbitrary"),
            vmem_limit_bytes=128 * 1024 * 1024),
    )(expert_in, wg, wu, wd)



def _combine_body(ga0_ref, ga1_ref, cw_ref, o_ref):
    o_ref[...] = (cw_ref[:, 0:1] * ga0_ref[...] +
                  cw_ref[:, 1:2] * ga1_ref[...])


def _combine(ga, cw):
    T2, H = ga.shape
    T = T2 // 2
    BT = 256
    return pl.pallas_call(
        _combine_body,
        grid=(T // BT,),
        in_specs=[
            pl.BlockSpec((BT, H), lambda i: (i, 0)),
            pl.BlockSpec((BT, H), lambda i, _off=T // BT: (i + _off, 0)),
            pl.BlockSpec((BT, _K), lambda i: (i, 0)),
        ],
        out_specs=pl.BlockSpec((BT, H), lambda i: (i, 0)),
        out_shape=jax.ShapeDtypeStruct((T, H), jnp.float32),
    )(ga, ga, cw)



def kernel(hidden_states, W_router, Wg, Wu, Wd):
    B, S, H = hidden_states.shape
    L, _, E = W_router.shape
    T = B * S
    C = -(-_K * T // E)

    x = hidden_states.reshape(T, H)
    logits_list = []
    for l in range(L):
        logits, cw, ridx, src = _router(x, W_router[l], C)
        expert_in = _sc_gather(x, src.reshape(E * C))
        y = _mlp(expert_in.reshape(E, C, H), Wg[l], Wu[l], Wd[l])
        ga = _sc_gather(y.reshape(E * C, H), ridx.T.reshape(_K * T))
        x = _combine(ga, cw)
        logits_list.append(logits)

    return x.reshape(B, S, H), jnp.concatenate(logits_list, axis=0)

# --- scband reference (transcript-rebuilt; emitter-appended) ---
"""Pipeline reference for scband-stacked-model-44805098832183 (READ-ONLY COPY).

The authoritative reference and input builder live on the scoring server;
editing this copy changes nothing except your own understanding.
"""

import math
import jax, jax.numpy as jnp
import numpy as np

L = 2      # stack_size
E = 8      # num_experts
K = 2      # top_k
H = 2048   # hidden_size
I = 5504   # intermediate_size (glu)
CF = 1.0   # capacity_factor
B = 1
S = 2048


def setup_inputs(seed: int = 0) -> dict:
    key = jax.random.key(seed)
    ks = jax.random.split(key, 5)
    hidden_states = jax.random.normal(ks[0], (B, S, H), dtype=jnp.float32)
    W_router = jax.random.normal(ks[1], (L, H, E), dtype=jnp.float32) * (1.0 / math.sqrt(H))
    Wg = jax.random.normal(ks[2], (L, E, H, I), dtype=jnp.float32) * (1.0 / math.sqrt(H))
    Wu = jax.random.normal(ks[3], (L, E, H, I), dtype=jnp.float32) * (1.0 / math.sqrt(H))
    Wd = jax.random.normal(ks[4], (L, E, I, H), dtype=jnp.float32) * (1.0 / math.sqrt(I))
    return {"hidden_states": hidden_states, "W_router": W_router, "Wg": Wg, "Wu": Wu, "Wd": Wd}


def _moe_layer(x, wr, wg, wu, wd):
    # x: [T, H] tokens
    T = x.shape[0]
    C = int(np.ceil(K * T / E * CF))  # expert capacity
    router_logits = x @ wr                      # [T, E]
    probs = jax.nn.softmax(router_logits, axis=-1)
    topk_vals, topk_idx = jax.lax.top_k(probs, K)   # [T, K]
    # normalize_top_k_affinities=True
    weights = topk_vals / jnp.sum(topk_vals, axis=-1, keepdims=True)
    # flatten assignments token-major (priority by token order, as in capacity-factor dropping)
    e_flat = topk_idx.reshape(-1)               # [T*K]
    onehot = jax.nn.one_hot(e_flat, E, dtype=jnp.int32)
    pos = jnp.cumsum(onehot, axis=0) - onehot   # position within expert before this assignment
    pos_flat = jnp.sum(pos * onehot, axis=1)    # [T*K]
    keep = pos_flat < C
    # dropped assignments routed to a trash slot E*C
    buf_idx = jnp.where(keep, e_flat * C + pos_flat, E * C)
    token_idx = jnp.repeat(jnp.arange(T), K)
    buffers = jnp.zeros((E * C + 1, x.shape[1]), x.dtype).at[buf_idx].set(x[token_idx])
    expert_in = buffers[: E * C].reshape(E, C, -1)
    # GLU MLP per expert
    g = jax.nn.silu(jnp.einsum("ech,ehi->eci", expert_in, wg))
    u = jnp.einsum("ech,ehi->eci", expert_in, wu)
    expert_out = jnp.einsum("eci,eih->ech", g * u, wd)   # [E, C, H]
    out_flat = expert_out.reshape(E * C, -1)
    out_pad = jnp.concatenate([out_flat, jnp.zeros((1, out_flat.shape[1]), out_flat.dtype)], axis=0)
    gathered = out_pad[buf_idx]                 # [T*K, H]; dropped rows gather zeros
    contrib = gathered * weights.reshape(-1)[:, None]
    out = jnp.zeros_like(x).at[token_idx].add(contrib)
    return out, router_logits


def reference(hidden_states, W_router, Wg, Wu, Wd):
    b, s, h = hidden_states.shape
    x = hidden_states.reshape(b * s, h)
    logits_list = []
    for l in range(L):
        x, lg = _moe_layer(x, W_router[l], Wg[l], Wu[l], Wd[l])
        logits_list.append(lg)
    out = x.reshape(b, s, h)
    all_router_logits = jnp.concatenate(logits_list, axis=0)
    return out, all_router_logits

if __name__ == "__main__":
    import jax
    _d = setup_inputs()
    print(jax.jit(kernel)(*tuple(_d.values())))

</pallas_src>

<mosaic_0001>
#map = affine_map<(d0, d1) -> (0, 0)>
#map1 = affine_map<(d0, d1) -> (0)>
module attributes {stable_mosaic.version = 14 : i64} {
  func.func @gather_k(%arg0: i32, %arg1: i32, %arg2: memref<2048x2048xf32, #tpu.memory_space<hbm>>, %arg3: memref<4096xi32, #tpu.memory_space<hbm>>, %arg4: memref<4096x2048xf32, #tpu.memory_space<hbm>>, %arg5: memref<32xi32, #tpu.memory_space<vmem>>, %arg6: memref<32x2048xf32, #tpu.memory_space<vmem>>, %arg7: memref<!tpu.dma_semaphore, #tpu.memory_space<semaphore_mem>>) attributes {dimension_semantics = [#tpu.dimension_semantics<core_parallel>, #tpu.dimension_semantics<subcore_parallel>], iteration_bounds = array<i64: 2, 16>, scalar_prefetch = 0 : i64, scratch_operands = 3 : i64, tpu.core_type = #tpu.core_type<sc_vector_subcore>, window_params = [{transform_indices = #map}, {transform_indices = #map1}, {transform_indices = #map}]} {
    %mul3A = arith.constant 2 : i32
    %mul3A_0 = arith.muli %arg1, %mul3A : i32
    %add3A = arith.addi %mul3A_0, %arg0 : i32
    %mul3A_1 = arith.constant 128 : i32
    %mul3A_2 = arith.muli %add3A, %mul3A_1 : i32
    %add3A_3 = arith.constant 0 : i32
    %add3A_4 = arith.addi %mul3A_2, %add3A_3 : i32
    "tpu.region"() ({
      %run_scoped3A = tpu.sem_alloc : memref<!tpu.dma_semaphore, #tpu.memory_space<semaphore_mem>>
      %dma_start3A_39 = tpu.memref_slice %arg3[%add3A_4] : memref<4096xi32, #tpu.memory_space<hbm>> -> memref<32xi32, #tpu.memory_space<hbm>>
      %dma_start3A_40 = tpu.memref_slice %arg3[%add3A_4] : memref<4096xi32, #tpu.memory_space<hbm>> -> memref<32xi32, #tpu.memory_space<hbm>>
      tpu.enqueue_dma source(%dma_start3A_40 : memref<32xi32, #tpu.memory_space<hbm>>) target(%arg5 : memref<32xi32, #tpu.memory_space<vmem>>) target_semaphore(%run_scoped3A : memref<!tpu.dma_semaphore, #tpu.memory_space<semaphore_mem>>)
      %dma_wait3A_41 = tpu.memref_slice %arg3[%add3A_4] : memref<4096xi32, #tpu.memory_space<hbm>> -> memref<32xi32, #tpu.memory_space<hbm>>
      %dma_wait3A_42 = tpu.memref_slice %arg3[%add3A_4] : memref<4096xi32, #tpu.memory_space<hbm>> -> memref<32xi32, #tpu.memory_space<hbm>>
      tpu.wait_dma2 semaphore(%run_scoped3A : memref<!tpu.dma_semaphore, #tpu.memory_space<semaphore_mem>>) src(%dma_wait3A_42 : memref<32xi32, #tpu.memory_space<hbm>>) dst(%arg5 : memref<32xi32, #tpu.memory_space<vmem>>)
      tpu.yield
    }) : () -> ()
    %dma_start3A = arith.constant 0 : i32
    %dma_start3A_5 = arith.constant 0 : i32
    %dma_start3A_6 = tpu.memref_slice %arg2[%dma_start3A, %dma_start3A_5] : memref<2048x2048xf32, #tpu.memory_space<hbm>> -> memref<2048x2048xf32, #tpu.memory_space<hbm>>
    tpu.enqueue_indirect_dma source(%dma_start3A_6 : memref<2048x2048xf32, #tpu.memory_space<hbm>>) target(%arg6 : memref<32x2048xf32, #tpu.memory_space<vmem>>) offsets(%arg5 : memref<32xi32, #tpu.memory_space<vmem>>) semaphore(%arg7 : memref<!tpu.dma_semaphore, #tpu.memory_space<semaphore_mem>>)
    %dma_wait3A = arith.constant 0 : i32
    %dma_wait3A_7 = arith.constant 0 : i32
    %dma_wait3A_8 = tpu.memref_slice %arg2[%dma_wait3A, %dma_wait3A_7] : memref<2048x2048xf32, #tpu.memory_space<hbm>> -> memref<2048x2048xf32, #tpu.memory_space<hbm>>
    tpu.wait_indirect_dma semaphore(%arg7 : memref<!tpu.dma_semaphore, #tpu.memory_space<semaphore_mem>>) src(%dma_wait3A_8 : memref<2048x2048xf32, #tpu.memory_space<hbm>>) dst(%arg6 : memref<32x2048xf32, #tpu.memory_space<vmem>>)
    "tpu.region"() ({
      %run_scoped3A = tpu.sem_alloc : memref<!tpu.dma_semaphore, #tpu.memory_space<semaphore_mem>>
      %dma_start3A_39 = arith.constant 0 : i32
      %dma_start3A_40 = tpu.memref_slice %arg4[%add3A_4, %dma_start3A_39] : memref<4096x2048xf32, #tpu.memory_space<hbm>> -> memref<32x2048xf32, #tpu.memory_space<hbm>>
      %dma_start3A_41 = arith.constant 0 : i32
      %dma_start3A_42 = tpu.memref_slice %arg4[%add3A_4, %dma_start3A_41] : memref<4096x2048xf32, #tpu.memory_space<hbm>> -> memref<32x2048xf32, #tpu.memory_space<hbm>>
      tpu.enqueue_dma source(%arg6 : memref<32x2048xf32, #tpu.memory_space<vmem>>) target(%dma_start3A_42 : memref<32x2048xf32, #tpu.memory_space<hbm>>) target_semaphore(%run_scoped3A : memref<!tpu.dma_semaphore, #tpu.memory_space<semaphore_mem>>)
      %dma_wait3A_43 = arith.constant 0 : i32
      %dma_wait3A_44 = tpu.memref_slice %arg4[%add3A_4, %dma_wait3A_43] : memref<4096x2048xf32, #tpu.memory_space<hbm>> -> memref<32x2048xf32, #tpu.memory_space<hbm>>
      %dma_wait3A_45 = arith.constant 0 : i32
      %dma_wait3A_46 = tpu.memref_slice %arg4[%add3A_4, %dma_wait3A_45] : memref<4096x2048xf32, #tpu.memory_space<hbm>> -> memref<32x2048xf32, #tpu.memory_space<hbm>>
      tpu.wait_dma2 semaphore(%run_scoped3A : memref<!tpu.dma_semaphore, #tpu.memory_space<semaphore_mem>>) src(%arg6 : memref<32x2048xf32, #tpu.memory_space<vmem>>) dst(%dma_wait3A_46 : memref<32x2048xf32, #tpu.memory_space<hbm>>)
      tpu.yield
    }) : () -> ()
    %mul3A_9 = arith.constant 128 : i32
    %mul3A_10 = arith.muli %add3A, %mul3A_9 : i32
    %add3A_11 = arith.constant 32 : i32
    %add3A_12 = arith.addi %mul3A_10, %add3A_11 : i32
    "tpu.region"() ({
      %run_scoped3A = tpu.sem_alloc : memref<!tpu.dma_semaphore, #tpu.memory_space<semaphore_mem>>
      %dma_start3A_39 = tpu.memref_slice %arg3[%add3A_12] : memref<4096xi32, #tpu.memory_space<hbm>> -> memref<32xi32, #tpu.memory_space<hbm>>
      %dma_start3A_40 = tpu.memref_slice %arg3[%add3A_12] : memref<4096xi32, #tpu.memory_space<hbm>> -> memref<32xi32, #tpu.memory_space<hbm>>
      tpu.enqueue_dma source(%dma_start3A_40 : memref<32xi32, #tpu.memory_space<hbm>>) target(%arg5 : memref<32xi32, #tpu.memory_space<vmem>>) target_semaphore(%run_scoped3A : memref<!tpu.dma_semaphore, #tpu.memory_space<semaphore_mem>>)
      %dma_wait3A_41 = tpu.memref_slice %arg3[%add3A_12] : memref<4096xi32, #tpu.memory_space<hbm>> -> memref<32xi32, #tpu.memory_space<hbm>>
      %dma_wait3A_42 = tpu.memref_slice %arg3[%add3A_12] : memref<4096xi32, #tpu.memory_space<hbm>> -> memref<32xi32, #tpu.memory_space<hbm>>
      tpu.wait_dma2 semaphore(%run_scoped3A : memref<!tpu.dma_semaphore, #tpu.memory_space<semaphore_mem>>) src(%dma_wait3A_42 : memref<32xi32, #tpu.memory_space<hbm>>) dst(%arg5 : memref<32xi32, #tpu.memory_space<vmem>>)
      tpu.yield
    }) : () -> ()
    %dma_start3A_13 = arith.constant 0 : i32
    %dma_start3A_14 = arith.constant 0 : i32
    %dma_start3A_15 = tpu.memref_slice %arg2[%dma_start3A_13, %dma_start3A_14] : memref<2048x2048xf32, #tpu.memory_space<hbm>> -> memref<2048x2048xf32, #tpu.memory_space<hbm>>
    tpu.enqueue_indirect_dma source(%dma_start3A_15 : memref<2048x2048xf32, #tpu.memory_space<hbm>>) target(%arg6 : memref<32x2048xf32, #tpu.memory_space<vmem>>) offsets(%arg5 : memref<32xi32, #tpu.memory_space<vmem>>) semaphore(%arg7 : memref<!tpu.dma_semaphore, #tpu.memory_space<semaphore_mem>>)
    %dma_wait3A_16 = arith.constant 0 : i32
    %dma_wait3A_17 = arith.constant 0 : i32
    %dma_wait3A_18 = tpu.memref_slice %arg2[%dma_wait3A_16, %dma_wait3A_17] : memref<2048x2048xf32, #tpu.memory_space<hbm>> -> memref<2048x2048xf32, #tpu.memory_space<hbm>>
    tpu.wait_indirect_dma semaphore(%arg7 : memref<!tpu.dma_semaphore, #tpu.memory_space<semaphore_mem>>) src(%dma_wait3A_18 : memref<2048x2048xf32, #tpu.memory_space<hbm>>) dst(%arg6 : memref<32x2048xf32, #tpu.memory_space<vmem>>)
    "tpu.region"() ({
      %run_scoped3A = tpu.sem_alloc : memref<!tpu.dma_semaphore, #tpu.memory_space<semaphore_mem>>
      %dma_start3A_39 = arith.constant 0 : i32
      %dma_start3A_40 = tpu.memref_slice %arg4[%add3A_12, %dma_start3A_39] : memref<4096x2048xf32, #tpu.memory_space<hbm>> -> memref<32x2048xf32, #tpu.memory_space<hbm>>
      %dma_start3A_41 = arith.constant 0 : i32
      %dma_start3A_42 = tpu.memref_slice %arg4[%add3A_12, %dma_start3A_41] : memref<4096x2048xf32, #tpu.memory_space<hbm>> -> memref<32x2048xf32, #tpu.memory_space<hbm>>
      tpu.enqueue_dma source(%arg6 : memref<32x2048xf32, #tpu.memory_space<vmem>>) target(%dma_start3A_42 : memref<32x2048xf32, #tpu.memory_space<hbm>>) target_semaphore(%run_scoped3A : memref<!tpu.dma_semaphore, #tpu.memory_space<semaphore_mem>>)
      %dma_wait3A_43 = arith.constant 0 : i32
      %dma_wait3A_44 = tpu.memref_slice %arg4[%add3A_12, %dma_wait3A_43] : memref<4096x2048xf32, #tpu.memory_space<hbm>> -> memref<32x2048xf32, #tpu.memory_space<hbm>>
      %dma_wait3A_45 = arith.constant 0 : i32
      %dma_wait3A_46 = tpu.memref_slice %arg4[%add3A_12, %dma_wait3A_45] : memref<4096x2048xf32, #tpu.memory_space<hbm>> -> memref<32x2048xf32, #tpu.memory_space<hbm>>
      tpu.wait_dma2 semaphore(%run_scoped3A : memref<!tpu.dma_semaphore, #tpu.memory_space<semaphore_mem>>) src(%arg6 : memref<32x2048xf32, #tpu.memory_space<vmem>>) dst(%dma_wait3A_46 : memref<32x2048xf32, #tpu.memory_space<hbm>>)
      tpu.yield
    }) : () -> ()
    %mul3A_19 = arith.constant 128 : i32
    %mul3A_20 = arith.muli %add3A, %mul3A_19 : i32
    %add3A_21 = arith.constant 64 : i32
    %add3A_22 = arith.addi %mul3A_20, %add3A_21 : i32
    "tpu.region"() ({
      %run_scoped3A = tpu.sem_alloc : memref<!tpu.dma_semaphore, #tpu.memory_space<semaphore_mem>>
      %dma_start3A_39 = tpu.memref_slice %arg3[%add3A_22] : memref<4096xi32, #tpu.memory_space<hbm>> -> memref<32xi32, #tpu.memory_space<hbm>>
      %dma_start3A_40 = tpu.memref_slice %arg3[%add3A_22] : memref<4096xi32, #tpu.memory_space<hbm>> -> memref<32xi32, #tpu.memory_space<hbm>>
      tpu.enqueue_dma source(%dma_start3A_40 : memref<32xi32, #tpu.memory_space<hbm>>) target(%arg5 : memref<32xi32, #tpu.memory_space<vmem>>) target_semaphore(%run_scoped3A : memref<!tpu.dma_semaphore, #tpu.memory_space<semaphore_mem>>)
      %dma_wait3A_41 = tpu.memref_slice %arg3[%add3A_22] : memref<4096xi32, #tpu.memory_space<hbm>> -> memref<32xi32, #tpu.memory_space<hbm>>
      %dma_wait3A_42 = tpu.memref_slice %arg3[%add3A_22] : memref<4096xi32, #tpu.memory_space<hbm>> -> memref<32xi32, #tpu.memory_space<hbm>>
      tpu.wait_dma2 semaphore(%run_scoped3A : memref<!tpu.dma_semaphore, #tpu.memory_space<semaphore_mem>>) src(%dma_wait3A_42 : memref<32xi32, #tpu.memory_space<hbm>>) dst(%arg5 : memref<32xi32, #tpu.memory_space<vmem>>)
      tpu.yield
    }) : () -> ()
    %dma_start3A_23 = arith.constant 0 : i32
    %dma_start3A_24 = arith.constant 0 : i32
    %dma_start3A_25 = tpu.memref_slice %arg2[%dma_start3A_23, %dma_start3A_24] : memref<2048x2048xf32, #tpu.memory_space<hbm>> -> memref<2048x2048xf32, #tpu.memory_space<hbm>>
    tpu.enqueue_indirect_dma source(%dma_start3A_25 : memref<2048x2048xf32, #tpu.memory_space<hbm>>) target(%arg6 : memref<32x2048xf32, #tpu.memory_space<vmem>>) offsets(%arg5 : memref<32xi32, #tpu.memory_space<vmem>>) semaphore(%arg7 : memref<!tpu.dma_semaphore, #tpu.memory_space<semaphore_mem>>)
    %dma_wait3A_26 = arith.constant 0 : i32
    %dma_wait3A_27 = arith.constant 0 : i32
    %dma_wait3A_28 = tpu.memref_slice %arg2[%dma_wait3A_26, %dma_wait3A_27] : memref<2048x2048xf32, #tpu.memory_space<hbm>> -> memref<2048x2048xf32, #tpu.memory_space<hbm>>
    tpu.wait_indirect_dma semaphore(%arg7 : memref<!tpu.dma_semaphore, #tpu.memory_space<semaphore_mem>>) src(%dma_wait3A_28 : memref<2048x2048xf32, #tpu.memory_space<hbm>>) dst(%arg6 : memref<32x2048xf32, #tpu.memory_space<vmem>>)
    "tpu.region"() ({
      %run_scoped3A = tpu.sem_alloc : memref<!tpu.dma_semaphore, #tpu.memory_space<semaphore_mem>>
      %dma_start3A_39 = arith.constant 0 : i32
      %dma_start3A_40 = tpu.memref_slice %arg4[%add3A_22, %dma_start3A_39] : memref<4096x2048xf32, #tpu.memory_space<hbm>> -> memref<32x2048xf32, #tpu.memory_space<hbm>>
      %dma_start3A_41 = arith.constant 0 : i32
      %dma_start3A_42 = tpu.memref_slice %arg4[%add3A_22, %dma_start3A_41] : memref<4096x2048xf32, #tpu.memory_space<hbm>> -> memref<32x2048xf32, #tpu.memory_space<hbm>>
      tpu.enqueue_dma source(%arg6 : memref<32x2048xf32, #tpu.memory_space<vmem>>) target(%dma_start3A_42 : memref<32x2048xf32, #tpu.memory_space<hbm>>) target_semaphore(%run_scoped3A : memref<!tpu.dma_semaphore, #tpu.memory_space<semaphore_mem>>)
      %dma_wait3A_43 = arith.constant 0 : i32
      %dma_wait3A_44 = tpu.memref_slice %arg4[%add3A_22, %dma_wait3A_43] : memref<4096x2048xf32, #tpu.memory_space<hbm>> -> memref<32x2048xf32, #tpu.memory_space<hbm>>
      %dma_wait3A_45 = arith.constant 0 : i32
      %dma_wait3A_46 = tpu.memref_slice %arg4[%add3A_22, %dma_wait3A_45] : memref<4096x2048xf32, #tpu.memory_space<hbm>> -> memref<32x2048xf32, #tpu.memory_space<hbm>>
      tpu.wait_dma2 semaphore(%run_scoped3A : memref<!tpu.dma_semaphore, #tpu.memory_space<semaphore_mem>>) src(%arg6 : memref<32x2048xf32, #tpu.memory_space<vmem>>) dst(%dma_wait3A_46 : memref<32x2048xf32, #tpu.memory_space<hbm>>)
      tpu.yield
    }) : () -> ()
    %mul3A_29 = arith.constant 128 : i32
    %mul3A_30 = arith.muli %add3A, %mul3A_29 : i32
    %add3A_31 = arith.constant 96 : i32
    %add3A_32 = arith.addi %mul3A_30, %add3A_31 : i32
    "tpu.region"() ({
      %run_scoped3A = tpu.sem_alloc : memref<!tpu.dma_semaphore, #tpu.memory_space<semaphore_mem>>
      %dma_start3A_39 = tpu.memref_slice %arg3[%add3A_32] : memref<4096xi32, #tpu.memory_space<hbm>> -> memref<32xi32, #tpu.memory_space<hbm>>
      %dma_start3A_40 = tpu.memref_slice %arg3[%add3A_32] : memref<4096xi32, #tpu.memory_space<hbm>> -> memref<32xi32, #tpu.memory_space<hbm>>
      tpu.enqueue_dma source(%dma_start3A_40 : memref<32xi32, #tpu.memory_space<hbm>>) target(%arg5 : memref<32xi32, #tpu.memory_space<vmem>>) target_semaphore(%run_scoped3A : memref<!tpu.dma_semaphore, #tpu.memory_space<semaphore_mem>>)
      %dma_wait3A_41 = tpu.memref_slice %arg3[%add3A_32] : memref<4096xi32, #tpu.memory_space<hbm>> -> memref<32xi32, #tpu.memory_space<hbm>>
      %dma_wait3A_42 = tpu.memref_slice %arg3[%add3A_32] : memref<4096xi32, #tpu.memory_space<hbm>> -> memref<32xi32, #tpu.memory_space<hbm>>
      tpu.wait_dma2 semaphore(%run_scoped3A : memref<!tpu.dma_semaphore, #tpu.memory_space<semaphore_mem>>) src(%dma_wait3A_42 : memref<32xi32, #tpu.memory_space<hbm>>) dst(%arg5 : memref<32xi32, #tpu.memory_space<vmem>>)
      tpu.yield
    }) : () -> ()
    %dma_start3A_33 = arith.constant 0 : i32
    %dma_start3A_34 = arith.constant 0 : i32
    %dma_start3A_35 = tpu.memref_slice %arg2[%dma_start3A_33, %dma_start3A_34] : memref<2048x2048xf32, #tpu.memory_space<hbm>> -> memref<2048x2048xf32, #tpu.memory_space<hbm>>
    tpu.enqueue_indirect_dma source(%dma_start3A_35 : memref<2048x2048xf32, #tpu.memory_space<hbm>>) target(%arg6 : memref<32x2048xf32, #tpu.memory_space<vmem>>) offsets(%arg5 : memref<32xi32, #tpu.memory_space<vmem>>) semaphore(%arg7 : memref<!tpu.dma_semaphore, #tpu.memory_space<semaphore_mem>>)
    %dma_wait3A_36 = arith.constant 0 : i32
    %dma_wait3A_37 = arith.constant 0 : i32
    %dma_wait3A_38 = tpu.memref_slice %arg2[%dma_wait3A_36, %dma_wait3A_37] : memref<2048x2048xf32, #tpu.memory_space<hbm>> -> memref<2048x2048xf32, #tpu.memory_space<hbm>>
    tpu.wait_indirect_dma semaphore(%arg7 : memref<!tpu.dma_semaphore, #tpu.memory_space<semaphore_mem>>) src(%dma_wait3A_38 : memref<2048x2048xf32, #tpu.memory_space<hbm>>) dst(%arg6 : memref<32x2048xf32, #tpu.memory_space<vmem>>)
    "tpu.region"() ({
      %run_scoped3A = tpu.sem_alloc : memref<!tpu.dma_semaphore, #tpu.memory_space<semaphore_mem>>
      %dma_start3A_39 = arith.constant 0 : i32
      %dma_start3A_40 = tpu.memref_slice %arg4[%add3A_32, %dma_start3A_39] : memref<4096x2048xf32, #tpu.memory_space<hbm>> -> memref<32x2048xf32, #tpu.memory_space<hbm>>
      %dma_start3A_41 = arith.constant 0 : i32
      %dma_start3A_42 = tpu.memref_slice %arg4[%add3A_32, %dma_start3A_41] : memref<4096x2048xf32, #tpu.memory_space<hbm>> -> memref<32x2048xf32, #tpu.memory_space<hbm>>
      tpu.enqueue_dma source(%arg6 : memref<32x2048xf32, #tpu.memory_space<vmem>>) target(%dma_start3A_42 : memref<32x2048xf32, #tpu.memory_space<hbm>>) target_semaphore(%run_scoped3A : memref<!tpu.dma_semaphore, #tpu.memory_space<semaphore_mem>>)
      %dma_wait3A_43 = arith.constant 0 : i32
      %dma_wait3A_44 = tpu.memref_slice %arg4[%add3A_32, %dma_wait3A_43] : memref<4096x2048xf32, #tpu.memory_space<hbm>> -> memref<32x2048xf32, #tpu.memory_space<hbm>>
      %dma_wait3A_45 = arith.constant 0 : i32
      %dma_wait3A_46 = tpu.memref_slice %arg4[%add3A_32, %dma_wait3A_45] : memref<4096x2048xf32, #tpu.memory_space<hbm>> -> memref<32x2048xf32, #tpu.memory_space<hbm>>
      tpu.wait_dma2 semaphore(%run_scoped3A : memref<!tpu.dma_semaphore, #tpu.memory_space<semaphore_mem>>) src(%arg6 : memref<32x2048xf32, #tpu.memory_space<vmem>>) dst(%dma_wait3A_46 : memref<32x2048xf32, #tpu.memory_space<hbm>>)
      tpu.yield
    }) : () -> ()
    return
  }
}

#map = affine_map<(d0, d1) -> (0, 0)>
#map1 = affine_map<(d0, d1) -> (0)>
module attributes {stable_mosaic.version = 14 : i64} {
  func.func @gather_k(%arg0: i32, %arg1: i32, %arg2: memref<4096x2048xf32, #tpu.memory_space<hbm>>, %arg3: memref<4096xi32, #tpu.memory_space<hbm>>, %arg4: memref<4096x2048xf32, #tpu.memory_space<hbm>>, %arg5: memref<32xi32, #tpu.memory_space<vmem>>, %arg6: memref<32x2048xf32, #tpu.memory_space<vmem>>, %arg7: memref<!tpu.dma_semaphore, #tpu.memory_space<semaphore_mem>>) attributes {dimension_semantics = [#tpu.dimension_semantics<core_parallel>, #tpu.dimension_semantics<subcore_parallel>], iteration_bounds = array<i64: 2, 16>, scalar_prefetch = 0 : i64, scratch_operands = 3 : i64, tpu.core_type = #tpu.core_type<sc_vector_subcore>, window_params = [{transform_indices = #map}, {transform_indices = #map1}, {transform_indices = #map}]} {
    %mul3A = arith.constant 2 : i32
    %mul3A_0 = arith.muli %arg1, %mul3A : i32
    %add3A = arith.addi %mul3A_0, %arg0 : i32
    %mul3A_1 = arith.constant 128 : i32
    %mul3A_2 = arith.muli %add3A, %mul3A_1 : i32
    %add3A_3 = arith.constant 0 : i32
    %add3A_4 = arith.addi %mul3A_2, %add3A_3 : i32
    "tpu.region"() ({
      %run_scoped3A = tpu.sem_alloc : memref<!tpu.dma_semaphore, #tpu.memory_space<semaphore_mem>>
      %dma_start3A_39 = tpu.memref_slice %arg3[%add3A_4] : memref<4096xi32, #tpu.memory_space<hbm>> -> memref<32xi32, #tpu.memory_space<hbm>>
      %dma_start3A_40 = tpu.memref_slice %arg3[%add3A_4] : memref<4096xi32, #tpu.memory_space<hbm>> -> memref<32xi32, #tpu.memory_space<hbm>>
      tpu.enqueue_dma source(%dma_start3A_40 : memref<32xi32, #tpu.memory_space<hbm>>) target(%arg5 : memref<32xi32, #tpu.memory_space<vmem>>) target_semaphore(%run_scoped3A : memref<!tpu.dma_semaphore, #tpu.memory_space<semaphore_mem>>)
      %dma_wait3A_41 = tpu.memref_slice %arg3[%add3A_4] : memref<4096xi32, #tpu.memory_space<hbm>> -> memref<32xi32, #tpu.memory_space<hbm>>
      %dma_wait3A_42 = tpu.memref_slice %arg3[%add3A_4] : memref<4096xi32, #tpu.memory_space<hbm>> -> memref<32xi32, #tpu.memory_space<hbm>>
      tpu.wait_dma2 semaphore(%run_scoped3A : memref<!tpu.dma_semaphore, #tpu.memory_space<semaphore_mem>>) src(%dma_wait3A_42 : memref<32xi32, #tpu.memory_space<hbm>>) dst(%arg5 : memref<32xi32, #tpu.memory_space<vmem>>)
      tpu.yield
    }) : () -> ()
    %dma_start3A = arith.constant 0 : i32
    %dma_start3A_5 = arith.constant 0 : i32
    %dma_start3A_6 = tpu.memref_slice %arg2[%dma_start3A, %dma_start3A_5] : memref<4096x2048xf32, #tpu.memory_space<hbm>> -> memref<4096x2048xf32, #tpu.memory_space<hbm>>
    tpu.enqueue_indirect_dma source(%dma_start3A_6 : memref<4096x2048xf32, #tpu.memory_space<hbm>>) target(%arg6 : memref<32x2048xf32, #tpu.memory_space<vmem>>) offsets(%arg5 : memref<32xi32, #tpu.memory_space<vmem>>) semaphore(%arg7 : memref<!tpu.dma_semaphore, #tpu.memory_space<semaphore_mem>>)
    %dma_wait3A = arith.constant 0 : i32
    %dma_wait3A_7 = arith.constant 0 : i32
    %dma_wait3A_8 = tpu.memref_slice %arg2[%dma_wait3A, %dma_wait3A_7] : memref<4096x2048xf32, #tpu.memory_space<hbm>> -> memref<4096x2048xf32, #tpu.memory_space<hbm>>
    tpu.wait_indirect_dma semaphore(%arg7 : memref<!tpu.dma_semaphore, #tpu.memory_space<semaphore_mem>>) src(%dma_wait3A_8 : memref<4096x2048xf32, #tpu.memory_space<hbm>>) dst(%arg6 : memref<32x2048xf32, #tpu.memory_space<vmem>>)
    "tpu.region"() ({
      %run_scoped3A = tpu.sem_alloc : memref<!tpu.dma_semaphore, #tpu.memory_space<semaphore_mem>>
      %dma_start3A_39 = arith.constant 0 : i32
      %dma_start3A_40 = tpu.memref_slice %arg4[%add3A_4, %dma_start3A_39] : memref<4096x2048xf32, #tpu.memory_space<hbm>> -> memref<32x2048xf32, #tpu.memory_space<hbm>>
      %dma_start3A_41 = arith.constant 0 : i32
      %dma_start3A_42 = tpu.memref_slice %arg4[%add3A_4, %dma_start3A_41] : memref<4096x2048xf32, #tpu.memory_space<hbm>> -> memref<32x2048xf32, #tpu.memory_space<hbm>>
      tpu.enqueue_dma source(%arg6 : memref<32x2048xf32, #tpu.memory_space<vmem>>) target(%dma_start3A_42 : memref<32x2048xf32, #tpu.memory_space<hbm>>) target_semaphore(%run_scoped3A : memref<!tpu.dma_semaphore, #tpu.memory_space<semaphore_mem>>)
      %dma_wait3A_43 = arith.constant 0 : i32
      %dma_wait3A_44 = tpu.memref_slice %arg4[%add3A_4, %dma_wait3A_43] : memref<4096x2048xf32, #tpu.memory_space<hbm>> -> memref<32x2048xf32, #tpu.memory_space<hbm>>
      %dma_wait3A_45 = arith.constant 0 : i32
      %dma_wait3A_46 = tpu.memref_slice %arg4[%add3A_4, %dma_wait3A_45] : memref<4096x2048xf32, #tpu.memory_space<hbm>> -> memref<32x2048xf32, #tpu.memory_space<hbm>>
      tpu.wait_dma2 semaphore(%run_scoped3A : memref<!tpu.dma_semaphore, #tpu.memory_space<semaphore_mem>>) src(%arg6 : memref<32x2048xf32, #tpu.memory_space<vmem>>) dst(%dma_wait3A_46 : memref<32x2048xf32, #tpu.memory_space<hbm>>)
      tpu.yield
    }) : () -> ()
    %mul3A_9 = arith.constant 128 : i32
    %mul3A_10 = arith.muli %add3A, %mul3A_9 : i32
    %add3A_11 = arith.constant 32 : i32
    %add3A_12 = arith.addi %mul3A_10, %add3A_11 : i32
    "tpu.region"() ({
      %run_scoped3A = tpu.sem_alloc : memref<!tpu.dma_semaphore, #tpu.memory_space<semaphore_mem>>
      %dma_start3A_39 = tpu.memref_slice %arg3[%add3A_12] : memref<4096xi32, #tpu.memory_space<hbm>> -> memref<32xi32, #tpu.memory_space<hbm>>
      %dma_start3A_40 = tpu.memref_slice %arg3[%add3A_12] : memref<4096xi32, #tpu.memory_space<hbm>> -> memref<32xi32, #tpu.memory_space<hbm>>
      tpu.enqueue_dma source(%dma_start3A_40 : memref<32xi32, #tpu.memory_space<hbm>>) target(%arg5 : memref<32xi32, #tpu.memory_space<vmem>>) target_semaphore(%run_scoped3A : memref<!tpu.dma_semaphore, #tpu.memory_space<semaphore_mem>>)
      %dma_wait3A_41 = tpu.memref_slice %arg3[%add3A_12] : memref<4096xi32, #tpu.memory_space<hbm>> -> memref<32xi32, #tpu.memory_space<hbm>>
      %dma_wait3A_42 = tpu.memref_slice %arg3[%add3A_12] : memref<4096xi32, #tpu.memory_space<hbm>> -> memref<32xi32, #tpu.memory_space<hbm>>
      tpu.wait_dma2 semaphore(%run_scoped3A : memref<!tpu.dma_semaphore, #tpu.memory_space<semaphore_mem>>) src(%dma_wait3A_42 : memref<32xi32, #tpu.memory_space<hbm>>) dst(%arg5 : memref<32xi32, #tpu.memory_space<vmem>>)
      tpu.yield
    }) : () -> ()
    %dma_start3A_13 = arith.constant 0 : i32
    %dma_start3A_14 = arith.constant 0 : i32
    %dma_start3A_15 = tpu.memref_slice %arg2[%dma_start3A_13, %dma_start3A_14] : memref<4096x2048xf32, #tpu.memory_space<hbm>> -> memref<4096x2048xf32, #tpu.memory_space<hbm>>
    tpu.enqueue_indirect_dma source(%dma_start3A_15 : memref<4096x2048xf32, #tpu.memory_space<hbm>>) target(%arg6 : memref<32x2048xf32, #tpu.memory_space<vmem>>) offsets(%arg5 : memref<32xi32, #tpu.memory_space<vmem>>) semaphore(%arg7 : memref<!tpu.dma_semaphore, #tpu.memory_space<semaphore_mem>>)
    %dma_wait3A_16 = arith.constant 0 : i32
    %dma_wait3A_17 = arith.constant 0 : i32
    %dma_wait3A_18 = tpu.memref_slice %arg2[%dma_wait3A_16, %dma_wait3A_17] : memref<4096x2048xf32, #tpu.memory_space<hbm>> -> memref<4096x2048xf32, #tpu.memory_space<hbm>>
    tpu.wait_indirect_dma semaphore(%arg7 : memref<!tpu.dma_semaphore, #tpu.memory_space<semaphore_mem>>) src(%dma_wait3A_18 : memref<4096x2048xf32, #tpu.memory_space<hbm>>) dst(%arg6 : memref<32x2048xf32, #tpu.memory_space<vmem>>)
    "tpu.region"() ({
      %run_scoped3A = tpu.sem_alloc : memref<!tpu.dma_semaphore, #tpu.memory_space<semaphore_mem>>
      %dma_start3A_39 = arith.constant 0 : i32
      %dma_start3A_40 = tpu.memref_slice %arg4[%add3A_12, %dma_start3A_39] : memref<4096x2048xf32, #tpu.memory_space<hbm>> -> memref<32x2048xf32, #tpu.memory_space<hbm>>
      %dma_start3A_41 = arith.constant 0 : i32
      %dma_start3A_42 = tpu.memref_slice %arg4[%add3A_12, %dma_start3A_41] : memref<4096x2048xf32, #tpu.memory_space<hbm>> -> memref<32x2048xf32, #tpu.memory_space<hbm>>
      tpu.enqueue_dma source(%arg6 : memref<32x2048xf32, #tpu.memory_space<vmem>>) target(%dma_start3A_42 : memref<32x2048xf32, #tpu.memory_space<hbm>>) target_semaphore(%run_scoped3A : memref<!tpu.dma_semaphore, #tpu.memory_space<semaphore_mem>>)
      %dma_wait3A_43 = arith.constant 0 : i32
      %dma_wait3A_44 = tpu.memref_slice %arg4[%add3A_12, %dma_wait3A_43] : memref<4096x2048xf32, #tpu.memory_space<hbm>> -> memref<32x2048xf32, #tpu.memory_space<hbm>>
      %dma_wait3A_45 = arith.constant 0 : i32
      %dma_wait3A_46 = tpu.memref_slice %arg4[%add3A_12, %dma_wait3A_45] : memref<4096x2048xf32, #tpu.memory_space<hbm>> -> memref<32x2048xf32, #tpu.memory_space<hbm>>
      tpu.wait_dma2 semaphore(%run_scoped3A : memref<!tpu.dma_semaphore, #tpu.memory_space<semaphore_mem>>) src(%arg6 : memref<32x2048xf32, #tpu.memory_space<vmem>>) dst(%dma_wait3A_46 : memref<32x2048xf32, #tpu.memory_space<hbm>>)
      tpu.yield
    }) : () -> ()
    %mul3A_19 = arith.constant 128 : i32
    %mul3A_20 = arith.muli %add3A, %mul3A_19 : i32
    %add3A_21 = arith.constant 64 : i32
    %add3A_22 = arith.addi %mul3A_20, %add3A_21 : i32
    "tpu.region"() ({
      %run_scoped3A = tpu.sem_alloc : memref<!tpu.dma_semaphore, #tpu.memory_space<semaphore_mem>>
      %dma_start3A_39 = tpu.memref_slice %arg3[%add3A_22] : memref<4096xi32, #tpu.memory_space<hbm>> -> memref<32xi32, #tpu.memory_space<hbm>>
      %dma_start3A_40 = tpu.memref_slice %arg3[%add3A_22] : memref<4096xi32, #tpu.memory_space<hbm>> -> memref<32xi32, #tpu.memory_space<hbm>>
      tpu.enqueue_dma source(%dma_start3A_40 : memref<32xi32, #tpu.memory_space<hbm>>) target(%arg5 : memref<32xi32, #tpu.memory_space<vmem>>) target_semaphore(%run_scoped3A : memref<!tpu.dma_semaphore, #tpu.memory_space<semaphore_mem>>)
      %dma_wait3A_41 = tpu.memref_slice %arg3[%add3A_22] : memref<4096xi32, #tpu.memory_space<hbm>> -> memref<32xi32, #tpu.memory_space<hbm>>
      %dma_wait3A_42 = tpu.memref_slice %arg3[%add3A_22] : memref<4096xi32, #tpu.memory_space<hbm>> -> memref<32xi32, #tpu.memory_space<hbm>>
      tpu.wait_dma2 semaphore(%run_scoped3A : memref<!tpu.dma_semaphore, #tpu.memory_space<semaphore_mem>>) src(%dma_wait3A_42 : memref<32xi32, #tpu.memory_space<hbm>>) dst(%arg5 : memref<32xi32, #tpu.memory_space<vmem>>)
      tpu.yield
    }) : () -> ()
    %dma_start3A_23 = arith.constant 0 : i32
    %dma_start3A_24 = arith.constant 0 : i32
    %dma_start3A_25 = tpu.memref_slice %arg2[%dma_start3A_23, %dma_start3A_24] : memref<4096x2048xf32, #tpu.memory_space<hbm>> -> memref<4096x2048xf32, #tpu.memory_space<hbm>>
    tpu.enqueue_indirect_dma source(%dma_start3A_25 : memref<4096x2048xf32, #tpu.memory_space<hbm>>) target(%arg6 : memref<32x2048xf32, #tpu.memory_space<vmem>>) offsets(%arg5 : memref<32xi32, #tpu.memory_space<vmem>>) semaphore(%arg7 : memref<!tpu.dma_semaphore, #tpu.memory_space<semaphore_mem>>)
    %dma_wait3A_26 = arith.constant 0 : i32
    %dma_wait3A_27 = arith.constant 0 : i32
    %dma_wait3A_28 = tpu.memref_slice %arg2[%dma_wait3A_26, %dma_wait3A_27] : memref<4096x2048xf32, #tpu.memory_space<hbm>> -> memref<4096x2048xf32, #tpu.memory_space<hbm>>
    tpu.wait_indirect_dma semaphore(%arg7 : memref<!tpu.dma_semaphore, #tpu.memory_space<semaphore_mem>>) src(%dma_wait3A_28 : memref<4096x2048xf32, #tpu.memory_space<hbm>>) dst(%arg6 : memref<32x2048xf32, #tpu.memory_space<vmem>>)
    "tpu.region"() ({
      %run_scoped3A = tpu.sem_alloc : memref<!tpu.dma_semaphore, #tpu.memory_space<semaphore_mem>>
      %dma_start3A_39 = arith.constant 0 : i32
      %dma_start3A_40 = tpu.memref_slice %arg4[%add3A_22, %dma_start3A_39] : memref<4096x2048xf32, #tpu.memory_space<hbm>> -> memref<32x2048xf32, #tpu.memory_space<hbm>>
      %dma_start3A_41 = arith.constant 0 : i32
      %dma_start3A_42 = tpu.memref_slice %arg4[%add3A_22, %dma_start3A_41] : memref<4096x2048xf32, #tpu.memory_space<hbm>> -> memref<32x2048xf32, #tpu.memory_space<hbm>>
      tpu.enqueue_dma source(%arg6 : memref<32x2048xf32, #tpu.memory_space<vmem>>) target(%dma_start3A_42 : memref<32x2048xf32, #tpu.memory_space<hbm>>) target_semaphore(%run_scoped3A : memref<!tpu.dma_semaphore, #tpu.memory_space<semaphore_mem>>)
      %dma_wait3A_43 = arith.constant 0 : i32
      %dma_wait3A_44 = tpu.memref_slice %arg4[%add3A_22, %dma_wait3A_43] : memref<4096x2048xf32, #tpu.memory_space<hbm>> -> memref<32x2048xf32, #tpu.memory_space<hbm>>
      %dma_wait3A_45 = arith.constant 0 : i32
      %dma_wait3A_46 = tpu.memref_slice %arg4[%add3A_22, %dma_wait3A_45] : memref<4096x2048xf32, #tpu.memory_space<hbm>> -> memref<32x2048xf32, #tpu.memory_space<hbm>>
      tpu.wait_dma2 semaphore(%run_scoped3A : memref<!tpu.dma_semaphore, #tpu.memory_space<semaphore_mem>>) src(%arg6 : memref<32x2048xf32, #tpu.memory_space<vmem>>) dst(%dma_wait3A_46 : memref<32x2048xf32, #tpu.memory_space<hbm>>)
      tpu.yield
    }) : () -> ()
    %mul3A_29 = arith.constant 128 : i32
    %mul3A_30 = arith.muli %add3A, %mul3A_29 : i32
    %add3A_31 = arith.constant 96 : i32
    %add3A_32 = arith.addi %mul3A_30, %add3A_31 : i32
    "tpu.region"() ({
      %run_scoped3A = tpu.sem_alloc : memref<!tpu.dma_semaphore, #tpu.memory_space<semaphore_mem>>
      %dma_start3A_39 = tpu.memref_slice %arg3[%add3A_32] : memref<4096xi32, #tpu.memory_space<hbm>> -> memref<32xi32, #tpu.memory_space<hbm>>
      %dma_start3A_40 = tpu.memref_slice %arg3[%add3A_32] : memref<4096xi32, #tpu.memory_space<hbm>> -> memref<32xi32, #tpu.memory_space<hbm>>
      tpu.enqueue_dma source(%dma_start3A_40 : memref<32xi32, #tpu.memory_space<hbm>>) target(%arg5 : memref<32xi32, #tpu.memory_space<vmem>>) target_semaphore(%run_scoped3A : memref<!tpu.dma_semaphore, #tpu.memory_space<semaphore_mem>>)
      %dma_wait3A_41 = tpu.memref_slice %arg3[%add3A_32] : memref<4096xi32, #tpu.memory_space<hbm>> -> memref<32xi32, #tpu.memory_space<hbm>>
      %dma_wait3A_42 = tpu.memref_slice %arg3[%add3A_32] : memref<4096xi32, #tpu.memory_space<hbm>> -> memref<32xi32, #tpu.memory_space<hbm>>
      tpu.wait_dma2 semaphore(%run_scoped3A : memref<!tpu.dma_semaphore, #tpu.memory_space<semaphore_mem>>) src(%dma_wait3A_42 : memref<32xi32, #tpu.memory_space<hbm>>) dst(%arg5 : memref<32xi32, #tpu.memory_space<vmem>>)
      tpu.yield
    }) : () -> ()
    %dma_start3A_33 = arith.constant 0 : i32
    %dma_start3A_34 = arith.constant 0 : i32
    %dma_start3A_35 = tpu.memref_slice %arg2[%dma_start3A_33, %dma_start3A_34] : memref<4096x2048xf32, #tpu.memory_space<hbm>> -> memref<4096x2048xf32, #tpu.memory_space<hbm>>
    tpu.enqueue_indirect_dma source(%dma_start3A_35 : memref<4096x2048xf32, #tpu.memory_space<hbm>>) target(%arg6 : memref<32x2048xf32, #tpu.memory_space<vmem>>) offsets(%arg5 : memref<32xi32, #tpu.memory_space<vmem>>) semaphore(%arg7 : memref<!tpu.dma_semaphore, #tpu.memory_space<semaphore_mem>>)
    %dma_wait3A_36 = arith.constant 0 : i32
    %dma_wait3A_37 = arith.constant 0 : i32
    %dma_wait3A_38 = tpu.memref_slice %arg2[%dma_wait3A_36, %dma_wait3A_37] : memref<4096x2048xf32, #tpu.memory_space<hbm>> -> memref<4096x2048xf32, #tpu.memory_space<hbm>>
    tpu.wait_indirect_dma semaphore(%arg7 : memref<!tpu.dma_semaphore, #tpu.memory_space<semaphore_mem>>) src(%dma_wait3A_38 : memref<4096x2048xf32, #tpu.memory_space<hbm>>) dst(%arg6 : memref<32x2048xf32, #tpu.memory_space<vmem>>)
    "tpu.region"() ({
      %run_scoped3A = tpu.sem_alloc : memref<!tpu.dma_semaphore, #tpu.memory_space<semaphore_mem>>
      %dma_start3A_39 = arith.constant 0 : i32
      %dma_start3A_40 = tpu.memref_slice %arg4[%add3A_32, %dma_start3A_39] : memref<4096x2048xf32, #tpu.memory_space<hbm>> -> memref<32x2048xf32, #tpu.memory_space<hbm>>
      %dma_start3A_41 = arith.constant 0 : i32
      %dma_start3A_42 = tpu.memref_slice %arg4[%add3A_32, %dma_start3A_41] : memref<4096x2048xf32, #tpu.memory_space<hbm>> -> memref<32x2048xf32, #tpu.memory_space<hbm>>
      tpu.enqueue_dma source(%arg6 : memref<32x2048xf32, #tpu.memory_space<vmem>>) target(%dma_start3A_42 : memref<32x2048xf32, #tpu.memory_space<hbm>>) target_semaphore(%run_scoped3A : memref<!tpu.dma_semaphore, #tpu.memory_space<semaphore_mem>>)
      %dma_wait3A_43 = arith.constant 0 : i32
      %dma_wait3A_44 = tpu.memref_slice %arg4[%add3A_32, %dma_wait3A_43] : memref<4096x2048xf32, #tpu.memory_space<hbm>> -> memref<32x2048xf32, #tpu.memory_space<hbm>>
      %dma_wait3A_45 = arith.constant 0 : i32
      %dma_wait3A_46 = tpu.memref_slice %arg4[%add3A_32, %dma_wait3A_45] : memref<4096x2048xf32, #tpu.memory_space<hbm>> -> memref<32x2048xf32, #tpu.memory_space<hbm>>
      tpu.wait_dma2 semaphore(%run_scoped3A : memref<!tpu.dma_semaphore, #tpu.memory_space<semaphore_mem>>) src(%arg6 : memref<32x2048xf32, #tpu.memory_space<vmem>>) dst(%dma_wait3A_46 : memref<32x2048xf32, #tpu.memory_space<hbm>>)
      tpu.yield
    }) : () -> ()
    return
  }
}

#map = affine_map<(d0, d1) -> (0, 0)>
#map1 = affine_map<(d0, d1) -> (0)>
module attributes {stable_mosaic.version = 14 : i64} {
  func.func @gather_k(%arg0: i32, %arg1: i32, %arg2: memref<2048x2048xf32, #tpu.memory_space<hbm>>, %arg3: memref<4096xi32, #tpu.memory_space<hbm>>, %arg4: memref<4096x2048xf32, #tpu.memory_space<hbm>>, %arg5: memref<32xi32, #tpu.memory_space<vmem>>, %arg6: memref<32x2048xf32, #tpu.memory_space<vmem>>, %arg7: memref<!tpu.dma_semaphore, #tpu.memory_space<semaphore_mem>>) attributes {dimension_semantics = [#tpu.dimension_semantics<core_parallel>, #tpu.dimension_semantics<subcore_parallel>], iteration_bounds = array<i64: 2, 16>, scalar_prefetch = 0 : i64, scratch_operands = 3 : i64, tpu.core_type = #tpu.core_type<sc_vector_subcore>, window_params = [{transform_indices = #map}, {transform_indices = #map1}, {transform_indices = #map}]} {
    %mul3A = arith.constant 2 : i32
    %mul3A_0 = arith.muli %arg1, %mul3A : i32
    %add3A = arith.addi %mul3A_0, %arg0 : i32
    %mul3A_1 = arith.constant 128 : i32
    %mul3A_2 = arith.muli %add3A, %mul3A_1 : i32
    %add3A_3 = arith.constant 0 : i32
    %add3A_4 = arith.addi %mul3A_2, %add3A_3 : i32
    "tpu.region"() ({
      %run_scoped3A = tpu.sem_alloc : memref<!tpu.dma_semaphore, #tpu.memory_space<semaphore_mem>>
      %dma_start3A_39 = tpu.memref_slice %arg3[%add3A_4] : memref<4096xi32, #tpu.memory_space<hbm>> -> memref<32xi32, #tpu.memory_space<hbm>>
      %dma_start3A_40 = tpu.memref_slice %arg3[%add3A_4] : memref<4096xi32, #tpu.memory_space<hbm>> -> memref<32xi32, #tpu.memory_space<hbm>>
      tpu.enqueue_dma source(%dma_start3A_40 : memref<32xi32, #tpu.memory_space<hbm>>) target(%arg5 : memref<32xi32, #tpu.memory_space<vmem>>) target_semaphore(%run_scoped3A : memref<!tpu.dma_semaphore, #tpu.memory_space<semaphore_mem>>)
      %dma_wait3A_41 = tpu.memref_slice %arg3[%add3A_4] : memref<4096xi32, #tpu.memory_space<hbm>> -> memref<32xi32, #tpu.memory_space<hbm>>
      %dma_wait3A_42 = tpu.memref_slice %arg3[%add3A_4] : memref<4096xi32, #tpu.memory_space<hbm>> -> memref<32xi32, #tpu.memory_space<hbm>>
      tpu.wait_dma2 semaphore(%run_scoped3A : memref<!tpu.dma_semaphore, #tpu.memory_space<semaphore_mem>>) src(%dma_wait3A_42 : memref<32xi32, #tpu.memory_space<hbm>>) dst(%arg5 : memref<32xi32, #tpu.memory_space<vmem>>)
      tpu.yield
    }) : () -> ()
    %dma_start3A = arith.constant 0 : i32
    %dma_start3A_5 = arith.constant 0 : i32
    %dma_start3A_6 = tpu.memref_slice %arg2[%dma_start3A, %dma_start3A_5] : memref<2048x2048xf32, #tpu.memory_space<hbm>> -> memref<2048x2048xf32, #tpu.memory_space<hbm>>
    tpu.enqueue_indirect_dma source(%dma_start3A_6 : memref<2048x2048xf32, #tpu.memory_space<hbm>>) target(%arg6 : memref<32x2048xf32, #tpu.memory_space<vmem>>) offsets(%arg5 : memref<32xi32, #tpu.memory_space<vmem>>) semaphore(%arg7 : memref<!tpu.dma_semaphore, #tpu.memory_space<semaphore_mem>>)
    %dma_wait3A = arith.constant 0 : i32
    %dma_wait3A_7 = arith.constant 0 : i32
    %dma_wait3A_8 = tpu.memref_slice %arg2[%dma_wait3A, %dma_wait3A_7] : memref<2048x2048xf32, #tpu.memory_space<hbm>> -> memref<2048x2048xf32, #tpu.memory_space<hbm>>
    tpu.wait_indirect_dma semaphore(%arg7 : memref<!tpu.dma_semaphore, #tpu.memory_space<semaphore_mem>>) src(%dma_wait3A_8 : memref<2048x2048xf32, #tpu.memory_space<hbm>>) dst(%arg6 : memref<32x2048xf32, #tpu.memory_space<vmem>>)
    "tpu.region"() ({
      %run_scoped3A = tpu.sem_alloc : memref<!tpu.dma_semaphore, #tpu.memory_space<semaphore_mem>>
      %dma_start3A_39 = arith.constant 0 : i32
      %dma_start3A_40 = tpu.memref_slice %arg4[%add3A_4, %dma_start3A_39] : memref<4096x2048xf32, #tpu.memory_space<hbm>> -> memref<32x2048xf32, #tpu.memory_space<hbm>>
      %dma_start3A_41 = arith.constant 0 : i32
      %dma_start3A_42 = tpu.memref_slice %arg4[%add3A_4, %dma_start3A_41] : memref<4096x2048xf32, #tpu.memory_space<hbm>> -> memref<32x2048xf32, #tpu.memory_space<hbm>>
      tpu.enqueue_dma source(%arg6 : memref<32x2048xf32, #tpu.memory_space<vmem>>) target(%dma_start3A_42 : memref<32x2048xf32, #tpu.memory_space<hbm>>) target_semaphore(%run_scoped3A : memref<!tpu.dma_semaphore, #tpu.memory_space<semaphore_mem>>)
      %dma_wait3A_43 = arith.constant 0 : i32
      %dma_wait3A_44 = tpu.memref_slice %arg4[%add3A_4, %dma_wait3A_43] : memref<4096x2048xf32, #tpu.memory_space<hbm>> -> memref<32x2048xf32, #tpu.memory_space<hbm>>
      %dma_wait3A_45 = arith.constant 0 : i32
      %dma_wait3A_46 = tpu.memref_slice %arg4[%add3A_4, %dma_wait3A_45] : memref<4096x2048xf32, #tpu.memory_space<hbm>> -> memref<32x2048xf32, #tpu.memory_space<hbm>>
      tpu.wait_dma2 semaphore(%run_scoped3A : memref<!tpu.dma_semaphore, #tpu.memory_space<semaphore_mem>>) src(%arg6 : memref<32x2048xf32, #tpu.memory_space<vmem>>) dst(%dma_wait3A_46 : memref<32x2048xf32, #tpu.memory_space<hbm>>)
      tpu.yield
    }) : () -> ()
    %mul3A_9 = arith.constant 128 : i32
    %mul3A_10 = arith.muli %add3A, %mul3A_9 : i32
    %add3A_11 = arith.constant 32 : i32
    %add3A_12 = arith.addi %mul3A_10, %add3A_11 : i32
    "tpu.region"() ({
      %run_scoped3A = tpu.sem_alloc : memref<!tpu.dma_semaphore, #tpu.memory_space<semaphore_mem>>
      %dma_start3A_39 = tpu.memref_slice %arg3[%add3A_12] : memref<4096xi32, #tpu.memory_space<hbm>> -> memref<32xi32, #tpu.memory_space<hbm>>
      %dma_start3A_40 = tpu.memref_slice %arg3[%add3A_12] : memref<4096xi32, #tpu.memory_space<hbm>> -> memref<32xi32, #tpu.memory_space<hbm>>
      tpu.enqueue_dma source(%dma_start3A_40 : memref<32xi32, #tpu.memory_space<hbm>>) target(%arg5 : memref<32xi32, #tpu.memory_space<vmem>>) target_semaphore(%run_scoped3A : memref<!tpu.dma_semaphore, #tpu.memory_space<semaphore_mem>>)
      %dma_wait3A_41 = tpu.memref_slice %arg3[%add3A_12] : memref<4096xi32, #tpu.memory_space<hbm>> -> memref<32xi32, #tpu.memory_space<hbm>>
      %dma_wait3A_42 = tpu.memref_slice %arg3[%add3A_12] : memref<4096xi32, #tpu.memory_space<hbm>> -> memref<32xi32, #tpu.memory_space<hbm>>
      tpu.wait_dma2 semaphore(%run_scoped3A : memref<!tpu.dma_semaphore, #tpu.memory_space<semaphore_mem>>) src(%dma_wait3A_42 : memref<32xi32, #tpu.memory_space<hbm>>) dst(%arg5 : memref<32xi32, #tpu.memory_space<vmem>>)
      tpu.yield
    }) : () -> ()
    %dma_start3A_13 = arith.constant 0 : i32
    %dma_start3A_14 = arith.constant 0 : i32
    %dma_start3A_15 = tpu.memref_slice %arg2[%dma_start3A_13, %dma_start3A_14] : memref<2048x2048xf32, #tpu.memory_space<hbm>> -> memref<2048x2048xf32, #tpu.memory_space<hbm>>
    tpu.enqueue_indirect_dma source(%dma_start3A_15 : memref<2048x2048xf32, #tpu.memory_space<hbm>>) target(%arg6 : memref<32x2048xf32, #tpu.memory_space<vmem>>) offsets(%arg5 : memref<32xi32, #tpu.memory_space<vmem>>) semaphore(%arg7 : memref<!tpu.dma_semaphore, #tpu.memory_space<semaphore_mem>>)
    %dma_wait3A_16 = arith.constant 0 : i32
    %dma_wait3A_17 = arith.constant 0 : i32
    %dma_wait3A_18 = tpu.memref_slice %arg2[%dma_wait3A_16, %dma_wait3A_17] : memref<2048x2048xf32, #tpu.memory_space<hbm>> -> memref<2048x2048xf32, #tpu.memory_space<hbm>>
    tpu.wait_indirect_dma semaphore(%arg7 : memref<!tpu.dma_semaphore, #tpu.memory_space<semaphore_mem>>) src(%dma_wait3A_18 : memref<2048x2048xf32, #tpu.memory_space<hbm>>) dst(%arg6 : memref<32x2048xf32, #tpu.memory_space<vmem>>)
    "tpu.region"() ({
      %run_scoped3A = tpu.sem_alloc : memref<!tpu.dma_semaphore, #tpu.memory_space<semaphore_mem>>
      %dma_start3A_39 = arith.constant 0 : i32
      %dma_start3A_40 = tpu.memref_slice %arg4[%add3A_12, %dma_start3A_39] : memref<4096x2048xf32, #tpu.memory_space<hbm>> -> memref<32x2048xf32, #tpu.memory_space<hbm>>
      %dma_start3A_41 = arith.constant 0 : i32
      %dma_start3A_42 = tpu.memref_slice %arg4[%add3A_12, %dma_start3A_41] : memref<4096x2048xf32, #tpu.memory_space<hbm>> -> memref<32x2048xf32, #tpu.memory_space<hbm>>
      tpu.enqueue_dma source(%arg6 : memref<32x2048xf32, #tpu.memory_space<vmem>>) target(%dma_start3A_42 : memref<32x2048xf32, #tpu.memory_space<hbm>>) target_semaphore(%run_scoped3A : memref<!tpu.dma_semaphore, #tpu.memory_space<semaphore_mem>>)
      %dma_wait3A_43 = arith.constant 0 : i32
      %dma_wait3A_44 = tpu.memref_slice %arg4[%add3A_12, %dma_wait3A_43] : memref<4096x2048xf32, #tpu.memory_space<hbm>> -> memref<32x2048xf32, #tpu.memory_space<hbm>>
      %dma_wait3A_45 = arith.constant 0 : i32
      %dma_wait3A_46 = tpu.memref_slice %arg4[%add3A_12, %dma_wait3A_45] : memref<4096x2048xf32, #tpu.memory_space<hbm>> -> memref<32x2048xf32, #tpu.memory_space<hbm>>
      tpu.wait_dma2 semaphore(%run_scoped3A : memref<!tpu.dma_semaphore, #tpu.memory_space<semaphore_mem>>) src(%arg6 : memref<32x2048xf32, #tpu.memory_space<vmem>>) dst(%dma_wait3A_46 : memref<32x2048xf32, #tpu.memory_space<hbm>>)
      tpu.yield
    }) : () -> ()
    %mul3A_19 = arith.constant 128 : i32
    %mul3A_20 = arith.muli %add3A, %mul3A_19 : i32
    %add3A_21 = arith.constant 64 : i32
    %add3A_22 = arith.addi %mul3A_20, %add3A_21 : i32
    "tpu.region"() ({
      %run_scoped3A = tpu.sem_alloc : memref<!tpu.dma_semaphore, #tpu.memory_space<semaphore_mem>>
      %dma_start3A_39 = tpu.memref_slice %arg3[%add3A_22] : memref<4096xi32, #tpu.memory_space<hbm>> -> memref<32xi32, #tpu.memory_space<hbm>>
      %dma_start3A_40 = tpu.memref_slice %arg3[%add3A_22] : memref<4096xi32, #tpu.memory_space<hbm>> -> memref<32xi32, #tpu.memory_space<hbm>>
      tpu.enqueue_dma source(%dma_start3A_40 : memref<32xi32, #tpu.memory_space<hbm>>) target(%arg5 : memref<32xi32, #tpu.memory_space<vmem>>) target_semaphore(%run_scoped3A : memref<!tpu.dma_semaphore, #tpu.memory_space<semaphore_mem>>)
      %dma_wait3A_41 = tpu.memref_slice %arg3[%add3A_22] : memref<4096xi32, #tpu.memory_space<hbm>> -> memref<32xi32, #tpu.memory_space<hbm>>
      %dma_wait3A_42 = tpu.memref_slice %arg3[%add3A_22] : memref<4096xi32, #tpu.memory_space<hbm>> -> memref<32xi32, #tpu.memory_space<hbm>>
      tpu.wait_dma2 semaphore(%run_scoped3A : memref<!tpu.dma_semaphore, #tpu.memory_space<semaphore_mem>>) src(%dma_wait3A_42 : memref<32xi32, #tpu.memory_space<hbm>>) dst(%arg5 : memref<32xi32, #tpu.memory_space<vmem>>)
      tpu.yield
    }) : () -> ()
    %dma_start3A_23 = arith.constant 0 : i32
    %dma_start3A_24 = arith.constant 0 : i32
    %dma_start3A_25 = tpu.memref_slice %arg2[%dma_start3A_23, %dma_start3A_24] : memref<2048x2048xf32, #tpu.memory_space<hbm>> -> memref<2048x2048xf32, #tpu.memory_space<hbm>>
    tpu.enqueue_indirect_dma source(%dma_start3A_25 : memref<2048x2048xf32, #tpu.memory_space<hbm>>) target(%arg6 : memref<32x2048xf32, #tpu.memory_space<vmem>>) offsets(%arg5 : memref<32xi32, #tpu.memory_space<vmem>>) semaphore(%arg7 : memref<!tpu.dma_semaphore, #tpu.memory_space<semaphore_mem>>)
    %dma_wait3A_26 = arith.constant 0 : i32
    %dma_wait3A_27 = arith.constant 0 : i32
    %dma_wait3A_28 = tpu.memref_slice %arg2[%dma_wait3A_26, %dma_wait3A_27] : memref<2048x2048xf32, #tpu.memory_space<hbm>> -> memref<2048x2048xf32, #tpu.memory_space<hbm>>
    tpu.wait_indirect_dma semaphore(%arg7 : memref<!tpu.dma_semaphore, #tpu.memory_space<semaphore_mem>>) src(%dma_wait3A_28 : memref<2048x2048xf32, #tpu.memory_space<hbm>>) dst(%arg6 : memref<32x2048xf32, #tpu.memory_space<vmem>>)
    "tpu.region"() ({
      %run_scoped3A = tpu.sem_alloc : memref<!tpu.dma_semaphore, #tpu.memory_space<semaphore_mem>>
      %dma_start3A_39 = arith.constant 0 : i32
      %dma_start3A_40 = tpu.memref_slice %arg4[%add3A_22, %dma_start3A_39] : memref<4096x2048xf32, #tpu.memory_space<hbm>> -> memref<32x2048xf32, #tpu.memory_space<hbm>>
      %dma_start3A_41 = arith.constant 0 : i32
      %dma_start3A_42 = tpu.memref_slice %arg4[%add3A_22, %dma_start3A_41] : memref<4096x2048xf32, #tpu.memory_space<hbm>> -> memref<32x2048xf32, #tpu.memory_space<hbm>>
      tpu.enqueue_dma source(%arg6 : memref<32x2048xf32, #tpu.memory_space<vmem>>) target(%dma_start3A_42 : memref<32x2048xf32, #tpu.memory_space<hbm>>) target_semaphore(%run_scoped3A : memref<!tpu.dma_semaphore, #tpu.memory_space<semaphore_mem>>)
      %dma_wait3A_43 = arith.constant 0 : i32
      %dma_wait3A_44 = tpu.memref_slice %arg4[%add3A_22, %dma_wait3A_43] : memref<4096x2048xf32, #tpu.memory_space<hbm>> -> memref<32x2048xf32, #tpu.memory_space<hbm>>
      %dma_wait3A_45 = arith.constant 0 : i32
      %dma_wait3A_46 = tpu.memref_slice %arg4[%add3A_22, %dma_wait3A_45] : memref<4096x2048xf32, #tpu.memory_space<hbm>> -> memref<32x2048xf32, #tpu.memory_space<hbm>>
      tpu.wait_dma2 semaphore(%run_scoped3A : memref<!tpu.dma_semaphore, #tpu.memory_space<semaphore_mem>>) src(%arg6 : memref<32x2048xf32, #tpu.memory_space<vmem>>) dst(%dma_wait3A_46 : memref<32x2048xf32, #tpu.memory_space<hbm>>)
      tpu.yield
    }) : () -> ()
    %mul3A_29 = arith.constant 128 : i32
    %mul3A_30 = arith.muli %add3A, %mul3A_29 : i32
    %add3A_31 = arith.constant 96 : i32
    %add3A_32 = arith.addi %mul3A_30, %add3A_31 : i32
    "tpu.region"() ({
      %run_scoped3A = tpu.sem_alloc : memref<!tpu.dma_semaphore, #tpu.memory_space<semaphore_mem>>
      %dma_start3A_39 = tpu.memref_slice %arg3[%add3A_32] : memref<4096xi32, #tpu.memory_space<hbm>> -> memref<32xi32, #tpu.memory_space<hbm>>
      %dma_start3A_40 = tpu.memref_slice %arg3[%add3A_32] : memref<4096xi32, #tpu.memory_space<hbm>> -> memref<32xi32, #tpu.memory_space<hbm>>
      tpu.enqueue_dma source(%dma_start3A_40 : memref<32xi32, #tpu.memory_space<hbm>>) target(%arg5 : memref<32xi32, #tpu.memory_space<vmem>>) target_semaphore(%run_scoped3A : memref<!tpu.dma_semaphore, #tpu.memory_space<semaphore_mem>>)
      %dma_wait3A_41 = tpu.memref_slice %arg3[%add3A_32] : memref<4096xi32, #tpu.memory_space<hbm>> -> memref<32xi32, #tpu.memory_space<hbm>>
      %dma_wait3A_42 = tpu.memref_slice %arg3[%add3A_32] : memref<4096xi32, #tpu.memory_space<hbm>> -> memref<32xi32, #tpu.memory_space<hbm>>
      tpu.wait_dma2 semaphore(%run_scoped3A : memref<!tpu.dma_semaphore, #tpu.memory_space<semaphore_mem>>) src(%dma_wait3A_42 : memref<32xi32, #tpu.memory_space<hbm>>) dst(%arg5 : memref<32xi32, #tpu.memory_space<vmem>>)
      tpu.yield
    }) : () -> ()
    %dma_start3A_33 = arith.constant 0 : i32
    %dma_start3A_34 = arith.constant 0 : i32
    %dma_start3A_35 = tpu.memref_slice %arg2[%dma_start3A_33, %dma_start3A_34] : memref<2048x2048xf32, #tpu.memory_space<hbm>> -> memref<2048x2048xf32, #tpu.memory_space<hbm>>
    tpu.enqueue_indirect_dma source(%dma_start3A_35 : memref<2048x2048xf32, #tpu.memory_space<hbm>>) target(%arg6 : memref<32x2048xf32, #tpu.memory_space<vmem>>) offsets(%arg5 : memref<32xi32, #tpu.memory_space<vmem>>) semaphore(%arg7 : memref<!tpu.dma_semaphore, #tpu.memory_space<semaphore_mem>>)
    %dma_wait3A_36 = arith.constant 0 : i32
    %dma_wait3A_37 = arith.constant 0 : i32
    %dma_wait3A_38 = tpu.memref_slice %arg2[%dma_wait3A_36, %dma_wait3A_37] : memref<2048x2048xf32, #tpu.memory_space<hbm>> -> memref<2048x2048xf32, #tpu.memory_space<hbm>>
    tpu.wait_indirect_dma semaphore(%arg7 : memref<!tpu.dma_semaphore, #tpu.memory_space<semaphore_mem>>) src(%dma_wait3A_38 : memref<2048x2048xf32, #tpu.memory_space<hbm>>) dst(%arg6 : memref<32x2048xf32, #tpu.memory_space<vmem>>)
    "tpu.region"() ({
      %run_scoped3A = tpu.sem_alloc : memref<!tpu.dma_semaphore, #tpu.memory_space<semaphore_mem>>
      %dma_start3A_39 = arith.constant 0 : i32
      %dma_start3A_40 = tpu.memref_slice %arg4[%add3A_32, %dma_start3A_39] : memref<4096x2048xf32, #tpu.memory_space<hbm>> -> memref<32x2048xf32, #tpu.memory_space<hbm>>
      %dma_start3A_41 = arith.constant 0 : i32
      %dma_start3A_42 = tpu.memref_slice %arg4[%add3A_32, %dma_start3A_41] : memref<4096x2048xf32, #tpu.memory_space<hbm>> -> memref<32x2048xf32, #tpu.memory_space<hbm>>
      tpu.enqueue_dma source(%arg6 : memref<32x2048xf32, #tpu.memory_space<vmem>>) target(%dma_start3A_42 : memref<32x2048xf32, #tpu.memory_space<hbm>>) target_semaphore(%run_scoped3A : memref<!tpu.dma_semaphore, #tpu.memory_space<semaphore_mem>>)
      %dma_wait3A_43 = arith.constant 0 : i32
      %dma_wait3A_44 = tpu.memref_slice %arg4[%add3A_32, %dma_wait3A_43] : memref<4096x2048xf32, #tpu.memory_space<hbm>> -> memref<32x2048xf32, #tpu.memory_space<hbm>>
      %dma_wait3A_45 = arith.constant 0 : i32
      %dma_wait3A_46 = tpu.memref_slice %arg4[%add3A_32, %dma_wait3A_45] : memref<4096x2048xf32, #tpu.memory_space<hbm>> -> memref<32x2048xf32, #tpu.memory_space<hbm>>
      tpu.wait_dma2 semaphore(%run_scoped3A : memref<!tpu.dma_semaphore, #tpu.memory_space<semaphore_mem>>) src(%arg6 : memref<32x2048xf32, #tpu.memory_space<vmem>>) dst(%dma_wait3A_46 : memref<32x2048xf32, #tpu.memory_space<hbm>>)
      tpu.yield
    }) : () -> ()
    return
  }
}

#map = affine_map<(d0, d1) -> (0, 0)>
#map1 = affine_map<(d0, d1) -> (0)>
module attributes {stable_mosaic.version = 14 : i64} {
  func.func @gather_k(%arg0: i32, %arg1: i32, %arg2: memref<4096x2048xf32, #tpu.memory_space<hbm>>, %arg3: memref<4096xi32, #tpu.memory_space<hbm>>, %arg4: memref<4096x2048xf32, #tpu.memory_space<hbm>>, %arg5: memref<32xi32, #tpu.memory_space<vmem>>, %arg6: memref<32x2048xf32, #tpu.memory_space<vmem>>, %arg7: memref<!tpu.dma_semaphore, #tpu.memory_space<semaphore_mem>>) attributes {dimension_semantics = [#tpu.dimension_semantics<core_parallel>, #tpu.dimension_semantics<subcore_parallel>], iteration_bounds = array<i64: 2, 16>, scalar_prefetch = 0 : i64, scratch_operands = 3 : i64, tpu.core_type = #tpu.core_type<sc_vector_subcore>, window_params = [{transform_indices = #map}, {transform_indices = #map1}, {transform_indices = #map}]} {
    %mul3A = arith.constant 2 : i32
    %mul3A_0 = arith.muli %arg1, %mul3A : i32
    %add3A = arith.addi %mul3A_0, %arg0 : i32
    %mul3A_1 = arith.constant 128 : i32
    %mul3A_2 = arith.muli %add3A, %mul3A_1 : i32
    %add3A_3 = arith.constant 0 : i32
    %add3A_4 = arith.addi %mul3A_2, %add3A_3 : i32
    "tpu.region"() ({
      %run_scoped3A = tpu.sem_alloc : memref<!tpu.dma_semaphore, #tpu.memory_space<semaphore_mem>>
      %dma_start3A_39 = tpu.memref_slice %arg3[%add3A_4] : memref<4096xi32, #tpu.memory_space<hbm>> -> memref<32xi32, #tpu.memory_space<hbm>>
      %dma_start3A_40 = tpu.memref_slice %arg3[%add3A_4] : memref<4096xi32, #tpu.memory_space<hbm>> -> memref<32xi32, #tpu.memory_space<hbm>>
      tpu.enqueue_dma source(%dma_start3A_40 : memref<32xi32, #tpu.memory_space<hbm>>) target(%arg5 : memref<32xi32, #tpu.memory_space<vmem>>) target_semaphore(%run_scoped3A : memref<!tpu.dma_semaphore, #tpu.memory_space<semaphore_mem>>)
      %dma_wait3A_41 = tpu.memref_slice %arg3[%add3A_4] : memref<4096xi32, #tpu.memory_space<hbm>> -> memref<32xi32, #tpu.memory_space<hbm>>
      %dma_wait3A_42 = tpu.memref_slice %arg3[%add3A_4] : memref<4096xi32, #tpu.memory_space<hbm>> -> memref<32xi32, #tpu.memory_space<hbm>>
      tpu.wait_dma2 semaphore(%run_scoped3A : memref<!tpu.dma_semaphore, #tpu.memory_space<semaphore_mem>>) src(%dma_wait3A_42 : memref<32xi32, #tpu.memory_space<hbm>>) dst(%arg5 : memref<32xi32, #tpu.memory_space<vmem>>)
      tpu.yield
    }) : () -> ()
    %dma_start3A = arith.constant 0 : i32
    %dma_start3A_5 = arith.constant 0 : i32
    %dma_start3A_6 = tpu.memref_slice %arg2[%dma_start3A, %dma_start3A_5] : memref<4096x2048xf32, #tpu.memory_space<hbm>> -> memref<4096x2048xf32, #tpu.memory_space<hbm>>
    tpu.enqueue_indirect_dma source(%dma_start3A_6 : memref<4096x2048xf32, #tpu.memory_space<hbm>>) target(%arg6 : memref<32x2048xf32, #tpu.memory_space<vmem>>) offsets(%arg5 : memref<32xi32, #tpu.memory_space<vmem>>) semaphore(%arg7 : memref<!tpu.dma_semaphore, #tpu.memory_space<semaphore_mem>>)
    %dma_wait3A = arith.constant 0 : i32
    %dma_wait3A_7 = arith.constant 0 : i32
    %dma_wait3A_8 = tpu.memref_slice %arg2[%dma_wait3A, %dma_wait3A_7] : memref<4096x2048xf32, #tpu.memory_space<hbm>> -> memref<4096x2048xf32, #tpu.memory_space<hbm>>
    tpu.wait_indirect_dma semaphore(%arg7 : memref<!tpu.dma_semaphore, #tpu.memory_space<semaphore_mem>>) src(%dma_wait3A_8 : memref<4096x2048xf32, #tpu.memory_space<hbm>>) dst(%arg6 : memref<32x2048xf32, #tpu.memory_space<vmem>>)
    "tpu.region"() ({
      %run_scoped3A = tpu.sem_alloc : memref<!tpu.dma_semaphore, #tpu.memory_space<semaphore_mem>>
      %dma_start3A_39 = arith.constant 0 : i32
      %dma_start3A_40 = tpu.memref_slice %arg4[%add3A_4, %dma_start3A_39] : memref<4096x2048xf32, #tpu.memory_space<hbm>> -> memref<32x2048xf32, #tpu.memory_space<hbm>>
      %dma_start3A_41 = arith.constant 0 : i32
      %dma_start3A_42 = tpu.memref_slice %arg4[%add3A_4, %dma_start3A_41] : memref<4096x2048xf32, #tpu.memory_space<hbm>> -> memref<32x2048xf32, #tpu.memory_space<hbm>>
      tpu.enqueue_dma source(%arg6 : memref<32x2048xf32, #tpu.memory_space<vmem>>) target(%dma_start3A_42 : memref<32x2048xf32, #tpu.memory_space<hbm>>) target_semaphore(%run_scoped3A : memref<!tpu.dma_semaphore, #tpu.memory_space<semaphore_mem>>)
      %dma_wait3A_43 = arith.constant 0 : i32
      %dma_wait3A_44 = tpu.memref_slice %arg4[%add3A_4, %dma_wait3A_43] : memref<4096x2048xf32, #tpu.memory_space<hbm>> -> memref<32x2048xf32, #tpu.memory_space<hbm>>
      %dma_wait3A_45 = arith.constant 0 : i32
      %dma_wait3A_46 = tpu.memref_slice %arg4[%add3A_4, %dma_wait3A_45] : memref<4096x2048xf32, #tpu.memory_space<hbm>> -> memref<32x2048xf32, #tpu.memory_space<hbm>>
      tpu.wait_dma2 semaphore(%run_scoped3A : memref<!tpu.dma_semaphore, #tpu.memory_space<semaphore_mem>>) src(%arg6 : memref<32x2048xf32, #tpu.memory_space<vmem>>) dst(%dma_wait3A_46 : memref<32x2048xf32, #tpu.memory_space<hbm>>)
      tpu.yield
    }) : () -> ()
    %mul3A_9 = arith.constant 128 : i32
    %mul3A_10 = arith.muli %add3A, %mul3A_9 : i32
    %add3A_11 = arith.constant 32 : i32
    %add3A_12 = arith.addi %mul3A_10, %add3A_11 : i32
    "tpu.region"() ({
      %run_scoped3A = tpu.sem_alloc : memref<!tpu.dma_semaphore, #tpu.memory_space<semaphore_mem>>
      %dma_start3A_39 = tpu.memref_slice %arg3[%add3A_12] : memref<4096xi32, #tpu.memory_space<hbm>> -> memref<32xi32, #tpu.memory_space<hbm>>
      %dma_start3A_40 = tpu.memref_slice %arg3[%add3A_12] : memref<4096xi32, #tpu.memory_space<hbm>> -> memref<32xi32, #tpu.memory_space<hbm>>
      tpu.enqueue_dma source(%dma_start3A_40 : memref<32xi32, #tpu.memory_space<hbm>>) target(%arg5 : memref<32xi32, #tpu.memory_space<vmem>>) target_semaphore(%run_scoped3A : memref<!tpu.dma_semaphore, #tpu.memory_space<semaphore_mem>>)
      %dma_wait3A_41 = tpu.memref_slice %arg3[%add3A_12] : memref<4096xi32, #tpu.memory_space<hbm>> -> memref<32xi32, #tpu.memory_space<hbm>>
      %dma_wait3A_42 = tpu.memref_slice %arg3[%add3A_12] : memref<4096xi32, #tpu.memory_space<hbm>> -> memref<32xi32, #tpu.memory_space<hbm>>
      tpu.wait_dma2 semaphore(%run_scoped3A : memref<!tpu.dma_semaphore, #tpu.memory_space<semaphore_mem>>) src(%dma_wait3A_42 : memref<32xi32, #tpu.memory_space<hbm>>) dst(%arg5 : memref<32xi32, #tpu.memory_space<vmem>>)
      tpu.yield
    }) : () -> ()
    %dma_start3A_13 = arith.constant 0 : i32
    %dma_start3A_14 = arith.constant 0 : i32
    %dma_start3A_15 = tpu.memref_slice %arg2[%dma_start3A_13, %dma_start3A_14] : memref<4096x2048xf32, #tpu.memory_space<hbm>> -> memref<4096x2048xf32, #tpu.memory_space<hbm>>
    tpu.enqueue_indirect_dma source(%dma_start3A_15 : memref<4096x2048xf32, #tpu.memory_space<hbm>>) target(%arg6 : memref<32x2048xf32, #tpu.memory_space<vmem>>) offsets(%arg5 : memref<32xi32, #tpu.memory_space<vmem>>) semaphore(%arg7 : memref<!tpu.dma_semaphore, #tpu.memory_space<semaphore_mem>>)
    %dma_wait3A_16 = arith.constant 0 : i32
    %dma_wait3A_17 = arith.constant 0 : i32
    %dma_wait3A_18 = tpu.memref_slice %arg2[%dma_wait3A_16, %dma_wait3A_17] : memref<4096x2048xf32, #tpu.memory_space<hbm>> -> memref<4096x2048xf32, #tpu.memory_space<hbm>>
    tpu.wait_indirect_dma semaphore(%arg7 : memref<!tpu.dma_semaphore, #tpu.memory_space<semaphore_mem>>) src(%dma_wait3A_18 : memref<4096x2048xf32, #tpu.memory_space<hbm>>) dst(%arg6 : memref<32x2048xf32, #tpu.memory_space<vmem>>)
    "tpu.region"() ({
      %run_scoped3A = tpu.sem_alloc : memref<!tpu.dma_semaphore, #tpu.memory_space<semaphore_mem>>
      %dma_start3A_39 = arith.constant 0 : i32
      %dma_start3A_40 = tpu.memref_slice %arg4[%add3A_12, %dma_start3A_39] : memref<4096x2048xf32, #tpu.memory_space<hbm>> -> memref<32x2048xf32, #tpu.memory_space<hbm>>
      %dma_start3A_41 = arith.constant 0 : i32
      %dma_start3A_42 = tpu.memref_slice %arg4[%add3A_12, %dma_start3A_41] : memref<4096x2048xf32, #tpu.memory_space<hbm>> -> memref<32x2048xf32, #tpu.memory_space<hbm>>
      tpu.enqueue_dma source(%arg6 : memref<32x2048xf32, #tpu.memory_space<vmem>>) target(%dma_start3A_42 : memref<32x2048xf32, #tpu.memory_space<hbm>>) target_semaphore(%run_scoped3A : memref<!tpu.dma_semaphore, #tpu.memory_space<semaphore_mem>>)
      %dma_wait3A_43 = arith.constant 0 : i32
      %dma_wait3A_44 = tpu.memref_slice %arg4[%add3A_12, %dma_wait3A_43] : memref<4096x2048xf32, #tpu.memory_space<hbm>> -> memref<32x2048xf32, #tpu.memory_space<hbm>>
      %dma_wait3A_45 = arith.constant 0 : i32
      %dma_wait3A_46 = tpu.memref_slice %arg4[%add3A_12, %dma_wait3A_45] : memref<4096x2048xf32, #tpu.memory_space<hbm>> -> memref<32x2048xf32, #tpu.memory_space<hbm>>
      tpu.wait_dma2 semaphore(%run_scoped3A : memref<!tpu.dma_semaphore, #tpu.memory_space<semaphore_mem>>) src(%arg6 : memref<32x2048xf32, #tpu.memory_space<vmem>>) dst(%dma_wait3A_46 : memref<32x2048xf32, #tpu.memory_space<hbm>>)
      tpu.yield
    }) : () -> ()
    %mul3A_19 = arith.constant 128 : i32
    %mul3A_20 = arith.muli %add3A, %mul3A_19 : i32
    %add3A_21 = arith.constant 64 : i32
    %add3A_22 = arith.addi %mul3A_20, %add3A_21 : i32
    "tpu.region"() ({
      %run_scoped3A = tpu.sem_alloc : memref<!tpu.dma_semaphore, #tpu.memory_space<semaphore_mem>>
      %dma_start3A_39 = tpu.memref_slice %arg3[%add3A_22] : memref<4096xi32, #tpu.memory_space<hbm>> -> memref<32xi32, #tpu.memory_space<hbm>>
      %dma_start3A_40 = tpu.memref_slice %arg3[%add3A_22] : memref<4096xi32, #tpu.memory_space<hbm>> -> memref<32xi32, #tpu.memory_space<hbm>>
      tpu.enqueue_dma source(%dma_start3A_40 : memref<32xi32, #tpu.memory_space<hbm>>) target(%arg5 : memref<32xi32, #tpu.memory_space<vmem>>) target_semaphore(%run_scoped3A : memref<!tpu.dma_semaphore, #tpu.memory_space<semaphore_mem>>)
      %dma_wait3A_41 = tpu.memref_slice %arg3[%add3A_22] : memref<4096xi32, #tpu.memory_space<hbm>> -> memref<32xi32, #tpu.memory_space<hbm>>
      %dma_wait3A_42 = tpu.memref_slice %arg3[%add3A_22] : memref<4096xi32, #tpu.memory_space<hbm>> -> memref<32xi32, #tpu.memory_space<hbm>>
      tpu.wait_dma2 semaphore(%run_scoped3A : memref<!tpu.dma_semaphore, #tpu.memory_space<semaphore_mem>>) src(%dma_wait3A_42 : memref<32xi32, #tpu.memory_space<hbm>>) dst(%arg5 : memref<32xi32, #tpu.memory_space<vmem>>)
      tpu.yield
    }) : () -> ()
    %dma_start3A_23 = arith.constant 0 : i32
    %dma_start3A_24 = arith.constant 0 : i32
    %dma_start3A_25 = tpu.memref_slice %arg2[%dma_start3A_23, %dma_start3A_24] : memref<4096x2048xf32, #tpu.memory_space<hbm>> -> memref<4096x2048xf32, #tpu.memory_space<hbm>>
    tpu.enqueue_indirect_dma source(%dma_start3A_25 : memref<4096x2048xf32, #tpu.memory_space<hbm>>) target(%arg6 : memref<32x2048xf32, #tpu.memory_space<vmem>>) offsets(%arg5 : memref<32xi32, #tpu.memory_space<vmem>>) semaphore(%arg7 : memref<!tpu.dma_semaphore, #tpu.memory_space<semaphore_mem>>)
    %dma_wait3A_26 = arith.constant 0 : i32
    %dma_wait3A_27 = arith.constant 0 : i32
    %dma_wait3A_28 = tpu.memref_slice %arg2[%dma_wait3A_26, %dma_wait3A_27] : memref<4096x2048xf32, #tpu.memory_space<hbm>> -> memref<4096x2048xf32, #tpu.memory_space<hbm>>
    tpu.wait_indirect_dma semaphore(%arg7 : memref<!tpu.dma_semaphore, #tpu.memory_space<semaphore_mem>>) src(%dma_wait3A_28 : memref<4096x2048xf32, #tpu.memory_space<hbm>>) dst(%arg6 : memref<32x2048xf32, #tpu.memory_space<vmem>>)
    "tpu.region"() ({
      %run_scoped3A = tpu.sem_alloc : memref<!tpu.dma_semaphore, #tpu.memory_space<semaphore_mem>>
      %dma_start3A_39 = arith.constant 0 : i32
      %dma_start3A_40 = tpu.memref_slice %arg4[%add3A_22, %dma_start3A_39] : memref<4096x2048xf32, #tpu.memory_space<hbm>> -> memref<32x2048xf32, #tpu.memory_space<hbm>>
      %dma_start3A_41 = arith.constant 0 : i32
      %dma_start3A_42 = tpu.memref_slice %arg4[%add3A_22, %dma_start3A_41] : memref<4096x2048xf32, #tpu.memory_space<hbm>> -> memref<32x2048xf32, #tpu.memory_space<hbm>>
      tpu.enqueue_dma source(%arg6 : memref<32x2048xf32, #tpu.memory_space<vmem>>) target(%dma_start3A_42 : memref<32x2048xf32, #tpu.memory_space<hbm>>) target_semaphore(%run_scoped3A : memref<!tpu.dma_semaphore, #tpu.memory_space<semaphore_mem>>)
      %dma_wait3A_43 = arith.constant 0 : i32
      %dma_wait3A_44 = tpu.memref_slice %arg4[%add3A_22, %dma_wait3A_43] : memref<4096x2048xf32, #tpu.memory_space<hbm>> -> memref<32x2048xf32, #tpu.memory_space<hbm>>
      %dma_wait3A_45 = arith.constant 0 : i32
      %dma_wait3A_46 = tpu.memref_slice %arg4[%add3A_22, %dma_wait3A_45] : memref<4096x2048xf32, #tpu.memory_space<hbm>> -> memref<32x2048xf32, #tpu.memory_space<hbm>>
      tpu.wait_dma2 semaphore(%run_scoped3A : memref<!tpu.dma_semaphore, #tpu.memory_space<semaphore_mem>>) src(%arg6 : memref<32x2048xf32, #tpu.memory_space<vmem>>) dst(%dma_wait3A_46 : memref<32x2048xf32, #tpu.memory_space<hbm>>)
      tpu.yield
    }) : () -> ()
    %mul3A_29 = arith.constant 128 : i32
    %mul3A_30 = arith.muli %add3A, %mul3A_29 : i32
    %add3A_31 = arith.constant 96 : i32
    %add3A_32 = arith.addi %mul3A_30, %add3A_31 : i32
    "tpu.region"() ({
      %run_scoped3A = tpu.sem_alloc : memref<!tpu.dma_semaphore, #tpu.memory_space<semaphore_mem>>
      %dma_start3A_39 = tpu.memref_slice %arg3[%add3A_32] : memref<4096xi32, #tpu.memory_space<hbm>> -> memref<32xi32, #tpu.memory_space<hbm>>
      %dma_start3A_40 = tpu.memref_slice %arg3[%add3A_32] : memref<4096xi32, #tpu.memory_space<hbm>> -> memref<32xi32, #tpu.memory_space<hbm>>
      tpu.enqueue_dma source(%dma_start3A_40 : memref<32xi32, #tpu.memory_space<hbm>>) target(%arg5 : memref<32xi32, #tpu.memory_space<vmem>>) target_semaphore(%run_scoped3A : memref<!tpu.dma_semaphore, #tpu.memory_space<semaphore_mem>>)
      %dma_wait3A_41 = tpu.memref_slice %arg3[%add3A_32] : memref<4096xi32, #tpu.memory_space<hbm>> -> memref<32xi32, #tpu.memory_space<hbm>>
      %dma_wait3A_42 = tpu.memref_slice %arg3[%add3A_32] : memref<4096xi32, #tpu.memory_space<hbm>> -> memref<32xi32, #tpu.memory_space<hbm>>
      tpu.wait_dma2 semaphore(%run_scoped3A : memref<!tpu.dma_semaphore, #tpu.memory_space<semaphore_mem>>) src(%dma_wait3A_42 : memref<32xi32, #tpu.memory_space<hbm>>) dst(%arg5 : memref<32xi32, #tpu.memory_space<vmem>>)
      tpu.yield
    }) : () -> ()
    %dma_start3A_33 = arith.constant 0 : i32
    %dma_start3A_34 = arith.constant 0 : i32
    %dma_start3A_35 = tpu.memref_slice %arg2[%dma_start3A_33, %dma_start3A_34] : memref<4096x2048xf32, #tpu.memory_space<hbm>> -> memref<4096x2048xf32, #tpu.memory_space<hbm>>
    tpu.enqueue_indirect_dma source(%dma_start3A_35 : memref<4096x2048xf32, #tpu.memory_space<hbm>>) target(%arg6 : memref<32x2048xf32, #tpu.memory_space<vmem>>) offsets(%arg5 : memref<32xi32, #tpu.memory_space<vmem>>) semaphore(%arg7 : memref<!tpu.dma_semaphore, #tpu.memory_space<semaphore_mem>>)
    %dma_wait3A_36 = arith.constant 0 : i32
    %dma_wait3A_37 = arith.constant 0 : i32
    %dma_wait3A_38 = tpu.memref_slice %arg2[%dma_wait3A_36, %dma_wait3A_37] : memref<4096x2048xf32, #tpu.memory_space<hbm>> -> memref<4096x2048xf32, #tpu.memory_space<hbm>>
    tpu.wait_indirect_dma semaphore(%arg7 : memref<!tpu.dma_semaphore, #tpu.memory_space<semaphore_mem>>) src(%dma_wait3A_38 : memref<4096x2048xf32, #tpu.memory_space<hbm>>) dst(%arg6 : memref<32x2048xf32, #tpu.memory_space<vmem>>)
    "tpu.region"() ({
      %run_scoped3A = tpu.sem_alloc : memref<!tpu.dma_semaphore, #tpu.memory_space<semaphore_mem>>
      %dma_start3A_39 = arith.constant 0 : i32
      %dma_start3A_40 = tpu.memref_slice %arg4[%add3A_32, %dma_start3A_39] : memref<4096x2048xf32, #tpu.memory_space<hbm>> -> memref<32x2048xf32, #tpu.memory_space<hbm>>
      %dma_start3A_41 = arith.constant 0 : i32
      %dma_start3A_42 = tpu.memref_slice %arg4[%add3A_32, %dma_start3A_41] : memref<4096x2048xf32, #tpu.memory_space<hbm>> -> memref<32x2048xf32, #tpu.memory_space<hbm>>
      tpu.enqueue_dma source(%arg6 : memref<32x2048xf32, #tpu.memory_space<vmem>>) target(%dma_start3A_42 : memref<32x2048xf32, #tpu.memory_space<hbm>>) target_semaphore(%run_scoped3A : memref<!tpu.dma_semaphore, #tpu.memory_space<semaphore_mem>>)
      %dma_wait3A_43 = arith.constant 0 : i32
      %dma_wait3A_44 = tpu.memref_slice %arg4[%add3A_32, %dma_wait3A_43] : memref<4096x2048xf32, #tpu.memory_space<hbm>> -> memref<32x2048xf32, #tpu.memory_space<hbm>>
      %dma_wait3A_45 = arith.constant 0 : i32
      %dma_wait3A_46 = tpu.memref_slice %arg4[%add3A_32, %dma_wait3A_45] : memref<4096x2048xf32, #tpu.memory_space<hbm>> -> memref<32x2048xf32, #tpu.memory_space<hbm>>
      tpu.wait_dma2 semaphore(%run_scoped3A : memref<!tpu.dma_semaphore, #tpu.memory_space<semaphore_mem>>) src(%arg6 : memref<32x2048xf32, #tpu.memory_space<vmem>>) dst(%dma_wait3A_46 : memref<32x2048xf32, #tpu.memory_space<hbm>>)
      tpu.yield
    }) : () -> ()
    return
  }
}

module attributes {stable_mosaic.version = 14 : i64} {
  func.func @_router_body(%arg0: memref<2048x2048xf32, #tpu.memory_space<vmem>>, %arg1: memref<2048x8xf32, #tpu.memory_space<vmem>>, %arg2: memref<2048x8xf32, #tpu.memory_space<vmem>>, %arg3: memref<2048x2xf32, #tpu.memory_space<vmem>>, %arg4: memref<2048x2xi32, #tpu.memory_space<vmem>>, %arg5: memref<8x512xi32, #tpu.memory_space<vmem>>) attributes {dimension_semantics = [], scalar_prefetch = 0 : i64, scratch_operands = 0 : i64, tpu.core_type = #tpu.core_type<tc>} {
    %get3A = arith.constant 0 : index
    %get3A_0 = arith.constant 0 : index
    %get3A_1 = vector.load %arg0[%get3A, %get3A_0] : memref<2048x2048xf32, #tpu.memory_space<vmem>>, vector<2048x2048xf32>
    %get3A_2 = arith.constant 0 : index
    %get3A_3 = arith.constant 0 : index
    %get3A_4 = vector.load %arg1[%get3A_2, %get3A_3] : memref<2048x8xf32, #tpu.memory_space<vmem>>, vector<2048x8xf32>
    %dot_general3A = arith.constant dense<0.000000e+00> : vector<2048x8xf32>
    %dot_general3A_5 = tpu.matmul %get3A_1, %get3A_4, %dot_general3A {dimension_numbers = #tpu.dot_dimension_numbers<[1], [0], [0], [1], [0, 0, 1, 1], [], []>, transpose_lhs_hint = false} : vector<2048x2048xf32>, vector<2048x8xf32>, vector<2048x8xf32> -> vector<2048x8xf32>
    %swap3A = arith.constant 0 : index
    %swap3A_6 = arith.constant 0 : index
    %swap3A_7 = vector.load %arg2[%swap3A, %swap3A_6] : memref<2048x8xf32, #tpu.memory_space<vmem>>, vector<2048x8xf32>
    tpu.vector_store %arg2[%swap3A, %swap3A_6], %dot_general3A_5 {strides = array<i32>} : memref<2048x8xf32, #tpu.memory_space<vmem>>, vector<2048x8xf32>,
    %reduce_max3A = arith.constant dense<0xFF800000> : vector<2048xf32>
    %reduce_max3A_8 = vector.multi_reduction <maximumf>, %dot_general3A_5, %reduce_max3A [1] : vector<2048x8xf32> to vector<2048xf32>
    %broadcast_in_dim3A = vector.shape_cast %reduce_max3A_8 : vector<2048xf32> to vector<2048x1xf32>
    %sub3A = vector.broadcast %broadcast_in_dim3A : vector<2048x1xf32> to vector<2048x8xf32>
    %sub3A_9 = arith.subf %dot_general3A_5, %sub3A : vector<2048x8xf32>
    %exp3A = math.exp %sub3A_9 : vector<2048x8xf32>
    %reduce_sum3A = arith.constant dense<0.000000e+00> : vector<2048xf32>
    %reduce_sum3A_10 = vector.multi_reduction <add>, %exp3A, %reduce_sum3A [1] : vector<2048x8xf32> to vector<2048xf32>
    %broadcast_in_dim3A_11 = vector.shape_cast %reduce_sum3A_10 : vector<2048xf32> to vector<2048x1xf32>
    %div3A = vector.broadcast %broadcast_in_dim3A_11 : vector<2048x1xf32> to vector<2048x8xf32>
    %div3A_12 = arith.divf %exp3A, %div3A : vector<2048x8xf32>
    %iota3A = tpu.iota {dimensions = array<i32: 1>} : vector<2048x8xi32>
    %reduce_max3A_13 = arith.constant dense<0xFF800000> : vector<2048xf32>
    %reduce_max3A_14 = vector.multi_reduction <maximumf>, %div3A_12, %reduce_max3A_13 [1] : vector<2048x8xf32> to vector<2048xf32>
    %broadcast_in_dim3A_15 = vector.shape_cast %reduce_max3A_14 : vector<2048xf32> to vector<2048x1xf32>
    %eq3A = vector.broadcast %broadcast_in_dim3A_15 : vector<2048x1xf32> to vector<2048x8xf32>
    %eq3A_16 = arith.cmpf oeq, %div3A_12, %eq3A : vector<2048x8xf32>
    %jit3A = arith.constant 8 : i32
    %broadcast_in_dim3A_17 = vector.broadcast %jit3A : i32 to vector<2048x8xi32>
    %select_n3A = arith.select %eq3A_16, %iota3A, %broadcast_in_dim3A_17 : vector<2048x8xi1>, vector<2048x8xi32>
    %reduce_min3A = arith.constant dense<2147483647> : vector<2048xi32>
    %reduce_min3A_18 = vector.multi_reduction <minsi>, %select_n3A, %reduce_min3A [1] : vector<2048x8xi32> to vector<2048xi32>
    %broadcast_in_dim3A_19 = vector.shape_cast %reduce_min3A_18 : vector<2048xi32> to vector<2048x1xi32>
    %eq3A_20 = vector.broadcast %broadcast_in_dim3A_19 : vector<2048x1xi32> to vector<2048x8xi32>
    %eq3A_21 = arith.cmpi eq, %iota3A, %eq3A_20 : vector<2048x8xi32>
    %jit3A_22 = arith.constant -1.000000e+00 : f32
    %broadcast_in_dim3A_23 = vector.broadcast %jit3A_22 : f32 to vector<2048x8xf32>
    %select_n3A_24 = arith.select %eq3A_21, %broadcast_in_dim3A_23, %div3A_12 : vector<2048x8xi1>, vector<2048x8xf32>
    %reduce_max3A_25 = arith.constant dense<0xFF800000> : vector<2048xf32>
    %reduce_max3A_26 = vector.multi_reduction <maximumf>, %select_n3A_24, %reduce_max3A_25 [1] : vector<2048x8xf32> to vector<2048xf32>
    %broadcast_in_dim3A_27 = vector.shape_cast %reduce_max3A_26 : vector<2048xf32> to vector<2048x1xf32>
    %eq3A_28 = vector.broadcast %broadcast_in_dim3A_27 : vector<2048x1xf32> to vector<2048x8xf32>
    %eq3A_29 = arith.cmpf oeq, %select_n3A_24, %eq3A_28 : vector<2048x8xf32>
    %jit3A_30 = arith.constant 8 : i32
    %broadcast_in_dim3A_31 = vector.broadcast %jit3A_30 : i32 to vector<2048x8xi32>
    %select_n3A_32 = arith.select %eq3A_29, %iota3A, %broadcast_in_dim3A_31 : vector<2048x8xi1>, vector<2048x8xi32>
    %reduce_min3A_33 = arith.constant dense<2147483647> : vector<2048xi32>
    %reduce_min3A_34 = vector.multi_reduction <minsi>, %select_n3A_32, %reduce_min3A_33 [1] : vector<2048x8xi32> to vector<2048xi32>
    %broadcast_in_dim3A_35 = vector.shape_cast %reduce_min3A_34 : vector<2048xi32> to vector<2048x1xi32>
    %add3A = arith.addf %broadcast_in_dim3A_15, %broadcast_in_dim3A_27 : vector<2048x1xf32>
    %div3A_36 = arith.divf %broadcast_in_dim3A_15, %add3A : vector<2048x1xf32>
    %div3A_37 = arith.divf %broadcast_in_dim3A_27, %add3A : vector<2048x1xf32>
    %eq3A_38 = vector.broadcast %broadcast_in_dim3A_19 : vector<2048x1xi32> to vector<2048x8xi32>
    %eq3A_39 = arith.cmpi eq, %iota3A, %eq3A_38 : vector<2048x8xi32>
    %convert_element_type3A = arith.extui %eq3A_39 : vector<2048x8xi1> to vector<2048x8xi32>
    %convert_element_type3A_40 = arith.sitofp %convert_element_type3A : vector<2048x8xi32> to vector<2048x8xf32>
    %eq3A_41 = vector.broadcast %broadcast_in_dim3A_35 : vector<2048x1xi32> to vector<2048x8xi32>
    %eq3A_42 = arith.cmpi eq, %iota3A, %eq3A_41 : vector<2048x8xi32>
    %convert_element_type3A_43 = arith.extui %eq3A_42 : vector<2048x8xi1> to vector<2048x8xi32>
    %convert_element_type3A_44 = arith.sitofp %convert_element_type3A_43 : vector<2048x8xi32> to vector<2048x8xf32>
    %add3A_45 = arith.addf %convert_element_type3A_40, %convert_element_type3A_44 : vector<2048x8xf32>
    %broadcast_in_dim3A_46 = arith.constant 0.000000e+00 : f32
    %broadcast_in_dim3A_47 = vector.broadcast %broadcast_in_dim3A_46 : f32 to vector<1x8xf32>
    %slice3A = vector.extract_strided_slice %add3A_45 {offsets = [0, 0], sizes = [2047, 8], strides = [1, 1]} : vector<2048x8xf32> to vector<2047x8xf32>
    %concatenate3A = tpu.concatenate %broadcast_in_dim3A_47, %slice3A in 0 : vector<1x8xf32>, vector<2047x8xf32> -> vector<2048x8xf32>
    %add3A_48 = arith.addf %add3A_45, %concatenate3A : vector<2048x8xf32>
    %broadcast_in_dim3A_49 = arith.constant 0.000000e+00 : f32
    %broadcast_in_dim3A_50 = vector.broadcast %broadcast_in_dim3A_49 : f32 to vector<2x8xf32>
    %slice3A_51 = vector.extract_strided_slice %add3A_48 {offsets = [0, 0], sizes = [2046, 8], strides = [1, 1]} : vector<2048x8xf32> to vector<2046x8xf32>
    %concatenate3A_52 = tpu.concatenate %broadcast_in_dim3A_50, %slice3A_51 in 0 : vector<2x8xf32>, vector<2046x8xf32> -> vector<2048x8xf32>
    %add3A_53 = arith.addf %add3A_48, %concatenate3A_52 : vector<2048x8xf32>
    %broadcast_in_dim3A_54 = arith.constant 0.000000e+00 : f32
    %broadcast_in_dim3A_55 = vector.broadcast %broadcast_in_dim3A_54 : f32 to vector<4x8xf32>
    %slice3A_56 = vector.extract_strided_slice %add3A_53 {offsets = [0, 0], sizes = [2044, 8], strides = [1, 1]} : vector<2048x8xf32> to vector<2044x8xf32>
    %concatenate3A_57 = tpu.concatenate %broadcast_in_dim3A_55, %slice3A_56 in 0 : vector<4x8xf32>, vector<2044x8xf32> -> vector<2048x8xf32>
    %add3A_58 = arith.addf %add3A_53, %concatenate3A_57 : vector<2048x8xf32>
    %broadcast_in_dim3A_59 = arith.constant 0.000000e+00 : f32
    %broadcast_in_dim3A_60 = vector.broadcast %broadcast_in_dim3A_59 : f32 to vector<8x8xf32>
    %slice3A_61 = vector.extract_strided_slice %add3A_58 {offsets = [0, 0], sizes = [2040, 8], strides = [1, 1]} : vector<2048x8xf32> to vector<2040x8xf32>
    %concatenate3A_62 = tpu.concatenate %broadcast_in_dim3A_60, %slice3A_61 in 0 : vector<8x8xf32>, vector<2040x8xf32> -> vector<2048x8xf32>
    %add3A_63 = arith.addf %add3A_58, %concatenate3A_62 : vector<2048x8xf32>
    %broadcast_in_dim3A_64 = arith.constant 0.000000e+00 : f32
    %broadcast_in_dim3A_65 = vector.broadcast %broadcast_in_dim3A_64 : f32 to vector<16x8xf32>
    %slice3A_66 = vector.extract_strided_slice %add3A_63 {offsets = [0, 0], sizes = [2032, 8], strides = [1, 1]} : vector<2048x8xf32> to vector<2032x8xf32>
    %concatenate3A_67 = tpu.concatenate %broadcast_in_dim3A_65, %slice3A_66 in 0 : vector<16x8xf32>, vector<2032x8xf32> -> vector<2048x8xf32>
    %add3A_68 = arith.addf %add3A_63, %concatenate3A_67 : vector<2048x8xf32>
    %broadcast_in_dim3A_69 = arith.constant 0.000000e+00 : f32
    %broadcast_in_dim3A_70 = vector.broadcast %broadcast_in_dim3A_69 : f32 to vector<32x8xf32>
    %slice3A_71 = vector.extract_strided_slice %add3A_68 {offsets = [0, 0], sizes = [2016, 8], strides = [1, 1]} : vector<2048x8xf32> to vector<2016x8xf32>
    %concatenate3A_72 = tpu.concatenate %broadcast_in_dim3A_70, %slice3A_71 in 0 : vector<32x8xf32>, vector<2016x8xf32> -> vector<2048x8xf32>
    %add3A_73 = arith.addf %add3A_68, %concatenate3A_72 : vector<2048x8xf32>
    %broadcast_in_dim3A_74 = arith.constant 0.000000e+00 : f32
    %broadcast_in_dim3A_75 = vector.broadcast %broadcast_in_dim3A_74 : f32 to vector<64x8xf32>
    %slice3A_76 = vector.extract_strided_slice %add3A_73 {offsets = [0, 0], sizes = [1984, 8], strides = [1, 1]} : vector<2048x8xf32> to vector<1984x8xf32>
    %concatenate3A_77 = tpu.concatenate %broadcast_in_dim3A_75, %slice3A_76 in 0 : vector<64x8xf32>, vector<1984x8xf32> -> vector<2048x8xf32>
    %add3A_78 = arith.addf %add3A_73, %concatenate3A_77 : vector<2048x8xf32>
    %broadcast_in_dim3A_79 = arith.constant 0.000000e+00 : f32
    %broadcast_in_dim3A_80 = vector.broadcast %broadcast_in_dim3A_79 : f32 to vector<128x8xf32>
    %slice3A_81 = vector.extract_strided_slice %add3A_78 {offsets = [0, 0], sizes = [1920, 8], strides = [1, 1]} : vector<2048x8xf32> to vector<1920x8xf32>
    %concatenate3A_82 = tpu.concatenate %broadcast_in_dim3A_80, %slice3A_81 in 0 : vector<128x8xf32>, vector<1920x8xf32> -> vector<2048x8xf32>
    %add3A_83 = arith.addf %add3A_78, %concatenate3A_82 : vector<2048x8xf32>
    %broadcast_in_dim3A_84 = arith.constant 0.000000e+00 : f32
    %broadcast_in_dim3A_85 = vector.broadcast %broadcast_in_dim3A_84 : f32 to vector<256x8xf32>
    %slice3A_86 = vector.extract_strided_slice %add3A_83 {offsets = [0, 0], sizes = [1792, 8], strides = [1, 1]} : vector<2048x8xf32> to vector<1792x8xf32>
    %concatenate3A_87 = tpu.concatenate %broadcast_in_dim3A_85, %slice3A_86 in 0 : vector<256x8xf32>, vector<1792x8xf32> -> vector<2048x8xf32>
    %add3A_88 = arith.addf %add3A_83, %concatenate3A_87 : vector<2048x8xf32>
    %broadcast_in_dim3A_89 = arith.constant 0.000000e+00 : f32
    %broadcast_in_dim3A_90 = vector.broadcast %broadcast_in_dim3A_89 : f32 to vector<512x8xf32>
    %slice3A_91 = vector.extract_strided_slice %add3A_88 {offsets = [0, 0], sizes = [1536, 8], strides = [1, 1]} : vector<2048x8xf32> to vector<1536x8xf32>
    %concatenate3A_92 = tpu.concatenate %broadcast_in_dim3A_90, %slice3A_91 in 0 : vector<512x8xf32>, vector<1536x8xf32> -> vector<2048x8xf32>
    %add3A_93 = arith.addf %add3A_88, %concatenate3A_92 : vector<2048x8xf32>
    %broadcast_in_dim3A_94 = arith.constant 0.000000e+00 : f32
    %broadcast_in_dim3A_95 = vector.broadcast %broadcast_in_dim3A_94 : f32 to vector<1024x8xf32>
    %slice3A_96 = vector.extract_strided_slice %add3A_93 {offsets = [0, 0], sizes = [1024, 8], strides = [1, 1]} : vector<2048x8xf32> to vector<1024x8xf32>
    %concatenate3A_97 = tpu.concatenate %broadcast_in_dim3A_95, %slice3A_96 in 0 : vector<1024x8xf32>, vector<1024x8xf32> -> vector<2048x8xf32>
    %add3A_98 = arith.addf %add3A_93, %concatenate3A_97 : vector<2048x8xf32>
    %sub3A_99 = arith.subf %add3A_98, %add3A_45 : vector<2048x8xf32>
    %eq3A_100 = vector.broadcast %broadcast_in_dim3A_19 : vector<2048x1xi32> to vector<2048x8xi32>
    %eq3A_101 = arith.cmpi eq, %iota3A, %eq3A_100 : vector<2048x8xi32>
    %jit3A_102 = arith.constant 0.000000e+00 : f32
    %broadcast_in_dim3A_103 = vector.broadcast %jit3A_102 : f32 to vector<2048x8xf32>
    %select_n3A_104 = arith.select %eq3A_101, %sub3A_99, %broadcast_in_dim3A_103 : vector<2048x8xi1>, vector<2048x8xf32>
    %reduce_sum3A_105 = arith.constant dense<0.000000e+00> : vector<2048xf32>
    %reduce_sum3A_106 = vector.multi_reduction <add>, %select_n3A_104, %reduce_sum3A_105 [1] : vector<2048x8xf32> to vector<2048xf32>
    %broadcast_in_dim3A_107 = vector.shape_cast %reduce_sum3A_106 : vector<2048xf32> to vector<2048x1xf32>
    %convert_element_type3A_108 = arith.fptosi %broadcast_in_dim3A_107 : vector<2048x1xf32> to vector<2048x1xi32>
    %eq3A_109 = vector.broadcast %broadcast_in_dim3A_35 : vector<2048x1xi32> to vector<2048x8xi32>
    %eq3A_110 = arith.cmpi eq, %iota3A, %eq3A_109 : vector<2048x8xi32>
    %jit3A_111 = arith.constant 0.000000e+00 : f32
    %broadcast_in_dim3A_112 = vector.broadcast %jit3A_111 : f32 to vector<2048x8xf32>
    %select_n3A_113 = arith.select %eq3A_110, %sub3A_99, %broadcast_in_dim3A_112 : vector<2048x8xi1>, vector<2048x8xf32>
    %reduce_sum3A_114 = arith.constant dense<0.000000e+00> : vector<2048xf32>
    %reduce_sum3A_115 = vector.multi_reduction <add>, %select_n3A_113, %reduce_sum3A_114 [1] : vector<2048x8xf32> to vector<2048xf32>
    %broadcast_in_dim3A_116 = vector.shape_cast %reduce_sum3A_115 : vector<2048xf32> to vector<2048x1xf32>
    %convert_element_type3A_117 = arith.fptosi %broadcast_in_dim3A_116 : vector<2048x1xf32> to vector<2048x1xi32>
    %lt3A = arith.constant 512 : i32
    %lt3A_118 = vector.broadcast %lt3A : i32 to vector<2048x1xi32>
    %lt3A_119 = arith.cmpi slt, %convert_element_type3A_108, %lt3A_118 : vector<2048x1xi32>
    %lt3A_120 = arith.constant 512 : i32
    %lt3A_121 = vector.broadcast %lt3A_120 : i32 to vector<2048x1xi32>
    %lt3A_122 = arith.cmpi slt, %convert_element_type3A_117, %lt3A_121 : vector<2048x1xi32>
    %mul3A = arith.constant 512 : i32
    %mul3A_123 = vector.broadcast %mul3A : i32 to vector<2048x1xi32>
    %mul3A_124 = arith.muli %broadcast_in_dim3A_19, %mul3A_123 : vector<2048x1xi32>
    %add3A_125 = arith.addi %mul3A_124, %convert_element_type3A_108 : vector<2048x1xi32>
    %mul3A_126 = arith.constant 512 : i32
    %mul3A_127 = vector.broadcast %mul3A_126 : i32 to vector<2048x1xi32>
    %mul3A_128 = arith.muli %broadcast_in_dim3A_35, %mul3A_127 : vector<2048x1xi32>
    %add3A_129 = arith.addi %mul3A_128, %convert_element_type3A_117 : vector<2048x1xi32>
    %jit3A_130 = arith.constant 4096 : i32
    %broadcast_in_dim3A_131 = vector.broadcast %jit3A_130 : i32 to vector<2048x1xi32>
    %select_n3A_132 = arith.select %lt3A_119, %add3A_125, %broadcast_in_dim3A_131 : vector<2048x1xi1>, vector<2048x1xi32>
    %jit3A_133 = arith.constant 4096 : i32
    %broadcast_in_dim3A_134 = vector.broadcast %jit3A_133 : i32 to vector<2048x1xi32>
    %select_n3A_135 = arith.select %lt3A_122, %add3A_129, %broadcast_in_dim3A_134 : vector<2048x1xi1>, vector<2048x1xi32>
    %jit3A_136 = arith.constant 0 : i32
    %broadcast_in_dim3A_137 = vector.broadcast %jit3A_136 : i32 to vector<2048x1xi32>
    %select_n3A_138 = arith.select %lt3A_119, %add3A_125, %broadcast_in_dim3A_137 : vector<2048x1xi1>, vector<2048x1xi32>
    %swap3A_139 = arith.constant 0 : index
    %swap3A_140 = arith.constant 0 : index
    %swap3A_141 = vector.load %arg4[%swap3A_139, %swap3A_140] : memref<2048x2xi32, #tpu.memory_space<vmem>>, vector<2048x1xi32>
    tpu.vector_store %arg4[%swap3A_139, %swap3A_140], %select_n3A_138 {strides = array<i32>} : memref<2048x2xi32, #tpu.memory_space<vmem>>, vector<2048x1xi32>,
    %jit3A_142 = arith.constant 0 : i32
    %broadcast_in_dim3A_143 = vector.broadcast %jit3A_142 : i32 to vector<2048x1xi32>
    %select_n3A_144 = arith.select %lt3A_122, %add3A_129, %broadcast_in_dim3A_143 : vector<2048x1xi1>, vector<2048x1xi32>
    %swap3A_145 = arith.constant 0 : index
    %swap3A_146 = arith.constant 1 : index
    %swap3A_147 = vector.load %arg4[%swap3A_145, %swap3A_146] : memref<2048x2xi32, #tpu.memory_space<vmem>>, vector<2048x1xi32>
    tpu.vector_store %arg4[%swap3A_145, %swap3A_146], %select_n3A_144 {strides = array<i32>} : memref<2048x2xi32, #tpu.memory_space<vmem>>, vector<2048x1xi32>,
    %jit3A_148 = arith.constant 0.000000e+00 : f32
    %broadcast_in_dim3A_149 = vector.broadcast %jit3A_148 : f32 to vector<2048x1xf32>
    %select_n3A_150 = arith.select %lt3A_119, %div3A_36, %broadcast_in_dim3A_149 : vector<2048x1xi1>, vector<2048x1xf32>
    %swap3A_151 = arith.constant 0 : index
    %swap3A_152 = arith.constant 0 : index
    %swap3A_153 = vector.load %arg3[%swap3A_151, %swap3A_152] : memref<2048x2xf32, #tpu.memory_space<vmem>>, vector<2048x1xf32>
    tpu.vector_store %arg3[%swap3A_151, %swap3A_152], %select_n3A_150 {strides = array<i32>} : memref<2048x2xf32, #tpu.memory_space<vmem>>, vector<2048x1xf32>,
    %jit3A_154 = arith.constant 0.000000e+00 : f32
    %broadcast_in_dim3A_155 = vector.broadcast %jit3A_154 : f32 to vector<2048x1xf32>
    %select_n3A_156 = arith.select %lt3A_122, %div3A_37, %broadcast_in_dim3A_155 : vector<2048x1xi1>, vector<2048x1xf32>
    %swap3A_157 = arith.constant 0 : index
    %swap3A_158 = arith.constant 1 : index
    %swap3A_159 = vector.load %arg3[%swap3A_157, %swap3A_158] : memref<2048x2xf32, #tpu.memory_space<vmem>>, vector<2048x1xf32>
    tpu.vector_store %arg3[%swap3A_157, %swap3A_158], %select_n3A_156 {strides = array<i32>} : memref<2048x2xf32, #tpu.memory_space<vmem>>, vector<2048x1xf32>,
    %iota3A_160 = tpu.iota {dimensions = array<i32: 0>} : vector<2048x512xi32>
    %iota3A_161 = tpu.iota {dimensions = array<i32: 1>} : vector<2048x512xi32>
    %add3A_162 = arith.constant 0 : i32
    %add3A_163 = vector.broadcast %add3A_162 : i32 to vector<2048x512xi32>
    %add3A_164 = arith.addi %add3A_163, %iota3A_161 : vector<2048x512xi32>
    %eq3A_165 = vector.broadcast %select_n3A_132 : vector<2048x1xi32> to vector<2048x512xi32>
    %eq3A_166 = arith.cmpi eq, %eq3A_165, %add3A_164 : vector<2048x512xi32>
    %mul3A_167 = arith.constant 2 : i32
    %mul3A_168 = vector.broadcast %mul3A_167 : i32 to vector<2048x512xi32>
    %mul3A_169 = arith.muli %mul3A_168, %iota3A_160 : vector<2048x512xi32>
    %add3A_170 = arith.constant 1 : i32
    %add3A_171 = vector.broadcast %add3A_170 : i32 to vector<2048x512xi32>
    %add3A_172 = arith.addi %mul3A_169, %add3A_171 : vector<2048x512xi32>
    %jit3A_173 = arith.constant 0 : i32
    %broadcast_in_dim3A_174 = vector.broadcast %jit3A_173 : i32 to vector<2048x512xi32>
    %select_n3A_175 = arith.select %eq3A_166, %add3A_172, %broadcast_in_dim3A_174 : vector<2048x512xi1>, vector<2048x512xi32>
    %eq3A_176 = vector.broadcast %select_n3A_135 : vector<2048x1xi32> to vector<2048x512xi32>
    %eq3A_177 = arith.cmpi eq, %eq3A_176, %add3A_164 : vector<2048x512xi32>
    %mul3A_178 = arith.constant 2 : i32
    %mul3A_179 = vector.broadcast %mul3A_178 : i32 to vector<2048x512xi32>
    %mul3A_180 = arith.muli %mul3A_179, %iota3A_160 : vector<2048x512xi32>
    %add3A_181 = arith.constant 2 : i32
    %add3A_182 = vector.broadcast %add3A_181 : i32 to vector<2048x512xi32>
    %add3A_183 = arith.addi %mul3A_180, %add3A_182 : vector<2048x512xi32>
    %jit3A_184 = arith.constant 0 : i32
    %broadcast_in_dim3A_185 = vector.broadcast %jit3A_184 : i32 to vector<2048x512xi32>
    %select_n3A_186 = arith.select %eq3A_177, %add3A_183, %broadcast_in_dim3A_185 : vector<2048x512xi1>, vector<2048x512xi32>
    %max3A = arith.maxsi %select_n3A_175, %select_n3A_186 : vector<2048x512xi32>
    %reduce_max3A_187 = arith.constant dense<-2147483648> : vector<512xi32>
    %reduce_max3A_188 = vector.multi_reduction <maxsi>, %max3A, %reduce_max3A_187 [0] : vector<2048x512xi32> to vector<512xi32>
    %broadcast_in_dim3A_189 = vector.shape_cast %reduce_max3A_188 : vector<512xi32> to vector<1x512xi32>
    %sub3A_190 = arith.constant 1 : i32
    %sub3A_191 = vector.broadcast %sub3A_190 : i32 to vector<1x512xi32>
    %sub3A_192 = arith.subi %broadcast_in_dim3A_189, %sub3A_191 : vector<1x512xi32>
    %lt3A_193 = arith.constant 0 : i32
    %lt3A_194 = vector.broadcast %lt3A_193 : i32 to vector<1x512xi32>
    %lt3A_195 = arith.cmpi slt, %sub3A_192, %lt3A_194 : vector<1x512xi32>
    %jit3A_196 = arith.constant 2 : i32
    %div3A_197 = vector.broadcast %jit3A_196 : i32 to vector<1x512xi32>
    %div3A_198 = arith.divsi %sub3A_192, %div3A_197 : vector<1x512xi32>
    %sign3A = arith.constant 0 : i32
    %sign3A_199 = vector.broadcast %sign3A : i32 to vector<1x512xi32>
    %sign3A_200 = arith.cmpi sgt, %sub3A_192, %sign3A_199 : vector<1x512xi32>
    %sign3A_201 = arith.extui %sign3A_200 : vector<1x512xi1> to vector<1x512xi32>
    %sign3A_202 = arith.constant 0 : i32
    %sign3A_203 = vector.broadcast %sign3A_202 : i32 to vector<1x512xi32>
    %sign3A_204 = arith.cmpi slt, %sub3A_192, %sign3A_203 : vector<1x512xi32>
    %sign3A_205 = arith.extui %sign3A_204 : vector<1x512xi1> to vector<1x512xi32>
    %sign3A_206 = arith.subi %sign3A_201, %sign3A_205 : vector<1x512xi32>
    %sign3A_207 = arith.constant 0 : i32
    %sign3A_208 = arith.cmpi sgt, %jit3A_196, %sign3A_207 : i32
    %sign3A_209 = arith.extui %sign3A_208 : i1 to i32
    %sign3A_210 = arith.constant 0 : i32
    %sign3A_211 = arith.cmpi slt, %jit3A_196, %sign3A_210 : i32
    %sign3A_212 = arith.extui %sign3A_211 : i1 to i32
    %sign3A_213 = arith.subi %sign3A_209, %sign3A_212 : i32
    %ne3A = vector.broadcast %sign3A_213 : i32 to vector<1x512xi32>
    %ne3A_214 = arith.cmpi ne, %sign3A_206, %ne3A : vector<1x512xi32>
    %rem3A = vector.broadcast %jit3A_196 : i32 to vector<1x512xi32>
    %rem3A_215 = arith.remsi %sub3A_192, %rem3A : vector<1x512xi32>
    %ne3A_216 = arith.constant 0 : i32
    %ne3A_217 = vector.broadcast %ne3A_216 : i32 to vector<1x512xi32>
    %ne3A_218 = arith.cmpi ne, %rem3A_215, %ne3A_217 : vector<1x512xi32>
    %and3A = arith.andi %ne3A_214, %ne3A_218 : vector<1x512xi1>
    %sub3A_219 = arith.constant 1 : i32
    %sub3A_220 = vector.broadcast %sub3A_219 : i32 to vector<1x512xi32>
    %sub3A_221 = arith.subi %div3A_198, %sub3A_220 : vector<1x512xi32>
    %select_n3A_222 = arith.select %and3A, %sub3A_221, %div3A_198 : vector<1x512xi1>, vector<1x512xi32>
    %jit3A_223 = arith.constant 0 : i32
    %broadcast_in_dim3A_224 = vector.broadcast %jit3A_223 : i32 to vector<1x512xi32>
    %select_n3A_225 = arith.select %lt3A_195, %broadcast_in_dim3A_224, %select_n3A_222 : vector<1x512xi1>, vector<1x512xi32>
    %swap3A_226 = arith.constant 0 : index
    %swap3A_227 = arith.constant 0 : index
    %swap3A_228 = vector.load %arg5[%swap3A_226, %swap3A_227] : memref<8x512xi32, #tpu.memory_space<vmem>>, vector<1x512xi32>
    tpu.vector_store %arg5[%swap3A_226, %swap3A_227], %select_n3A_225 {strides = array<i32>} : memref<8x512xi32, #tpu.memory_space<vmem>>, vector<1x512xi32>,
    %iota3A_229 = tpu.iota {dimensions = array<i32: 1>} : vector<2048x512xi32>
    %add3A_230 = arith.constant 512 : i32
    %add3A_231 = vector.broadcast %add3A_230 : i32 to vector<2048x512xi32>
    %add3A_232 = arith.addi %add3A_231, %iota3A_229 : vector<2048x512xi32>
    %eq3A_233 = vector.broadcast %select_n3A_132 : vector<2048x1xi32> to vector<2048x512xi32>
    %eq3A_234 = arith.cmpi eq, %eq3A_233, %add3A_232 : vector<2048x512xi32>
    %mul3A_235 = arith.constant 2 : i32
    %mul3A_236 = vector.broadcast %mul3A_235 : i32 to vector<2048x512xi32>
    %mul3A_237 = arith.muli %mul3A_236, %iota3A_160 : vector<2048x512xi32>
    %add3A_238 = arith.constant 1 : i32
    %add3A_239 = vector.broadcast %add3A_238 : i32 to vector<2048x512xi32>
    %add3A_240 = arith.addi %mul3A_237, %add3A_239 : vector<2048x512xi32>
    %jit3A_241 = arith.constant 0 : i32
    %broadcast_in_dim3A_242 = vector.broadcast %jit3A_241 : i32 to vector<2048x512xi32>
    %select_n3A_243 = arith.select %eq3A_234, %add3A_240, %broadcast_in_dim3A_242 : vector<2048x512xi1>, vector<2048x512xi32>
    %eq3A_244 = vector.broadcast %select_n3A_135 : vector<2048x1xi32> to vector<2048x512xi32>
    %eq3A_245 = arith.cmpi eq, %eq3A_244, %add3A_232 : vector<2048x512xi32>
    %mul3A_246 = arith.constant 2 : i32
    %mul3A_247 = vector.broadcast %mul3A_246 : i32 to vector<2048x512xi32>
    %mul3A_248 = arith.muli %mul3A_247, %iota3A_160 : vector<2048x512xi32>
    %add3A_249 = arith.constant 2 : i32
    %add3A_250 = vector.broadcast %add3A_249 : i32 to vector<2048x512xi32>
    %add3A_251 = arith.addi %mul3A_248, %add3A_250 : vector<2048x512xi32>
    %jit3A_252 = arith.constant 0 : i32
    %broadcast_in_dim3A_253 = vector.broadcast %jit3A_252 : i32 to vector<2048x512xi32>
    %select_n3A_254 = arith.select %eq3A_245, %add3A_251, %broadcast_in_dim3A_253 : vector<2048x512xi1>, vector<2048x512xi32>
    %max3A_255 = arith.maxsi %select_n3A_243, %select_n3A_254 : vector<2048x512xi32>
    %reduce_max3A_256 = arith.constant dense<-2147483648> : vector<512xi32>
    %reduce_max3A_257 = vector.multi_reduction <maxsi>, %max3A_255, %reduce_max3A_256 [0] : vector<2048x512xi32> to vector<512xi32>
    %broadcast_in_dim3A_258 = vector.shape_cast %reduce_max3A_257 : vector<512xi32> to vector<1x512xi32>
    %sub3A_259 = arith.constant 1 : i32
    %sub3A_260 = vector.broadcast %sub3A_259 : i32 to vector<1x512xi32>
    %sub3A_261 = arith.subi %broadcast_in_dim3A_258, %sub3A_260 : vector<1x512xi32>
    %lt3A_262 = arith.constant 0 : i32
    %lt3A_263 = vector.broadcast %lt3A_262 : i32 to vector<1x512xi32>
    %lt3A_264 = arith.cmpi slt, %sub3A_261, %lt3A_263 : vector<1x512xi32>
    %jit3A_265 = arith.constant 2 : i32
    %div3A_266 = vector.broadcast %jit3A_265 : i32 to vector<1x512xi32>
    %div3A_267 = arith.divsi %sub3A_261, %div3A_266 : vector<1x512xi32>
    %sign3A_268 = arith.constant 0 : i32
    %sign3A_269 = vector.broadcast %sign3A_268 : i32 to vector<1x512xi32>
    %sign3A_270 = arith.cmpi sgt, %sub3A_261, %sign3A_269 : vector<1x512xi32>
    %sign3A_271 = arith.extui %sign3A_270 : vector<1x512xi1> to vector<1x512xi32>
    %sign3A_272 = arith.constant 0 : i32
    %sign3A_273 = vector.broadcast %sign3A_272 : i32 to vector<1x512xi32>
    %sign3A_274 = arith.cmpi slt, %sub3A_261, %sign3A_273 : vector<1x512xi32>
    %sign3A_275 = arith.extui %sign3A_274 : vector<1x512xi1> to vector<1x512xi32>
    %sign3A_276 = arith.subi %sign3A_271, %sign3A_275 : vector<1x512xi32>
    %sign3A_277 = arith.constant 0 : i32
    %sign3A_278 = arith.cmpi sgt, %jit3A_265, %sign3A_277 : i32
    %sign3A_279 = arith.extui %sign3A_278 : i1 to i32
    %sign3A_280 = arith.constant 0 : i32
    %sign3A_281 = arith.cmpi slt, %jit3A_265, %sign3A_280 : i32
    %sign3A_282 = arith.extui %sign3A_281 : i1 to i32
    %sign3A_283 = arith.subi %sign3A_279, %sign3A_282 : i32
    %ne3A_284 = vector.broadcast %sign3A_283 : i32 to vector<1x512xi32>
    %ne3A_285 = arith.cmpi ne, %sign3A_276, %ne3A_284 : vector<1x512xi32>
    %rem3A_286 = vector.broadcast %jit3A_265 : i32 to vector<1x512xi32>
    %rem3A_287 = arith.remsi %sub3A_261, %rem3A_286 : vector<1x512xi32>
    %ne3A_288 = arith.constant 0 : i32
    %ne3A_289 = vector.broadcast %ne3A_288 : i32 to vector<1x512xi32>
    %ne3A_290 = arith.cmpi ne, %rem3A_287, %ne3A_289 : vector<1x512xi32>
    %and3A_291 = arith.andi %ne3A_285, %ne3A_290 : vector<1x512xi1>
    %sub3A_292 = arith.constant 1 : i32
    %sub3A_293 = vector.broadcast %sub3A_292 : i32 to vector<1x512xi32>
    %sub3A_294 = arith.subi %div3A_267, %sub3A_293 : vector<1x512xi32>
    %select_n3A_295 = arith.select %and3A_291, %sub3A_294, %div3A_267 : vector<1x512xi1>, vector<1x512xi32>
    %jit3A_296 = arith.constant 0 : i32
    %broadcast_in_dim3A_297 = vector.broadcast %jit3A_296 : i32 to vector<1x512xi32>
    %select_n3A_298 = arith.select %lt3A_264, %broadcast_in_dim3A_297, %select_n3A_295 : vector<1x512xi1>, vector<1x512xi32>
    %swap3A_299 = arith.constant 1 : index
    %swap3A_300 = arith.constant 0 : index
    %swap3A_301 = vector.load %arg5[%swap3A_299, %swap3A_300] : memref<8x512xi32, #tpu.memory_space<vmem>>, vector<1x512xi32>
    tpu.vector_store %arg5[%swap3A_299, %swap3A_300], %select_n3A_298 {strides = array<i32>} : memref<8x512xi32, #tpu.memory_space<vmem>>, vector<1x512xi32>,
    %iota3A_302 = tpu.iota {dimensions = array<i32: 1>} : vector<2048x512xi32>
    %add3A_303 = arith.constant 1024 : i32
    %add3A_304 = vector.broadcast %add3A_303 : i32 to vector<2048x512xi32>
    %add3A_305 = arith.addi %add3A_304, %iota3A_302 : vector<2048x512xi32>
    %eq3A_306 = vector.broadcast %select_n3A_132 : vector<2048x1xi32> to vector<2048x512xi32>
    %eq3A_307 = arith.cmpi eq, %eq3A_306, %add3A_305 : vector<2048x512xi32>
    %mul3A_308 = arith.constant 2 : i32
    %mul3A_309 = vector.broadcast %mul3A_308 : i32 to vector<2048x512xi32>
    %mul3A_310 = arith.muli %mul3A_309, %iota3A_160 : vector<2048x512xi32>
    %add3A_311 = arith.constant 1 : i32
    %add3A_312 = vector.broadcast %add3A_311 : i32 to vector<2048x512xi32>
    %add3A_313 = arith.addi %mul3A_310, %add3A_312 : vector<2048x512xi32>
    %jit3A_314 = arith.constant 0 : i32
    %broadcast_in_dim3A_315 = vector.broadcast %jit3A_314 : i32 to vector<2048x512xi32>
    %select_n3A_316 = arith.select %eq3A_307, %add3A_313, %broadcast_in_dim3A_315 : vector<2048x512xi1>, vector<2048x512xi32>
    %eq3A_317 = vector.broadcast %select_n3A_135 : vector<2048x1xi32> to vector<2048x512xi32>
    %eq3A_318 = arith.cmpi eq, %eq3A_317, %add3A_305 : vector<2048x512xi32>
    %mul3A_319 = arith.constant 2 : i32
    %mul3A_320 = vector.broadcast %mul3A_319 : i32 to vector<2048x512xi32>
    %mul3A_321 = arith.muli %mul3A_320, %iota3A_160 : vector<2048x512xi32>
    %add3A_322 = arith.constant 2 : i32
    %add3A_323 = vector.broadcast %add3A_322 : i32 to vector<2048x512xi32>
    %add3A_324 = arith.addi %mul3A_321, %add3A_323 : vector<2048x512xi32>
    %jit3A_325 = arith.constant 0 : i32
    %broadcast_in_dim3A_326 = vector.broadcast %jit3A_325 : i32 to vector<2048x512xi32>
    %select_n3A_327 = arith.select %eq3A_318, %add3A_324, %broadcast_in_dim3A_326 : vector<2048x512xi1>, vector<2048x512xi32>
    %max3A_328 = arith.maxsi %select_n3A_316, %select_n3A_327 : vector<2048x512xi32>
    %reduce_max3A_329 = arith.constant dense<-2147483648> : vector<512xi32>
    %reduce_max3A_330 = vector.multi_reduction <maxsi>, %max3A_328, %reduce_max3A_329 [0] : vector<2048x512xi32> to vector<512xi32>
    %broadcast_in_dim3A_331 = vector.shape_cast %reduce_max3A_330 : vector<512xi32> to vector<1x512xi32>
    %sub3A_332 = arith.constant 1 : i32
    %sub3A_333 = vector.broadcast %sub3A_332 : i32 to vector<1x512xi32>
    %sub3A_334 = arith.subi %broadcast_in_dim3A_331, %sub3A_333 : vector<1x512xi32>
    %lt3A_335 = arith.constant 0 : i32
    %lt3A_336 = vector.broadcast %lt3A_335 : i32 to vector<1x512xi32>
    %lt3A_337 = arith.cmpi slt, %sub3A_334, %lt3A_336 : vector<1x512xi32>
    %jit3A_338 = arith.constant 2 : i32
    %div3A_339 = vector.broadcast %jit3A_338 : i32 to vector<1x512xi32>
    %div3A_340 = arith.divsi %sub3A_334, %div3A_339 : vector<1x512xi32>
    %sign3A_341 = arith.constant 0 : i32
    %sign3A_342 = vector.broadcast %sign3A_341 : i32 to vector<1x512xi32>
    %sign3A_343 = arith.cmpi sgt, %sub3A_334, %sign3A_342 : vector<1x512xi32>
    %sign3A_344 = arith.extui %sign3A_343 : vector<1x512xi1> to vector<1x512xi32>
    %sign3A_345 = arith.constant 0 : i32
    %sign3A_346 = vector.broadcast %sign3A_345 : i32 to vector<1x512xi32>
    %sign3A_347 = arith.cmpi slt, %sub3A_334, %sign3A_346 : vector<1x512xi32>
    %sign3A_348 = arith.extui %sign3A_347 : vector<1x512xi1> to vector<1x512xi32>
    %sign3A_349 = arith.subi %sign3A_344, %sign3A_348 : vector<1x512xi32>
    %sign3A_350 = arith.constant 0 : i32
    %sign3A_351 = arith.cmpi sgt, %jit3A_338, %sign3A_350 : i32
    %sign3A_352 = arith.extui %sign3A_351 : i1 to i32
    %sign3A_353 = arith.constant 0 : i32
    %sign3A_354 = arith.cmpi slt, %jit3A_338, %sign3A_353 : i32
    %sign3A_355 = arith.extui %sign3A_354 : i1 to i32
    %sign3A_356 = arith.subi %sign3A_352, %sign3A_355 : i32
    %ne3A_357 = vector.broadcast %sign3A_356 : i32 to vector<1x512xi32>
    %ne3A_358 = arith.cmpi ne, %sign3A_349, %ne3A_357 : vector<1x512xi32>
    %rem3A_359 = vector.broadcast %jit3A_338 : i32 to vector<1x512xi32>
    %rem3A_360 = arith.remsi %sub3A_334, %rem3A_359 : vector<1x512xi32>
    %ne3A_361 = arith.constant 0 : i32
    %ne3A_362 = vector.broadcast %ne3A_361 : i32 to vector<1x512xi32>
    %ne3A_363 = arith.cmpi ne, %rem3A_360, %ne3A_362 : vector<1x512xi32>
    %and3A_364 = arith.andi %ne3A_358, %ne3A_363 : vector<1x512xi1>
    %sub3A_365 = arith.constant 1 : i32
    %sub3A_366 = vector.broadcast %sub3A_365 : i32 to vector<1x512xi32>
    %sub3A_367 = arith.subi %div3A_340, %sub3A_366 : vector<1x512xi32>
    %select_n3A_368 = arith.select %and3A_364, %sub3A_367, %div3A_340 : vector<1x512xi1>, vector<1x512xi32>
    %jit3A_369 = arith.constant 0 : i32
    %broadcast_in_dim3A_370 = vector.broadcast %jit3A_369 : i32 to vector<1x512xi32>
    %select_n3A_371 = arith.select %lt3A_337, %broadcast_in_dim3A_370, %select_n3A_368 : vector<1x512xi1>, vector<1x512xi32>
    %swap3A_372 = arith.constant 2 : index
    %swap3A_373 = arith.constant 0 : index
    %swap3A_374 = vector.load %arg5[%swap3A_372, %swap3A_373] : memref<8x512xi32, #tpu.memory_space<vmem>>, vector<1x512xi32>
    tpu.vector_store %arg5[%swap3A_372, %swap3A_373], %select_n3A_371 {strides = array<i32>} : memref<8x512xi32, #tpu.memory_space<vmem>>, vector<1x512xi32>,
    %iota3A_375 = tpu.iota {dimensions = array<i32: 1>} : vector<2048x512xi32>
    %add3A_376 = arith.constant 1536 : i32
    %add3A_377 = vector.broadcast %add3A_376 : i32 to vector<2048x512xi32>
    %add3A_378 = arith.addi %add3A_377, %iota3A_375 : vector<2048x512xi32>
    %eq3A_379 = vector.broadcast %select_n3A_132 : vector<2048x1xi32> to vector<2048x512xi32>
    %eq3A_380 = arith.cmpi eq, %eq3A_379, %add3A_378 : vector<2048x512xi32>
    %mul3A_381 = arith.constant 2 : i32
    %mul3A_382 = vector.broadcast %mul3A_381 : i32 to vector<2048x512xi32>
    %mul3A_383 = arith.muli %mul3A_382, %iota3A_160 : vector<2048x512xi32>
    %add3A_384 = arith.constant 1 : i32
    %add3A_385 = vector.broadcast %add3A_384 : i32 to vector<2048x512xi32>
    %add3A_386 = arith.addi %mul3A_383, %add3A_385 : vector<2048x512xi32>
    %jit3A_387 = arith.constant 0 : i32
    %broadcast_in_dim3A_388 = vector.broadcast %jit3A_387 : i32 to vector<2048x512xi32>
    %select_n3A_389 = arith.select %eq3A_380, %add3A_386, %broadcast_in_dim3A_388 : vector<2048x512xi1>, vector<2048x512xi32>
    %eq3A_390 = vector.broadcast %select_n3A_135 : vector<2048x1xi32> to vector<2048x512xi32>
    %eq3A_391 = arith.cmpi eq, %eq3A_390, %add3A_378 : vector<2048x512xi32>
    %mul3A_392 = arith.constant 2 : i32
    %mul3A_393 = vector.broadcast %mul3A_392 : i32 to vector<2048x512xi32>
    %mul3A_394 = arith.muli %mul3A_393, %iota3A_160 : vector<2048x512xi32>
    %add3A_395 = arith.constant 2 : i32
    %add3A_396 = vector.broadcast %add3A_395 : i32 to vector<2048x512xi32>
    %add3A_397 = arith.addi %mul3A_394, %add3A_396 : vector<2048x512xi32>
    %jit3A_398 = arith.constant 0 : i32
    %broadcast_in_dim3A_399 = vector.broadcast %jit3A_398 : i32 to vector<2048x512xi32>
    %select_n3A_400 = arith.select %eq3A_391, %add3A_397, %broadcast_in_dim3A_399 : vector<2048x512xi1>, vector<2048x512xi32>
    %max3A_401 = arith.maxsi %select_n3A_389, %select_n3A_400 : vector<2048x512xi32>
    %reduce_max3A_402 = arith.constant dense<-2147483648> : vector<512xi32>
    %reduce_max3A_403 = vector.multi_reduction <maxsi>, %max3A_401, %reduce_max3A_402 [0] : vector<2048x512xi32> to vector<512xi32>
    %broadcast_in_dim3A_404 = vector.shape_cast %reduce_max3A_403 : vector<512xi32> to vector<1x512xi32>
    %sub3A_405 = arith.constant 1 : i32
    %sub3A_406 = vector.broadcast %sub3A_405 : i32 to vector<1x512xi32>
    %sub3A_407 = arith.subi %broadcast_in_dim3A_404, %sub3A_406 : vector<1x512xi32>
    %lt3A_408 = arith.constant 0 : i32
    %lt3A_409 = vector.broadcast %lt3A_408 : i32 to vector<1x512xi32>
    %lt3A_410 = arith.cmpi slt, %sub3A_407, %lt3A_409 : vector<1x512xi32>
    %jit3A_411 = arith.constant 2 : i32
    %div3A_412 = vector.broadcast %jit3A_411 : i32 to vector<1x512xi32>
    %div3A_413 = arith.divsi %sub3A_407, %div3A_412 : vector<1x512xi32>
    %sign3A_414 = arith.constant 0 : i32
    %sign3A_415 = vector.broadcast %sign3A_414 : i32 to vector<1x512xi32>
    %sign3A_416 = arith.cmpi sgt, %sub3A_407, %sign3A_415 : vector<1x512xi32>
    %sign3A_417 = arith.extui %sign3A_416 : vector<1x512xi1> to vector<1x512xi32>
    %sign3A_418 = arith.constant 0 : i32
    %sign3A_419 = vector.broadcast %sign3A_418 : i32 to vector<1x512xi32>
    %sign3A_420 = arith.cmpi slt, %sub3A_407, %sign3A_419 : vector<1x512xi32>
    %sign3A_421 = arith.extui %sign3A_420 : vector<1x512xi1> to vector<1x512xi32>
    %sign3A_422 = arith.subi %sign3A_417, %sign3A_421 : vector<1x512xi32>
    %sign3A_423 = arith.constant 0 : i32
    %sign3A_424 = arith.cmpi sgt, %jit3A_411, %sign3A_423 : i32
    %sign3A_425 = arith.extui %sign3A_424 : i1 to i32
    %sign3A_426 = arith.constant 0 : i32
    %sign3A_427 = arith.cmpi slt, %jit3A_411, %sign3A_426 : i32
    %sign3A_428 = arith.extui %sign3A_427 : i1 to i32
    %sign3A_429 = arith.subi %sign3A_425, %sign3A_428 : i32
    %ne3A_430 = vector.broadcast %sign3A_429 : i32 to vector<1x512xi32>
    %ne3A_431 = arith.cmpi ne, %sign3A_422, %ne3A_430 : vector<1x512xi32>
    %rem3A_432 = vector.broadcast %jit3A_411 : i32 to vector<1x512xi32>
    %rem3A_433 = arith.remsi %sub3A_407, %rem3A_432 : vector<1x512xi32>
    %ne3A_434 = arith.constant 0 : i32
    %ne3A_435 = vector.broadcast %ne3A_434 : i32 to vector<1x512xi32>
    %ne3A_436 = arith.cmpi ne, %rem3A_433, %ne3A_435 : vector<1x512xi32>
    %and3A_437 = arith.andi %ne3A_431, %ne3A_436 : vector<1x512xi1>
    %sub3A_438 = arith.constant 1 : i32
    %sub3A_439 = vector.broadcast %sub3A_438 : i32 to vector<1x512xi32>
    %sub3A_440 = arith.subi %div3A_413, %sub3A_439 : vector<1x512xi32>
    %select_n3A_441 = arith.select %and3A_437, %sub3A_440, %div3A_413 : vector<1x512xi1>, vector<1x512xi32>
    %jit3A_442 = arith.constant 0 : i32
    %broadcast_in_dim3A_443 = vector.broadcast %jit3A_442 : i32 to vector<1x512xi32>
    %select_n3A_444 = arith.select %lt3A_410, %broadcast_in_dim3A_443, %select_n3A_441 : vector<1x512xi1>, vector<1x512xi32>
    %swap3A_445 = arith.constant 3 : index
    %swap3A_446 = arith.constant 0 : index
    %swap3A_447 = vector.load %arg5[%swap3A_445, %swap3A_446] : memref<8x512xi32, #tpu.memory_space<vmem>>, vector<1x512xi32>
    tpu.vector_store %arg5[%swap3A_445, %swap3A_446], %select_n3A_444 {strides = array<i32>} : memref<8x512xi32, #tpu.memory_space<vmem>>, vector<1x512xi32>,
    %iota3A_448 = tpu.iota {dimensions = array<i32: 1>} : vector<2048x512xi32>
    %add3A_449 = arith.constant 2048 : i32
    %add3A_450 = vector.broadcast %add3A_449 : i32 to vector<2048x512xi32>
    %add3A_451 = arith.addi %add3A_450, %iota3A_448 : vector<2048x512xi32>
    %eq3A_452 = vector.broadcast %select_n3A_132 : vector<2048x1xi32> to vector<2048x512xi32>
    %eq3A_453 = arith.cmpi eq, %eq3A_452, %add3A_451 : vector<2048x512xi32>
    %mul3A_454 = arith.constant 2 : i32
    %mul3A_455 = vector.broadcast %mul3A_454 : i32 to vector<2048x512xi32>
    %mul3A_456 = arith.muli %mul3A_455, %iota3A_160 : vector<2048x512xi32>
    %add3A_457 = arith.constant 1 : i32
    %add3A_458 = vector.broadcast %add3A_457 : i32 to vector<2048x512xi32>
    %add3A_459 = arith.addi %mul3A_456, %add3A_458 : vector<2048x512xi32>
    %jit3A_460 = arith.constant 0 : i32
    %broadcast_in_dim3A_461 = vector.broadcast %jit3A_460 : i32 to vector<2048x512xi32>
    %select_n3A_462 = arith.select %eq3A_453, %add3A_459, %broadcast_in_dim3A_461 : vector<2048x512xi1>, vector<2048x512xi32>
    %eq3A_463 = vector.broadcast %select_n3A_135 : vector<2048x1xi32> to vector<2048x512xi32>
    %eq3A_464 = arith.cmpi eq, %eq3A_463, %add3A_451 : vector<2048x512xi32>
    %mul3A_465 = arith.constant 2 : i32
    %mul3A_466 = vector.broadcast %mul3A_465 : i32 to vector<2048x512xi32>
    %mul3A_467 = arith.muli %mul3A_466, %iota3A_160 : vector<2048x512xi32>
    %add3A_468 = arith.constant 2 : i32
    %add3A_469 = vector.broadcast %add3A_468 : i32 to vector<2048x512xi32>
    %add3A_470 = arith.addi %mul3A_467, %add3A_469 : vector<2048x512xi32>
    %jit3A_471 = arith.constant 0 : i32
    %broadcast_in_dim3A_472 = vector.broadcast %jit3A_471 : i32 to vector<2048x512xi32>
    %select_n3A_473 = arith.select %eq3A_464, %add3A_470, %broadcast_in_dim3A_472 : vector<2048x512xi1>, vector<2048x512xi32>
    %max3A_474 = arith.maxsi %select_n3A_462, %select_n3A_473 : vector<2048x512xi32>
    %reduce_max3A_475 = arith.constant dense<-2147483648> : vector<512xi32>
    %reduce_max3A_476 = vector.multi_reduction <maxsi>, %max3A_474, %reduce_max3A_475 [0] : vector<2048x512xi32> to vector<512xi32>
    %broadcast_in_dim3A_477 = vector.shape_cast %reduce_max3A_476 : vector<512xi32> to vector<1x512xi32>
    %sub3A_478 = arith.constant 1 : i32
    %sub3A_479 = vector.broadcast %sub3A_478 : i32 to vector<1x512xi32>
    %sub3A_480 = arith.subi %broadcast_in_dim3A_477, %sub3A_479 : vector<1x512xi32>
    %lt3A_481 = arith.constant 0 : i32
    %lt3A_482 = vector.broadcast %lt3A_481 : i32 to vector<1x512xi32>
    %lt3A_483 = arith.cmpi slt, %sub3A_480, %lt3A_482 : vector<1x512xi32>
    %jit3A_484 = arith.constant 2 : i32
    %div3A_485 = vector.broadcast %jit3A_484 : i32 to vector<1x512xi32>
    %div3A_486 = arith.divsi %sub3A_480, %div3A_485 : vector<1x512xi32>
    %sign3A_487 = arith.constant 0 : i32
    %sign3A_488 = vector.broadcast %sign3A_487 : i32 to vector<1x512xi32>
    %sign3A_489 = arith.cmpi sgt, %sub3A_480, %sign3A_488 : vector<1x512xi32>
    %sign3A_490 = arith.extui %sign3A_489 : vector<1x512xi1> to vector<1x512xi32>
    %sign3A_491 = arith.constant 0 : i32
    %sign3A_492 = vector.broadcast %sign3A_491 : i32 to vector<1x512xi32>
    %sign3A_493 = arith.cmpi slt, %sub3A_480, %sign3A_492 : vector<1x512xi32>
    %sign3A_494 = arith.extui %sign3A_493 : vector<1x512xi1> to vector<1x512xi32>
    %sign3A_495 = arith.subi %sign3A_490, %sign3A_494 : vector<1x512xi32>
    %sign3A_496 = arith.constant 0 : i32
    %sign3A_497 = arith.cmpi sgt, %jit3A_484, %sign3A_496 : i32
    %sign3A_498 = arith.extui %sign3A_497 : i1 to i32
    %sign3A_499 = arith.constant 0 : i32
    %sign3A_500 = arith.cmpi slt, %jit3A_484, %sign3A_499 : i32
    %sign3A_501 = arith.extui %sign3A_500 : i1 to i32
    %sign3A_502 = arith.subi %sign3A_498, %sign3A_501 : i32
    %ne3A_503 = vector.broadcast %sign3A_502 : i32 to vector<1x512xi32>
    %ne3A_504 = arith.cmpi ne, %sign3A_495, %ne3A_503 : vector<1x512xi32>
    %rem3A_505 = vector.broadcast %jit3A_484 : i32 to vector<1x512xi32>
    %rem3A_506 = arith.remsi %sub3A_480, %rem3A_505 : vector<1x512xi32>
    %ne3A_507 = arith.constant 0 : i32
    %ne3A_508 = vector.broadcast %ne3A_507 : i32 to vector<1x512xi32>
    %ne3A_509 = arith.cmpi ne, %rem3A_506, %ne3A_508 : vector<1x512xi32>
    %and3A_510 = arith.andi %ne3A_504, %ne3A_509 : vector<1x512xi1>
    %sub3A_511 = arith.constant 1 : i32
    %sub3A_512 = vector.broadcast %sub3A_511 : i32 to vector<1x512xi32>
    %sub3A_513 = arith.subi %div3A_486, %sub3A_512 : vector<1x512xi32>
    %select_n3A_514 = arith.select %and3A_510, %sub3A_513, %div3A_486 : vector<1x512xi1>, vector<1x512xi32>
    %jit3A_515 = arith.constant 0 : i32
    %broadcast_in_dim3A_516 = vector.broadcast %jit3A_515 : i32 to vector<1x512xi32>
    %select_n3A_517 = arith.select %lt3A_483, %broadcast_in_dim3A_516, %select_n3A_514 : vector<1x512xi1>, vector<1x512xi32>
    %swap3A_518 = arith.constant 4 : index
    %swap3A_519 = arith.constant 0 : index
    %swap3A_520 = vector.load %arg5[%swap3A_518, %swap3A_519] : memref<8x512xi32, #tpu.memory_space<vmem>>, vector<1x512xi32>
    tpu.vector_store %arg5[%swap3A_518, %swap3A_519], %select_n3A_517 {strides = array<i32>} : memref<8x512xi32, #tpu.memory_space<vmem>>, vector<1x512xi32>,
    %iota3A_521 = tpu.iota {dimensions = array<i32: 1>} : vector<2048x512xi32>
    %add3A_522 = arith.constant 2560 : i32
    %add3A_523 = vector.broadcast %add3A_522 : i32 to vector<2048x512xi32>
    %add3A_524 = arith.addi %add3A_523, %iota3A_521 : vector<2048x512xi32>
    %eq3A_525 = vector.broadcast %select_n3A_132 : vector<2048x1xi32> to vector<2048x512xi32>
    %eq3A_526 = arith.cmpi eq, %eq3A_525, %add3A_524 : vector<2048x512xi32>
    %mul3A_527 = arith.constant 2 : i32
    %mul3A_528 = vector.broadcast %mul3A_527 : i32 to vector<2048x512xi32>
    %mul3A_529 = arith.muli %mul3A_528, %iota3A_160 : vector<2048x512xi32>
    %add3A_530 = arith.constant 1 : i32
    %add3A_531 = vector.broadcast %add3A_530 : i32 to vector<2048x512xi32>
    %add3A_532 = arith.addi %mul3A_529, %add3A_531 : vector<2048x512xi32>
    %jit3A_533 = arith.constant 0 : i32
    %broadcast_in_dim3A_534 = vector.broadcast %jit3A_533 : i32 to vector<2048x512xi32>
    %select_n3A_535 = arith.select %eq3A_526, %add3A_532, %broadcast_in_dim3A_534 : vector<2048x512xi1>, vector<2048x512xi32>
    %eq3A_536 = vector.broadcast %select_n3A_135 : vector<2048x1xi32> to vector<2048x512xi32>
    %eq3A_537 = arith.cmpi eq, %eq3A_536, %add3A_524 : vector<2048x512xi32>
    %mul3A_538 = arith.constant 2 : i32
    %mul3A_539 = vector.broadcast %mul3A_538 : i32 to vector<2048x512xi32>
    %mul3A_540 = arith.muli %mul3A_539, %iota3A_160 : vector<2048x512xi32>
    %add3A_541 = arith.constant 2 : i32
    %add3A_542 = vector.broadcast %add3A_541 : i32 to vector<2048x512xi32>
    %add3A_543 = arith.addi %mul3A_540, %add3A_542 : vector<2048x512xi32>
    %jit3A_544 = arith.constant 0 : i32
    %broadcast_in_dim3A_545 = vector.broadcast %jit3A_544 : i32 to vector<2048x512xi32>
    %select_n3A_546 = arith.select %eq3A_537, %add3A_543, %broadcast_in_dim3A_545 : vector<2048x512xi1>, vector<2048x512xi32>
    %max3A_547 = arith.maxsi %select_n3A_535, %select_n3A_546 : vector<2048x512xi32>
    %reduce_max3A_548 = arith.constant dense<-2147483648> : vector<512xi32>
    %reduce_max3A_549 = vector.multi_reduction <maxsi>, %max3A_547, %reduce_max3A_548 [0] : vector<2048x512xi32> to vector<512xi32>
    %broadcast_in_dim3A_550 = vector.shape_cast %reduce_max3A_549 : vector<512xi32> to vector<1x512xi32>
    %sub3A_551 = arith.constant 1 : i32
    %sub3A_552 = vector.broadcast %sub3A_551 : i32 to vector<1x512xi32>
    %sub3A_553 = arith.subi %broadcast_in_dim3A_550, %sub3A_552 : vector<1x512xi32>
    %lt3A_554 = arith.constant 0 : i32
    %lt3A_555 = vector.broadcast %lt3A_554 : i32 to vector<1x512xi32>
    %lt3A_556 = arith.cmpi slt, %sub3A_553, %lt3A_555 : vector<1x512xi32>
    %jit3A_557 = arith.constant 2 : i32
    %div3A_558 = vector.broadcast %jit3A_557 : i32 to vector<1x512xi32>
    %div3A_559 = arith.divsi %sub3A_553, %div3A_558 : vector<1x512xi32>
    %sign3A_560 = arith.constant 0 : i32
    %sign3A_561 = vector.broadcast %sign3A_560 : i32 to vector<1x512xi32>
    %sign3A_562 = arith.cmpi sgt, %sub3A_553, %sign3A_561 : vector<1x512xi32>
    %sign3A_563 = arith.extui %sign3A_562 : vector<1x512xi1> to vector<1x512xi32>
    %sign3A_564 = arith.constant 0 : i32
    %sign3A_565 = vector.broadcast %sign3A_564 : i32 to vector<1x512xi32>
    %sign3A_566 = arith.cmpi slt, %sub3A_553, %sign3A_565 : vector<1x512xi32>
    %sign3A_567 = arith.extui %sign3A_566 : vector<1x512xi1> to vector<1x512xi32>
    %sign3A_568 = arith.subi %sign3A_563, %sign3A_567 : vector<1x512xi32>
    %sign3A_569 = arith.constant 0 : i32
    %sign3A_570 = arith.cmpi sgt, %jit3A_557, %sign3A_569 : i32
    %sign3A_571 = arith.extui %sign3A_570 : i1 to i32
    %sign3A_572 = arith.constant 0 : i32
    %sign3A_573 = arith.cmpi slt, %jit3A_557, %sign3A_572 : i32
    %sign3A_574 = arith.extui %sign3A_573 : i1 to i32
    %sign3A_575 = arith.subi %sign3A_571, %sign3A_574 : i32
    %ne3A_576 = vector.broadcast %sign3A_575 : i32 to vector<1x512xi32>
    %ne3A_577 = arith.cmpi ne, %sign3A_568, %ne3A_576 : vector<1x512xi32>
    %rem3A_578 = vector.broadcast %jit3A_557 : i32 to vector<1x512xi32>
    %rem3A_579 = arith.remsi %sub3A_553, %rem3A_578 : vector<1x512xi32>
    %ne3A_580 = arith.constant 0 : i32
    %ne3A_581 = vector.broadcast %ne3A_580 : i32 to vector<1x512xi32>
    %ne3A_582 = arith.cmpi ne, %rem3A_579, %ne3A_581 : vector<1x512xi32>
    %and3A_583 = arith.andi %ne3A_577, %ne3A_582 : vector<1x512xi1>
    %sub3A_584 = arith.constant 1 : i32
    %sub3A_585 = vector.broadcast %sub3A_584 : i32 to vector<1x512xi32>
    %sub3A_586 = arith.subi %div3A_559, %sub3A_585 : vector<1x512xi32>
    %select_n3A_587 = arith.select %and3A_583, %sub3A_586, %div3A_559 : vector<1x512xi1>, vector<1x512xi32>
    %jit3A_588 = arith.constant 0 : i32
    %broadcast_in_dim3A_589 = vector.broadcast %jit3A_588 : i32 to vector<1x512xi32>
    %select_n3A_590 = arith.select %lt3A_556, %broadcast_in_dim3A_589, %select_n3A_587 : vector<1x512xi1>, vector<1x512xi32>
    %swap3A_591 = arith.constant 5 : index
    %swap3A_592 = arith.constant 0 : index
    %swap3A_593 = vector.load %arg5[%swap3A_591, %swap3A_592] : memref<8x512xi32, #tpu.memory_space<vmem>>, vector<1x512xi32>
    tpu.vector_store %arg5[%swap3A_591, %swap3A_592], %select_n3A_590 {strides = array<i32>} : memref<8x512xi32, #tpu.memory_space<vmem>>, vector<1x512xi32>,
    %iota3A_594 = tpu.iota {dimensions = array<i32: 1>} : vector<2048x512xi32>
    %add3A_595 = arith.constant 3072 : i32
    %add3A_596 = vector.broadcast %add3A_595 : i32 to vector<2048x512xi32>
    %add3A_597 = arith.addi %add3A_596, %iota3A_594 : vector<2048x512xi32>
    %eq3A_598 = vector.broadcast %select_n3A_132 : vector<2048x1xi32> to vector<2048x512xi32>
    %eq3A_599 = arith.cmpi eq, %eq3A_598, %add3A_597 : vector<2048x512xi32>
    %mul3A_600 = arith.constant 2 : i32
    %mul3A_601 = vector.broadcast %mul3A_600 : i32 to vector<2048x512xi32>
    %mul3A_602 = arith.muli %mul3A_601, %iota3A_160 : vector<2048x512xi32>
    %add3A_603 = arith.constant 1 : i32
    %add3A_604 = vector.broadcast %add3A_603 : i32 to vector<2048x512xi32>
    %add3A_605 = arith.addi %mul3A_602, %add3A_604 : vector<2048x512xi32>
    %jit3A_606 = arith.constant 0 : i32
    %broadcast_in_dim3A_607 = vector.broadcast %jit3A_606 : i32 to vector<2048x512xi32>
    %select_n3A_608 = arith.select %eq3A_599, %add3A_605, %broadcast_in_dim3A_607 : vector<2048x512xi1>, vector<2048x512xi32>
    %eq3A_609 = vector.broadcast %select_n3A_135 : vector<2048x1xi32> to vector<2048x512xi32>
    %eq3A_610 = arith.cmpi eq, %eq3A_609, %add3A_597 : vector<2048x512xi32>
    %mul3A_611 = arith.constant 2 : i32
    %mul3A_612 = vector.broadcast %mul3A_611 : i32 to vector<2048x512xi32>
    %mul3A_613 = arith.muli %mul3A_612, %iota3A_160 : vector<2048x512xi32>
    %add3A_614 = arith.constant 2 : i32
    %add3A_615 = vector.broadcast %add3A_614 : i32 to vector<2048x512xi32>
    %add3A_616 = arith.addi %mul3A_613, %add3A_615 : vector<2048x512xi32>
    %jit3A_617 = arith.constant 0 : i32
    %broadcast_in_dim3A_618 = vector.broadcast %jit3A_617 : i32 to vector<2048x512xi32>
    %select_n3A_619 = arith.select %eq3A_610, %add3A_616, %broadcast_in_dim3A_618 : vector<2048x512xi1>, vector<2048x512xi32>
    %max3A_620 = arith.maxsi %select_n3A_608, %select_n3A_619 : vector<2048x512xi32>
    %reduce_max3A_621 = arith.constant dense<-2147483648> : vector<512xi32>
    %reduce_max3A_622 = vector.multi_reduction <maxsi>, %max3A_620, %reduce_max3A_621 [0] : vector<2048x512xi32> to vector<512xi32>
    %broadcast_in_dim3A_623 = vector.shape_cast %reduce_max3A_622 : vector<512xi32> to vector<1x512xi32>
    %sub3A_624 = arith.constant 1 : i32
    %sub3A_625 = vector.broadcast %sub3A_624 : i32 to vector<1x512xi32>
    %sub3A_626 = arith.subi %broadcast_in_dim3A_623, %sub3A_625 : vector<1x512xi32>
    %lt3A_627 = arith.constant 0 : i32
    %lt3A_628 = vector.broadcast %lt3A_627 : i32 to vector<1x512xi32>
    %lt3A_629 = arith.cmpi slt, %sub3A_626, %lt3A_628 : vector<1x512xi32>
    %jit3A_630 = arith.constant 2 : i32
    %div3A_631 = vector.broadcast %jit3A_630 : i32 to vector<1x512xi32>
    %div3A_632 = arith.divsi %sub3A_626, %div3A_631 : vector<1x512xi32>
    %sign3A_633 = arith.constant 0 : i32
    %sign3A_634 = vector.broadcast %sign3A_633 : i32 to vector<1x512xi32>
    %sign3A_635 = arith.cmpi sgt, %sub3A_626, %sign3A_634 : vector<1x512xi32>
    %sign3A_636 = arith.extui %sign3A_635 : vector<1x512xi1> to vector<1x512xi32>
    %sign3A_637 = arith.constant 0 : i32
    %sign3A_638 = vector.broadcast %sign3A_637 : i32 to vector<1x512xi32>
    %sign3A_639 = arith.cmpi slt, %sub3A_626, %sign3A_638 : vector<1x512xi32>
    %sign3A_640 = arith.extui %sign3A_639 : vector<1x512xi1> to vector<1x512xi32>
    %sign3A_641 = arith.subi %sign3A_636, %sign3A_640 : vector<1x512xi32>
    %sign3A_642 = arith.constant 0 : i32
    %sign3A_643 = arith.cmpi sgt, %jit3A_630, %sign3A_642 : i32
    %sign3A_644 = arith.extui %sign3A_643 : i1 to i32
    %sign3A_645 = arith.constant 0 : i32
    %sign3A_646 = arith.cmpi slt, %jit3A_630, %sign3A_645 : i32
    %sign3A_647 = arith.extui %sign3A_646 : i1 to i32
    %sign3A_648 = arith.subi %sign3A_644, %sign3A_647 : i32
    %ne3A_649 = vector.broadcast %sign3A_648 : i32 to vector<1x512xi32>
    %ne3A_650 = arith.cmpi ne, %sign3A_641, %ne3A_649 : vector<1x512xi32>
    %rem3A_651 = vector.broadcast %jit3A_630 : i32 to vector<1x512xi32>
    %rem3A_652 = arith.remsi %sub3A_626, %rem3A_651 : vector<1x512xi32>
    %ne3A_653 = arith.constant 0 : i32
    %ne3A_654 = vector.broadcast %ne3A_653 : i32 to vector<1x512xi32>
    %ne3A_655 = arith.cmpi ne, %rem3A_652, %ne3A_654 : vector<1x512xi32>
    %and3A_656 = arith.andi %ne3A_650, %ne3A_655 : vector<1x512xi1>
    %sub3A_657 = arith.constant 1 : i32
    %sub3A_658 = vector.broadcast %sub3A_657 : i32 to vector<1x512xi32>
    %sub3A_659 = arith.subi %div3A_632, %sub3A_658 : vector<1x512xi32>
    %select_n3A_660 = arith.select %and3A_656, %sub3A_659, %div3A_632 : vector<1x512xi1>, vector<1x512xi32>
    %jit3A_661 = arith.constant 0 : i32
    %broadcast_in_dim3A_662 = vector.broadcast %jit3A_661 : i32 to vector<1x512xi32>
    %select_n3A_663 = arith.select %lt3A_629, %broadcast_in_dim3A_662, %select_n3A_660 : vector<1x512xi1>, vector<1x512xi32>
    %swap3A_664 = arith.constant 6 : index
    %swap3A_665 = arith.constant 0 : index
    %swap3A_666 = vector.load %arg5[%swap3A_664, %swap3A_665] : memref<8x512xi32, #tpu.memory_space<vmem>>, vector<1x512xi32>
    tpu.vector_store %arg5[%swap3A_664, %swap3A_665], %select_n3A_663 {strides = array<i32>} : memref<8x512xi32, #tpu.memory_space<vmem>>, vector<1x512xi32>,
    %iota3A_667 = tpu.iota {dimensions = array<i32: 1>} : vector<2048x512xi32>
    %add3A_668 = arith.constant 3584 : i32
    %add3A_669 = vector.broadcast %add3A_668 : i32 to vector<2048x512xi32>
    %add3A_670 = arith.addi %add3A_669, %iota3A_667 : vector<2048x512xi32>
    %eq3A_671 = vector.broadcast %select_n3A_132 : vector<2048x1xi32> to vector<2048x512xi32>
    %eq3A_672 = arith.cmpi eq, %eq3A_671, %add3A_670 : vector<2048x512xi32>
    %mul3A_673 = arith.constant 2 : i32
    %mul3A_674 = vector.broadcast %mul3A_673 : i32 to vector<2048x512xi32>
    %mul3A_675 = arith.muli %mul3A_674, %iota3A_160 : vector<2048x512xi32>
    %add3A_676 = arith.constant 1 : i32
    %add3A_677 = vector.broadcast %add3A_676 : i32 to vector<2048x512xi32>
    %add3A_678 = arith.addi %mul3A_675, %add3A_677 : vector<2048x512xi32>
    %jit3A_679 = arith.constant 0 : i32
    %broadcast_in_dim3A_680 = vector.broadcast %jit3A_679 : i32 to vector<2048x512xi32>
    %select_n3A_681 = arith.select %eq3A_672, %add3A_678, %broadcast_in_dim3A_680 : vector<2048x512xi1>, vector<2048x512xi32>
    %eq3A_682 = vector.broadcast %select_n3A_135 : vector<2048x1xi32> to vector<2048x512xi32>
    %eq3A_683 = arith.cmpi eq, %eq3A_682, %add3A_670 : vector<2048x512xi32>
    %mul3A_684 = arith.constant 2 : i32
    %mul3A_685 = vector.broadcast %mul3A_684 : i32 to vector<2048x512xi32>
    %mul3A_686 = arith.muli %mul3A_685, %iota3A_160 : vector<2048x512xi32>
    %add3A_687 = arith.constant 2 : i32
    %add3A_688 = vector.broadcast %add3A_687 : i32 to vector<2048x512xi32>
    %add3A_689 = arith.addi %mul3A_686, %add3A_688 : vector<2048x512xi32>
    %jit3A_690 = arith.constant 0 : i32
    %broadcast_in_dim3A_691 = vector.broadcast %jit3A_690 : i32 to vector<2048x512xi32>
    %select_n3A_692 = arith.select %eq3A_683, %add3A_689, %broadcast_in_dim3A_691 : vector<2048x512xi1>, vector<2048x512xi32>
    %max3A_693 = arith.maxsi %select_n3A_681, %select_n3A_692 : vector<2048x512xi32>
    %reduce_max3A_694 = arith.constant dense<-2147483648> : vector<512xi32>
    %reduce_max3A_695 = vector.multi_reduction <maxsi>, %max3A_693, %reduce_max3A_694 [0] : vector<2048x512xi32> to vector<512xi32>
    %broadcast_in_dim3A_696 = vector.shape_cast %reduce_max3A_695 : vector<512xi32> to vector<1x512xi32>
    %sub3A_697 = arith.constant 1 : i32
    %sub3A_698 = vector.broadcast %sub3A_697 : i32 to vector<1x512xi32>
    %sub3A_699 = arith.subi %broadcast_in_dim3A_696, %sub3A_698 : vector<1x512xi32>
    %lt3A_700 = arith.constant 0 : i32
    %lt3A_701 = vector.broadcast %lt3A_700 : i32 to vector<1x512xi32>
    %lt3A_702 = arith.cmpi slt, %sub3A_699, %lt3A_701 : vector<1x512xi32>
    %jit3A_703 = arith.constant 2 : i32
    %div3A_704 = vector.broadcast %jit3A_703 : i32 to vector<1x512xi32>
    %div3A_705 = arith.divsi %sub3A_699, %div3A_704 : vector<1x512xi32>
    %sign3A_706 = arith.constant 0 : i32
    %sign3A_707 = vector.broadcast %sign3A_706 : i32 to vector<1x512xi32>
    %sign3A_708 = arith.cmpi sgt, %sub3A_699, %sign3A_707 : vector<1x512xi32>
    %sign3A_709 = arith.extui %sign3A_708 : vector<1x512xi1> to vector<1x512xi32>
    %sign3A_710 = arith.constant 0 : i32
    %sign3A_711 = vector.broadcast %sign3A_710 : i32 to vector<1x512xi32>
    %sign3A_712 = arith.cmpi slt, %sub3A_699, %sign3A_711 : vector<1x512xi32>
    %sign3A_713 = arith.extui %sign3A_712 : vector<1x512xi1> to vector<1x512xi32>
    %sign3A_714 = arith.subi %sign3A_709, %sign3A_713 : vector<1x512xi32>
    %sign3A_715 = arith.constant 0 : i32
    %sign3A_716 = arith.cmpi sgt, %jit3A_703, %sign3A_715 : i32
    %sign3A_717 = arith.extui %sign3A_716 : i1 to i32
    %sign3A_718 = arith.constant 0 : i32
    %sign3A_719 = arith.cmpi slt, %jit3A_703, %sign3A_718 : i32
    %sign3A_720 = arith.extui %sign3A_719 : i1 to i32
    %sign3A_721 = arith.subi %sign3A_717, %sign3A_720 : i32
    %ne3A_722 = vector.broadcast %sign3A_721 : i32 to vector<1x512xi32>
    %ne3A_723 = arith.cmpi ne, %sign3A_714, %ne3A_722 : vector<1x512xi32>
    %rem3A_724 = vector.broadcast %jit3A_703 : i32 to vector<1x512xi32>
    %rem3A_725 = arith.remsi %sub3A_699, %rem3A_724 : vector<1x512xi32>
    %ne3A_726 = arith.constant 0 : i32
    %ne3A_727 = vector.broadcast %ne3A_726 : i32 to vector<1x512xi32>
    %ne3A_728 = arith.cmpi ne, %rem3A_725, %ne3A_727 : vector<1x512xi32>
    %and3A_729 = arith.andi %ne3A_723, %ne3A_728 : vector<1x512xi1>
    %sub3A_730 = arith.constant 1 : i32
    %sub3A_731 = vector.broadcast %sub3A_730 : i32 to vector<1x512xi32>
    %sub3A_732 = arith.subi %div3A_705, %sub3A_731 : vector<1x512xi32>
    %select_n3A_733 = arith.select %and3A_729, %sub3A_732, %div3A_705 : vector<1x512xi1>, vector<1x512xi32>
    %jit3A_734 = arith.constant 0 : i32
    %broadcast_in_dim3A_735 = vector.broadcast %jit3A_734 : i32 to vector<1x512xi32>
    %select_n3A_736 = arith.select %lt3A_702, %broadcast_in_dim3A_735, %select_n3A_733 : vector<1x512xi1>, vector<1x512xi32>
    %swap3A_737 = arith.constant 7 : index
    %swap3A_738 = arith.constant 0 : index
    %swap3A_739 = vector.load %arg5[%swap3A_737, %swap3A_738] : memref<8x512xi32, #tpu.memory_space<vmem>>, vector<1x512xi32>
    tpu.vector_store %arg5[%swap3A_737, %swap3A_738], %select_n3A_736 {strides = array<i32>} : memref<8x512xi32, #tpu.memory_space<vmem>>, vector<1x512xi32>,
    return
  }
}

module attributes {stable_mosaic.version = 14 : i64} {
  func.func @_mlp_body(%arg0: i32, %arg1: i32, %arg2: memref<1x512x2048xf32, #tpu.memory_space<vmem>>, %arg3: memref<1x2048x512xf32, #tpu.memory_space<vmem>>, %arg4: memref<1x2048x512xf32, #tpu.memory_space<vmem>>, %arg5: memref<1x512x2048xf32, #tpu.memory_space<vmem>>, %arg6: memref<1x512x2048xf32, #tpu.memory_space<vmem>>) attributes {dimension_semantics = [#tpu.dimension_semantics<parallel>, #tpu.dimension_semantics<arbitrary>], iteration_bounds = array<i64: 8, 11>, scalar_prefetch = 0 : i64, scratch_operands = 0 : i64, tpu.core_type = #tpu.core_type<tc>, window_params = [{transform_indices = @transform_0, window_bounds = array<i64: 1, 512, 2048>}, {transform_indices = @transform_1, window_bounds = array<i64: 1, 2048, 512>}, {transform_indices = @transform_2, window_bounds = array<i64: 1, 2048, 512>}, {transform_indices = @transform_3, window_bounds = array<i64: 1, 512, 2048>}, {transform_indices = @transform_4, window_bounds = array<i64: 1, 512, 2048>}]} {
    %get3A = arith.constant 0 : index
    %get3A_0 = arith.constant 0 : index
    %get3A_1 = arith.constant 0 : index
    %get3A_2 = vector.load %arg2[%get3A, %get3A_0, %get3A_1] : memref<1x512x2048xf32, #tpu.memory_space<vmem>>, vector<1x512x2048xf32>
    %get3A_3 = vector.shape_cast %get3A_2 : vector<1x512x2048xf32> to vector<512x2048xf32>
    %get3A_4 = arith.constant 0 : index
    %get3A_5 = arith.constant 0 : index
    %get3A_6 = arith.constant 0 : index
    %get3A_7 = vector.load %arg3[%get3A_4, %get3A_5, %get3A_6] : memref<1x2048x512xf32, #tpu.memory_space<vmem>>, vector<1x2048x512xf32>
    %get3A_8 = vector.shape_cast %get3A_7 : vector<1x2048x512xf32> to vector<2048x512xf32>
    %get3A_9 = arith.constant 0 : index
    %get3A_10 = arith.constant 0 : index
    %get3A_11 = arith.constant 0 : index
    %get3A_12 = vector.load %arg4[%get3A_9, %get3A_10, %get3A_11] : memref<1x2048x512xf32, #tpu.memory_space<vmem>>, vector<1x2048x512xf32>
    %get3A_13 = vector.shape_cast %get3A_12 : vector<1x2048x512xf32> to vector<2048x512xf32>
    %get3A_14 = arith.constant 0 : index
    %get3A_15 = arith.constant 0 : index
    %get3A_16 = arith.constant 0 : index
    %get3A_17 = vector.load %arg5[%get3A_14, %get3A_15, %get3A_16] : memref<1x512x2048xf32, #tpu.memory_space<vmem>>, vector<1x512x2048xf32>
    %get3A_18 = vector.shape_cast %get3A_17 : vector<1x512x2048xf32> to vector<512x2048xf32>
    %dot_general3A = arith.constant dense<0.000000e+00> : vector<512x512xf32>
    %dot_general3A_19 = tpu.matmul %get3A_3, %get3A_8, %dot_general3A {dimension_numbers = #tpu.dot_dimension_numbers<[1], [0], [0], [1], [0, 0, 1, 1], [], []>, transpose_lhs_hint = false} : vector<512x2048xf32>, vector<2048x512xf32>, vector<512x512xf32> -> vector<512x512xf32>
    %dot_general3A_20 = arith.constant dense<0.000000e+00> : vector<512x512xf32>
    %dot_general3A_21 = tpu.matmul %get3A_3, %get3A_13, %dot_general3A_20 {dimension_numbers = #tpu.dot_dimension_numbers<[1], [0], [0], [1], [0, 0, 1, 1], [], []>, transpose_lhs_hint = false} : vector<512x2048xf32>, vector<2048x512xf32>, vector<512x512xf32> -> vector<512x512xf32>
    %neg3A = arith.constant 0.000000e+00 : f32
    %neg3A_22 = vector.broadcast %neg3A : f32 to vector<512x512xf32>
    %neg3A_23 = arith.subf %neg3A_22, %dot_general3A_19 : vector<512x512xf32>
    %exp3A = math.exp %neg3A_23 : vector<512x512xf32>
    %add3A = arith.constant 1.000000e+00 : f32
    %add3A_24 = vector.broadcast %add3A : f32 to vector<512x512xf32>
    %add3A_25 = arith.addf %add3A_24, %exp3A : vector<512x512xf32>
    %div3A = arith.constant 1.000000e+00 : f32
    %div3A_26 = vector.broadcast %div3A : f32 to vector<512x512xf32>
    %div3A_27 = arith.divf %div3A_26, %add3A_25 : vector<512x512xf32>
    %mul3A = arith.mulf %dot_general3A_19, %div3A_27 : vector<512x512xf32>
    %mul3A_28 = arith.mulf %mul3A, %dot_general3A_21 : vector<512x512xf32>
    %mul3A_29 = arith.constant 512 : i32
    %mul3A_30 = arith.muli %arg1, %mul3A_29 : i32
    %sub3A = arith.constant 5504 : i32
    %sub3A_31 = arith.subi %sub3A, %mul3A_30 : i32
    %iota3A = tpu.iota {dimensions = array<i32: 1>} : vector<512x512xi32>
    %lt3A = vector.broadcast %sub3A_31 : i32 to vector<512x512xi32>
    %lt3A_32 = arith.cmpi slt, %iota3A, %lt3A : vector<512x512xi32>
    %jit3A = arith.constant 0.000000e+00 : f32
    %broadcast_in_dim3A = vector.broadcast %jit3A : f32 to vector<512x512xf32>
    %select_n3A = arith.select %lt3A_32, %mul3A_28, %broadcast_in_dim3A : vector<512x512xi1>, vector<512x512xf32>
    %iota3A_33 = tpu.iota {dimensions = array<i32: 0>} : vector<512x2048xi32>
    %lt3A_34 = vector.broadcast %sub3A_31 : i32 to vector<512x2048xi32>
    %lt3A_35 = arith.cmpi slt, %iota3A_33, %lt3A_34 : vector<512x2048xi32>
    %jit3A_36 = arith.constant 0.000000e+00 : f32
    %broadcast_in_dim3A_37 = vector.broadcast %jit3A_36 : f32 to vector<512x2048xf32>
    %select_n3A_38 = arith.select %lt3A_35, %get3A_18, %broadcast_in_dim3A_37 : vector<512x2048xi1>, vector<512x2048xf32>
    %dot_general3A_39 = arith.constant dense<0.000000e+00> : vector<512x2048xf32>
    %dot_general3A_40 = tpu.matmul %select_n3A, %select_n3A_38, %dot_general3A_39 {dimension_numbers = #tpu.dot_dimension_numbers<[1], [0], [0], [1], [0, 0, 1, 1], [], []>, transpose_lhs_hint = false} : vector<512x512xf32>, vector<512x2048xf32>, vector<512x2048xf32> -> vector<512x2048xf32>
    %eq3A = arith.constant 0 : i32
    %eq3A_41 = arith.cmpi eq, %arg1, %eq3A : i32
    %convert_element_type3A = arith.extui %eq3A_41 : i1 to i32
    %cond3A = arith.constant 0 : i32
    %cond3A_42 = arith.cmpi ne, %convert_element_type3A, %cond3A : i32
    scf.if %cond3A_42 {
      %swap3A = arith.constant 0 : index
      %swap3A_47 = arith.constant 0 : index
      %swap3A_48 = arith.constant 0 : index
      %swap3A_49 = vector.load %arg6[%swap3A, %swap3A_47, %swap3A_48] : memref<1x512x2048xf32, #tpu.memory_space<vmem>>, vector<1x512x2048xf32>
      %swap3A_50 = vector.shape_cast %swap3A_49 : vector<1x512x2048xf32> to vector<512x2048xf32>
      %swap3A_51 = vector.shape_cast %dot_general3A_40 : vector<512x2048xf32> to vector<1x512x2048xf32>
      tpu.vector_store %arg6[%swap3A, %swap3A_47, %swap3A_48], %swap3A_51 {strides = array<i32>} : memref<1x512x2048xf32, #tpu.memory_space<vmem>>, vector<1x512x2048xf32>,
    } else {
    }
    %ne3A = arith.constant 0 : i32
    %ne3A_43 = arith.cmpi ne, %arg1, %ne3A : i32
    %convert_element_type3A_44 = arith.extui %ne3A_43 : i1 to i32
    %cond3A_45 = arith.constant 0 : i32
    %cond3A_46 = arith.cmpi ne, %convert_element_type3A_44, %cond3A_45 : i32
    scf.if %cond3A_46 {
      %get3A_47 = arith.constant 0 : index
      %get3A_48 = arith.constant 0 : index
      %get3A_49 = arith.constant 0 : index
      %get3A_50 = vector.load %arg6[%get3A_47, %get3A_48, %get3A_49] : memref<1x512x2048xf32, #tpu.memory_space<vmem>>, vector<1x512x2048xf32>
      %get3A_51 = vector.shape_cast %get3A_50 : vector<1x512x2048xf32> to vector<512x2048xf32>
      %add3A_52 = arith.addf %get3A_51, %dot_general3A_40 : vector<512x2048xf32>
      %swap3A = arith.constant 0 : index
      %swap3A_53 = arith.constant 0 : index
      %swap3A_54 = arith.constant 0 : index
      %swap3A_55 = vector.load %arg6[%swap3A, %swap3A_53, %swap3A_54] : memref<1x512x2048xf32, #tpu.memory_space<vmem>>, vector<1x512x2048xf32>
      %swap3A_56 = vector.shape_cast %swap3A_55 : vector<1x512x2048xf32> to vector<512x2048xf32>
      %swap3A_57 = vector.shape_cast %add3A_52 : vector<512x2048xf32> to vector<1x512x2048xf32>
      tpu.vector_store %arg6[%swap3A, %swap3A_53, %swap3A_54], %swap3A_57 {strides = array<i32>} : memref<1x512x2048xf32, #tpu.memory_space<vmem>>, vector<1x512x2048xf32>,
    } else {
    }
    return
  }
  func.func @transform_0(%arg0: i32, %arg1: i32) -> (i32, i32, i32) {
    %c0_i32 = arith.constant 0 : i32
    %c0_i32_0 = arith.constant 0 : i32
    %c0_i32_1 = arith.constant 0 : i32
    return %arg0, %c0_i32, %c0_i32_0 : i32, i32, i32
  }
  func.func @transform_1(%arg0: i32, %arg1: i32) -> (i32, i32, i32) {
    %c0_i32 = arith.constant 0 : i32
    %c0_i32_0 = arith.constant 0 : i32
    return %arg0, %c0_i32, %arg1 : i32, i32, i32
  }
  func.func @transform_2(%arg0: i32, %arg1: i32) -> (i32, i32, i32) {
    %c0_i32 = arith.constant 0 : i32
    %c0_i32_0 = arith.constant 0 : i32
    return %arg0, %c0_i32, %arg1 : i32, i32, i32
  }
  func.func @transform_3(%arg0: i32, %arg1: i32) -> (i32, i32, i32) {
    %c0_i32 = arith.constant 0 : i32
    %c0_i32_0 = arith.constant 0 : i32
    return %arg0, %arg1, %c0_i32 : i32, i32, i32
  }
  func.func @transform_4(%arg0: i32, %arg1: i32) -> (i32, i32, i32) {
    %c0_i32 = arith.constant 0 : i32
    %c0_i32_0 = arith.constant 0 : i32
    %c0_i32_1 = arith.constant 0 : i32
    return %arg0, %c0_i32, %c0_i32_0 : i32, i32, i32
  }
}

module attributes {stable_mosaic.version = 14 : i64} {
  func.func @_combine_body(%arg0: i32, %arg1: memref<256x2048xf32, #tpu.memory_space<vmem>>, %arg2: memref<256x2048xf32, #tpu.memory_space<vmem>>, %arg3: memref<256x2xf32, #tpu.memory_space<vmem>>, %arg4: memref<256x2048xf32, #tpu.memory_space<vmem>>) attributes {dimension_semantics = [#tpu.dimension_semantics<arbitrary>], iteration_bounds = array<i64: 8>, scalar_prefetch = 0 : i64, scratch_operands = 0 : i64, tpu.core_type = #tpu.core_type<tc>, window_params = [{transform_indices = @transform_0, window_bounds = array<i64: 256, 2048>}, {transform_indices = @transform_1, window_bounds = array<i64: 256, 2048>}, {transform_indices = @transform_2, window_bounds = array<i64: 256, 2>}, {transform_indices = @transform_3, window_bounds = array<i64: 256, 2048>}]} {
    %get3A = arith.constant 0 : index
    %get3A_0 = arith.constant 0 : index
    %get3A_1 = vector.load %arg3[%get3A, %get3A_0] : memref<256x2xf32, #tpu.memory_space<vmem>>, vector<256x1xf32>
    %get3A_2 = arith.constant 0 : index
    %get3A_3 = arith.constant 0 : index
    %get3A_4 = vector.load %arg1[%get3A_2, %get3A_3] : memref<256x2048xf32, #tpu.memory_space<vmem>>, vector<256x2048xf32>
    %mul3A = vector.broadcast %get3A_1 : vector<256x1xf32> to vector<256x2048xf32>
    %mul3A_5 = arith.mulf %mul3A, %get3A_4 : vector<256x2048xf32>
    %get3A_6 = arith.constant 0 : index
    %get3A_7 = arith.constant 1 : index
    %get3A_8 = vector.load %arg3[%get3A_6, %get3A_7] : memref<256x2xf32, #tpu.memory_space<vmem>>, vector<256x1xf32>
    %get3A_9 = arith.constant 0 : index
    %get3A_10 = arith.constant 0 : index
    %get3A_11 = vector.load %arg2[%get3A_9, %get3A_10] : memref<256x2048xf32, #tpu.memory_space<vmem>>, vector<256x2048xf32>
    %mul3A_12 = vector.broadcast %get3A_8 : vector<256x1xf32> to vector<256x2048xf32>
    %mul3A_13 = arith.mulf %mul3A_12, %get3A_11 : vector<256x2048xf32>
    %add3A = arith.addf %mul3A_5, %mul3A_13 : vector<256x2048xf32>
    %swap3A = arith.constant 0 : index
    %swap3A_14 = arith.constant 0 : index
    %swap3A_15 = vector.load %arg4[%swap3A, %swap3A_14] : memref<256x2048xf32, #tpu.memory_space<vmem>>, vector<256x2048xf32>
    tpu.vector_store %arg4[%swap3A, %swap3A_14], %add3A {strides = array<i32>} : memref<256x2048xf32, #tpu.memory_space<vmem>>, vector<256x2048xf32>,
    return
  }
  func.func @transform_0(%arg0: i32) -> (i32, i32) {
    %c0_i32 = arith.constant 0 : i32
    %c0_i32_0 = arith.constant 0 : i32
    return %arg0, %c0_i32 : i32, i32
  }
  func.func @transform_1(%arg0: i32) -> (i32, i32) {
    %add3A = arith.constant 8 : i32
    %add3A_0 = arith.addi %arg0, %add3A : i32
    %c0_i32 = arith.constant 0 : i32
    %c0_i32_1 = arith.constant 0 : i32
    return %add3A_0, %c0_i32 : i32, i32
  }
  func.func @transform_2(%arg0: i32) -> (i32, i32) {
    %c0_i32 = arith.constant 0 : i32
    %c0_i32_0 = arith.constant 0 : i32
    return %arg0, %c0_i32 : i32, i32
  }
  func.func @transform_3(%arg0: i32) -> (i32, i32) {
    %c0_i32 = arith.constant 0 : i32
    %c0_i32_0 = arith.constant 0 : i32
    return %arg0, %c0_i32 : i32, i32
  }
}

module attributes {stable_mosaic.version = 14 : i64} {
  func.func @_combine_body(%arg0: i32, %arg1: memref<256x2048xf32, #tpu.memory_space<vmem>>, %arg2: memref<256x2048xf32, #tpu.memory_space<vmem>>, %arg3: memref<256x2xf32, #tpu.memory_space<vmem>>, %arg4: memref<256x2048xf32, #tpu.memory_space<vmem>>) attributes {dimension_semantics = [#tpu.dimension_semantics<arbitrary>], iteration_bounds = array<i64: 8>, scalar_prefetch = 0 : i64, scratch_operands = 0 : i64, tpu.core_type = #tpu.core_type<tc>, window_params = [{transform_indices = @transform_0, window_bounds = array<i64: 256, 2048>}, {transform_indices = @transform_1, window_bounds = array<i64: 256, 2048>}, {transform_indices = @transform_2, window_bounds = array<i64: 256, 2>}, {transform_indices = @transform_3, window_bounds = array<i64: 256, 2048>}]} {
    %get3A = arith.constant 0 : index
    %get3A_0 = arith.constant 0 : index
    %get3A_1 = vector.load %arg3[%get3A, %get3A_0] : memref<256x2xf32, #tpu.memory_space<vmem>>, vector<256x1xf32>
    %get3A_2 = arith.constant 0 : index
    %get3A_3 = arith.constant 0 : index
    %get3A_4 = vector.load %arg1[%get3A_2, %get3A_3] : memref<256x2048xf32, #tpu.memory_space<vmem>>, vector<256x2048xf32>
    %mul3A = vector.broadcast %get3A_1 : vector<256x1xf32> to vector<256x2048xf32>
    %mul3A_5 = arith.mulf %mul3A, %get3A_4 : vector<256x2048xf32>
    %get3A_6 = arith.constant 0 : index
    %get3A_7 = arith.constant 1 : index
    %get3A_8 = vector.load %arg3[%get3A_6, %get3A_7] : memref<256x2xf32, #tpu.memory_space<vmem>>, vector<256x1xf32>
    %get3A_9 = arith.constant 0 : index
    %get3A_10 = arith.constant 0 : index
    %get3A_11 = vector.load %arg2[%get3A_9, %get3A_10] : memref<256x2048xf32, #tpu.memory_space<vmem>>, vector<256x2048xf32>
    %mul3A_12 = vector.broadcast %get3A_8 : vector<256x1xf32> to vector<256x2048xf32>
    %mul3A_13 = arith.mulf %mul3A_12, %get3A_11 : vector<256x2048xf32>
    %add3A = arith.addf %mul3A_5, %mul3A_13 : vector<256x2048xf32>
    %swap3A = arith.constant 0 : index
    %swap3A_14 = arith.constant 0 : index
    %swap3A_15 = vector.load %arg4[%swap3A, %swap3A_14] : memref<256x2048xf32, #tpu.memory_space<vmem>>, vector<256x2048xf32>
    tpu.vector_store %arg4[%swap3A, %swap3A_14], %add3A {strides = array<i32>} : memref<256x2048xf32, #tpu.memory_space<vmem>>, vector<256x2048xf32>,
    return
  }
  func.func @transform_0(%arg0: i32) -> (i32, i32) {
    %c0_i32 = arith.constant 0 : i32
    %c0_i32_0 = arith.constant 0 : i32
    return %arg0, %c0_i32 : i32, i32
  }
  func.func @transform_1(%arg0: i32) -> (i32, i32) {
    %add3A = arith.constant 8 : i32
    %add3A_0 = arith.addi %arg0, %add3A : i32
    %c0_i32 = arith.constant 0 : i32
    %c0_i32_1 = arith.constant 0 : i32
    return %add3A_0, %c0_i32 : i32, i32
  }
  func.func @transform_2(%arg0: i32) -> (i32, i32) {
    %c0_i32 = arith.constant 0 : i32
    %c0_i32_0 = arith.constant 0 : i32
    return %arg0, %c0_i32 : i32, i32
  }
  func.func @transform_3(%arg0: i32) -> (i32, i32) {
    %c0_i32 = arith.constant 0 : i32
    %c0_i32_0 = arith.constant 0 : i32
    return %arg0, %c0_i32 : i32, i32
  }
}

</mosaic_0001>

<sc_bundles>
// kernel: kernel.12.cloned.1.call-start
scs
__scs_entry_jumppad:
0x0: {  	(pc) =	sbr.rel $0x88, $3  }
0x1: {  	(tag) =	ssettag $0x0;
	lr =	simm.s32 $0x1  }
0x2: {  	[smem:$0x3F9C] =	sst lr;
	_ =	strace $0xD0000000  }
0x3: {  	_ = 	snop  }
0x4: {  	_ = 	snop  }
0x5: {  	_ = 	snop  }
0x6: {  	_ = 	snop  }
0x7: {  	_ = 	snop  }
__scs_overlays_trampoline_lowered:
0x8: {  	[smem:$0x3FAB] =	sst s0  }
0x9: {  	[smem:$0x3FAC] =	sst s1  }
0xa: {  	[smem:$0x3FAD] =	sst s2  }
0xb: {  	[smem:$0x3FAE] =	sst s3  }
0xc: {  	[smem:$0x3FAF] =	sst s4  }
0xd: {  	[smem:$0x3FB0] =	sst s5  }
0xe: {  	[smem:$0x3FB1] =	sst s6  }
0xf: {  	[smem:$0x3FB2] =	sst s7  }
0x10: {  	[smem:$0x3FB3] =	sst s8  }
0x11: {  	[smem:$0x3FB4] =	sst s9;
	s0 =	simm.s32 @!p0 $0x0  }
0x12: {  	s1 =	sld [smem:$0x3F9A];
	s0 =	simm.s32 @p0 $0x1  }
0x13: {  	[smem:$0x3FB5] =	sst s0;
	s0 =	simm.s32 @!p1 $0x0  }
0x14: {  	s2 =	sld [smem:$0x3F99];
	s0 =	simm.s32 @p1 $0x1  }
0x15: {  	[smem:$0x3FB6] =	sst s0;
	s0 =	simm.s32 @!p2 $0x0  }
0x16: {  	s3 =	sld [smem:$0x3FDB];
	s0 =	simm.s32 @p2 $0x1  }
0x17: {  	s4 =	simm.s32 $0x1BF5;
	[smem:$0x3FB8] =	sst s0  }
0x18: {  	s0 =	sld [smem:$0x3F9B];
	_ =	swait.ge [sflag:s4], $0x0  }
0x19: {  	s7 =	sld [smem:$0x3F9C]  }
0x1a: {  	s8 =	sadd.s32 $0xFFFFE003, lr  }
0x1b: {  	s9 =	sadd.s32 $0xFFFFFEF7, lr;
	s5 =	simm.s32 $0xFFFFFFFF;
	p2 =	slt.u32 s8, $0xFFFFF086  }
0x1c: {  	p1 =	slt.u32 s9, $0xF7A;
	s5 =	simm.s32 @!p2 $0x0  }
0x1d: {  	s5 =	simm.s32 @p1 $0x1;
	p0 =	seq.s32 s7, s2  }
0x1e: {  	s7 =	smul.u32 @!p0 $0xF7A, s2;
	p2 =	seq.s32 @!p0 s5, $0x0  }
0x1f: {  	s9 =	smul.u32 $0xF7A, s1;
	s8 =	simm.s32 @!p0 $0x1BF5;
	p2 =	por !p2, p0  }
0x20: {  	[sflag:s8] =	ssyncset.s32 @!p0 $0xFFFFF086;
	s6 =	sadd.s32 @!p0 s3, s7;
	s7 =	simm.s32 @!p0 $0x108  }
0x21: {  	s3 =	sadd.s32 s3, s9;
	s6 =	sadd.s32 @!p0 $0x88, s6;
	s7 =	simm.s32 @p2 $0x1082  }
0x22: {  	[simem:s7], [sflag:s8] =	dma.local @!p0 [hbm:s6], $0xF7A  }
0x23: {  	s9 =	sor.u32 $0xD0000000, s2;
	s6 =	simm.s32 $0x108;
	_ =	swait.ge @!p0 [sflag:s8], $0x0  }
0x24: {  	s3 =	sadd.s32 $0x88, s3;
	s6 =	simm.s32 @!p1 $0x1082;
	[sflag:s4] =	ssyncset.s32 $0xFFFFF086  }
0x25: {  	[simem:s6], [sflag:s4] =	dma.local [hbm:s3], $0xF7A  }
0x26: {  	[smem:$0x3F9C] =	sst s1;
	(tag) =	ssettag s2;
	_ =	strace s9  }
0x27: {  	s1 =	sld [smem:$0x3FAC]  }
0x28: {  	s2 =	sld [smem:$0x3FAD]  }
0x29: {  	s4 =	sld [smem:$0x3FAF]  }
0x2a: {  	p0 =	seq.s32 s5, $0x0;
	s5 =	sld [smem:$0x3FB0]  }
0x2b: {  	s6 =	sld [smem:$0x3FB1]  }
0x2c: {  	s7 =	sld [smem:$0x3FB2]  }
0x2d: {  	s3 =	simm.s32 $0x108;
	s8 =	sld [smem:$0x3FB3]  }
0x2e: {  	s3 =	simm.s32 @!p0 $0x1082;
	s9 =	sld [smem:$0x3FB4]  }
0x2f: {  	lr =	sadd.s32 s0, s3;
	s0 =	sld [smem:$0x3FAB]  }
0x30: {  	s3 =	sld [smem:$0x3FAE]  }
0x31: {  	[smem:$0x3FB7] =	sst s10  }
0x32: {  	s10 =	sld [smem:$0x3FB5];
	_ =	sdelay $0x3  }
0x33: {  	p0 =	seq.s32 s10, $0x1;
	s10 =	sld [smem:$0x3FB7];
	_ =	sdelay $0x3  }
0x34: {  	[smem:$0x3FB7] =	sst s10  }
0x35: {  	s10 =	sld [smem:$0x3FB6];
	_ =	sdelay $0x3  }
0x36: {  	p1 =	seq.s32 s10, $0x1;
	s10 =	sld [smem:$0x3FB7];
	_ =	sdelay $0x3  }
0x37: {  	[smem:$0x3FB7] =	sst s10  }
0x38: {  	s10 =	sld [smem:$0x3FB8]  }
0x39: {  	_ = 	snop;
	(pc) =	sbr.ind lr, $3  }
0x3a: {  	_ = 	snop  }
0x3b: {  	_ = 	snop  }
0x3c: {  	p2 =	seq.s32 s10, $0x1;
	s10 =	sld [smem:$0x3FB7]  }
0x3d: {  	_ =	shalt  }
0x3e: {  	_ =	shalt  }
0x3f: {  	_ =	shalt  }
0x40: {  	_ =	shalt  }
0x41: {  	_ =	shalt  }
0x42: {  	_ =	shalt  }
0x43: {  	_ =	shalt  }
0x44: {  	_ =	shalt  }
0x45: {  	_ =	shalt  }
0x46: {  	_ =	shalt  }
0x47: {  	_ =	shalt  }
0x48: {  	_ =	shalt  }
0x49: {  	_ =	shalt  }
0x4a: {  	_ =	shalt  }
0x4b: {  	_ =	shalt  }
0x4c: {  	_ =	shalt  }
0x4d: {  	_ =	shalt  }
0x4e: {  	_ =	shalt  }
0x4f: {  	_ =	shalt  }
0x50: {  	_ =	shalt  }
0x51: {  	_ =	shalt  }
0x52: {  	_ =	shalt  }
0x53: {  	_ =	shalt  }
0x54: {  	_ =	shalt  }
0x55: {  	_ =	shalt  }
0x56: {  	_ =	shalt  }
0x57: {  	_ =	shalt  }
0x58: {  	_ =	shalt  }
0x59: {  	_ =	shalt  }
0x5a: {  	_ =	shalt  }
0x5b: {  	_ =	shalt  }
0x5c: {  	_ =	shalt  }
0x5d: {  	_ =	shalt  }
0x5e: {  	_ =	shalt  }
0x5f: {  	_ =	shalt  }
0x60: {  	_ =	shalt  }
0x61: {  	_ =	shalt  }
0x62: {  	_ =	shalt  }
0x63: {  	_ =	shalt  }
0x64: {  	_ =	shalt  }
0x65: {  	_ =	shalt  }
0x66: {  	_ =	shalt  }
0x67: {  	_ =	shalt  }
0x68: {  	_ =	shalt  }
0x69: {  	_ =	shalt  }
0x6a: {  	_ =	shalt  }
0x6b: {  	_ =	shalt  }
0x6c: {  	_ =	shalt  }
0x6d: {  	_ =	shalt  }
0x6e: {  	_ =	shalt  }
0x6f: {  	_ =	shalt  }
0x70: {  	_ =	shalt  }
0x71: {  	_ =	shalt  }
0x72: {  	_ =	shalt  }
0x73: {  	_ =	shalt  }
0x74: {  	_ =	shalt  }
0x75: {  	_ =	shalt  }
0x76: {  	_ =	shalt  }
0x77: {  	_ =	shalt  }
0x78: {  	_ =	shalt  }
0x79: {  	_ =	shalt  }
0x7a: {  	_ =	shalt  }
0x7b: {  	_ =	shalt  }
0x7c: {  	_ =	shalt  }
0x7d: {  	_ =	shalt  }
0x7e: {  	_ =	shalt  }
0x7f: {  	_ =	shalt  }
0x80: {  	_ =	shalt  }
0x81: {  	_ =	shalt  }
0x82: {  	_ =	shalt  }
0x83: {  	_ =	shalt  }
0x84: {  	_ =	shalt  }
0x85: {  	_ =	shalt  }
0x86: {  	_ =	shalt  }
0x87: {  	_ =	shalt  }
.Lfunc_end0:
.L_simem_size_0:
called_computation_lowered:
.L_overlay_start_0:
0x88: {  	s2 =	sld [smem:$0x3FD9]  }
0x89: {  	s3 =	sld [smem:$0x3FFE];
	_ =	sdelay $0x1  }
0x8a: {  	s1 =	srdreg.scid  }
0x8b: {  	s0 =	sand.u32 $0x1, s1  }
0x8c: {  	s17 =	sshll.u32 s0, $0xA;
	s2 =	sadd.s32 s3, s2  }
0x8d: {  	s2 =	sadd.s32 s2, s17  }
0x8e: {  	[smem:$0x3FC3] =	sst s2  }
0x8f: {  	_ = 	snop  }
0x90: {  	s2 =	sld [smem:$0x3FC9];
	(tm) =	ssettm $0x1  }
0x91: {  	s18 =	sld [smem:$0x3FFB];
	_ =	sdelay $0x3  }
0x92: {  	_ =	strace s18  }
0x93: {  	s3 =	sld [smem:$0x3FFC];
	_ =	sdelay $0x3  }
0x94: {  	_ =	strace s3  }
0x95: {  	s3 =	sld [smem:$0x3FFD];
	_ =	sdelay $0x3  }
0x96: {  	_ =	strace s3  }
0x97: {  	_ =	strace $0x8FFFFFFF  }
0x98: {  	s19 =	sld [smem:$0x3FDB];
	_ =	sdelay $0x1  }
0x99: {  	s4 =	simm.s32 $_scs_section_size  }
0x9a: {  	s5 =	simm.s32 $_size__tile_overlayer_lowered;
	s6 =	simm.s32 $_tile_overlayer_lowered  }
0x9b: {  	s22 =	simm.s32 $0x1BFF;
	s21 =	sshll.u32 s6, $0x1;
	s3 =	sadd.s32 s4, s19  }
0x9c: {  	s7 =	simm.s32 $0x0;
	s20 =	sshll.u32 s5, $0x1;
	s5 =	sadd.s32 s21, s3  }
0x9d: {  	[timem:s7], [sflag:s22] =	dma.local [hbm:s5], s20  }
0x9e: {  	_ =	swait.ge [sflag:s22], s20  }
0x9f: {  	s4 =	ssub.s32 $0x0, s20;
	[sflag:s22] =	ssyncset.done $0x0  }
0xa0: {  	[sflag:s22] =	ssyncadd.s32 s4;
	_ =	sdelay $0x1  }
0xa1: {  	s23 =	simm.s32 $0x1B8B  }
0xa2: {  	_ =	swait.ge [sflag:s23], $0x1  }
0xa3: {  	[sflag:s23] =	ssyncset.done $0x0  }
0xa4: {  	s25 =	simm.s32 $0x1B8E;
	s24 =	sld [smem:$0x3FFE];
	[sflag:s23] =	ssyncadd.s32 $0xFFFFFFFF  }
0xa5: {  	s26 =	simm.s32 $execute0_lowered;
	[smem:$0x3FD2] =	sst s25  }
0xa6: {  	s5 =	sshll.u32 s26, $0x1;
	_ =	strace $0x80000046;
	[dreg:$0x1] =	wrdreg $0xFFFFFFFF  }
0xa7: {  	s28 =	simm.s32 $_size_execute0_lowered;
	s3 =	sadd.s32 s3, s5;
	[dreg:$0x0] =	wrdreg $0x0  }
0xa8: {  	s5 =	sshll.u32 s28, $0x1;
	[dreg:$0x2] =	wrdreg s3  }
0xa9: {  	[dreg:$0x3] =	wrdreg s5  }
0xaa: {  	[dreg:$0x4] =	wrdreg $0xC0  }
0xab: {  	_ =	task [dreg:s7], $0x5FFFF  }
0xac: {  	[dreg:$0x1] =	wrdreg $0xFFFFFFFF  }
0xad: {  	[dreg:$0x0] =	wrdreg $0x60  }
0xae: {  	[dreg:$0x2] =	wrdreg s2  }
0xaf: {  	[dreg:$0x3] =	wrdreg s24  }
0xb0: {  	[dreg:$0x4] =	wrdreg $0x9  }
0xb1: {  	_ =	task.clear_ibuf [dreg:s7], $0x5FFFF;
	_ =	strace $0x90000046  }
0xb2: {  	s29 =	simm.s32 $0x9;
	_ =	strace $0x80000048  }
0xb3: {  	_ =	swait.ge [sflag:s29], $0x1  }
0xb4: {  	[sflag:s29] =	ssyncadd.s32 $0xFFFFFFFF  }
0xb5: {  	_ =	strace $0x90000048  }
0xb6: {  	_ =	sfence  }
0xb7: {  	s30 =	sld [smem:$0x0];
	_ =	sdelay $0x2  }
0xb8: {  	s31 =	sshll.u32 s1, $0xD;
	s1 =	sshrl.u32 s1, $0x2  }
0xb9: {  	s3 =	sand.u32 $0x4000, s31;
	s1 =	sadd.s32 s1, s30  }
0xba: {  	s0 =	sor.u32 s3, s0;
	s1 =	sshll.u32 s1, $0x11  }
0xbb: {  	s0 =	sor.u32 s1, s0  }
0xbc: {  	s0 =	sadd.s32 $0x8F2B, s0  }
0xbd: {  	[sflag:s0] =	ssyncadd.remote.s32 $0x1  }
0xbe: {  	_ =	sfence.sel $0xFFFF  }
0xbf: {  	[dreg:$0x0] =	wrdreg $0xFFFFFFFF;
	(pc) =	sbr.abs _section_cstart, $3  }
0xc0: {  	[dreg:$0x1] =	wrdreg $0xFFFFFFFF  }
0xc1: {  	_ =	task.clear_ibuf [dreg:s7], $0x2FFFF;
	_ =	strace $0x9FFFFFFF  }
0xc2: {  	(tm) =	ssettm $0x7FFFFFFF  }
0xc3: {  	_ =	shalt  }
tec
execute0_lowered:
.L_overlay_start_1:
0x0: {  	(tag) =	ssettag $0x1  }
0x1: {  	s2 =	rddreg [dreg:$0x0]  }
0x2: {  	s0 =	rddreg [dreg:$0x1]  }
0x3: {  	s1 =	srdreg.scid;
	s4 =	stileid.u32  }
0x4: {  	s3 =	simm.s32 $0x0;
	s29 =	simm.s32 $0x880;
	s30 =	simm.s32 $0x1080  }
0x5: {  	s31 =	simm.s32 $0x1880;
	s14 =	simm.s32 $0x3080;
	s15 =	simm.s32 $0x3880  }
0x6: {  	s16 =	simm.s32 $0x4080;
	s17 =	simm.s32 $0x4880;
	s18 =	simm.s32 $0x5080  }
0x7: {  	s19 =	simm.s32 $0x5880;
	s20 =	simm.s32 $0x6080;
	s1 =	sand.u32 $0x1, s1  }
0x8: {  	s4 =	sshll.u32 s4, $0x8;
	[smem:$0x7FF] =	sst s3;
	s11 =	sadd.s32 $0xAA00, s0  }
0x9: {  	s0 =	sadd.s32 $0xAC00, s0;
	s6 =	sadd.s32 $0x300, s2;
	s7 =	sadd.s32 $0x400, s2  }
0xa: {  	s8 =	sadd.s32 $0x500, s2;
	s5 =	sshll.u32 s1, $0x7;
	s1 =	ssub.s32 $0x2, s1  }
0xb: {  	_ =	strace $0x80000047;
	s10 =	sor.u32 s5, s4;
	s21 =	sshrl.u32 s1, $0x1  }
0xc: {  	s5 =	sadd.s32 $0x200, s2;
	s4 =	sshrl.u32 s10, $0x3;
	s1 =	ssub.s32 s1, s21  }
0xd: {  	s9 =	sshll.u32 s10, $0x8;
	s12 =	sor.u32 $0x20, s10;
	s23 =	sor.u32 $0x40, s10  }
0xe: {  	s10 =	sor.u32 $0x60, s10;
	s21 =	simm.s32 $0x6880;
	s4 =	sadd.s32 s11, s4  }
0xf: {  	s9 =	sadd.s32 s0, s9;
	s13 =	sshrl.u32 s12, $0x3;
	s12 =	sshll.u32 s12, $0x8  }
0x10: {  	s24 =	sshrl.u32 s23, $0x3;
	s26 =	sshrl.u32 s10, $0x3;
	s28 =	sshll.u32 s10, $0x8  }
0x11: {  	s10 =	sadd.s32 $0x700, s2;
	[dreg:$0x3] =	wrdreg s4;
	s4 =	sadd.s32 $0x100, s2  }
0x12: {  	[dreg:$0x4] =	wrdreg s9;
	s22 =	sadd.s32 s11, s13;
	s12 =	sadd.s32 s0, s12  }
0x13: {  	s9 =	sadd.s32 $0x600, s2;
	s13 =	sshll.u32 s23, $0x8;
	[dreg:$0x5] =	wrdreg s22  }
0x14: {  	s23 =	simm.s32 $0x7880;
	[dreg:$0x6] =	wrdreg s12;
	s12 =	sadd.s32 s11, s24  }
0x15: {  	s25 =	sadd.s32 s0, s13;
	s11 =	sadd.s32 s11, s26;
	[dreg:$0x7] =	wrdreg s12  }
0x16: {  	s0 =	sadd.s32 s0, s28;
	s13 =	simm.s32 $0x80;
	[dreg:$0x8] =	wrdreg s25  }
0x17: {  	v2 =	vlaneseq.u32;
	s26 =	simm.s32 $0x1;
	s22 =	simm.s32 $0x7080;
	[dreg:$0x9] =	wrdreg s11  }
0x18: {  	vm0 =	vmmov $0xffff;
	v1 =	vshrl.u32 v2, $0x3;
	s24 =	simm.s32 $0x8080;
	[dreg:$0xa] =	wrdreg s0;
	s11 =	smax.u32 s1, $0x1  }
0x19: {  	v0 =	vand.u32 $0x7, v2;
	v2 =	vor.u32 $0x8, v2;
	v1 =	vmul.u32 $0x8, v1;
	s12 =	simm.s32 $0x2;
	s1 =	simm.s32 $0x2880;
	s25 =	simm.s32 $0x8880  }
.LBB2_1:
0x1a: {  	s28 =	rddreg [dreg:$0x3]  }
0x1b: {  	[tilespmem:s3], [sflag:$0x2] =	stream.linear.gather [hbm4b:s28+s3], $0x20, $0x38;
	[tilespmem:$0x10080] =	vst v63  }
0x1c: {  	_ =	swait.ge [sflag:s12], $0x20  }
0x1d: {  	[sflag:s12] =	ssyncset.done $0x0  }
0x1e: {  	[sflag:s12] =	ssyncadd.s32 $0xFFFFFFE0  }
0x1f: {  	v3 =	vld [tilespmem:$0x0];
	_ =	sdelay $0x4  }
0x20: {  	v4 =	vshll.u32 v3, $0x4  }
0x21: {  	v3 =	vand.u32 $0x7, v3;
	v4 =	vand.u32 $0xFFFFFF80, v4  }
0x22: {  	v3 =	vor.u32 v3, v4  }
0x23: {  	v4 =	vperm.xlane v3, v0;
	_ =	sdelay $0x1  }
0x24: {  	v4 =	vadd.s32 v1, v4;
	_ =	sdelay $0x4  }
0x25: {  	[tilespmem:s13], [sflag:$0x1] =	stream.indirect_vreg.gather [hbm4b:s2+s3], $0x80, v4, vm0, $0xb8;
	[tilespmem:$0x10080] =	vst v63  }
0x26: {  	_ = 	snop  }
0x27: {  	[tilespmem:s29], [sflag:$0x1] =	stream.indirect_vreg.gather [hbm4b:s4+s3], $0x80, v4, vm0, $0xb8;
	[tilespmem:$0x10080] =	vst v63  }
0x28: {  	_ = 	snop  }
0x29: {  	[tilespmem:s30], [sflag:$0x1] =	stream.indirect_vreg.gather [hbm4b:s5+s3], $0x80, v4, vm0, $0xb8;
	[tilespmem:$0x10080] =	vst v63  }
0x2a: {  	_ = 	snop  }
0x2b: {  	[tilespmem:s31], [sflag:$0x1] =	stream.indirect_vreg.gather [hbm4b:s6+s3], $0x80, v4, vm0, $0xb8;
	[tilespmem:$0x10080] =	vst v63  }
0x2c: {  	s0 =	simm.s32 $0x2080  }
0x2d: {  	[tilespmem:s0], [sflag:$0x1] =	stream.indirect_vreg.gather [hbm4b:s7+s3], $0x80, v4, vm0, $0xb8;
	[tilespmem:$0x10080] =	vst v63  }
0x2e: {  	v3 =	vperm.xlane v3, v2  }
0x2f: {  	[tilespmem:s1], [sflag:$0x1] =	stream.indirect_vreg.gather [hbm4b:s8+s3], $0x80, v4, vm0, $0xb8;
	[tilespmem:$0x10080] =	vst v63  }
0x30: {  	v3 =	vadd.s32 v1, v3  }
0x31: {  	[tilespmem:s14], [sflag:$0x1] =	stream.indirect_vreg.gather [hbm4b:s9+s3], $0x80, v4, vm0, $0xb8;
	[tilespmem:$0x10080] =	vst v63  }
0x32: {  	_ = 	snop  }
0x33: {  	[tilespmem:s15], [sflag:$0x1] =	stream.indirect_vreg.gather [hbm4b:s10+s3], $0x80, v4, vm0, $0xb8;
	[tilespmem:$0x10080] =	vst v63  }
0x34: {  	_ = 	snop  }
0x35: {  	[tilespmem:s16], [sflag:$0x1] =	stream.indirect_vreg.gather [hbm4b:s2+s3], $0x80, v3, vm0, $0xb8;
	[tilespmem:$0x10080] =	vst v63  }
0x36: {  	_ = 	snop  }
0x37: {  	[tilespmem:s17], [sflag:$0x1] =	stream.indirect_vreg.gather [hbm4b:s4+s3], $0x80, v3, vm0, $0xb8;
	[tilespmem:$0x10080] =	vst v63  }
0x38: {  	_ = 	snop  }
0x39: {  	[tilespmem:s18], [sflag:$0x1] =	stream.indirect_vreg.gather [hbm4b:s5+s3], $0x80, v3, vm0, $0xb8;
	[tilespmem:$0x10080] =	vst v63  }
0x3a: {  	_ = 	snop  }
0x3b: {  	[tilespmem:s19], [sflag:$0x1] =	stream.indirect_vreg.gather [hbm4b:s6+s3], $0x80, v3, vm0, $0xb8;
	[tilespmem:$0x10080] =	vst v63  }
0x3c: {  	_ = 	snop  }
0x3d: {  	[tilespmem:s20], [sflag:$0x1] =	stream.indirect_vreg.gather [hbm4b:s7+s3], $0x80, v3, vm0, $0xb8;
	[tilespmem:$0x10080] =	vst v63  }
0x3e: {  	_ = 	snop  }
0x3f: {  	[tilespmem:s21], [sflag:$0x1] =	stream.indirect_vreg.gather [hbm4b:s8+s3], $0x80, v3, vm0, $0xb8;
	[tilespmem:$0x10080] =	vst v63  }
0x40: {  	_ = 	snop  }
0x41: {  	[tilespmem:s22], [sflag:$0x1] =	stream.indirect_vreg.gather [hbm4b:s9+s3], $0x80, v3, vm0, $0xb8;
	[tilespmem:$0x10080] =	vst v63  }
0x42: {  	_ = 	snop  }
0x43: {  	[tilespmem:s23], [sflag:$0x1] =	stream.indirect_vreg.gather [hbm4b:s10+s3], $0x80, v3, vm0, $0xb8;
	[tilespmem:$0x10080] =	vst v63  }
0x44: {  	v3 =	vld [tilespmem:$0x10];
	_ =	sdelay $0x4  }
0x45: {  	v57 =	vshll.u32 v3, $0x4  }
0x46: {  	v3 =	vand.u32 $0x7, v3;
	v4 =	vand.u32 $0xFFFFFF80, v57  }
0x47: {  	v3 =	vor.u32 v3, v4  }
0x48: {  	v4 =	vperm.xlane v3, v0;
	_ =	sdelay $0x1  }
0x49: {  	v4 =	vadd.s32 v1, v4;
	_ =	sdelay $0x4  }
0x4a: {  	[tilespmem:s24], [sflag:$0x1] =	stream.indirect_vreg.gather [hbm4b:s2+s3], $0x80, v4, vm0, $0xb8;
	[tilespmem:$0x10080] =	vst v63  }
0x4b: {  	_ = 	snop  }
0x4c: {  	[tilespmem:s25], [sflag:$0x1] =	stream.indirect_vreg.gather [hbm4b:s4+s3], $0x80, v4, vm0, $0xb8;
	[tilespmem:$0x10080] =	vst v63  }
0x4d: {  	s28 =	simm.s32 $0x9080  }
0x4e: {  	[tilespmem:s28], [sflag:$0x1] =	stream.indirect_vreg.gather [hbm4b:s5+s3], $0x80, v4, vm0, $0xb8;
	[tilespmem:$0x10080] =	vst v63  }
0x4f: {  	s28 =	simm.s32 $0x9880  }
0x50: {  	[tilespmem:s28], [sflag:$0x1] =	stream.indirect_vreg.gather [hbm4b:s6+s3], $0x80, v4, vm0, $0xb8;
	[tilespmem:$0x10080] =	vst v63  }
0x51: {  	s28 =	simm.s32 $0xA080  }
0x52: {  	[tilespmem:s28], [sflag:$0x1] =	stream.indirect_vreg.gather [hbm4b:s7+s3], $0x80, v4, vm0, $0xb8;
	[tilespmem:$0x10080] =	vst v63  }
0x53: {  	v3 =	vperm.xlane v3, v2;
	s28 =	simm.s32 $0xA880  }
0x54: {  	[tilespmem:s28], [sflag:$0x1] =	stream.indirect_vreg.gather [hbm4b:s8+s3], $0x80, v4, vm0, $0xb8;
	[tilespmem:$0x10080] =	vst v63  }
0x55: {  	v3 =	vadd.s32 v1, v3;
	s28 =	simm.s32 $0xB080  }
0x56: {  	[tilespmem:s28], [sflag:$0x1] =	stream.indirect_vreg.gather [hbm4b:s9+s3], $0x80, v4, vm0, $0xb8;
	[tilespmem:$0x10080] =	vst v63  }
0x57: {  	s28 =	simm.s32 $0xB880  }
0x58: {  	[tilespmem:s28], [sflag:$0x1] =	stream.indirect_vreg.gather [hbm4b:s10+s3], $0x80, v4, vm0, $0xb8;
	[tilespmem:$0x10080] =	vst v63  }
0x59: {  	s28 =	simm.s32 $0xC080  }
0x5a: {  	[tilespmem:s28], [sflag:$0x1] =	stream.indirect_vreg.gather [hbm4b:s2+s3], $0x80, v3, vm0, $0xb8;
	[tilespmem:$0x10080] =	vst v63  }
0x5b: {  	s28 =	simm.s32 $0xC880  }
0x5c: {  	[tilespmem:s28], [sflag:$0x1] =	stream.indirect_vreg.gather [hbm4b:s4+s3], $0x80, v3, vm0, $0xb8;
	[tilespmem:$0x10080] =	vst v63  }
0x5d: {  	s28 =	simm.s32 $0xD080  }
0x5e: {  	[tilespmem:s28], [sflag:$0x1] =	stream.indirect_vreg.gather [hbm4b:s5+s3], $0x80, v3, vm0, $0xb8;
	[tilespmem:$0x10080] =	vst v63  }
0x5f: {  	s28 =	simm.s32 $0xD880  }
0x60: {  	[tilespmem:s28], [sflag:$0x1] =	stream.indirect_vreg.gather [hbm4b:s6+s3], $0x80, v3, vm0, $0xb8;
	[tilespmem:$0x10080] =	vst v63  }
0x61: {  	s28 =	simm.s32 $0xE080  }
0x62: {  	[tilespmem:s28], [sflag:$0x1] =	stream.indirect_vreg.gather [hbm4b:s7+s3], $0x80, v3, vm0, $0xb8;
	[tilespmem:$0x10080] =	vst v63  }
0x63: {  	s28 =	simm.s32 $0xE880  }
0x64: {  	[tilespmem:s28], [sflag:$0x1] =	stream.indirect_vreg.gather [hbm4b:s8+s3], $0x80, v3, vm0, $0xb8;
	[tilespmem:$0x10080] =	vst v63  }
0x65: {  	s28 =	simm.s32 $0xF080  }
0x66: {  	[tilespmem:s28], [sflag:$0x1] =	stream.indirect_vreg.gather [hbm4b:s9+s3], $0x80, v3, vm0, $0xb8;
	[tilespmem:$0x10080] =	vst v63  }
0x67: {  	s28 =	simm.s32 $0xF880  }
0x68: {  	[tilespmem:s28], [sflag:$0x1] =	stream.indirect_vreg.gather [hbm4b:s10+s3], $0x80, v3, vm0, $0xb8;
	[tilespmem:$0x10080] =	vst v63  }
0x69: {  	_ =	swait.ge [sflag:s26], $0x10000  }
0x6a: {  	[sflag:s26] =	ssyncset.done $0x0  }
0x6b: {  	s28 =	rddreg [dreg:$0x4];
	[sflag:s26] =	ssyncadd.s32 $0xFFFF0000  }
0x6c: {  	[hbm4b:s28+s3] =	stream.linear.scatter [tilespmem:s13], [sflag:$0x2], $0x10000, $0x38;
	[tilespmem:$0x10080] =	vst v63  }
0x6d: {  	_ =	swait.ge [sflag:s12], $0x10000  }
0x6e: {  	[sflag:s12] =	ssyncset.done $0x0  }
0x6f: {  	s28 =	rddreg [dreg:$0x5];
	[sflag:s12] =	ssyncadd.s32 $0xFFFF0000  }
0x70: {  	[tilespmem:s3], [sflag:$0x2] =	stream.linear.gather [hbm4b:s28+s3], $0x20, $0x38;
	[tilespmem:$0x10080] =	vst v63  }
0x71: {  	_ =	swait.ge [sflag:s12], $0x20  }
0x72: {  	[sflag:s12] =	ssyncset.done $0x0  }
0x73: {  	[sflag:s12] =	ssyncadd.s32 $0xFFFFFFE0  }
0x74: {  	v3 =	vld [tilespmem:$0x0];
	_ =	sdelay $0x4  }
0x75: {  	v58 =	vshll.u32 v3, $0x4  }
0x76: {  	v3 =	vand.u32 $0x7, v3;
	v4 =	vand.u32 $0xFFFFFF80, v58  }
0x77: {  	v3 =	vor.u32 v3, v4  }
0x78: {  	v4 =	vperm.xlane v3, v0;
	_ =	sdelay $0x1  }
0x79: {  	v4 =	vadd.s32 v1, v4;
	_ =	sdelay $0x4  }
0x7a: {  	[tilespmem:s13], [sflag:$0x1] =	stream.indirect_vreg.gather [hbm4b:s2+s3], $0x80, v4, vm0, $0xb8;
	[tilespmem:$0x10080] =	vst v63  }
0x7b: {  	_ = 	snop  }
0x7c: {  	[tilespmem:s29], [sflag:$0x1] =	stream.indirect_vreg.gather [hbm4b:s4+s3], $0x80, v4, vm0, $0xb8;
	[tilespmem:$0x10080] =	vst v63  }
0x7d: {  	_ = 	snop  }
0x7e: {  	[tilespmem:s30], [sflag:$0x1] =	stream.indirect_vreg.gather [hbm4b:s5+s3], $0x80, v4, vm0, $0xb8;
	[tilespmem:$0x10080] =	vst v63  }
0x7f: {  	_ = 	snop  }
0x80: {  	[tilespmem:s31], [sflag:$0x1] =	stream.indirect_vreg.gather [hbm4b:s6+s3], $0x80, v4, vm0, $0xb8;
	[tilespmem:$0x10080] =	vst v63  }
0x81: {  	_ = 	snop  }
0x82: {  	[tilespmem:s0], [sflag:$0x1] =	stream.indirect_vreg.gather [hbm4b:s7+s3], $0x80, v4, vm0, $0xb8;
	[tilespmem:$0x10080] =	vst v63  }
0x83: {  	v3 =	vperm.xlane v3, v2  }
0x84: {  	[tilespmem:s1], [sflag:$0x1] =	stream.indirect_vreg.gather [hbm4b:s8+s3], $0x80, v4, vm0, $0xb8;
	[tilespmem:$0x10080] =	vst v63  }
0x85: {  	v3 =	vadd.s32 v1, v3  }
0x86: {  	[tilespmem:s14], [sflag:$0x1] =	stream.indirect_vreg.gather [hbm4b:s9+s3], $0x80, v4, vm0, $0xb8;
	[tilespmem:$0x10080] =	vst v63  }
0x87: {  	_ = 	snop  }
0x88: {  	[tilespmem:s15], [sflag:$0x1] =	stream.indirect_vreg.gather [hbm4b:s10+s3], $0x80, v4, vm0, $0xb8;
	[tilespmem:$0x10080] =	vst v63  }
0x89: {  	_ = 	snop  }
0x8a: {  	[tilespmem:s16], [sflag:$0x1] =	stream.indirect_vreg.gather [hbm4b:s2+s3], $0x80, v3, vm0, $0xb8;
	[tilespmem:$0x10080] =	vst v63  }
0x8b: {  	_ = 	snop  }
0x8c: {  	[tilespmem:s17], [sflag:$0x1] =	stream.indirect_vreg.gather [hbm4b:s4+s3], $0x80, v3, vm0, $0xb8;
	[tilespmem:$0x10080] =	vst v63  }
0x8d: {  	_ = 	snop  }
0x8e: {  	[tilespmem:s18], [sflag:$0x1] =	stream.indirect_vreg.gather [hbm4b:s5+s3], $0x80, v3, vm0, $0xb8;
	[tilespmem:$0x10080] =	vst v63  }
0x8f: {  	_ = 	snop  }
0x90: {  	[tilespmem:s19], [sflag:$0x1] =	stream.indirect_vreg.gather [hbm4b:s6+s3], $0x80, v3, vm0, $0xb8;
	[tilespmem:$0x10080] =	vst v63  }
0x91: {  	_ = 	snop  }
0x92: {  	[tilespmem:s20], [sflag:$0x1] =	stream.indirect_vreg.gather [hbm4b:s7+s3], $0x80, v3, vm0, $0xb8;
	[tilespmem:$0x10080] =	vst v63  }
0x93: {  	_ = 	snop  }
0x94: {  	[tilespmem:s21], [sflag:$0x1] =	stream.indirect_vreg.gather [hbm4b:s8+s3], $0x80, v3, vm0, $0xb8;
	[tilespmem:$0x10080] =	vst v63  }
0x95: {  	_ = 	snop  }
0x96: {  	[tilespmem:s22], [sflag:$0x1] =	stream.indirect_vreg.gather [hbm4b:s9+s3], $0x80, v3, vm0, $0xb8;
	[tilespmem:$0x10080] =	vst v63  }
0x97: {  	_ = 	snop  }
0x98: {  	[tilespmem:s23], [sflag:$0x1] =	stream.indirect_vreg.gather [hbm4b:s10+s3], $0x80, v3, vm0, $0xb8;
	[tilespmem:$0x10080] =	vst v63  }
0x99: {  	v3 =	vld [tilespmem:$0x10];
	_ =	sdelay $0x4  }
0x9a: {  	v59 =	vshll.u32 v3, $0x4  }
0x9b: {  	v3 =	vand.u32 $0x7, v3;
	v4 =	vand.u32 $0xFFFFFF80, v59  }
0x9c: {  	v3 =	vor.u32 v3, v4  }
0x9d: {  	v4 =	vperm.xlane v3, v0;
	_ =	sdelay $0x1  }
0x9e: {  	v4 =	vadd.s32 v1, v4;
	_ =	sdelay $0x4  }
0x9f: {  	[tilespmem:s24], [sflag:$0x1] =	stream.indirect_vreg.gather [hbm4b:s2+s3], $0x80, v4, vm0, $0xb8;
	[tilespmem:$0x10080] =	vst v63  }
0xa0: {  	_ = 	snop  }
0xa1: {  	[tilespmem:s25], [sflag:$0x1] =	stream.indirect_vreg.gather [hbm4b:s4+s3], $0x80, v4, vm0, $0xb8;
	[tilespmem:$0x10080] =	vst v63  }
0xa2: {  	s28 =	simm.s32 $0x9080  }
0xa3: {  	[tilespmem:s28], [sflag:$0x1] =	stream.indirect_vreg.gather [hbm4b:s5+s3], $0x80, v4, vm0, $0xb8;
	[tilespmem:$0x10080] =	vst v63  }
0xa4: {  	s28 =	simm.s32 $0x9880  }
0xa5: {  	[tilespmem:s28], [sflag:$0x1] =	stream.indirect_vreg.gather [hbm4b:s6+s3], $0x80, v4, vm0, $0xb8;
	[tilespmem:$0x10080] =	vst v63  }
0xa6: {  	s28 =	simm.s32 $0xA080  }
0xa7: {  	[tilespmem:s28], [sflag:$0x1] =	stream.indirect_vreg.gather [hbm4b:s7+s3], $0x80, v4, vm0, $0xb8;
	[tilespmem:$0x10080] =	vst v63  }
0xa8: {  	v3 =	vperm.xlane v3, v2;
	s28 =	simm.s32 $0xA880  }
0xa9: {  	[tilespmem:s28], [sflag:$0x1] =	stream.indirect_vreg.gather [hbm4b:s8+s3], $0x80, v4, vm0, $0xb8;
	[tilespmem:$0x10080] =	vst v63  }
0xaa: {  	v3 =	vadd.s32 v1, v3;
	s28 =	simm.s32 $0xB080  }
0xab: {  	[tilespmem:s28], [sflag:$0x1] =	stream.indirect_vreg.gather [hbm4b:s9+s3], $0x80, v4, vm0, $0xb8;
	[tilespmem:$0x10080] =	vst v63  }
0xac: {  	s28 =	simm.s32 $0xB880  }
0xad: {  	[tilespmem:s28], [sflag:$0x1] =	stream.indirect_vreg.gather [hbm4b:s10+s3], $0x80, v4, vm0, $0xb8;
	[tilespmem:$0x10080] =	vst v63  }
0xae: {  	s28 =	simm.s32 $0xC080  }
0xaf: {  	[tilespmem:s28], [sflag:$0x1] =	stream.indirect_vreg.gather [hbm4b:s2+s3], $0x80, v3, vm0, $0xb8;
	[tilespmem:$0x10080] =	vst v63  }
0xb0: {  	s28 =	simm.s32 $0xC880  }
0xb1: {  	[tilespmem:s28], [sflag:$0x1] =	stream.indirect_vreg.gather [hbm4b:s4+s3], $0x80, v3, vm0, $0xb8;
	[tilespmem:$0x10080] =	vst v63  }
0xb2: {  	s28 =	simm.s32 $0xD080  }
0xb3: {  	[tilespmem:s28], [sflag:$0x1] =	stream.indirect_vreg.gather [hbm4b:s5+s3], $0x80, v3, vm0, $0xb8;
	[tilespmem:$0x10080] =	vst v63  }
0xb4: {  	s28 =	simm.s32 $0xD880  }
0xb5: {  	[tilespmem:s28], [sflag:$0x1] =	stream.indirect_vreg.gather [hbm4b:s6+s3], $0x80, v3, vm0, $0xb8;
	[tilespmem:$0x10080] =	vst v63  }
0xb6: {  	s28 =	simm.s32 $0xE080  }
0xb7: {  	[tilespmem:s28], [sflag:$0x1] =	stream.indirect_vreg.gather [hbm4b:s7+s3], $0x80, v3, vm0, $0xb8;
	[tilespmem:$0x10080] =	vst v63  }
0xb8: {  	s28 =	simm.s32 $0xE880  }
0xb9: {  	[tilespmem:s28], [sflag:$0x1] =	stream.indirect_vreg.gather [hbm4b:s8+s3], $0x80, v3, vm0, $0xb8;
	[tilespmem:$0x10080] =	vst v63  }
0xba: {  	s28 =	simm.s32 $0xF080  }
0xbb: {  	[tilespmem:s28], [sflag:$0x1] =	stream.indirect_vreg.gather [hbm4b:s9+s3], $0x80, v3, vm0, $0xb8;
	[tilespmem:$0x10080] =	vst v63  }
0xbc: {  	s28 =	simm.s32 $0xF880  }
0xbd: {  	[tilespmem:s28], [sflag:$0x1] =	stream.indirect_vreg.gather [hbm4b:s10+s3], $0x80, v3, vm0, $0xb8;
	[tilespmem:$0x10080] =	vst v63  }
0xbe: {  	_ =	swait.ge [sflag:s26], $0x10000  }
0xbf: {  	[sflag:s26] =	ssyncset.done $0x0  }
0xc0: {  	s28 =	rddreg [dreg:$0x6];
	[sflag:s26] =	ssyncadd.s32 $0xFFFF0000  }
0xc1: {  	[hbm4b:s28+s3] =	stream.linear.scatter [tilespmem:s13], [sflag:$0x2], $0x10000, $0x38;
	[tilespmem:$0x10080] =	vst v63  }
0xc2: {  	_ =	swait.ge [sflag:s12], $0x10000  }
0xc3: {  	[sflag:s12] =	ssyncset.done $0x0  }
0xc4: {  	s28 =	rddreg [dreg:$0x7];
	[sflag:s12] =	ssyncadd.s32 $0xFFFF0000  }
0xc5: {  	[tilespmem:s3], [sflag:$0x2] =	stream.linear.gather [hbm4b:s28+s3], $0x20, $0x38;
	[tilespmem:$0x10080] =	vst v63  }
0xc6: {  	_ =	swait.ge [sflag:s12], $0x20  }
0xc7: {  	[sflag:s12] =	ssyncset.done $0x0  }
0xc8: {  	[sflag:s12] =	ssyncadd.s32 $0xFFFFFFE0  }
0xc9: {  	v3 =	vld [tilespmem:$0x0];
	_ =	sdelay $0x4  }
0xca: {  	v60 =	vshll.u32 v3, $0x4  }
0xcb: {  	v3 =	vand.u32 $0x7, v3;
	v4 =	vand.u32 $0xFFFFFF80, v60  }
0xcc: {  	v3 =	vor.u32 v3, v4  }
0xcd: {  	v4 =	vperm.xlane v3, v0;
	_ =	sdelay $0x1  }
0xce: {  	v4 =	vadd.s32 v1, v4;
	_ =	sdelay $0x4  }
0xcf: {  	[tilespmem:s13], [sflag:$0x1] =	stream.indirect_vreg.gather [hbm4b:s2+s3], $0x80, v4, vm0, $0xb8;
	[tilespmem:$0x10080] =	vst v63  }
0xd0: {  	_ = 	snop  }
0xd1: {  	[tilespmem:s29], [sflag:$0x1] =	stream.indirect_vreg.gather [hbm4b:s4+s3], $0x80, v4, vm0, $0xb8;
	[tilespmem:$0x10080] =	vst v63  }
0xd2: {  	_ = 	snop  }
0xd3: {  	[tilespmem:s30], [sflag:$0x1] =	stream.indirect_vreg.gather [hbm4b:s5+s3], $0x80, v4, vm0, $0xb8;
	[tilespmem:$0x10080] =	vst v63  }
0xd4: {  	_ = 	snop  }
0xd5: {  	[tilespmem:s31], [sflag:$0x1] =	stream.indirect_vreg.gather [hbm4b:s6+s3], $0x80, v4, vm0, $0xb8;
	[tilespmem:$0x10080] =	vst v63  }
0xd6: {  	_ = 	snop  }
0xd7: {  	[tilespmem:s0], [sflag:$0x1] =	stream.indirect_vreg.gather [hbm4b:s7+s3], $0x80, v4, vm0, $0xb8;
	[tilespmem:$0x10080] =	vst v63  }
0xd8: {  	v3 =	vperm.xlane v3, v2  }
0xd9: {  	[tilespmem:s1], [sflag:$0x1] =	stream.indirect_vreg.gather [hbm4b:s8+s3], $0x80, v4, vm0, $0xb8;
	[tilespmem:$0x10080] =	vst v63  }
0xda: {  	v3 =	vadd.s32 v1, v3  }
0xdb: {  	[tilespmem:s14], [sflag:$0x1] =	stream.indirect_vreg.gather [hbm4b:s9+s3], $0x80, v4, vm0, $0xb8;
	[tilespmem:$0x10080] =	vst v63  }
0xdc: {  	_ = 	snop  }
0xdd: {  	[tilespmem:s15], [sflag:$0x1] =	stream.indirect_vreg.gather [hbm4b:s10+s3], $0x80, v4, vm0, $0xb8;
	[tilespmem:$0x10080] =	vst v63  }
0xde: {  	_ = 	snop  }
0xdf: {  	[tilespmem:s16], [sflag:$0x1] =	stream.indirect_vreg.gather [hbm4b:s2+s3], $0x80, v3, vm0, $0xb8;
	[tilespmem:$0x10080] =	vst v63  }
0xe0: {  	_ = 	snop  }
0xe1: {  	[tilespmem:s17], [sflag:$0x1] =	stream.indirect_vreg.gather [hbm4b:s4+s3], $0x80, v3, vm0, $0xb8;
	[tilespmem:$0x10080] =	vst v63  }
0xe2: {  	_ = 	snop  }
0xe3: {  	[tilespmem:s18], [sflag:$0x1] =	stream.indirect_vreg.gather [hbm4b:s5+s3], $0x80, v3, vm0, $0xb8;
	[tilespmem:$0x10080] =	vst v63  }
0xe4: {  	_ = 	snop  }
0xe5: {  	[tilespmem:s19], [sflag:$0x1] =	stream.indirect_vreg.gather [hbm4b:s6+s3], $0x80, v3, vm0, $0xb8;
	[tilespmem:$0x10080] =	vst v63  }
0xe6: {  	_ = 	snop  }
0xe7: {  	[tilespmem:s20], [sflag:$0x1] =	stream.indirect_vreg.gather [hbm4b:s7+s3], $0x80, v3, vm0, $0xb8;
	[tilespmem:$0x10080] =	vst v63  }
0xe8: {  	_ = 	snop  }
0xe9: {  	[tilespmem:s21], [sflag:$0x1] =	stream.indirect_vreg.gather [hbm4b:s8+s3], $0x80, v3, vm0, $0xb8;
	[tilespmem:$0x10080] =	vst v63  }
0xea: {  	_ = 	snop  }
0xeb: {  	[tilespmem:s22], [sflag:$0x1] =	stream.indirect_vreg.gather [hbm4b:s9+s3], $0x80, v3, vm0, $0xb8;
	[tilespmem:$0x10080] =	vst v63  }
0xec: {  	_ = 	snop  }
0xed: {  	[tilespmem:s23], [sflag:$0x1] =	stream.indirect_vreg.gather [hbm4b:s10+s3], $0x80, v3, vm0, $0xb8;
	[tilespmem:$0x10080] =	vst v63  }
0xee: {  	v3 =	vld [tilespmem:$0x10];
	_ =	sdelay $0x4  }
0xef: {  	v61 =	vshll.u32 v3, $0x4  }
0xf0: {  	v3 =	vand.u32 $0x7, v3;
	v4 =	vand.u32 $0xFFFFFF80, v61  }
0xf1: {  	v3 =	vor.u32 v3, v4  }
0xf2: {  	v4 =	vperm.xlane v3, v0;
	_ =	sdelay $0x1  }
0xf3: {  	v4 =	vadd.s32 v1, v4;
	_ =	sdelay $0x4  }
0xf4: {  	[tilespmem:s24], [sflag:$0x1] =	stream.indirect_vreg.gather [hbm4b:s2+s3], $0x80, v4, vm0, $0xb8;
	[tilespmem:$0x10080] =	vst v63  }
0xf5: {  	_ = 	snop  }
0xf6: {  	[tilespmem:s25], [sflag:$0x1] =	stream.indirect_vreg.gather [hbm4b:s4+s3], $0x80, v4, vm0, $0xb8;
	[tilespmem:$0x10080] =	vst v63  }
0xf7: {  	s28 =	simm.s32 $0x9080  }
0xf8: {  	[tilespmem:s28], [sflag:$0x1] =	stream.indirect_vreg.gather [hbm4b:s5+s3], $0x80, v4, vm0, $0xb8;
	[tilespmem:$0x10080] =	vst v63  }
0xf9: {  	s28 =	simm.s32 $0x9880  }
0xfa: {  	[tilespmem:s28], [sflag:$0x1] =	stream.indirect_vreg.gather [hbm4b:s6+s3], $0x80, v4, vm0, $0xb8;
	[tilespmem:$0x10080] =	vst v63  }
0xfb: {  	s28 =	simm.s32 $0xA080  }
0xfc: {  	[tilespmem:s28], [sflag:$0x1] =	stream.indirect_vreg.gather [hbm4b:s7+s3], $0x80, v4, vm0, $0xb8;
	[tilespmem:$0x10080] =	vst v63  }
0xfd: {  	v3 =	vperm.xlane v3, v2;
	s28 =	simm.s32 $0xA880  }
0xfe: {  	[tilespmem:s28], [sflag:$0x1] =	stream.indirect_vreg.gather [hbm4b:s8+s3], $0x80, v4, vm0, $0xb8;
	[tilespmem:$0x10080] =	vst v63  }
0xff: {  	v3 =	vadd.s32 v1, v3;
	s28 =	simm.s32 $0xB080  }
0x100: {  	[tilespmem:s28], [sflag:$0x1] =	stream.indirect_vreg.gather [hbm4b:s9+s3], $0x80, v4, vm0, $0xb8;
	[tilespmem:$0x10080] =	vst v63  }
0x101: {  	s28 =	simm.s32 $0xB880  }
0x102: {  	[tilespmem:s28], [sflag:$0x1] =	stream.indirect_vreg.gather [hbm4b:s10+s3], $0x80, v4, vm0, $0xb8;
	[tilespmem:$0x10080] =	vst v63  }
0x103: {  	s28 =	simm.s32 $0xC080  }
0x104: {  	[tilespmem:s28], [sflag:$0x1] =	stream.indirect_vreg.gather [hbm4b:s2+s3], $0x80, v3, vm0, $0xb8;
	[tilespmem:$0x10080] =	vst v63  }
0x105: {  	s28 =	simm.s32 $0xC880  }
0x106: {  	[tilespmem:s28], [sflag:$0x1] =	stream.indirect_vreg.gather [hbm4b:s4+s3], $0x80, v3, vm0, $0xb8;
	[tilespmem:$0x10080] =	vst v63  }
0x107: {  	s28 =	simm.s32 $0xD080  }
0x108: {  	[tilespmem:s28], [sflag:$0x1] =	stream.indirect_vreg.gather [hbm4b:s5+s3], $0x80, v3, vm0, $0xb8;
	[tilespmem:$0x10080] =	vst v63  }
0x109: {  	s28 =	simm.s32 $0xD880  }
0x10a: {  	[tilespmem:s28], [sflag:$0x1] =	stream.indirect_vreg.gather [hbm4b:s6+s3], $0x80, v3, vm0, $0xb8;
	[tilespmem:$0x10080] =	vst v63  }
0x10b: {  	s28 =	simm.s32 $0xE080  }
0x10c: {  	[tilespmem:s28], [sflag:$0x1] =	stream.indirect_vreg.gather [hbm4b:s7+s3], $0x80, v3, vm0, $0xb8;
	[tilespmem:$0x10080] =	vst v63  }
0x10d: {  	s28 =	simm.s32 $0xE880  }
0x10e: {  	[tilespmem:s28], [sflag:$0x1] =	stream.indirect_vreg.gather [hbm4b:s8+s3], $0x80, v3, vm0, $0xb8;
	[tilespmem:$0x10080] =	vst v63  }
0x10f: {  	s28 =	simm.s32 $0xF080  }
0x110: {  	[tilespmem:s28], [sflag:$0x1] =	stream.indirect_vreg.gather [hbm4b:s9+s3], $0x80, v3, vm0, $0xb8;
	[tilespmem:$0x10080] =	vst v63  }
0x111: {  	s28 =	simm.s32 $0xF880  }
0x112: {  	[tilespmem:s28], [sflag:$0x1] =	stream.indirect_vreg.gather [hbm4b:s10+s3], $0x80, v3, vm0, $0xb8;
	[tilespmem:$0x10080] =	vst v63  }
0x113: {  	_ =	swait.ge [sflag:s26], $0x10000  }
0x114: {  	[sflag:s26] =	ssyncset.done $0x0  }
0x115: {  	s28 =	rddreg [dreg:$0x8];
	[sflag:s26] =	ssyncadd.s32 $0xFFFF0000  }
0x116: {  	[hbm4b:s28+s3] =	stream.linear.scatter [tilespmem:s13], [sflag:$0x2], $0x10000, $0x38;
	[tilespmem:$0x10080] =	vst v63  }
0x117: {  	_ =	swait.ge [sflag:s12], $0x10000  }
0x118: {  	[sflag:s12] =	ssyncset.done $0x0  }
0x119: {  	s28 =	rddreg [dreg:$0x9];
	[sflag:s12] =	ssyncadd.s32 $0xFFFF0000  }
0x11a: {  	[tilespmem:s3], [sflag:$0x2] =	stream.linear.gather [hbm4b:s28+s3], $0x20, $0x38;
	[tilespmem:$0x10080] =	vst v63  }
0x11b: {  	_ =	swait.ge [sflag:s12], $0x20  }
0x11c: {  	[sflag:s12] =	ssyncset.done $0x0  }
0x11d: {  	[sflag:s12] =	ssyncadd.s32 $0xFFFFFFE0  }
0x11e: {  	v3 =	vld [tilespmem:$0x0];
	_ =	sdelay $0x4  }
0x11f: {  	v62 =	vshll.u32 v3, $0x4  }
0x120: {  	v3 =	vand.u32 $0x7, v3;
	v4 =	vand.u32 $0xFFFFFF80, v62  }
0x121: {  	v3 =	vor.u32 v3, v4  }
0x122: {  	v4 =	vperm.xlane v3, v0;
	_ =	sdelay $0x1  }
0x123: {  	v4 =	vadd.s32 v1, v4;
	_ =	sdelay $0x4  }
0x124: {  	[tilespmem:s13], [sflag:$0x1] =	stream.indirect_vreg.gather [hbm4b:s2+s3], $0x80, v4, vm0, $0xb8;
	[tilespmem:$0x10080] =	vst v63  }
0x125: {  	_ = 	snop  }
0x126: {  	[tilespmem:s29], [sflag:$0x1] =	stream.indirect_vreg.gather [hbm4b:s4+s3], $0x80, v4, vm0, $0xb8;
	[tilespmem:$0x10080] =	vst v63  }
0x127: {  	_ = 	snop  }
0x128: {  	[tilespmem:s30], [sflag:$0x1] =	stream.indirect_vreg.gather [hbm4b:s5+s3], $0x80, v4, vm0, $0xb8;
	[tilespmem:$0x10080] =	vst v63  }
0x129: {  	_ = 	snop  }
0x12a: {  	[tilespmem:s31], [sflag:$0x1] =	stream.indirect_vreg.gather [hbm4b:s6+s3], $0x80, v4, vm0, $0xb8;
	[tilespmem:$0x10080] =	vst v63  }
0x12b: {  	_ = 	snop  }
0x12c: {  	[tilespmem:s0], [sflag:$0x1] =	stream.indirect_vreg.gather [hbm4b:s7+s3], $0x80, v4, vm0, $0xb8;
	[tilespmem:$0x10080] =	vst v63  }
0x12d: {  	v3 =	vperm.xlane v3, v2  }
0x12e: {  	[tilespmem:s1], [sflag:$0x1] =	stream.indirect_vreg.gather [hbm4b:s8+s3], $0x80, v4, vm0, $0xb8;
	[tilespmem:$0x10080] =	vst v63  }
0x12f: {  	v3 =	vadd.s32 v1, v3  }
0x130: {  	[tilespmem:s14], [sflag:$0x1] =	stream.indirect_vreg.gather [hbm4b:s9+s3], $0x80, v4, vm0, $0xb8;
	[tilespmem:$0x10080] =	vst v63  }
0x131: {  	_ = 	snop  }
0x132: {  	[tilespmem:s15], [sflag:$0x1] =	stream.indirect_vreg.gather [hbm4b:s10+s3], $0x80, v4, vm0, $0xb8;
	[tilespmem:$0x10080] =	vst v63  }
0x133: {  	_ = 	snop  }
0x134: {  	[tilespmem:s16], [sflag:$0x1] =	stream.indirect_vreg.gather [hbm4b:s2+s3], $0x80, v3, vm0, $0xb8;
	[tilespmem:$0x10080] =	vst v63  }
0x135: {  	_ = 	snop  }
0x136: {  	[tilespmem:s17], [sflag:$0x1] =	stream.indirect_vreg.gather [hbm4b:s4+s3], $0x80, v3, vm0, $0xb8;
	[tilespmem:$0x10080] =	vst v63  }
0x137: {  	_ = 	snop  }
0x138: {  	[tilespmem:s18], [sflag:$0x1] =	stream.indirect_vreg.gather [hbm4b:s5+s3], $0x80, v3, vm0, $0xb8;
	[tilespmem:$0x10080] =	vst v63  }
0x139: {  	_ = 	snop  }
0x13a: {  	[tilespmem:s19], [sflag:$0x1] =	stream.indirect_vreg.gather [hbm4b:s6+s3], $0x80, v3, vm0, $0xb8;
	[tilespmem:$0x10080] =	vst v63  }
0x13b: {  	_ = 	snop  }
0x13c: {  	[tilespmem:s20], [sflag:$0x1] =	stream.indirect_vreg.gather [hbm4b:s7+s3], $0x80, v3, vm0, $0xb8;
	[tilespmem:$0x10080] =	vst v63  }
0x13d: {  	_ = 	snop  }
0x13e: {  	[tilespmem:s21], [sflag:$0x1] =	stream.indirect_vreg.gather [hbm4b:s8+s3], $0x80, v3, vm0, $0xb8;
	[tilespmem:$0x10080] =	vst v63  }
0x13f: {  	_ = 	snop  }
0x140: {  	[tilespmem:s22], [sflag:$0x1] =	stream.indirect_vreg.gather [hbm4b:s9+s3], $0x80, v3, vm0, $0xb8;
	[tilespmem:$0x10080] =	vst v63  }
0x141: {  	_ = 	snop  }
0x142: {  	[tilespmem:s23], [sflag:$0x1] =	stream.indirect_vreg.gather [hbm4b:s10+s3], $0x80, v3, vm0, $0xb8;
	[tilespmem:$0x10080] =	vst v63  }
0x143: {  	v3 =	vld [tilespmem:$0x10];
	_ =	sdelay $0x4  }
0x144: {  	v63 =	vshll.u32 v3, $0x4  }
0x145: {  	v3 =	vand.u32 $0x7, v3;
	v4 =	vand.u32 $0xFFFFFF80, v63  }
0x146: {  	v3 =	vor.u32 v3, v4  }
0x147: {  	v4 =	vperm.xlane v3, v0;
	_ =	sdelay $0x1  }
0x148: {  	v4 =	vadd.s32 v1, v4;
	_ =	sdelay $0x4  }
0x149: {  	[tilespmem:s24], [sflag:$0x1] =	stream.indirect_vreg.gather [hbm4b:s2+s3], $0x80, v4, vm0, $0xb8;
	[tilespmem:$0x10080] =	vst v63  }
0x14a: {  	_ = 	snop  }
0x14b: {  	[tilespmem:s25], [sflag:$0x1] =	stream.indirect_vreg.gather [hbm4b:s4+s3], $0x80, v4, vm0, $0xb8;
	[tilespmem:$0x10080] =	vst v63  }
0x14c: {  	s28 =	simm.s32 $0x9080  }
0x14d: {  	[tilespmem:s28], [sflag:$0x1] =	stream.indirect_vreg.gather [hbm4b:s5+s3], $0x80, v4, vm0, $0xb8;
	[tilespmem:$0x10080] =	vst v63  }
0x14e: {  	s28 =	simm.s32 $0x9880  }
0x14f: {  	[tilespmem:s28], [sflag:$0x1] =	stream.indirect_vreg.gather [hbm4b:s6+s3], $0x80, v4, vm0, $0xb8;
	[tilespmem:$0x10080] =	vst v63  }
0x150: {  	s28 =	simm.s32 $0xA080  }
0x151: {  	[tilespmem:s28], [sflag:$0x1] =	stream.indirect_vreg.gather [hbm4b:s7+s3], $0x80, v4, vm0, $0xb8;
	[tilespmem:$0x10080] =	vst v63  }
0x152: {  	v3 =	vperm.xlane v3, v2;
	s28 =	simm.s32 $0xA880  }
0x153: {  	[tilespmem:s28], [sflag:$0x1] =	stream.indirect_vreg.gather [hbm4b:s8+s3], $0x80, v4, vm0, $0xb8;
	[tilespmem:$0x10080] =	vst v63  }
0x154: {  	v3 =	vadd.s32 v1, v3;
	s28 =	simm.s32 $0xB080  }
0x155: {  	[tilespmem:s28], [sflag:$0x1] =	stream.indirect_vreg.gather [hbm4b:s9+s3], $0x80, v4, vm0, $0xb8;
	[tilespmem:$0x10080] =	vst v63  }
0x156: {  	s28 =	simm.s32 $0xB880  }
0x157: {  	[tilespmem:s28], [sflag:$0x1] =	stream.indirect_vreg.gather [hbm4b:s10+s3], $0x80, v4, vm0, $0xb8;
	[tilespmem:$0x10080] =	vst v63  }
0x158: {  	s28 =	simm.s32 $0xC080  }
0x159: {  	[tilespmem:s28], [sflag:$0x1] =	stream.indirect_vreg.gather [hbm4b:s2+s3], $0x80, v3, vm0, $0xb8;
	[tilespmem:$0x10080] =	vst v63  }
0x15a: {  	s28 =	simm.s32 $0xC880  }
0x15b: {  	[tilespmem:s28], [sflag:$0x1] =	stream.indirect_vreg.gather [hbm4b:s4+s3], $0x80, v3, vm0, $0xb8;
	[tilespmem:$0x10080] =	vst v63  }
0x15c: {  	s28 =	simm.s32 $0xD080  }
0x15d: {  	[tilespmem:s28], [sflag:$0x1] =	stream.indirect_vreg.gather [hbm4b:s5+s3], $0x80, v3, vm0, $0xb8;
	[tilespmem:$0x10080] =	vst v63  }
0x15e: {  	s28 =	simm.s32 $0xD880  }
0x15f: {  	[tilespmem:s28], [sflag:$0x1] =	stream.indirect_vreg.gather [hbm4b:s6+s3], $0x80, v3, vm0, $0xb8;
	[tilespmem:$0x10080] =	vst v63  }
0x160: {  	s28 =	simm.s32 $0xE080  }
0x161: {  	[tilespmem:s28], [sflag:$0x1] =	stream.indirect_vreg.gather [hbm4b:s7+s3], $0x80, v3, vm0, $0xb8;
	[tilespmem:$0x10080] =	vst v63  }
0x162: {  	s28 =	simm.s32 $0xE880  }
0x163: {  	[tilespmem:s28], [sflag:$0x1] =	stream.indirect_vreg.gather [hbm4b:s8+s3], $0x80, v3, vm0, $0xb8;
	[tilespmem:$0x10080] =	vst v63  }
0x164: {  	s28 =	simm.s32 $0xF080  }
0x165: {  	[tilespmem:s28], [sflag:$0x1] =	stream.indirect_vreg.gather [hbm4b:s9+s3], $0x80, v3, vm0, $0xb8;
	[tilespmem:$0x10080] =	vst v63  }
0x166: {  	s28 =	simm.s32 $0xF880  }
0x167: {  	[tilespmem:s28], [sflag:$0x1] =	stream.indirect_vreg.gather [hbm4b:s10+s3], $0x80, v3, vm0, $0xb8;
	[tilespmem:$0x10080] =	vst v63  }
0x168: {  	_ =	swait.ge [sflag:s26], $0x10000  }
0x169: {  	p0 =	sne.s32 s11, $0x1;
	[sflag:s26] =	ssyncset.done $0x0  }
.Ltmp0:
0x16a: {  	s0 =	rddreg [dreg:$0xa];
	[sflag:s26] =	ssyncadd.s32 $0xFFFF0000;
	(pc) =	sbr.rel @p0 .LBB2_1-.Ltmp0, $4  }
0x16b: {  	[hbm4b:s0+s3] =	stream.linear.scatter [tilespmem:s13], [sflag:$0x2], $0x10000, $0x38;
	[tilespmem:$0x10080] =	vst v63  }
0x16c: {  	_ =	swait.ge [sflag:s12], $0x10000  }
0x16d: {  	[sflag:s12] =	ssyncset.done $0x0  }
0x16e: {  	s11 =	sadd.s32 $0xFFFFFFFF, s11;
	[sflag:s12] =	ssyncadd.s32 $0xFFFF0000  }
0x16f: {  	_ =	sfence.sel $0x180000  }
0x170: {  	[bflag:$0x0] =	sbarrier.arrive $0xFFFF  }
0x171: {  	_ =	strace $0x90000047  }
0x172: {  	s0 =	stileid.u32;
	[bflag:$0x2] =	sbarrier.arrive $0xFFFF  }
0x173: {  	p0 =	sne.s32 s0, $0x0;
	s0 =	rddreg [dreg:$0x2]  }
0x174: {  	s0 =	sadd.s32 @!p0 $0x100000, s0  }
0x175: {  	[sflag:s0] =	ssyncadd.tile.s32 @!p0 $0x1;
	_ =	shalt  }
.Lfunc_end2:
_tile_overlayer_lowered:
.L_overlay_start_2:
0x176: {  	(tag) =	ssettag $0x2  }
0x177: {  	s0 =	rddreg [dreg:$0x0];
	s2 =	stileid.u32  }
0x178: {  	s1 =	rddreg [dreg:$0x1];
	p0 =	sne.s32 s2, $0x0  }
0x179: {  	s3 =	rddreg [dreg:$0x2];
	[bflag:$0x3] =	sbarrier.arrive $0xFFFF;
	s2 =	simm.s32 @!p0 $0x1C02  }
0x17a: {  	[timem:s3], [sflag:s2] =	dma.local @!p0 [hbm:s0], s1  }
0x17b: {  	s0 =	simm.s32 @!p0 $0x2  }
0x17c: {  	_ =	swait.ge @!p0 [sflag:s0], s1  }
0x17d: {  	s1 =	ssub.s32 @!p0 $0x0, s1;
	[sflag:s0] =	ssyncset.done @!p0 $0x0  }
0x17e: {  	[sflag:s0] =	ssyncadd.s32 @!p0 s1  }
0x17f: {  	[bflag:$0x3] =	sbarrier.arrive $0xFFFF  }
0x180: {  	_ =	shalt  }

// kernel: kernel.15.cloned.1.call-start
scs
__scs_entry_jumppad:
0x0: {  	(pc) =	sbr.rel $0x88, $3  }
0x1: {  	(tag) =	ssettag $0x0;
	lr =	simm.s32 $0x1  }
0x2: {  	[smem:$0x3F9C] =	sst lr;
	_ =	strace $0xD0000000  }
0x3: {  	_ = 	snop  }
0x4: {  	_ = 	snop  }
0x5: {  	_ = 	snop  }
0x6: {  	_ = 	snop  }
0x7: {  	_ = 	snop  }
__scs_overlays_trampoline_lowered:
0x8: {  	[smem:$0x3FAB] =	sst s0  }
0x9: {  	[smem:$0x3FAC] =	sst s1  }
0xa: {  	[smem:$0x3FAD] =	sst s2  }
0xb: {  	[smem:$0x3FAE] =	sst s3  }
0xc: {  	[smem:$0x3FAF] =	sst s4  }
0xd: {  	[smem:$0x3FB0] =	sst s5  }
0xe: {  	[smem:$0x3FB1] =	sst s6  }
0xf: {  	[smem:$0x3FB2] =	sst s7  }
0x10: {  	[smem:$0x3FB3] =	sst s8  }
0x11: {  	[smem:$0x3FB4] =	sst s9;
	s0 =	simm.s32 @!p0 $0x0  }
0x12: {  	s1 =	sld [smem:$0x3F9A];
	s0 =	simm.s32 @p0 $0x1  }
0x13: {  	[smem:$0x3FB5] =	sst s0;
	s0 =	simm.s32 @!p1 $0x0  }
0x14: {  	s2 =	sld [smem:$0x3F99];
	s0 =	simm.s32 @p1 $0x1  }
0x15: {  	[smem:$0x3FB6] =	sst s0;
	s0 =	simm.s32 @!p2 $0x0  }
0x16: {  	s3 =	sld [smem:$0x3FDB];
	s0 =	simm.s32 @p2 $0x1  }
0x17: {  	s4 =	simm.s32 $0x1BF5;
	[smem:$0x3FB8] =	sst s0  }
0x18: {  	s0 =	sld [smem:$0x3F9B];
	_ =	swait.ge [sflag:s4], $0x0  }
0x19: {  	s7 =	sld [smem:$0x3F9C]  }
0x1a: {  	s8 =	sadd.s32 $0xFFFFE003, lr  }
0x1b: {  	s9 =	sadd.s32 $0xFFFFFEF7, lr;
	s5 =	simm.s32 $0xFFFFFFFF;
	p2 =	slt.u32 s8, $0xFFFFF086  }
0x1c: {  	p1 =	slt.u32 s9, $0xF7A;
	s5 =	simm.s32 @!p2 $0x0  }
0x1d: {  	s5 =	simm.s32 @p1 $0x1;
	p0 =	seq.s32 s7, s2  }
0x1e: {  	s7 =	smul.u32 @!p0 $0xF7A, s2;
	p2 =	seq.s32 @!p0 s5, $0x0  }
0x1f: {  	s9 =	smul.u32 $0xF7A, s1;
	s8 =	simm.s32 @!p0 $0x1BF5;
	p2 =	por !p2, p0  }
0x20: {  	[sflag:s8] =	ssyncset.s32 @!p0 $0xFFFFF086;
	s6 =	sadd.s32 @!p0 s3, s7;
	s7 =	simm.s32 @!p0 $0x108  }
0x21: {  	s3 =	sadd.s32 s3, s9;
	s6 =	sadd.s32 @!p0 $0x88, s6;
	s7 =	simm.s32 @p2 $0x1082  }
0x22: {  	[simem:s7], [sflag:s8] =	dma.local @!p0 [hbm:s6], $0xF7A  }
0x23: {  	s9 =	sor.u32 $0xD0000000, s2;
	s6 =	simm.s32 $0x108;
	_ =	swait.ge @!p0 [sflag:s8], $0x0  }
0x24: {  	s3 =	sadd.s32 $0x88, s3;
	s6 =	simm.s32 @!p1 $0x1082;
	[sflag:s4] =	ssyncset.s32 $0xFFFFF086  }
0x25: {  	[simem:s6], [sflag:s4] =	dma.local [hbm:s3], $0xF7A  }
0x26: {  	[smem:$0x3F9C] =	sst s1;
	(tag) =	ssettag s2;
	_ =	strace s9  }
0x27: {  	s1 =	sld [smem:$0x3FAC]  }
0x28: {  	s2 =	sld [smem:$0x3FAD]  }
0x29: {  	s4 =	sld [smem:$0x3FAF]  }
0x2a: {  	p0 =	seq.s32 s5, $0x0;
	s5 =	sld [smem:$0x3FB0]  }
0x2b: {  	s6 =	sld [smem:$0x3FB1]  }
0x2c: {  	s7 =	sld [smem:$0x3FB2]  }
0x2d: {  	s3 =	simm.s32 $0x108;
	s8 =	sld [smem:$0x3FB3]  }
0x2e: {  	s3 =	simm.s32 @!p0 $0x1082;
	s9 =	sld [smem:$0x3FB4]  }
0x2f: {  	lr =	sadd.s32 s0, s3;
	s0 =	sld [smem:$0x3FAB]  }
0x30: {  	s3 =	sld [smem:$0x3FAE]  }
0x31: {  	[smem:$0x3FB7] =	sst s10  }
0x32: {  	s10 =	sld [smem:$0x3FB5];
	_ =	sdelay $0x3  }
0x33: {  	p0 =	seq.s32 s10, $0x1;
	s10 =	sld [smem:$0x3FB7];
	_ =	sdelay $0x3  }
0x34: {  	[smem:$0x3FB7] =	sst s10  }
0x35: {  	s10 =	sld [smem:$0x3FB6];
	_ =	sdelay $0x3  }
0x36: {  	p1 =	seq.s32 s10, $0x1;
	s10 =	sld [smem:$0x3FB7];
	_ =	sdelay $0x3  }
0x37: {  	[smem:$0x3FB7] =	sst s10  }
0x38: {  	s10 =	sld [smem:$0x3FB8]  }
0x39: {  	_ = 	snop;
	(pc) =	sbr.ind lr, $3  }
0x3a: {  	_ = 	snop  }
0x3b: {  	_ = 	snop  }
0x3c: {  	p2 =	seq.s32 s10, $0x1;
	s10 =	sld [smem:$0x3FB7]  }
0x3d: {  	_ =	shalt  }
0x3e: {  	_ =	shalt  }
0x3f: {  	_ =	shalt  }
0x40: {  	_ =	shalt  }
0x41: {  	_ =	shalt  }
0x42: {  	_ =	shalt  }
0x43: {  	_ =	shalt  }
0x44: {  	_ =	shalt  }
0x45: {  	_ =	shalt  }
0x46: {  	_ =	shalt  }
0x47: {  	_ =	shalt  }
0x48: {  	_ =	shalt  }
0x49: {  	_ =	shalt  }
0x4a: {  	_ =	shalt  }
0x4b: {  	_ =	shalt  }
0x4c: {  	_ =	shalt  }
0x4d: {  	_ =	shalt  }
0x4e: {  	_ =	shalt  }
0x4f: {  	_ =	shalt  }
0x50: {  	_ =	shalt  }
0x51: {  	_ =	shalt  }
0x52: {  	_ =	shalt  }
0x53: {  	_ =	shalt  }
0x54: {  	_ =	shalt  }
0x55: {  	_ =	shalt  }
0x56: {  	_ =	shalt  }
0x57: {  	_ =	shalt  }
0x58: {  	_ =	shalt  }
0x59: {  	_ =	shalt  }
0x5a: {  	_ =	shalt  }
0x5b: {  	_ =	shalt  }
0x5c: {  	_ =	shalt  }
0x5d: {  	_ =	shalt  }
0x5e: {  	_ =	shalt  }
0x5f: {  	_ =	shalt  }
0x60: {  	_ =	shalt  }
0x61: {  	_ =	shalt  }
0x62: {  	_ =	shalt  }
0x63: {  	_ =	shalt  }
0x64: {  	_ =	shalt  }
0x65: {  	_ =	shalt  }
0x66: {  	_ =	shalt  }
0x67: {  	_ =	shalt  }
0x68: {  	_ =	shalt  }
0x69: {  	_ =	shalt  }
0x6a: {  	_ =	shalt  }
0x6b: {  	_ =	shalt  }
0x6c: {  	_ =	shalt  }
0x6d: {  	_ =	shalt  }
0x6e: {  	_ =	shalt  }
0x6f: {  	_ =	shalt  }
0x70: {  	_ =	shalt  }
0x71: {  	_ =	shalt  }
0x72: {  	_ =	shalt  }
0x73: {  	_ =	shalt  }
0x74: {  	_ =	shalt  }
0x75: {  	_ =	shalt  }
0x76: {  	_ =	shalt  }
0x77: {  	_ =	shalt  }
0x78: {  	_ =	shalt  }
0x79: {  	_ =	shalt  }
0x7a: {  	_ =	shalt  }
0x7b: {  	_ =	shalt  }
0x7c: {  	_ =	shalt  }
0x7d: {  	_ =	shalt  }
0x7e: {  	_ =	shalt  }
0x7f: {  	_ =	shalt  }
0x80: {  	_ =	shalt  }
0x81: {  	_ =	shalt  }
0x82: {  	_ =	shalt  }
0x83: {  	_ =	shalt  }
0x84: {  	_ =	shalt  }
0x85: {  	_ =	shalt  }
0x86: {  	_ =	shalt  }
0x87: {  	_ =	shalt  }
.Lfunc_end0:
.L_simem_size_0:
called_computation.1_lowered:
.L_overlay_start_0:
0x88: {  	s2 =	sld [smem:$0x3FD9]  }
0x89: {  	s3 =	sld [smem:$0x3FFE];
	_ =	sdelay $0x1  }
0x8a: {  	s1 =	srdreg.scid  }
0x8b: {  	s0 =	sand.u32 $0x1, s1  }
0x8c: {  	s16 =	sshll.u32 s0, $0xA;
	s2 =	sadd.s32 s3, s2  }
0x8d: {  	s2 =	sadd.s32 s2, s16  }
0x8e: {  	[smem:$0x3FC3] =	sst s2  }
0x8f: {  	_ = 	snop  }
0x90: {  	(tm) =	ssettm $0x1  }
0x91: {  	s17 =	sld [smem:$0x3FFB];
	_ =	sdelay $0x3  }
0x92: {  	_ =	strace s17  }
0x93: {  	s2 =	sld [smem:$0x3FFC];
	_ =	sdelay $0x3  }
0x94: {  	_ =	strace s2  }
0x95: {  	s2 =	sld [smem:$0x3FFD];
	_ =	sdelay $0x3  }
0x96: {  	_ =	strace s2  }
0x97: {  	_ =	strace $0x8FFFFFFF  }
0x98: {  	s18 =	sld [smem:$0x3FDB];
	_ =	sdelay $0x1  }
0x99: {  	s19 =	simm.s32 $_scs_section_size  }
0x9a: {  	s4 =	simm.s32 $_size__tile_overlayer_lowered;
	s5 =	simm.s32 $_tile_overlayer_lowered  }
0x9b: {  	s22 =	simm.s32 $0x1BFF;
	s21 =	sshll.u32 s5, $0x1;
	s2 =	sadd.s32 s19, s18  }
0x9c: {  	s6 =	simm.s32 $0x0;
	s20 =	sshll.u32 s4, $0x1;
	s4 =	sadd.s32 s21, s2  }
0x9d: {  	[timem:s6], [sflag:s22] =	dma.local [hbm:s4], s20  }
0x9e: {  	_ =	swait.ge [sflag:s22], s20  }
0x9f: {  	s3 =	ssub.s32 $0x0, s20;
	[sflag:s22] =	ssyncset.done $0x0  }
0xa0: {  	[sflag:s22] =	ssyncadd.s32 s3;
	_ =	sdelay $0x1  }
0xa1: {  	s23 =	simm.s32 $0x1B8B  }
0xa2: {  	_ =	swait.ge [sflag:s23], $0x1  }
0xa3: {  	[sflag:s23] =	ssyncset.done $0x0  }
0xa4: {  	s25 =	simm.s32 $0x1B8E;
	s24 =	sld [smem:$0x3FFE];
	[sflag:s23] =	ssyncadd.s32 $0xFFFFFFFF  }
0xa5: {  	s26 =	simm.s32 $execute0_lowered;
	[smem:$0x3FD2] =	sst s25  }
0xa6: {  	s4 =	sshll.u32 s26, $0x1;
	_ =	strace $0x80000049;
	[dreg:$0x1] =	wrdreg $0xFFFFFFFF  }
0xa7: {  	s28 =	simm.s32 $_size_execute0_lowered;
	s2 =	sadd.s32 s2, s4;
	[dreg:$0x0] =	wrdreg $0x0  }
0xa8: {  	s4 =	sshll.u32 s28, $0x1;
	[dreg:$0x2] =	wrdreg s2  }
0xa9: {  	[dreg:$0x3] =	wrdreg s4  }
0xaa: {  	[dreg:$0x4] =	wrdreg $0xC0  }
0xab: {  	_ =	task [dreg:s6], $0x5FFFF  }
0xac: {  	[dreg:$0x1] =	wrdreg $0xFFFFFFFF  }
0xad: {  	[dreg:$0x0] =	wrdreg $0x60  }
0xae: {  	[dreg:$0x2] =	wrdreg s24  }
0xaf: {  	[dreg:$0x3] =	wrdreg $0x9  }
0xb0: {  	_ =	task.clear_ibuf [dreg:s6], $0x4FFFF;
	_ =	strace $0x90000049  }
0xb1: {  	s29 =	simm.s32 $0x9;
	_ =	strace $0x8000004B  }
0xb2: {  	_ =	swait.ge [sflag:s29], $0x1  }
0xb3: {  	[sflag:s29] =	ssyncadd.s32 $0xFFFFFFFF  }
0xb4: {  	_ =	strace $0x9000004B  }
0xb5: {  	_ =	sfence  }
0xb6: {  	s30 =	sld [smem:$0x0];
	_ =	sdelay $0x2  }
0xb7: {  	s31 =	sshll.u32 s1, $0xD;
	s1 =	sshrl.u32 s1, $0x2  }
0xb8: {  	s3 =	sand.u32 $0x4000, s31;
	s1 =	sadd.s32 s1, s30  }
0xb9: {  	s0 =	sor.u32 s3, s0;
	s1 =	sshll.u32 s1, $0x11  }
0xba: {  	s0 =	sor.u32 s1, s0  }
0xbb: {  	s0 =	sadd.s32 $0x8F2B, s0  }
0xbc: {  	[sflag:s0] =	ssyncadd.remote.s32 $0x1  }
0xbd: {  	_ =	sfence.sel $0xFFFF  }
0xbe: {  	[dreg:$0x0] =	wrdreg $0xFFFFFFFF;
	(pc) =	sbr.abs _section_cstart, $3  }
0xbf: {  	[dreg:$0x1] =	wrdreg $0xFFFFFFFF  }
0xc0: {  	_ =	task.clear_ibuf [dreg:s6], $0x2FFFF;
	_ =	strace $0x9FFFFFFF  }
0xc1: {  	(tm) =	ssettm $0x7FFFFFFF  }
tec
execute0_lowered:
.L_overlay_start_1:
0x0: {  	(tag) =	ssettag $0x1  }
0x1: {  	s0 =	rddreg [dreg:$0x0]  }
0x2: {  	s2 =	simm.s32 $0x0;
	s1 =	srdreg.scid;
	s4 =	stileid.u32  }
0x3: {  	s29 =	simm.s32 $0x880;
	s30 =	simm.s32 $0x1080;
	s31 =	simm.s32 $0x1880  }
0x4: {  	s15 =	simm.s32 $0x3880;
	s16 =	simm.s32 $0x4080;
	s17 =	simm.s32 $0x4880  }
0x5: {  	s18 =	simm.s32 $0x5080;
	s19 =	simm.s32 $0x5880;
	[smem:$0x7FF] =	sst s2  }
0x6: {  	s1 =	sand.u32 $0x1, s1;
	s3 =	sadd.s32 $0x418AE00, s0;
	s10 =	sadd.s32 $0x10AC00, s0  }
0x7: {  	s4 =	sshll.u32 s4, $0x8;
	s12 =	sadd.s32 $0xAA00, s0;
	s6 =	sadd.s32 $0x418B100, s0  }
0x8: {  	s7 =	sadd.s32 $0x418B200, s0;
	s8 =	sadd.s32 $0x418B300, s0;
	s5 =	sshll.u32 s1, $0x7  }
0x9: {  	_ =	strace $0x8000004A;
	s1 =	ssub.s32 $0x2, s1;
	s11 =	sor.u32 s5, s4  }
0xa: {  	s20 =	sshrl.u32 s1, $0x1;
	s4 =	sadd.s32 $0x418AF00, s0;
	s5 =	sshrl.u32 s11, $0x3  }
0xb: {  	s1 =	ssub.s32 s1, s20;
	s9 =	sshll.u32 s11, $0x8;
	s13 =	sor.u32 $0x20, s11  }
0xc: {  	s22 =	sor.u32 $0x40, s11;
	s11 =	sor.u32 $0x60, s11;
	s20 =	simm.s32 $0x6080  }
0xd: {  	s5 =	sadd.s32 s10, s5;
	s9 =	sadd.s32 s12, s9;
	s14 =	sshrl.u32 s13, $0x3  }
0xe: {  	s13 =	sshll.u32 s13, $0x8;
	s23 =	sshrl.u32 s22, $0x3;
	s25 =	sshrl.u32 s11, $0x3  }
0xf: {  	s11 =	sshll.u32 s11, $0x8;
	[dreg:$0x2] =	wrdreg s5;
	s5 =	sadd.s32 $0x418B000, s0  }
0x10: {  	[dreg:$0x3] =	wrdreg s9;
	s21 =	sadd.s32 s10, s14;
	s13 =	sadd.s32 s12, s13  }
0x11: {  	s9 =	sadd.s32 $0x418B400, s0;
	s14 =	sshll.u32 s22, $0x8;
	s26 =	sadd.s32 s10, s25  }
0x12: {  	s28 =	sadd.s32 s12, s11;
	s11 =	smax.u32 s1, $0x1;
	[dreg:$0x4] =	wrdreg s21  }
0x13: {  	s1 =	simm.s32 $0x2880;
	s22 =	simm.s32 $0x7080;
	[dreg:$0x5] =	wrdreg s13  }
0x14: {  	s25 =	simm.s32 $0x8880;
	s13 =	sadd.s32 s10, s23;
	[dreg:$0x8] =	wrdreg s26  }
0x15: {  	s24 =	sadd.s32 s12, s14;
	s10 =	sadd.s32 $0x418B500, s0;
	[dreg:$0x9] =	wrdreg s28  }
0x16: {  	v2 =	vlaneseq.u32;
	s12 =	simm.s32 $0x2;
	s26 =	simm.s32 $0x1;
	s14 =	simm.s32 $0x3080  }
0x17: {  	vm0 =	vmmov $0xffff;
	v1 =	vshrl.u32 v2, $0x3;
	s21 =	simm.s32 $0x6880;
	s23 =	simm.s32 $0x7880;
	[dreg:$0x6] =	wrdreg s13  }
0x18: {  	v0 =	vand.u32 $0x7, v2;
	v2 =	vor.u32 $0x8, v2;
	v1 =	vmul.u32 $0x8, v1;
	[dreg:$0x7] =	wrdreg s24;
	s13 =	simm.s32 $0x80;
	s24 =	simm.s32 $0x8080  }
.LBB2_1:
0x19: {  	s28 =	rddreg [dreg:$0x2]  }
0x1a: {  	[tilespmem:s2], [sflag:$0x2] =	stream.linear.gather [hbm4b:s28+s2], $0x20, $0x38;
	[tilespmem:$0x10080] =	vst v63  }
0x1b: {  	_ =	swait.ge [sflag:s12], $0x20  }
0x1c: {  	[sflag:s12] =	ssyncset.done $0x0  }
0x1d: {  	[sflag:s12] =	ssyncadd.s32 $0xFFFFFFE0  }
0x1e: {  	v3 =	vld [tilespmem:$0x0];
	_ =	sdelay $0x4  }
0x1f: {  	v4 =	vshll.u32 v3, $0x4  }
0x20: {  	v3 =	vand.u32 $0x7, v3;
	v4 =	vand.u32 $0xFFFFFF80, v4  }
0x21: {  	v3 =	vor.u32 v3, v4  }
0x22: {  	v4 =	vperm.xlane v3, v0;
	_ =	sdelay $0x1  }
0x23: {  	v4 =	vadd.s32 v1, v4;
	_ =	sdelay $0x4  }
0x24: {  	[tilespmem:s13], [sflag:$0x1] =	stream.indirect_vreg.gather [hbm4b:s3+s2], $0x80, v4, vm0, $0xb8;
	[tilespmem:$0x10080] =	vst v63  }
0x25: {  	_ = 	snop  }
0x26: {  	[tilespmem:s29], [sflag:$0x1] =	stream.indirect_vreg.gather [hbm4b:s4+s2], $0x80, v4, vm0, $0xb8;
	[tilespmem:$0x10080] =	vst v63  }
0x27: {  	_ = 	snop  }
0x28: {  	[tilespmem:s30], [sflag:$0x1] =	stream.indirect_vreg.gather [hbm4b:s5+s2], $0x80, v4, vm0, $0xb8;
	[tilespmem:$0x10080] =	vst v63  }
0x29: {  	_ = 	snop  }
0x2a: {  	[tilespmem:s31], [sflag:$0x1] =	stream.indirect_vreg.gather [hbm4b:s6+s2], $0x80, v4, vm0, $0xb8;
	[tilespmem:$0x10080] =	vst v63  }
0x2b: {  	s0 =	simm.s32 $0x2080  }
0x2c: {  	[tilespmem:s0], [sflag:$0x1] =	stream.indirect_vreg.gather [hbm4b:s7+s2], $0x80, v4, vm0, $0xb8;
	[tilespmem:$0x10080] =	vst v63  }
0x2d: {  	v3 =	vperm.xlane v3, v2  }
0x2e: {  	[tilespmem:s1], [sflag:$0x1] =	stream.indirect_vreg.gather [hbm4b:s8+s2], $0x80, v4, vm0, $0xb8;
	[tilespmem:$0x10080] =	vst v63  }
0x2f: {  	v3 =	vadd.s32 v1, v3  }
0x30: {  	[tilespmem:s14], [sflag:$0x1] =	stream.indirect_vreg.gather [hbm4b:s9+s2], $0x80, v4, vm0, $0xb8;
	[tilespmem:$0x10080] =	vst v63  }
0x31: {  	_ = 	snop  }
0x32: {  	[tilespmem:s15], [sflag:$0x1] =	stream.indirect_vreg.gather [hbm4b:s10+s2], $0x80, v4, vm0, $0xb8;
	[tilespmem:$0x10080] =	vst v63  }
0x33: {  	_ = 	snop  }
0x34: {  	[tilespmem:s16], [sflag:$0x1] =	stream.indirect_vreg.gather [hbm4b:s3+s2], $0x80, v3, vm0, $0xb8;
	[tilespmem:$0x10080] =	vst v63  }
0x35: {  	_ = 	snop  }
0x36: {  	[tilespmem:s17], [sflag:$0x1] =	stream.indirect_vreg.gather [hbm4b:s4+s2], $0x80, v3, vm0, $0xb8;
	[tilespmem:$0x10080] =	vst v63  }
0x37: {  	_ = 	snop  }
0x38: {  	[tilespmem:s18], [sflag:$0x1] =	stream.indirect_vreg.gather [hbm4b:s5+s2], $0x80, v3, vm0, $0xb8;
	[tilespmem:$0x10080] =	vst v63  }
0x39: {  	_ = 	snop  }
0x3a: {  	[tilespmem:s19], [sflag:$0x1] =	stream.indirect_vreg.gather [hbm4b:s6+s2], $0x80, v3, vm0, $0xb8;
	[tilespmem:$0x10080] =	vst v63  }
0x3b: {  	_ = 	snop  }
0x3c: {  	[tilespmem:s20], [sflag:$0x1] =	stream.indirect_vreg.gather [hbm4b:s7+s2], $0x80, v3, vm0, $0xb8;
	[tilespmem:$0x10080] =	vst v63  }
0x3d: {  	_ = 	snop  }
0x3e: {  	[tilespmem:s21], [sflag:$0x1] =	stream.indirect_vreg.gather [hbm4b:s8+s2], $0x80, v3, vm0, $0xb8;
	[tilespmem:$0x10080] =	vst v63  }
0x3f: {  	_ = 	snop  }
0x40: {  	[tilespmem:s22], [sflag:$0x1] =	stream.indirect_vreg.gather [hbm4b:s9+s2], $0x80, v3, vm0, $0xb8;
	[tilespmem:$0x10080] =	vst v63  }
0x41: {  	_ = 	snop  }
0x42: {  	[tilespmem:s23], [sflag:$0x1] =	stream.indirect_vreg.gather [hbm4b:s10+s2], $0x80, v3, vm0, $0xb8;
	[tilespmem:$0x10080] =	vst v63  }
0x43: {  	v3 =	vld [tilespmem:$0x10];
	_ =	sdelay $0x4  }
0x44: {  	v57 =	vshll.u32 v3, $0x4  }
0x45: {  	v3 =	vand.u32 $0x7, v3;
	v4 =	vand.u32 $0xFFFFFF80, v57  }
0x46: {  	v3 =	vor.u32 v3, v4  }
0x47: {  	v4 =	vperm.xlane v3, v0;
	_ =	sdelay $0x1  }
0x48: {  	v4 =	vadd.s32 v1, v4;
	_ =	sdelay $0x4  }
0x49: {  	[tilespmem:s24], [sflag:$0x1] =	stream.indirect_vreg.gather [hbm4b:s3+s2], $0x80, v4, vm0, $0xb8;
	[tilespmem:$0x10080] =	vst v63  }
0x4a: {  	_ = 	snop  }
0x4b: {  	[tilespmem:s25], [sflag:$0x1] =	stream.indirect_vreg.gather [hbm4b:s4+s2], $0x80, v4, vm0, $0xb8;
	[tilespmem:$0x10080] =	vst v63  }
0x4c: {  	s28 =	simm.s32 $0x9080  }
0x4d: {  	[tilespmem:s28], [sflag:$0x1] =	stream.indirect_vreg.gather [hbm4b:s5+s2], $0x80, v4, vm0, $0xb8;
	[tilespmem:$0x10080] =	vst v63  }
0x4e: {  	s28 =	simm.s32 $0x9880  }
0x4f: {  	[tilespmem:s28], [sflag:$0x1] =	stream.indirect_vreg.gather [hbm4b:s6+s2], $0x80, v4, vm0, $0xb8;
	[tilespmem:$0x10080] =	vst v63  }
0x50: {  	s28 =	simm.s32 $0xA080  }
0x51: {  	[tilespmem:s28], [sflag:$0x1] =	stream.indirect_vreg.gather [hbm4b:s7+s2], $0x80, v4, vm0, $0xb8;
	[tilespmem:$0x10080] =	vst v63  }
0x52: {  	v3 =	vperm.xlane v3, v2;
	s28 =	simm.s32 $0xA880  }
0x53: {  	[tilespmem:s28], [sflag:$0x1] =	stream.indirect_vreg.gather [hbm4b:s8+s2], $0x80, v4, vm0, $0xb8;
	[tilespmem:$0x10080] =	vst v63  }
0x54: {  	v3 =	vadd.s32 v1, v3;
	s28 =	simm.s32 $0xB080  }
0x55: {  	[tilespmem:s28], [sflag:$0x1] =	stream.indirect_vreg.gather [hbm4b:s9+s2], $0x80, v4, vm0, $0xb8;
	[tilespmem:$0x10080] =	vst v63  }
0x56: {  	s28 =	simm.s32 $0xB880  }
0x57: {  	[tilespmem:s28], [sflag:$0x1] =	stream.indirect_vreg.gather [hbm4b:s10+s2], $0x80, v4, vm0, $0xb8;
	[tilespmem:$0x10080] =	vst v63  }
0x58: {  	s28 =	simm.s32 $0xC080  }
0x59: {  	[tilespmem:s28], [sflag:$0x1] =	stream.indirect_vreg.gather [hbm4b:s3+s2], $0x80, v3, vm0, $0xb8;
	[tilespmem:$0x10080] =	vst v63  }
0x5a: {  	s28 =	simm.s32 $0xC880  }
0x5b: {  	[tilespmem:s28], [sflag:$0x1] =	stream.indirect_vreg.gather [hbm4b:s4+s2], $0x80, v3, vm0, $0xb8;
	[tilespmem:$0x10080] =	vst v63  }
0x5c: {  	s28 =	simm.s32 $0xD080  }
0x5d: {  	[tilespmem:s28], [sflag:$0x1] =	stream.indirect_vreg.gather [hbm4b:s5+s2], $0x80, v3, vm0, $0xb8;
	[tilespmem:$0x10080] =	vst v63  }
0x5e: {  	s28 =	simm.s32 $0xD880  }
0x5f: {  	[tilespmem:s28], [sflag:$0x1] =	stream.indirect_vreg.gather [hbm4b:s6+s2], $0x80, v3, vm0, $0xb8;
	[tilespmem:$0x10080] =	vst v63  }
0x60: {  	s28 =	simm.s32 $0xE080  }
0x61: {  	[tilespmem:s28], [sflag:$0x1] =	stream.indirect_vreg.gather [hbm4b:s7+s2], $0x80, v3, vm0, $0xb8;
	[tilespmem:$0x10080] =	vst v63  }
0x62: {  	s28 =	simm.s32 $0xE880  }
0x63: {  	[tilespmem:s28], [sflag:$0x1] =	stream.indirect_vreg.gather [hbm4b:s8+s2], $0x80, v3, vm0, $0xb8;
	[tilespmem:$0x10080] =	vst v63  }
0x64: {  	s28 =	simm.s32 $0xF080  }
0x65: {  	[tilespmem:s28], [sflag:$0x1] =	stream.indirect_vreg.gather [hbm4b:s9+s2], $0x80, v3, vm0, $0xb8;
	[tilespmem:$0x10080] =	vst v63  }
0x66: {  	s28 =	simm.s32 $0xF880  }
0x67: {  	[tilespmem:s28], [sflag:$0x1] =	stream.indirect_vreg.gather [hbm4b:s10+s2], $0x80, v3, vm0, $0xb8;
	[tilespmem:$0x10080] =	vst v63  }
0x68: {  	_ =	swait.ge [sflag:s26], $0x10000  }
0x69: {  	[sflag:s26] =	ssyncset.done $0x0  }
0x6a: {  	s28 =	rddreg [dreg:$0x3];
	[sflag:s26] =	ssyncadd.s32 $0xFFFF0000  }
0x6b: {  	[hbm4b:s28+s2] =	stream.linear.scatter [tilespmem:s13], [sflag:$0x2], $0x10000, $0x38;
	[tilespmem:$0x10080] =	vst v63  }
0x6c: {  	_ =	swait.ge [sflag:s12], $0x10000  }
0x6d: {  	[sflag:s12] =	ssyncset.done $0x0  }
0x6e: {  	s28 =	rddreg [dreg:$0x4];
	[sflag:s12] =	ssyncadd.s32 $0xFFFF0000  }
0x6f: {  	[tilespmem:s2], [sflag:$0x2] =	stream.linear.gather [hbm4b:s28+s2], $0x20, $0x38;
	[tilespmem:$0x10080] =	vst v63  }
0x70: {  	_ =	swait.ge [sflag:s12], $0x20  }
0x71: {  	[sflag:s12] =	ssyncset.done $0x0  }
0x72: {  	[sflag:s12] =	ssyncadd.s32 $0xFFFFFFE0  }
0x73: {  	v3 =	vld [tilespmem:$0x0];
	_ =	sdelay $0x4  }
0x74: {  	v58 =	vshll.u32 v3, $0x4  }
0x75: {  	v3 =	vand.u32 $0x7, v3;
	v4 =	vand.u32 $0xFFFFFF80, v58  }
0x76: {  	v3 =	vor.u32 v3, v4  }
0x77: {  	v4 =	vperm.xlane v3, v0;
	_ =	sdelay $0x1  }
0x78: {  	v4 =	vadd.s32 v1, v4;
	_ =	sdelay $0x4  }
0x79: {  	[tilespmem:s13], [sflag:$0x1] =	stream.indirect_vreg.gather [hbm4b:s3+s2], $0x80, v4, vm0, $0xb8;
	[tilespmem:$0x10080] =	vst v63  }
0x7a: {  	_ = 	snop  }
0x7b: {  	[tilespmem:s29], [sflag:$0x1] =	stream.indirect_vreg.gather [hbm4b:s4+s2], $0x80, v4, vm0, $0xb8;
	[tilespmem:$0x10080] =	vst v63  }
0x7c: {  	_ = 	snop  }
0x7d: {  	[tilespmem:s30], [sflag:$0x1] =	stream.indirect_vreg.gather [hbm4b:s5+s2], $0x80, v4, vm0, $0xb8;
	[tilespmem:$0x10080] =	vst v63  }
0x7e: {  	_ = 	snop  }
0x7f: {  	[tilespmem:s31], [sflag:$0x1] =	stream.indirect_vreg.gather [hbm4b:s6+s2], $0x80, v4, vm0, $0xb8;
	[tilespmem:$0x10080] =	vst v63  }
0x80: {  	_ = 	snop  }
0x81: {  	[tilespmem:s0], [sflag:$0x1] =	stream.indirect_vreg.gather [hbm4b:s7+s2], $0x80, v4, vm0, $0xb8;
	[tilespmem:$0x10080] =	vst v63  }
0x82: {  	v3 =	vperm.xlane v3, v2  }
0x83: {  	[tilespmem:s1], [sflag:$0x1] =	stream.indirect_vreg.gather [hbm4b:s8+s2], $0x80, v4, vm0, $0xb8;
	[tilespmem:$0x10080] =	vst v63  }
0x84: {  	v3 =	vadd.s32 v1, v3  }
0x85: {  	[tilespmem:s14], [sflag:$0x1] =	stream.indirect_vreg.gather [hbm4b:s9+s2], $0x80, v4, vm0, $0xb8;
	[tilespmem:$0x10080] =	vst v63  }
0x86: {  	_ = 	snop  }
0x87: {  	[tilespmem:s15], [sflag:$0x1] =	stream.indirect_vreg.gather [hbm4b:s10+s2], $0x80, v4, vm0, $0xb8;
	[tilespmem:$0x10080] =	vst v63  }
0x88: {  	_ = 	snop  }
0x89: {  	[tilespmem:s16], [sflag:$0x1] =	stream.indirect_vreg.gather [hbm4b:s3+s2], $0x80, v3, vm0, $0xb8;
	[tilespmem:$0x10080] =	vst v63  }
0x8a: {  	_ = 	snop  }
0x8b: {  	[tilespmem:s17], [sflag:$0x1] =	stream.indirect_vreg.gather [hbm4b:s4+s2], $0x80, v3, vm0, $0xb8;
	[tilespmem:$0x10080] =	vst v63  }
0x8c: {  	_ = 	snop  }
0x8d: {  	[tilespmem:s18], [sflag:$0x1] =	stream.indirect_vreg.gather [hbm4b:s5+s2], $0x80, v3, vm0, $0xb8;
	[tilespmem:$0x10080] =	vst v63  }
0x8e: {  	_ = 	snop  }
0x8f: {  	[tilespmem:s19], [sflag:$0x1] =	stream.indirect_vreg.gather [hbm4b:s6+s2], $0x80, v3, vm0, $0xb8;
	[tilespmem:$0x10080] =	vst v63  }
0x90: {  	_ = 	snop  }
0x91: {  	[tilespmem:s20], [sflag:$0x1] =	stream.indirect_vreg.gather [hbm4b:s7+s2], $0x80, v3, vm0, $0xb8;
	[tilespmem:$0x10080] =	vst v63  }
0x92: {  	_ = 	snop  }
0x93: {  	[tilespmem:s21], [sflag:$0x1] =	stream.indirect_vreg.gather [hbm4b:s8+s2], $0x80, v3, vm0, $0xb8;
	[tilespmem:$0x10080] =	vst v63  }
0x94: {  	_ = 	snop  }
0x95: {  	[tilespmem:s22], [sflag:$0x1] =	stream.indirect_vreg.gather [hbm4b:s9+s2], $0x80, v3, vm0, $0xb8;
	[tilespmem:$0x10080] =	vst v63  }
0x96: {  	_ = 	snop  }
0x97: {  	[tilespmem:s23], [sflag:$0x1] =	stream.indirect_vreg.gather [hbm4b:s10+s2], $0x80, v3, vm0, $0xb8;
	[tilespmem:$0x10080] =	vst v63  }
0x98: {  	v3 =	vld [tilespmem:$0x10];
	_ =	sdelay $0x4  }
0x99: {  	v59 =	vshll.u32 v3, $0x4  }
0x9a: {  	v3 =	vand.u32 $0x7, v3;
	v4 =	vand.u32 $0xFFFFFF80, v59  }
0x9b: {  	v3 =	vor.u32 v3, v4  }
0x9c: {  	v4 =	vperm.xlane v3, v0;
	_ =	sdelay $0x1  }
0x9d: {  	v4 =	vadd.s32 v1, v4;
	_ =	sdelay $0x4  }
0x9e: {  	[tilespmem:s24], [sflag:$0x1] =	stream.indirect_vreg.gather [hbm4b:s3+s2], $0x80, v4, vm0, $0xb8;
	[tilespmem:$0x10080] =	vst v63  }
0x9f: {  	_ = 	snop  }
0xa0: {  	[tilespmem:s25], [sflag:$0x1] =	stream.indirect_vreg.gather [hbm4b:s4+s2], $0x80, v4, vm0, $0xb8;
	[tilespmem:$0x10080] =	vst v63  }
0xa1: {  	s28 =	simm.s32 $0x9080  }
0xa2: {  	[tilespmem:s28], [sflag:$0x1] =	stream.indirect_vreg.gather [hbm4b:s5+s2], $0x80, v4, vm0, $0xb8;
	[tilespmem:$0x10080] =	vst v63  }
0xa3: {  	s28 =	simm.s32 $0x9880  }
0xa4: {  	[tilespmem:s28], [sflag:$0x1] =	stream.indirect_vreg.gather [hbm4b:s6+s2], $0x80, v4, vm0, $0xb8;
	[tilespmem:$0x10080] =	vst v63  }
0xa5: {  	s28 =	simm.s32 $0xA080  }
0xa6: {  	[tilespmem:s28], [sflag:$0x1] =	stream.indirect_vreg.gather [hbm4b:s7+s2], $0x80, v4, vm0, $0xb8;
	[tilespmem:$0x10080] =	vst v63  }
0xa7: {  	v3 =	vperm.xlane v3, v2;
	s28 =	simm.s32 $0xA880  }
0xa8: {  	[tilespmem:s28], [sflag:$0x1] =	stream.indirect_vreg.gather [hbm4b:s8+s2], $0x80, v4, vm0, $0xb8;
	[tilespmem:$0x10080] =	vst v63  }
0xa9: {  	v3 =	vadd.s32 v1, v3;
	s28 =	simm.s32 $0xB080  }
0xaa: {  	[tilespmem:s28], [sflag:$0x1] =	stream.indirect_vreg.gather [hbm4b:s9+s2], $0x80, v4, vm0, $0xb8;
	[tilespmem:$0x10080] =	vst v63  }
0xab: {  	s28 =	simm.s32 $0xB880  }
0xac: {  	[tilespmem:s28], [sflag:$0x1] =	stream.indirect_vreg.gather [hbm4b:s10+s2], $0x80, v4, vm0, $0xb8;
	[tilespmem:$0x10080] =	vst v63  }
0xad: {  	s28 =	simm.s32 $0xC080  }
0xae: {  	[tilespmem:s28], [sflag:$0x1] =	stream.indirect_vreg.gather [hbm4b:s3+s2], $0x80, v3, vm0, $0xb8;
	[tilespmem:$0x10080] =	vst v63  }
0xaf: {  	s28 =	simm.s32 $0xC880  }
0xb0: {  	[tilespmem:s28], [sflag:$0x1] =	stream.indirect_vreg.gather [hbm4b:s4+s2], $0x80, v3, vm0, $0xb8;
	[tilespmem:$0x10080] =	vst v63  }
0xb1: {  	s28 =	simm.s32 $0xD080  }
0xb2: {  	[tilespmem:s28], [sflag:$0x1] =	stream.indirect_vreg.gather [hbm4b:s5+s2], $0x80, v3, vm0, $0xb8;
	[tilespmem:$0x10080] =	vst v63  }
0xb3: {  	s28 =	simm.s32 $0xD880  }
0xb4: {  	[tilespmem:s28], [sflag:$0x1] =	stream.indirect_vreg.gather [hbm4b:s6+s2], $0x80, v3, vm0, $0xb8;
	[tilespmem:$0x10080] =	vst v63  }
0xb5: {  	s28 =	simm.s32 $0xE080  }
0xb6: {  	[tilespmem:s28], [sflag:$0x1] =	stream.indirect_vreg.gather [hbm4b:s7+s2], $0x80, v3, vm0, $0xb8;
	[tilespmem:$0x10080] =	vst v63  }
0xb7: {  	s28 =	simm.s32 $0xE880  }
0xb8: {  	[tilespmem:s28], [sflag:$0x1] =	stream.indirect_vreg.gather [hbm4b:s8+s2], $0x80, v3, vm0, $0xb8;
	[tilespmem:$0x10080] =	vst v63  }
0xb9: {  	s28 =	simm.s32 $0xF080  }
0xba: {  	[tilespmem:s28], [sflag:$0x1] =	stream.indirect_vreg.gather [hbm4b:s9+s2], $0x80, v3, vm0, $0xb8;
	[tilespmem:$0x10080] =	vst v63  }
0xbb: {  	s28 =	simm.s32 $0xF880  }
0xbc: {  	[tilespmem:s28], [sflag:$0x1] =	stream.indirect_vreg.gather [hbm4b:s10+s2], $0x80, v3, vm0, $0xb8;
	[tilespmem:$0x10080] =	vst v63  }
0xbd: {  	_ =	swait.ge [sflag:s26], $0x10000  }
0xbe: {  	[sflag:s26] =	ssyncset.done $0x0  }
0xbf: {  	s28 =	rddreg [dreg:$0x5];
	[sflag:s26] =	ssyncadd.s32 $0xFFFF0000  }
0xc0: {  	[hbm4b:s28+s2] =	stream.linear.scatter [tilespmem:s13], [sflag:$0x2], $0x10000, $0x38;
	[tilespmem:$0x10080] =	vst v63  }
0xc1: {  	_ =	swait.ge [sflag:s12], $0x10000  }
0xc2: {  	[sflag:s12] =	ssyncset.done $0x0  }
0xc3: {  	s28 =	rddreg [dreg:$0x6];
	[sflag:s12] =	ssyncadd.s32 $0xFFFF0000  }
0xc4: {  	[tilespmem:s2], [sflag:$0x2] =	stream.linear.gather [hbm4b:s28+s2], $0x20, $0x38;
	[tilespmem:$0x10080] =	vst v63  }
0xc5: {  	_ =	swait.ge [sflag:s12], $0x20  }
0xc6: {  	[sflag:s12] =	ssyncset.done $0x0  }
0xc7: {  	[sflag:s12] =	ssyncadd.s32 $0xFFFFFFE0  }
0xc8: {  	v3 =	vld [tilespmem:$0x0];
	_ =	sdelay $0x4  }
0xc9: {  	v60 =	vshll.u32 v3, $0x4  }
0xca: {  	v3 =	vand.u32 $0x7, v3;
	v4 =	vand.u32 $0xFFFFFF80, v60  }
0xcb: {  	v3 =	vor.u32 v3, v4  }
0xcc: {  	v4 =	vperm.xlane v3, v0;
	_ =	sdelay $0x1  }
0xcd: {  	v4 =	vadd.s32 v1, v4;
	_ =	sdelay $0x4  }
0xce: {  	[tilespmem:s13], [sflag:$0x1] =	stream.indirect_vreg.gather [hbm4b:s3+s2], $0x80, v4, vm0, $0xb8;
	[tilespmem:$0x10080] =	vst v63  }
0xcf: {  	_ = 	snop  }
0xd0: {  	[tilespmem:s29], [sflag:$0x1] =	stream.indirect_vreg.gather [hbm4b:s4+s2], $0x80, v4, vm0, $0xb8;
	[tilespmem:$0x10080] =	vst v63  }
0xd1: {  	_ = 	snop  }
0xd2: {  	[tilespmem:s30], [sflag:$0x1] =	stream.indirect_vreg.gather [hbm4b:s5+s2], $0x80, v4, vm0, $0xb8;
	[tilespmem:$0x10080] =	vst v63  }
0xd3: {  	_ = 	snop  }
0xd4: {  	[tilespmem:s31], [sflag:$0x1] =	stream.indirect_vreg.gather [hbm4b:s6+s2], $0x80, v4, vm0, $0xb8;
	[tilespmem:$0x10080] =	vst v63  }
0xd5: {  	_ = 	snop  }
0xd6: {  	[tilespmem:s0], [sflag:$0x1] =	stream.indirect_vreg.gather [hbm4b:s7+s2], $0x80, v4, vm0, $0xb8;
	[tilespmem:$0x10080] =	vst v63  }
0xd7: {  	v3 =	vperm.xlane v3, v2  }
0xd8: {  	[tilespmem:s1], [sflag:$0x1] =	stream.indirect_vreg.gather [hbm4b:s8+s2], $0x80, v4, vm0, $0xb8;
	[tilespmem:$0x10080] =	vst v63  }
0xd9: {  	v3 =	vadd.s32 v1, v3  }
0xda: {  	[tilespmem:s14], [sflag:$0x1] =	stream.indirect_vreg.gather [hbm4b:s9+s2], $0x80, v4, vm0, $0xb8;
	[tilespmem:$0x10080] =	vst v63  }
0xdb: {  	_ = 	snop  }
0xdc: {  	[tilespmem:s15], [sflag:$0x1] =	stream.indirect_vreg.gather [hbm4b:s10+s2], $0x80, v4, vm0, $0xb8;
	[tilespmem:$0x10080] =	vst v63  }
0xdd: {  	_ = 	snop  }
0xde: {  	[tilespmem:s16], [sflag:$0x1] =	stream.indirect_vreg.gather [hbm4b:s3+s2], $0x80, v3, vm0, $0xb8;
	[tilespmem:$0x10080] =	vst v63  }
0xdf: {  	_ = 	snop  }
0xe0: {  	[tilespmem:s17], [sflag:$0x1] =	stream.indirect_vreg.gather [hbm4b:s4+s2], $0x80, v3, vm0, $0xb8;
	[tilespmem:$0x10080] =	vst v63  }
0xe1: {  	_ = 	snop  }
0xe2: {  	[tilespmem:s18], [sflag:$0x1] =	stream.indirect_vreg.gather [hbm4b:s5+s2], $0x80, v3, vm0, $0xb8;
	[tilespmem:$0x10080] =	vst v63  }
0xe3: {  	_ = 	snop  }
0xe4: {  	[tilespmem:s19], [sflag:$0x1] =	stream.indirect_vreg.gather [hbm4b:s6+s2], $0x80, v3, vm0, $0xb8;
	[tilespmem:$0x10080] =	vst v63  }
0xe5: {  	_ = 	snop  }
0xe6: {  	[tilespmem:s20], [sflag:$0x1] =	stream.indirect_vreg.gather [hbm4b:s7+s2], $0x80, v3, vm0, $0xb8;
	[tilespmem:$0x10080] =	vst v63  }
0xe7: {  	_ = 	snop  }
0xe8: {  	[tilespmem:s21], [sflag:$0x1] =	stream.indirect_vreg.gather [hbm4b:s8+s2], $0x80, v3, vm0, $0xb8;
	[tilespmem:$0x10080] =	vst v63  }
0xe9: {  	_ = 	snop  }
0xea: {  	[tilespmem:s22], [sflag:$0x1] =	stream.indirect_vreg.gather [hbm4b:s9+s2], $0x80, v3, vm0, $0xb8;
	[tilespmem:$0x10080] =	vst v63  }
0xeb: {  	_ = 	snop  }
0xec: {  	[tilespmem:s23], [sflag:$0x1] =	stream.indirect_vreg.gather [hbm4b:s10+s2], $0x80, v3, vm0, $0xb8;
	[tilespmem:$0x10080] =	vst v63  }
0xed: {  	v3 =	vld [tilespmem:$0x10];
	_ =	sdelay $0x4  }
0xee: {  	v61 =	vshll.u32 v3, $0x4  }
0xef: {  	v3 =	vand.u32 $0x7, v3;
	v4 =	vand.u32 $0xFFFFFF80, v61  }
0xf0: {  	v3 =	vor.u32 v3, v4  }
0xf1: {  	v4 =	vperm.xlane v3, v0;
	_ =	sdelay $0x1  }
0xf2: {  	v4 =	vadd.s32 v1, v4;
	_ =	sdelay $0x4  }
0xf3: {  	[tilespmem:s24], [sflag:$0x1] =	stream.indirect_vreg.gather [hbm4b:s3+s2], $0x80, v4, vm0, $0xb8;
	[tilespmem:$0x10080] =	vst v63  }
0xf4: {  	_ = 	snop  }
0xf5: {  	[tilespmem:s25], [sflag:$0x1] =	stream.indirect_vreg.gather [hbm4b:s4+s2], $0x80, v4, vm0, $0xb8;
	[tilespmem:$0x10080] =	vst v63  }
0xf6: {  	s28 =	simm.s32 $0x9080  }
0xf7: {  	[tilespmem:s28], [sflag:$0x1] =	stream.indirect_vreg.gather [hbm4b:s5+s2], $0x80, v4, vm0, $0xb8;
	[tilespmem:$0x10080] =	vst v63  }
0xf8: {  	s28 =	simm.s32 $0x9880  }
0xf9: {  	[tilespmem:s28], [sflag:$0x1] =	stream.indirect_vreg.gather [hbm4b:s6+s2], $0x80, v4, vm0, $0xb8;
	[tilespmem:$0x10080] =	vst v63  }
0xfa: {  	s28 =	simm.s32 $0xA080  }
0xfb: {  	[tilespmem:s28], [sflag:$0x1] =	stream.indirect_vreg.gather [hbm4b:s7+s2], $0x80, v4, vm0, $0xb8;
	[tilespmem:$0x10080] =	vst v63  }
0xfc: {  	v3 =	vperm.xlane v3, v2;
	s28 =	simm.s32 $0xA880  }
0xfd: {  	[tilespmem:s28], [sflag:$0x1] =	stream.indirect_vreg.gather [hbm4b:s8+s2], $0x80, v4, vm0, $0xb8;
	[tilespmem:$0x10080] =	vst v63  }
0xfe: {  	v3 =	vadd.s32 v1, v3;
	s28 =	simm.s32 $0xB080  }
0xff: {  	[tilespmem:s28], [sflag:$0x1] =	stream.indirect_vreg.gather [hbm4b:s9+s2], $0x80, v4, vm0, $0xb8;
	[tilespmem:$0x10080] =	vst v63  }
0x100: {  	s28 =	simm.s32 $0xB880  }
0x101: {  	[tilespmem:s28], [sflag:$0x1] =	stream.indirect_vreg.gather [hbm4b:s10+s2], $0x80, v4, vm0, $0xb8;
	[tilespmem:$0x10080] =	vst v63  }
0x102: {  	s28 =	simm.s32 $0xC080  }
0x103: {  	[tilespmem:s28], [sflag:$0x1] =	stream.indirect_vreg.gather [hbm4b:s3+s2], $0x80, v3, vm0, $0xb8;
	[tilespmem:$0x10080] =	vst v63  }
0x104: {  	s28 =	simm.s32 $0xC880  }
0x105: {  	[tilespmem:s28], [sflag:$0x1] =	stream.indirect_vreg.gather [hbm4b:s4+s2], $0x80, v3, vm0, $0xb8;
	[tilespmem:$0x10080] =	vst v63  }
0x106: {  	s28 =	simm.s32 $0xD080  }
0x107: {  	[tilespmem:s28], [sflag:$0x1] =	stream.indirect_vreg.gather [hbm4b:s5+s2], $0x80, v3, vm0, $0xb8;
	[tilespmem:$0x10080] =	vst v63  }
0x108: {  	s28 =	simm.s32 $0xD880  }
0x109: {  	[tilespmem:s28], [sflag:$0x1] =	stream.indirect_vreg.gather [hbm4b:s6+s2], $0x80, v3, vm0, $0xb8;
	[tilespmem:$0x10080] =	vst v63  }
0x10a: {  	s28 =	simm.s32 $0xE080  }
0x10b: {  	[tilespmem:s28], [sflag:$0x1] =	stream.indirect_vreg.gather [hbm4b:s7+s2], $0x80, v3, vm0, $0xb8;
	[tilespmem:$0x10080] =	vst v63  }
0x10c: {  	s28 =	simm.s32 $0xE880  }
0x10d: {  	[tilespmem:s28], [sflag:$0x1] =	stream.indirect_vreg.gather [hbm4b:s8+s2], $0x80, v3, vm0, $0xb8;
	[tilespmem:$0x10080] =	vst v63  }
0x10e: {  	s28 =	simm.s32 $0xF080  }
0x10f: {  	[tilespmem:s28], [sflag:$0x1] =	stream.indirect_vreg.gather [hbm4b:s9+s2], $0x80, v3, vm0, $0xb8;
	[tilespmem:$0x10080] =	vst v63  }
0x110: {  	s28 =	simm.s32 $0xF880  }
0x111: {  	[tilespmem:s28], [sflag:$0x1] =	stream.indirect_vreg.gather [hbm4b:s10+s2], $0x80, v3, vm0, $0xb8;
	[tilespmem:$0x10080] =	vst v63  }
0x112: {  	_ =	swait.ge [sflag:s26], $0x10000  }
0x113: {  	[sflag:s26] =	ssyncset.done $0x0  }
0x114: {  	s28 =	rddreg [dreg:$0x7];
	[sflag:s26] =	ssyncadd.s32 $0xFFFF0000  }
0x115: {  	[hbm4b:s28+s2] =	stream.linear.scatter [tilespmem:s13], [sflag:$0x2], $0x10000, $0x38;
	[tilespmem:$0x10080] =	vst v63  }
0x116: {  	_ =	swait.ge [sflag:s12], $0x10000  }
0x117: {  	[sflag:s12] =	ssyncset.done $0x0  }
0x118: {  	s28 =	rddreg [dreg:$0x8];
	[sflag:s12] =	ssyncadd.s32 $0xFFFF0000  }
0x119: {  	[tilespmem:s2], [sflag:$0x2] =	stream.linear.gather [hbm4b:s28+s2], $0x20, $0x38;
	[tilespmem:$0x10080] =	vst v63  }
0x11a: {  	_ =	swait.ge [sflag:s12], $0x20  }
0x11b: {  	[sflag:s12] =	ssyncset.done $0x0  }
0x11c: {  	[sflag:s12] =	ssyncadd.s32 $0xFFFFFFE0  }
0x11d: {  	v3 =	vld [tilespmem:$0x0];
	_ =	sdelay $0x4  }
0x11e: {  	v62 =	vshll.u32 v3, $0x4  }
0x11f: {  	v3 =	vand.u32 $0x7, v3;
	v4 =	vand.u32 $0xFFFFFF80, v62  }
0x120: {  	v3 =	vor.u32 v3, v4  }
0x121: {  	v4 =	vperm.xlane v3, v0;
	_ =	sdelay $0x1  }
0x122: {  	v4 =	vadd.s32 v1, v4;
	_ =	sdelay $0x4  }
0x123: {  	[tilespmem:s13], [sflag:$0x1] =	stream.indirect_vreg.gather [hbm4b:s3+s2], $0x80, v4, vm0, $0xb8;
	[tilespmem:$0x10080] =	vst v63  }
0x124: {  	_ = 	snop  }
0x125: {  	[tilespmem:s29], [sflag:$0x1] =	stream.indirect_vreg.gather [hbm4b:s4+s2], $0x80, v4, vm0, $0xb8;
	[tilespmem:$0x10080] =	vst v63  }
0x126: {  	_ = 	snop  }
0x127: {  	[tilespmem:s30], [sflag:$0x1] =	stream.indirect_vreg.gather [hbm4b:s5+s2], $0x80, v4, vm0, $0xb8;
	[tilespmem:$0x10080] =	vst v63  }
0x128: {  	_ = 	snop  }
0x129: {  	[tilespmem:s31], [sflag:$0x1] =	stream.indirect_vreg.gather [hbm4b:s6+s2], $0x80, v4, vm0, $0xb8;
	[tilespmem:$0x10080] =	vst v63  }
0x12a: {  	_ = 	snop  }
0x12b: {  	[tilespmem:s0], [sflag:$0x1] =	stream.indirect_vreg.gather [hbm4b:s7+s2], $0x80, v4, vm0, $0xb8;
	[tilespmem:$0x10080] =	vst v63  }
0x12c: {  	v3 =	vperm.xlane v3, v2  }
0x12d: {  	[tilespmem:s1], [sflag:$0x1] =	stream.indirect_vreg.gather [hbm4b:s8+s2], $0x80, v4, vm0, $0xb8;
	[tilespmem:$0x10080] =	vst v63  }
0x12e: {  	v3 =	vadd.s32 v1, v3  }
0x12f: {  	[tilespmem:s14], [sflag:$0x1] =	stream.indirect_vreg.gather [hbm4b:s9+s2], $0x80, v4, vm0, $0xb8;
	[tilespmem:$0x10080] =	vst v63  }
0x130: {  	_ = 	snop  }
0x131: {  	[tilespmem:s15], [sflag:$0x1] =	stream.indirect_vreg.gather [hbm4b:s10+s2], $0x80, v4, vm0, $0xb8;
	[tilespmem:$0x10080] =	vst v63  }
0x132: {  	_ = 	snop  }
0x133: {  	[tilespmem:s16], [sflag:$0x1] =	stream.indirect_vreg.gather [hbm4b:s3+s2], $0x80, v3, vm0, $0xb8;
	[tilespmem:$0x10080] =	vst v63  }
0x134: {  	_ = 	snop  }
0x135: {  	[tilespmem:s17], [sflag:$0x1] =	stream.indirect_vreg.gather [hbm4b:s4+s2], $0x80, v3, vm0, $0xb8;
	[tilespmem:$0x10080] =	vst v63  }
0x136: {  	_ = 	snop  }
0x137: {  	[tilespmem:s18], [sflag:$0x1] =	stream.indirect_vreg.gather [hbm4b:s5+s2], $0x80, v3, vm0, $0xb8;
	[tilespmem:$0x10080] =	vst v63  }
0x138: {  	_ = 	snop  }
0x139: {  	[tilespmem:s19], [sflag:$0x1] =	stream.indirect_vreg.gather [hbm4b:s6+s2], $0x80, v3, vm0, $0xb8;
	[tilespmem:$0x10080] =	vst v63  }
0x13a: {  	_ = 	snop  }
0x13b: {  	[tilespmem:s20], [sflag:$0x1] =	stream.indirect_vreg.gather [hbm4b:s7+s2], $0x80, v3, vm0, $0xb8;
	[tilespmem:$0x10080] =	vst v63  }
0x13c: {  	_ = 	snop  }
0x13d: {  	[tilespmem:s21], [sflag:$0x1] =	stream.indirect_vreg.gather [hbm4b:s8+s2], $0x80, v3, vm0, $0xb8;
	[tilespmem:$0x10080] =	vst v63  }
0x13e: {  	_ = 	snop  }
0x13f: {  	[tilespmem:s22], [sflag:$0x1] =	stream.indirect_vreg.gather [hbm4b:s9+s2], $0x80, v3, vm0, $0xb8;
	[tilespmem:$0x10080] =	vst v63  }
0x140: {  	_ = 	snop  }
0x141: {  	[tilespmem:s23], [sflag:$0x1] =	stream.indirect_vreg.gather [hbm4b:s10+s2], $0x80, v3, vm0, $0xb8;
	[tilespmem:$0x10080] =	vst v63  }
0x142: {  	v3 =	vld [tilespmem:$0x10];
	_ =	sdelay $0x4  }
0x143: {  	v63 =	vshll.u32 v3, $0x4  }
0x144: {  	v3 =	vand.u32 $0x7, v3;
	v4 =	vand.u32 $0xFFFFFF80, v63  }
0x145: {  	v3 =	vor.u32 v3, v4  }
0x146: {  	v4 =	vperm.xlane v3, v0;
	_ =	sdelay $0x1  }
0x147: {  	v4 =	vadd.s32 v1, v4;
	_ =	sdelay $0x4  }
0x148: {  	[tilespmem:s24], [sflag:$0x1] =	stream.indirect_vreg.gather [hbm4b:s3+s2], $0x80, v4, vm0, $0xb8;
	[tilespmem:$0x10080] =	vst v63  }
0x149: {  	_ = 	snop  }
0x14a: {  	[tilespmem:s25], [sflag:$0x1] =	stream.indirect_vreg.gather [hbm4b:s4+s2], $0x80, v4, vm0, $0xb8;
	[tilespmem:$0x10080] =	vst v63  }
0x14b: {  	s28 =	simm.s32 $0x9080  }
0x14c: {  	[tilespmem:s28], [sflag:$0x1] =	stream.indirect_vreg.gather [hbm4b:s5+s2], $0x80, v4, vm0, $0xb8;
	[tilespmem:$0x10080] =	vst v63  }
0x14d: {  	s28 =	simm.s32 $0x9880  }
0x14e: {  	[tilespmem:s28], [sflag:$0x1] =	stream.indirect_vreg.gather [hbm4b:s6+s2], $0x80, v4, vm0, $0xb8;
	[tilespmem:$0x10080] =	vst v63  }
0x14f: {  	s28 =	simm.s32 $0xA080  }
0x150: {  	[tilespmem:s28], [sflag:$0x1] =	stream.indirect_vreg.gather [hbm4b:s7+s2], $0x80, v4, vm0, $0xb8;
	[tilespmem:$0x10080] =	vst v63  }
0x151: {  	v3 =	vperm.xlane v3, v2;
	s28 =	simm.s32 $0xA880  }
0x152: {  	[tilespmem:s28], [sflag:$0x1] =	stream.indirect_vreg.gather [hbm4b:s8+s2], $0x80, v4, vm0, $0xb8;
	[tilespmem:$0x10080] =	vst v63  }
0x153: {  	v3 =	vadd.s32 v1, v3;
	s28 =	simm.s32 $0xB080  }
0x154: {  	[tilespmem:s28], [sflag:$0x1] =	stream.indirect_vreg.gather [hbm4b:s9+s2], $0x80, v4, vm0, $0xb8;
	[tilespmem:$0x10080] =	vst v63  }
0x155: {  	s28 =	simm.s32 $0xB880  }
0x156: {  	[tilespmem:s28], [sflag:$0x1] =	stream.indirect_vreg.gather [hbm4b:s10+s2], $0x80, v4, vm0, $0xb8;
	[tilespmem:$0x10080] =	vst v63  }
0x157: {  	s28 =	simm.s32 $0xC080  }
0x158: {  	[tilespmem:s28], [sflag:$0x1] =	stream.indirect_vreg.gather [hbm4b:s3+s2], $0x80, v3, vm0, $0xb8;
	[tilespmem:$0x10080] =	vst v63  }
0x159: {  	s28 =	simm.s32 $0xC880  }
0x15a: {  	[tilespmem:s28], [sflag:$0x1] =	stream.indirect_vreg.gather [hbm4b:s4+s2], $0x80, v3, vm0, $0xb8;
	[tilespmem:$0x10080] =	vst v63  }
0x15b: {  	s28 =	simm.s32 $0xD080  }
0x15c: {  	[tilespmem:s28], [sflag:$0x1] =	stream.indirect_vreg.gather [hbm4b:s5+s2], $0x80, v3, vm0, $0xb8;
	[tilespmem:$0x10080] =	vst v63  }
0x15d: {  	s28 =	simm.s32 $0xD880  }
0x15e: {  	[tilespmem:s28], [sflag:$0x1] =	stream.indirect_vreg.gather [hbm4b:s6+s2], $0x80, v3, vm0, $0xb8;
	[tilespmem:$0x10080] =	vst v63  }
0x15f: {  	s28 =	simm.s32 $0xE080  }
0x160: {  	[tilespmem:s28], [sflag:$0x1] =	stream.indirect_vreg.gather [hbm4b:s7+s2], $0x80, v3, vm0, $0xb8;
	[tilespmem:$0x10080] =	vst v63  }
0x161: {  	s28 =	simm.s32 $0xE880  }
0x162: {  	[tilespmem:s28], [sflag:$0x1] =	stream.indirect_vreg.gather [hbm4b:s8+s2], $0x80, v3, vm0, $0xb8;
	[tilespmem:$0x10080] =	vst v63  }
0x163: {  	s28 =	simm.s32 $0xF080  }
0x164: {  	[tilespmem:s28], [sflag:$0x1] =	stream.indirect_vreg.gather [hbm4b:s9+s2], $0x80, v3, vm0, $0xb8;
	[tilespmem:$0x10080] =	vst v63  }
0x165: {  	s28 =	simm.s32 $0xF880  }
0x166: {  	[tilespmem:s28], [sflag:$0x1] =	stream.indirect_vreg.gather [hbm4b:s10+s2], $0x80, v3, vm0, $0xb8;
	[tilespmem:$0x10080] =	vst v63  }
0x167: {  	_ =	swait.ge [sflag:s26], $0x10000  }
0x168: {  	p0 =	sne.s32 s11, $0x1;
	[sflag:s26] =	ssyncset.done $0x0  }
.Ltmp0:
0x169: {  	s0 =	rddreg [dreg:$0x9];
	[sflag:s26] =	ssyncadd.s32 $0xFFFF0000;
	(pc) =	sbr.rel @p0 .LBB2_1-.Ltmp0, $4  }
0x16a: {  	[hbm4b:s0+s2] =	stream.linear.scatter [tilespmem:s13], [sflag:$0x2], $0x10000, $0x38;
	[tilespmem:$0x10080] =	vst v63  }
0x16b: {  	_ =	swait.ge [sflag:s12], $0x10000  }
0x16c: {  	[sflag:s12] =	ssyncset.done $0x0  }
0x16d: {  	s11 =	sadd.s32 $0xFFFFFFFF, s11;
	[sflag:s12] =	ssyncadd.s32 $0xFFFF0000  }
0x16e: {  	_ =	sfence.sel $0x180000  }
0x16f: {  	[bflag:$0x0] =	sbarrier.arrive $0xFFFF  }
0x170: {  	_ =	strace $0x9000004A  }
0x171: {  	s0 =	stileid.u32;
	[bflag:$0x2] =	sbarrier.arrive $0xFFFF  }
0x172: {  	p0 =	sne.s32 s0, $0x0;
	s0 =	rddreg [dreg:$0x1]  }
0x173: {  	s0 =	sadd.s32 @!p0 $0x100000, s0  }
0x174: {  	[sflag:s0] =	ssyncadd.tile.s32 @!p0 $0x1;
	_ =	shalt  }
.Lfunc_end2:
_tile_overlayer_lowered:
.L_overlay_start_2:
0x175: {  	(tag) =	ssettag $0x2  }
0x176: {  	s0 =	rddreg [dreg:$0x0];
	s2 =	stileid.u32  }
0x177: {  	s1 =	rddreg [dreg:$0x1];
	p0 =	sne.s32 s2, $0x0  }
0x178: {  	s3 =	rddreg [dreg:$0x2];
	[bflag:$0x3] =	sbarrier.arrive $0xFFFF;
	s2 =	simm.s32 @!p0 $0x1C02  }
0x179: {  	[timem:s3], [sflag:s2] =	dma.local @!p0 [hbm:s0], s1  }
0x17a: {  	s0 =	simm.s32 @!p0 $0x2  }
0x17b: {  	_ =	swait.ge @!p0 [sflag:s0], s1  }
0x17c: {  	s1 =	ssub.s32 @!p0 $0x0, s1;
	[sflag:s0] =	ssyncset.done @!p0 $0x0  }
0x17d: {  	[sflag:s0] =	ssyncadd.s32 @!p0 s1  }
0x17e: {  	[bflag:$0x3] =	sbarrier.arrive $0xFFFF  }
0x17f: {  	_ =	shalt  }

// kernel: kernel.18.cloned.1.call-start
scs
__scs_entry_jumppad:
0x0: {  	(pc) =	sbr.rel $0x88, $3  }
0x1: {  	(tag) =	ssettag $0x0;
	lr =	simm.s32 $0x1  }
0x2: {  	[smem:$0x3F9C] =	sst lr;
	_ =	strace $0xD0000000  }
0x3: {  	_ = 	snop  }
0x4: {  	_ = 	snop  }
0x5: {  	_ = 	snop  }
0x6: {  	_ = 	snop  }
0x7: {  	_ = 	snop  }
__scs_overlays_trampoline_lowered:
0x8: {  	[smem:$0x3FAB] =	sst s0  }
0x9: {  	[smem:$0x3FAC] =	sst s1  }
0xa: {  	[smem:$0x3FAD] =	sst s2  }
0xb: {  	[smem:$0x3FAE] =	sst s3  }
0xc: {  	[smem:$0x3FAF] =	sst s4  }
0xd: {  	[smem:$0x3FB0] =	sst s5  }
0xe: {  	[smem:$0x3FB1] =	sst s6  }
0xf: {  	[smem:$0x3FB2] =	sst s7  }
0x10: {  	[smem:$0x3FB3] =	sst s8  }
0x11: {  	[smem:$0x3FB4] =	sst s9;
	s0 =	simm.s32 @!p0 $0x0  }
0x12: {  	s1 =	sld [smem:$0x3F9A];
	s0 =	simm.s32 @p0 $0x1  }
0x13: {  	[smem:$0x3FB5] =	sst s0;
	s0 =	simm.s32 @!p1 $0x0  }
0x14: {  	s2 =	sld [smem:$0x3F99];
	s0 =	simm.s32 @p1 $0x1  }
0x15: {  	[smem:$0x3FB6] =	sst s0;
	s0 =	simm.s32 @!p2 $0x0  }
0x16: {  	s3 =	sld [smem:$0x3FDB];
	s0 =	simm.s32 @p2 $0x1  }
0x17: {  	s4 =	simm.s32 $0x1BF5;
	[smem:$0x3FB8] =	sst s0  }
0x18: {  	s0 =	sld [smem:$0x3F9B];
	_ =	swait.ge [sflag:s4], $0x0  }
0x19: {  	s7 =	sld [smem:$0x3F9C]  }
0x1a: {  	s8 =	sadd.s32 $0xFFFFE003, lr  }
0x1b: {  	s9 =	sadd.s32 $0xFFFFFEF7, lr;
	s5 =	simm.s32 $0xFFFFFFFF;
	p2 =	slt.u32 s8, $0xFFFFF086  }
0x1c: {  	p1 =	slt.u32 s9, $0xF7A;
	s5 =	simm.s32 @!p2 $0x0  }
0x1d: {  	s5 =	simm.s32 @p1 $0x1;
	p0 =	seq.s32 s7, s2  }
0x1e: {  	s7 =	smul.u32 @!p0 $0xF7A, s2;
	p2 =	seq.s32 @!p0 s5, $0x0  }
0x1f: {  	s9 =	smul.u32 $0xF7A, s1;
	s8 =	simm.s32 @!p0 $0x1BF5;
	p2 =	por !p2, p0  }
0x20: {  	[sflag:s8] =	ssyncset.s32 @!p0 $0xFFFFF086;
	s6 =	sadd.s32 @!p0 s3, s7;
	s7 =	simm.s32 @!p0 $0x108  }
0x21: {  	s3 =	sadd.s32 s3, s9;
	s6 =	sadd.s32 @!p0 $0x88, s6;
	s7 =	simm.s32 @p2 $0x1082  }
0x22: {  	[simem:s7], [sflag:s8] =	dma.local @!p0 [hbm:s6], $0xF7A  }
0x23: {  	s9 =	sor.u32 $0xD0000000, s2;
	s6 =	simm.s32 $0x108;
	_ =	swait.ge @!p0 [sflag:s8], $0x0  }
0x24: {  	s3 =	sadd.s32 $0x88, s3;
	s6 =	simm.s32 @!p1 $0x1082;
	[sflag:s4] =	ssyncset.s32 $0xFFFFF086  }
0x25: {  	[simem:s6], [sflag:s4] =	dma.local [hbm:s3], $0xF7A  }
0x26: {  	[smem:$0x3F9C] =	sst s1;
	(tag) =	ssettag s2;
	_ =	strace s9  }
0x27: {  	s1 =	sld [smem:$0x3FAC]  }
0x28: {  	s2 =	sld [smem:$0x3FAD]  }
0x29: {  	s4 =	sld [smem:$0x3FAF]  }
0x2a: {  	p0 =	seq.s32 s5, $0x0;
	s5 =	sld [smem:$0x3FB0]  }
0x2b: {  	s6 =	sld [smem:$0x3FB1]  }
0x2c: {  	s7 =	sld [smem:$0x3FB2]  }
0x2d: {  	s3 =	simm.s32 $0x108;
	s8 =	sld [smem:$0x3FB3]  }
0x2e: {  	s3 =	simm.s32 @!p0 $0x1082;
	s9 =	sld [smem:$0x3FB4]  }
0x2f: {  	lr =	sadd.s32 s0, s3;
	s0 =	sld [smem:$0x3FAB]  }
0x30: {  	s3 =	sld [smem:$0x3FAE]  }
0x31: {  	[smem:$0x3FB7] =	sst s10  }
0x32: {  	s10 =	sld [smem:$0x3FB5];
	_ =	sdelay $0x3  }
0x33: {  	p0 =	seq.s32 s10, $0x1;
	s10 =	sld [smem:$0x3FB7];
	_ =	sdelay $0x3  }
0x34: {  	[smem:$0x3FB7] =	sst s10  }
0x35: {  	s10 =	sld [smem:$0x3FB6];
	_ =	sdelay $0x3  }
0x36: {  	p1 =	seq.s32 s10, $0x1;
	s10 =	sld [smem:$0x3FB7];
	_ =	sdelay $0x3  }
0x37: {  	[smem:$0x3FB7] =	sst s10  }
0x38: {  	s10 =	sld [smem:$0x3FB8]  }
0x39: {  	_ = 	snop;
	(pc) =	sbr.ind lr, $3  }
0x3a: {  	_ = 	snop  }
0x3b: {  	_ = 	snop  }
0x3c: {  	p2 =	seq.s32 s10, $0x1;
	s10 =	sld [smem:$0x3FB7]  }
0x3d: {  	_ =	shalt  }
0x3e: {  	_ =	shalt  }
0x3f: {  	_ =	shalt  }
0x40: {  	_ =	shalt  }
0x41: {  	_ =	shalt  }
0x42: {  	_ =	shalt  }
0x43: {  	_ =	shalt  }
0x44: {  	_ =	shalt  }
0x45: {  	_ =	shalt  }
0x46: {  	_ =	shalt  }
0x47: {  	_ =	shalt  }
0x48: {  	_ =	shalt  }
0x49: {  	_ =	shalt  }
0x4a: {  	_ =	shalt  }
0x4b: {  	_ =	shalt  }
0x4c: {  	_ =	shalt  }
0x4d: {  	_ =	shalt  }
0x4e: {  	_ =	shalt  }
0x4f: {  	_ =	shalt  }
0x50: {  	_ =	shalt  }
0x51: {  	_ =	shalt  }
0x52: {  	_ =	shalt  }
0x53: {  	_ =	shalt  }
0x54: {  	_ =	shalt  }
0x55: {  	_ =	shalt  }
0x56: {  	_ =	shalt  }
0x57: {  	_ =	shalt  }
0x58: {  	_ =	shalt  }
0x59: {  	_ =	shalt  }
0x5a: {  	_ =	shalt  }
0x5b: {  	_ =	shalt  }
0x5c: {  	_ =	shalt  }
0x5d: {  	_ =	shalt  }
0x5e: {  	_ =	shalt  }
0x5f: {  	_ =	shalt  }
0x60: {  	_ =	shalt  }
0x61: {  	_ =	shalt  }
0x62: {  	_ =	shalt  }
0x63: {  	_ =	shalt  }
0x64: {  	_ =	shalt  }
0x65: {  	_ =	shalt  }
0x66: {  	_ =	shalt  }
0x67: {  	_ =	shalt  }
0x68: {  	_ =	shalt  }
0x69: {  	_ =	shalt  }
0x6a: {  	_ =	shalt  }
0x6b: {  	_ =	shalt  }
0x6c: {  	_ =	shalt  }
0x6d: {  	_ =	shalt  }
0x6e: {  	_ =	shalt  }
0x6f: {  	_ =	shalt  }
0x70: {  	_ =	shalt  }
0x71: {  	_ =	shalt  }
0x72: {  	_ =	shalt  }
0x73: {  	_ =	shalt  }
0x74: {  	_ =	shalt  }
0x75: {  	_ =	shalt  }
0x76: {  	_ =	shalt  }
0x77: {  	_ =	shalt  }
0x78: {  	_ =	shalt  }
0x79: {  	_ =	shalt  }
0x7a: {  	_ =	shalt  }
0x7b: {  	_ =	shalt  }
0x7c: {  	_ =	shalt  }
0x7d: {  	_ =	shalt  }
0x7e: {  	_ =	shalt  }
0x7f: {  	_ =	shalt  }
0x80: {  	_ =	shalt  }
0x81: {  	_ =	shalt  }
0x82: {  	_ =	shalt  }
0x83: {  	_ =	shalt  }
0x84: {  	_ =	shalt  }
0x85: {  	_ =	shalt  }
0x86: {  	_ =	shalt  }
0x87: {  	_ =	shalt  }
.Lfunc_end0:
.L_simem_size_0:
called_computation.2_lowered:
.L_overlay_start_0:
0x88: {  	s2 =	sld [smem:$0x3FD9]  }
0x89: {  	s3 =	sld [smem:$0x3FFE];
	_ =	sdelay $0x1  }
0x8a: {  	s1 =	srdreg.scid  }
0x8b: {  	s0 =	sand.u32 $0x1, s1  }
0x8c: {  	s14 =	sshll.u32 s0, $0xA;
	s2 =	sadd.s32 s3, s2  }
0x8d: {  	s2 =	sadd.s32 s2, s14  }
0x8e: {  	[smem:$0x3FC3] =	sst s2  }
0x8f: {  	_ = 	snop  }
0x90: {  	s2 =	sld [smem:$0x3FD0];
	_ =	sdelay $0x2  }
0x91: {  	s15 =	simm.s32 $0xA;
	s4 =	simm.s32 $0x10  }
0x92: {  	[smem:s4], [sflag:s15] =	dma.local [hbm:s2], $0x1  }
0x93: {  	_ =	swait.eq [sflag:s15], $0x1  }
0x94: {  	[sflag:s15] =	ssyncset.done $0x0  }
0x95: {  	s16 =	sld [smem:$0x10];
	[sflag:s15] =	ssyncadd.s32 $0xFFFFFFFF  }
0x96: {  	s17 =	sld [smem:$0x11];
	(tm) =	ssettm $0x1  }
0x97: {  	s18 =	sld [smem:$0x3FFB];
	_ =	sdelay $0x3  }
0x98: {  	_ =	strace s18  }
0x99: {  	s4 =	sld [smem:$0x3FFC];
	_ =	sdelay $0x3  }
0x9a: {  	_ =	strace s4  }
0x9b: {  	s4 =	sld [smem:$0x3FFD];
	_ =	sdelay $0x3  }
0x9c: {  	_ =	strace s4  }
0x9d: {  	_ =	strace $0x8FFFFFFF  }
0x9e: {  	s19 =	sld [smem:$0x3FDB];
	_ =	sdelay $0x1  }
0x9f: {  	s5 =	simm.s32 $_scs_section_size  }
0xa0: {  	s6 =	simm.s32 $_size__tile_overlayer_lowered;
	s7 =	simm.s32 $_tile_overlayer_lowered  }
0xa1: {  	s22 =	simm.s32 $0x1BFF;
	s21 =	sshll.u32 s7, $0x1;
	s4 =	sadd.s32 s5, s19  }
0xa2: {  	s8 =	simm.s32 $0x0;
	s20 =	sshll.u32 s6, $0x1;
	s6 =	sadd.s32 s21, s4  }
0xa3: {  	[timem:s8], [sflag:s22] =	dma.local [hbm:s6], s20  }
0xa4: {  	_ =	swait.ge [sflag:s22], s20  }
0xa5: {  	s5 =	ssub.s32 $0x0, s20;
	[sflag:s22] =	ssyncset.done $0x0  }
0xa6: {  	[sflag:s22] =	ssyncadd.s32 s5;
	_ =	sdelay $0x1  }
0xa7: {  	s23 =	simm.s32 $0x1B8B  }
0xa8: {  	_ =	swait.ge [sflag:s23], $0x1  }
0xa9: {  	[sflag:s23] =	ssyncset.done $0x0  }
0xaa: {  	s25 =	simm.s32 $0x1B8E;
	s24 =	sld [smem:$0x3FFE];
	[sflag:s23] =	ssyncadd.s32 $0xFFFFFFFF  }
0xab: {  	s26 =	simm.s32 $execute0_lowered;
	[smem:$0x3FD2] =	sst s25  }
0xac: {  	s6 =	sshll.u32 s26, $0x1;
	_ =	strace $0x8000004C;
	[dreg:$0x1] =	wrdreg $0xFFFFFFFF  }
0xad: {  	s28 =	simm.s32 $_size_execute0_lowered;
	s4 =	sadd.s32 s4, s6;
	[dreg:$0x0] =	wrdreg $0x0  }
0xae: {  	s6 =	sshll.u32 s28, $0x1;
	[dreg:$0x2] =	wrdreg s4  }
0xaf: {  	[dreg:$0x3] =	wrdreg s6  }
0xb0: {  	[dreg:$0x4] =	wrdreg $0xC0  }
0xb1: {  	_ =	task [dreg:s8], $0x5FFFF  }
0xb2: {  	[dreg:$0x1] =	wrdreg $0xFFFFFFFF  }
0xb3: {  	[dreg:$0x0] =	wrdreg $0x60  }
0xb4: {  	[dreg:$0x2] =	wrdreg s16  }
0xb5: {  	[dreg:$0x3] =	wrdreg s17  }
0xb6: {  	[dreg:$0x4] =	wrdreg s24  }
0xb7: {  	[dreg:$0x5] =	wrdreg $0x9  }
0xb8: {  	_ =	task.clear_ibuf [dreg:s8], $0x6FFFF;
	_ =	strace $0x9000004C  }
0xb9: {  	s29 =	simm.s32 $0x9;
	_ =	strace $0x8000004E  }
0xba: {  	_ =	swait.ge [sflag:s29], $0x1  }
0xbb: {  	[sflag:s29] =	ssyncadd.s32 $0xFFFFFFFF  }
0xbc: {  	_ =	strace $0x9000004E  }
0xbd: {  	_ =	sfence  }
0xbe: {  	s30 =	sld [smem:$0x0];
	_ =	sdelay $0x2  }
0xbf: {  	s31 =	sshll.u32 s1, $0xD;
	s1 =	sshrl.u32 s1, $0x2  }
0xc0: {  	s3 =	sand.u32 $0x4000, s31;
	s1 =	sadd.s32 s1, s30  }
0xc1: {  	s0 =	sor.u32 s3, s0;
	s1 =	sshll.u32 s1, $0x11  }
0xc2: {  	s0 =	sor.u32 s1, s0  }
0xc3: {  	s0 =	sadd.s32 $0x8F2B, s0  }
0xc4: {  	[sflag:s0] =	ssyncadd.remote.s32 $0x1  }
0xc5: {  	_ =	sfence.sel $0xFFFF  }
0xc6: {  	[dreg:$0x0] =	wrdreg $0xFFFFFFFF;
	(pc) =	sbr.abs _section_cstart, $3  }
0xc7: {  	[dreg:$0x1] =	wrdreg $0xFFFFFFFF  }
0xc8: {  	_ =	task.clear_ibuf [dreg:s8], $0x2FFFF;
	_ =	strace $0x9FFFFFFF  }
0xc9: {  	(tm) =	ssettm $0x7FFFFFFF  }
tec
execute0_lowered:
.L_overlay_start_1:
0x0: {  	(tag) =	ssettag $0x1  }
0x1: {  	s1 =	rddreg [dreg:$0x0];
	s0 =	srdreg.scid  }
0x2: {  	s2 =	rddreg [dreg:$0x1];
	s3 =	stileid.u32  }
0x3: {  	s4 =	rddreg [dreg:$0x2];
	s29 =	simm.s32 $0x880;
	s30 =	simm.s32 $0x1080  }
0x4: {  	s31 =	simm.s32 $0x1880;
	s14 =	simm.s32 $0x3080;
	s15 =	simm.s32 $0x3880  }
0x5: {  	s16 =	simm.s32 $0x4080;
	s17 =	simm.s32 $0x4880;
	s18 =	simm.s32 $0x5080  }
0x6: {  	s19 =	simm.s32 $0x5880;
	s0 =	sand.u32 $0x1, s0;
	s5 =	sshll.u32 s3, $0x8  }
0x7: {  	s3 =	simm.s32 $0x0;
	s11 =	sadd.s32 $0x1AA00, s4;
	s4 =	sadd.s32 $0x100, s1  }
0x8: {  	s7 =	sadd.s32 $0x400, s1;
	s8 =	sadd.s32 $0x500, s1;
	s6 =	sshll.u32 s0, $0x7  }
0x9: {  	[smem:$0x7FF] =	sst s3;
	s0 =	ssub.s32 $0x2, s0;
	s10 =	sor.u32 s6, s5  }
0xa: {  	_ =	strace $0x8000004D;
	s20 =	sshrl.u32 s0, $0x1;
	s6 =	sadd.s32 $0x300, s1  }
0xb: {  	s5 =	sshrl.u32 s10, $0x3;
	s0 =	ssub.s32 s0, s20;
	s9 =	sshll.u32 s10, $0x8  }
0xc: {  	s12 =	sor.u32 $0x20, s10;
	s22 =	sor.u32 $0x40, s10;
	s10 =	sor.u32 $0x60, s10  }
0xd: {  	s20 =	simm.s32 $0x6080;
	s5 =	sadd.s32 s2, s5;
	s9 =	sadd.s32 s11, s9  }
0xe: {  	s13 =	sshrl.u32 s12, $0x3;
	s12 =	sshll.u32 s12, $0x8;
	s23 =	sshrl.u32 s22, $0x3  }
0xf: {  	s25 =	sshrl.u32 s10, $0x3;
	s26 =	sshll.u32 s10, $0x8;
	[dreg:$0x4] =	wrdreg s5  }
0x10: {  	s10 =	sadd.s32 $0x700, s1;
	s5 =	sadd.s32 $0x200, s1;
	[dreg:$0x5] =	wrdreg s9  }
0x11: {  	s21 =	sadd.s32 s2, s13;
	s12 =	sadd.s32 s11, s12;
	s9 =	sadd.s32 $0x600, s1  }
0x12: {  	s13 =	sshll.u32 s22, $0x8;
	s28 =	sadd.s32 s11, s26;
	[dreg:$0x6] =	wrdreg s21  }
0x13: {  	s26 =	simm.s32 $0x1;
	s22 =	simm.s32 $0x7080;
	[dreg:$0x7] =	wrdreg s12  }
0x14: {  	s12 =	sadd.s32 s2, s23;
	s24 =	sadd.s32 s11, s13;
	[dreg:$0xb] =	wrdreg s28  }
0x15: {  	s2 =	sadd.s32 s2, s25;
	s11 =	smax.u32 s0, $0x1;
	[dreg:$0x8] =	wrdreg s12  }
0x16: {  	v2 =	vlaneseq.u32;
	s13 =	simm.s32 $0x80;
	s21 =	simm.s32 $0x6880;
	[dreg:$0x9] =	wrdreg s24  }
0x17: {  	vm0 =	vmmov $0xffff;
	v1 =	vshrl.u32 v2, $0x3;
	s23 =	simm.s32 $0x7880;
	s25 =	simm.s32 $0x8880;
	[dreg:$0xa] =	wrdreg s2  }
0x18: {  	v0 =	vand.u32 $0x7, v2;
	v2 =	vor.u32 $0x8, v2;
	v1 =	vmul.u32 $0x8, v1;
	s12 =	simm.s32 $0x2;
	s2 =	simm.s32 $0x2080;
	s24 =	simm.s32 $0x8080  }
.LBB2_1:
0x19: {  	s28 =	rddreg [dreg:$0x4]  }
0x1a: {  	[tilespmem:s3], [sflag:$0x2] =	stream.linear.gather [hbm4b:s28+s3], $0x20, $0x38;
	[tilespmem:$0x10080] =	vst v63  }
0x1b: {  	_ =	swait.ge [sflag:s12], $0x20  }
0x1c: {  	[sflag:s12] =	ssyncset.done $0x0  }
0x1d: {  	[sflag:s12] =	ssyncadd.s32 $0xFFFFFFE0  }
0x1e: {  	v3 =	vld [tilespmem:$0x0];
	_ =	sdelay $0x4  }
0x1f: {  	v4 =	vshll.u32 v3, $0x4  }
0x20: {  	v3 =	vand.u32 $0x7, v3;
	v4 =	vand.u32 $0xFFFFFF80, v4  }
0x21: {  	v3 =	vor.u32 v3, v4  }
0x22: {  	v4 =	vperm.xlane v3, v0;
	_ =	sdelay $0x1  }
0x23: {  	v4 =	vadd.s32 v1, v4;
	_ =	sdelay $0x4  }
0x24: {  	[tilespmem:s13], [sflag:$0x1] =	stream.indirect_vreg.gather [hbm4b:s1+s3], $0x80, v4, vm0, $0xb8;
	[tilespmem:$0x10080] =	vst v63  }
0x25: {  	_ = 	snop  }
0x26: {  	[tilespmem:s29], [sflag:$0x1] =	stream.indirect_vreg.gather [hbm4b:s4+s3], $0x80, v4, vm0, $0xb8;
	[tilespmem:$0x10080] =	vst v63  }
0x27: {  	_ = 	snop  }
0x28: {  	[tilespmem:s30], [sflag:$0x1] =	stream.indirect_vreg.gather [hbm4b:s5+s3], $0x80, v4, vm0, $0xb8;
	[tilespmem:$0x10080] =	vst v63  }
0x29: {  	_ = 	snop  }
0x2a: {  	[tilespmem:s31], [sflag:$0x1] =	stream.indirect_vreg.gather [hbm4b:s6+s3], $0x80, v4, vm0, $0xb8;
	[tilespmem:$0x10080] =	vst v63  }
0x2b: {  	_ = 	snop  }
0x2c: {  	[tilespmem:s2], [sflag:$0x1] =	stream.indirect_vreg.gather [hbm4b:s7+s3], $0x80, v4, vm0, $0xb8;
	[tilespmem:$0x10080] =	vst v63  }
0x2d: {  	s0 =	simm.s32 $0x2880;
	v3 =	vperm.xlane v3, v2  }
0x2e: {  	[tilespmem:s0], [sflag:$0x1] =	stream.indirect_vreg.gather [hbm4b:s8+s3], $0x80, v4, vm0, $0xb8;
	[tilespmem:$0x10080] =	vst v63  }
0x2f: {  	v3 =	vadd.s32 v1, v3  }
0x30: {  	[tilespmem:s14], [sflag:$0x1] =	stream.indirect_vreg.gather [hbm4b:s9+s3], $0x80, v4, vm0, $0xb8;
	[tilespmem:$0x10080] =	vst v63  }
0x31: {  	_ = 	snop  }
0x32: {  	[tilespmem:s15], [sflag:$0x1] =	stream.indirect_vreg.gather [hbm4b:s10+s3], $0x80, v4, vm0, $0xb8;
	[tilespmem:$0x10080] =	vst v63  }
0x33: {  	_ = 	snop  }
0x34: {  	[tilespmem:s16], [sflag:$0x1] =	stream.indirect_vreg.gather [hbm4b:s1+s3], $0x80, v3, vm0, $0xb8;
	[tilespmem:$0x10080] =	vst v63  }
0x35: {  	_ = 	snop  }
0x36: {  	[tilespmem:s17], [sflag:$0x1] =	stream.indirect_vreg.gather [hbm4b:s4+s3], $0x80, v3, vm0, $0xb8;
	[tilespmem:$0x10080] =	vst v63  }
0x37: {  	_ = 	snop  }
0x38: {  	[tilespmem:s18], [sflag:$0x1] =	stream.indirect_vreg.gather [hbm4b:s5+s3], $0x80, v3, vm0, $0xb8;
	[tilespmem:$0x10080] =	vst v63  }
0x39: {  	_ = 	snop  }
0x3a: {  	[tilespmem:s19], [sflag:$0x1] =	stream.indirect_vreg.gather [hbm4b:s6+s3], $0x80, v3, vm0, $0xb8;
	[tilespmem:$0x10080] =	vst v63  }
0x3b: {  	_ = 	snop  }
0x3c: {  	[tilespmem:s20], [sflag:$0x1] =	stream.indirect_vreg.gather [hbm4b:s7+s3], $0x80, v3, vm0, $0xb8;
	[tilespmem:$0x10080] =	vst v63  }
0x3d: {  	_ = 	snop  }
0x3e: {  	[tilespmem:s21], [sflag:$0x1] =	stream.indirect_vreg.gather [hbm4b:s8+s3], $0x80, v3, vm0, $0xb8;
	[tilespmem:$0x10080] =	vst v63  }
0x3f: {  	_ = 	snop  }
0x40: {  	[tilespmem:s22], [sflag:$0x1] =	stream.indirect_vreg.gather [hbm4b:s9+s3], $0x80, v3, vm0, $0xb8;
	[tilespmem:$0x10080] =	vst v63  }
0x41: {  	_ = 	snop  }
0x42: {  	[tilespmem:s23], [sflag:$0x1] =	stream.indirect_vreg.gather [hbm4b:s10+s3], $0x80, v3, vm0, $0xb8;
	[tilespmem:$0x10080] =	vst v63  }
0x43: {  	v3 =	vld [tilespmem:$0x10];
	_ =	sdelay $0x4  }
0x44: {  	v57 =	vshll.u32 v3, $0x4  }
0x45: {  	v3 =	vand.u32 $0x7, v3;
	v4 =	vand.u32 $0xFFFFFF80, v57  }
0x46: {  	v3 =	vor.u32 v3, v4  }
0x47: {  	v4 =	vperm.xlane v3, v0;
	_ =	sdelay $0x1  }
0x48: {  	v4 =	vadd.s32 v1, v4;
	_ =	sdelay $0x4  }
0x49: {  	[tilespmem:s24], [sflag:$0x1] =	stream.indirect_vreg.gather [hbm4b:s1+s3], $0x80, v4, vm0, $0xb8;
	[tilespmem:$0x10080] =	vst v63  }
0x4a: {  	_ = 	snop  }
0x4b: {  	[tilespmem:s25], [sflag:$0x1] =	stream.indirect_vreg.gather [hbm4b:s4+s3], $0x80, v4, vm0, $0xb8;
	[tilespmem:$0x10080] =	vst v63  }
0x4c: {  	s28 =	simm.s32 $0x9080  }
0x4d: {  	[tilespmem:s28], [sflag:$0x1] =	stream.indirect_vreg.gather [hbm4b:s5+s3], $0x80, v4, vm0, $0xb8;
	[tilespmem:$0x10080] =	vst v63  }
0x4e: {  	s28 =	simm.s32 $0x9880  }
0x4f: {  	[tilespmem:s28], [sflag:$0x1] =	stream.indirect_vreg.gather [hbm4b:s6+s3], $0x80, v4, vm0, $0xb8;
	[tilespmem:$0x10080] =	vst v63  }
0x50: {  	s28 =	simm.s32 $0xA080  }
0x51: {  	[tilespmem:s28], [sflag:$0x1] =	stream.indirect_vreg.gather [hbm4b:s7+s3], $0x80, v4, vm0, $0xb8;
	[tilespmem:$0x10080] =	vst v63  }
0x52: {  	v3 =	vperm.xlane v3, v2;
	s28 =	simm.s32 $0xA880  }
0x53: {  	[tilespmem:s28], [sflag:$0x1] =	stream.indirect_vreg.gather [hbm4b:s8+s3], $0x80, v4, vm0, $0xb8;
	[tilespmem:$0x10080] =	vst v63  }
0x54: {  	v3 =	vadd.s32 v1, v3;
	s28 =	simm.s32 $0xB080  }
0x55: {  	[tilespmem:s28], [sflag:$0x1] =	stream.indirect_vreg.gather [hbm4b:s9+s3], $0x80, v4, vm0, $0xb8;
	[tilespmem:$0x10080] =	vst v63  }
0x56: {  	s28 =	simm.s32 $0xB880  }
0x57: {  	[tilespmem:s28], [sflag:$0x1] =	stream.indirect_vreg.gather [hbm4b:s10+s3], $0x80, v4, vm0, $0xb8;
	[tilespmem:$0x10080] =	vst v63  }
0x58: {  	s28 =	simm.s32 $0xC080  }
0x59: {  	[tilespmem:s28], [sflag:$0x1] =	stream.indirect_vreg.gather [hbm4b:s1+s3], $0x80, v3, vm0, $0xb8;
	[tilespmem:$0x10080] =	vst v63  }
0x5a: {  	s28 =	simm.s32 $0xC880  }
0x5b: {  	[tilespmem:s28], [sflag:$0x1] =	stream.indirect_vreg.gather [hbm4b:s4+s3], $0x80, v3, vm0, $0xb8;
	[tilespmem:$0x10080] =	vst v63  }
0x5c: {  	s28 =	simm.s32 $0xD080  }
0x5d: {  	[tilespmem:s28], [sflag:$0x1] =	stream.indirect_vreg.gather [hbm4b:s5+s3], $0x80, v3, vm0, $0xb8;
	[tilespmem:$0x10080] =	vst v63  }
0x5e: {  	s28 =	simm.s32 $0xD880  }
0x5f: {  	[tilespmem:s28], [sflag:$0x1] =	stream.indirect_vreg.gather [hbm4b:s6+s3], $0x80, v3, vm0, $0xb8;
	[tilespmem:$0x10080] =	vst v63  }
0x60: {  	s28 =	simm.s32 $0xE080  }
0x61: {  	[tilespmem:s28], [sflag:$0x1] =	stream.indirect_vreg.gather [hbm4b:s7+s3], $0x80, v3, vm0, $0xb8;
	[tilespmem:$0x10080] =	vst v63  }
0x62: {  	s28 =	simm.s32 $0xE880  }
0x63: {  	[tilespmem:s28], [sflag:$0x1] =	stream.indirect_vreg.gather [hbm4b:s8+s3], $0x80, v3, vm0, $0xb8;
	[tilespmem:$0x10080] =	vst v63  }
0x64: {  	s28 =	simm.s32 $0xF080  }
0x65: {  	[tilespmem:s28], [sflag:$0x1] =	stream.indirect_vreg.gather [hbm4b:s9+s3], $0x80, v3, vm0, $0xb8;
	[tilespmem:$0x10080] =	vst v63  }
0x66: {  	s28 =	simm.s32 $0xF880  }
0x67: {  	[tilespmem:s28], [sflag:$0x1] =	stream.indirect_vreg.gather [hbm4b:s10+s3], $0x80, v3, vm0, $0xb8;
	[tilespmem:$0x10080] =	vst v63  }
0x68: {  	_ =	swait.ge [sflag:s26], $0x10000  }
0x69: {  	[sflag:s26] =	ssyncset.done $0x0  }
0x6a: {  	s28 =	rddreg [dreg:$0x5];
	[sflag:s26] =	ssyncadd.s32 $0xFFFF0000  }
0x6b: {  	[hbm4b:s28+s3] =	stream.linear.scatter [tilespmem:s13], [sflag:$0x2], $0x10000, $0x38;
	[tilespmem:$0x10080] =	vst v63  }
0x6c: {  	_ =	swait.ge [sflag:s12], $0x10000  }
0x6d: {  	[sflag:s12] =	ssyncset.done $0x0  }
0x6e: {  	s28 =	rddreg [dreg:$0x6];
	[sflag:s12] =	ssyncadd.s32 $0xFFFF0000  }
0x6f: {  	[tilespmem:s3], [sflag:$0x2] =	stream.linear.gather [hbm4b:s28+s3], $0x20, $0x38;
	[tilespmem:$0x10080] =	vst v63  }
0x70: {  	_ =	swait.ge [sflag:s12], $0x20  }
0x71: {  	[sflag:s12] =	ssyncset.done $0x0  }
0x72: {  	[sflag:s12] =	ssyncadd.s32 $0xFFFFFFE0  }
0x73: {  	v3 =	vld [tilespmem:$0x0];
	_ =	sdelay $0x4  }
0x74: {  	v58 =	vshll.u32 v3, $0x4  }
0x75: {  	v3 =	vand.u32 $0x7, v3;
	v4 =	vand.u32 $0xFFFFFF80, v58  }
0x76: {  	v3 =	vor.u32 v3, v4  }
0x77: {  	v4 =	vperm.xlane v3, v0;
	_ =	sdelay $0x1  }
0x78: {  	v4 =	vadd.s32 v1, v4;
	_ =	sdelay $0x4  }
0x79: {  	[tilespmem:s13], [sflag:$0x1] =	stream.indirect_vreg.gather [hbm4b:s1+s3], $0x80, v4, vm0, $0xb8;
	[tilespmem:$0x10080] =	vst v63  }
0x7a: {  	_ = 	snop  }
0x7b: {  	[tilespmem:s29], [sflag:$0x1] =	stream.indirect_vreg.gather [hbm4b:s4+s3], $0x80, v4, vm0, $0xb8;
	[tilespmem:$0x10080] =	vst v63  }
0x7c: {  	_ = 	snop  }
0x7d: {  	[tilespmem:s30], [sflag:$0x1] =	stream.indirect_vreg.gather [hbm4b:s5+s3], $0x80, v4, vm0, $0xb8;
	[tilespmem:$0x10080] =	vst v63  }
0x7e: {  	_ = 	snop  }
0x7f: {  	[tilespmem:s31], [sflag:$0x1] =	stream.indirect_vreg.gather [hbm4b:s6+s3], $0x80, v4, vm0, $0xb8;
	[tilespmem:$0x10080] =	vst v63  }
0x80: {  	_ = 	snop  }
0x81: {  	[tilespmem:s2], [sflag:$0x1] =	stream.indirect_vreg.gather [hbm4b:s7+s3], $0x80, v4, vm0, $0xb8;
	[tilespmem:$0x10080] =	vst v63  }
0x82: {  	v3 =	vperm.xlane v3, v2  }
0x83: {  	[tilespmem:s0], [sflag:$0x1] =	stream.indirect_vreg.gather [hbm4b:s8+s3], $0x80, v4, vm0, $0xb8;
	[tilespmem:$0x10080] =	vst v63  }
0x84: {  	v3 =	vadd.s32 v1, v3  }
0x85: {  	[tilespmem:s14], [sflag:$0x1] =	stream.indirect_vreg.gather [hbm4b:s9+s3], $0x80, v4, vm0, $0xb8;
	[tilespmem:$0x10080] =	vst v63  }
0x86: {  	_ = 	snop  }
0x87: {  	[tilespmem:s15], [sflag:$0x1] =	stream.indirect_vreg.gather [hbm4b:s10+s3], $0x80, v4, vm0, $0xb8;
	[tilespmem:$0x10080] =	vst v63  }
0x88: {  	_ = 	snop  }
0x89: {  	[tilespmem:s16], [sflag:$0x1] =	stream.indirect_vreg.gather [hbm4b:s1+s3], $0x80, v3, vm0, $0xb8;
	[tilespmem:$0x10080] =	vst v63  }
0x8a: {  	_ = 	snop  }
0x8b: {  	[tilespmem:s17], [sflag:$0x1] =	stream.indirect_vreg.gather [hbm4b:s4+s3], $0x80, v3, vm0, $0xb8;
	[tilespmem:$0x10080] =	vst v63  }
0x8c: {  	_ = 	snop  }
0x8d: {  	[tilespmem:s18], [sflag:$0x1] =	stream.indirect_vreg.gather [hbm4b:s5+s3], $0x80, v3, vm0, $0xb8;
	[tilespmem:$0x10080] =	vst v63  }
0x8e: {  	_ = 	snop  }
0x8f: {  	[tilespmem:s19], [sflag:$0x1] =	stream.indirect_vreg.gather [hbm4b:s6+s3], $0x80, v3, vm0, $0xb8;
	[tilespmem:$0x10080] =	vst v63  }
0x90: {  	_ = 	snop  }
0x91: {  	[tilespmem:s20], [sflag:$0x1] =	stream.indirect_vreg.gather [hbm4b:s7+s3], $0x80, v3, vm0, $0xb8;
	[tilespmem:$0x10080] =	vst v63  }
0x92: {  	_ = 	snop  }
0x93: {  	[tilespmem:s21], [sflag:$0x1] =	stream.indirect_vreg.gather [hbm4b:s8+s3], $0x80, v3, vm0, $0xb8;
	[tilespmem:$0x10080] =	vst v63  }
0x94: {  	_ = 	snop  }
0x95: {  	[tilespmem:s22], [sflag:$0x1] =	stream.indirect_vreg.gather [hbm4b:s9+s3], $0x80, v3, vm0, $0xb8;
	[tilespmem:$0x10080] =	vst v63  }
0x96: {  	_ = 	snop  }
0x97: {  	[tilespmem:s23], [sflag:$0x1] =	stream.indirect_vreg.gather [hbm4b:s10+s3], $0x80, v3, vm0, $0xb8;
	[tilespmem:$0x10080] =	vst v63  }
0x98: {  	v3 =	vld [tilespmem:$0x10];
	_ =	sdelay $0x4  }
0x99: {  	v59 =	vshll.u32 v3, $0x4  }
0x9a: {  	v3 =	vand.u32 $0x7, v3;
	v4 =	vand.u32 $0xFFFFFF80, v59  }
0x9b: {  	v3 =	vor.u32 v3, v4  }
0x9c: {  	v4 =	vperm.xlane v3, v0;
	_ =	sdelay $0x1  }
0x9d: {  	v4 =	vadd.s32 v1, v4;
	_ =	sdelay $0x4  }
0x9e: {  	[tilespmem:s24], [sflag:$0x1] =	stream.indirect_vreg.gather [hbm4b:s1+s3], $0x80, v4, vm0, $0xb8;
	[tilespmem:$0x10080] =	vst v63  }
0x9f: {  	_ = 	snop  }
0xa0: {  	[tilespmem:s25], [sflag:$0x1] =	stream.indirect_vreg.gather [hbm4b:s4+s3], $0x80, v4, vm0, $0xb8;
	[tilespmem:$0x10080] =	vst v63  }
0xa1: {  	s28 =	simm.s32 $0x9080  }
0xa2: {  	[tilespmem:s28], [sflag:$0x1] =	stream.indirect_vreg.gather [hbm4b:s5+s3], $0x80, v4, vm0, $0xb8;
	[tilespmem:$0x10080] =	vst v63  }
0xa3: {  	s28 =	simm.s32 $0x9880  }
0xa4: {  	[tilespmem:s28], [sflag:$0x1] =	stream.indirect_vreg.gather [hbm4b:s6+s3], $0x80, v4, vm0, $0xb8;
	[tilespmem:$0x10080] =	vst v63  }
0xa5: {  	s28 =	simm.s32 $0xA080  }
0xa6: {  	[tilespmem:s28], [sflag:$0x1] =	stream.indirect_vreg.gather [hbm4b:s7+s3], $0x80, v4, vm0, $0xb8;
	[tilespmem:$0x10080] =	vst v63  }
0xa7: {  	v3 =	vperm.xlane v3, v2;
	s28 =	simm.s32 $0xA880  }
0xa8: {  	[tilespmem:s28], [sflag:$0x1] =	stream.indirect_vreg.gather [hbm4b:s8+s3], $0x80, v4, vm0, $0xb8;
	[tilespmem:$0x10080] =	vst v63  }
0xa9: {  	v3 =	vadd.s32 v1, v3;
	s28 =	simm.s32 $0xB080  }
0xaa: {  	[tilespmem:s28], [sflag:$0x1] =	stream.indirect_vreg.gather [hbm4b:s9+s3], $0x80, v4, vm0, $0xb8;
	[tilespmem:$0x10080] =	vst v63  }
0xab: {  	s28 =	simm.s32 $0xB880  }
0xac: {  	[tilespmem:s28], [sflag:$0x1] =	stream.indirect_vreg.gather [hbm4b:s10+s3], $0x80, v4, vm0, $0xb8;
	[tilespmem:$0x10080] =	vst v63  }
0xad: {  	s28 =	simm.s32 $0xC080  }
0xae: {  	[tilespmem:s28], [sflag:$0x1] =	stream.indirect_vreg.gather [hbm4b:s1+s3], $0x80, v3, vm0, $0xb8;
	[tilespmem:$0x10080] =	vst v63  }
0xaf: {  	s28 =	simm.s32 $0xC880  }
0xb0: {  	[tilespmem:s28], [sflag:$0x1] =	stream.indirect_vreg.gather [hbm4b:s4+s3], $0x80, v3, vm0, $0xb8;
	[tilespmem:$0x10080] =	vst v63  }
0xb1: {  	s28 =	simm.s32 $0xD080  }
0xb2: {  	[tilespmem:s28], [sflag:$0x1] =	stream.indirect_vreg.gather [hbm4b:s5+s3], $0x80, v3, vm0, $0xb8;
	[tilespmem:$0x10080] =	vst v63  }
0xb3: {  	s28 =	simm.s32 $0xD880  }
0xb4: {  	[tilespmem:s28], [sflag:$0x1] =	stream.indirect_vreg.gather [hbm4b:s6+s3], $0x80, v3, vm0, $0xb8;
	[tilespmem:$0x10080] =	vst v63  }
0xb5: {  	s28 =	simm.s32 $0xE080  }
0xb6: {  	[tilespmem:s28], [sflag:$0x1] =	stream.indirect_vreg.gather [hbm4b:s7+s3], $0x80, v3, vm0, $0xb8;
	[tilespmem:$0x10080] =	vst v63  }
0xb7: {  	s28 =	simm.s32 $0xE880  }
0xb8: {  	[tilespmem:s28], [sflag:$0x1] =	stream.indirect_vreg.gather [hbm4b:s8+s3], $0x80, v3, vm0, $0xb8;
	[tilespmem:$0x10080] =	vst v63  }
0xb9: {  	s28 =	simm.s32 $0xF080  }
0xba: {  	[tilespmem:s28], [sflag:$0x1] =	stream.indirect_vreg.gather [hbm4b:s9+s3], $0x80, v3, vm0, $0xb8;
	[tilespmem:$0x10080] =	vst v63  }
0xbb: {  	s28 =	simm.s32 $0xF880  }
0xbc: {  	[tilespmem:s28], [sflag:$0x1] =	stream.indirect_vreg.gather [hbm4b:s10+s3], $0x80, v3, vm0, $0xb8;
	[tilespmem:$0x10080] =	vst v63  }
0xbd: {  	_ =	swait.ge [sflag:s26], $0x10000  }
0xbe: {  	[sflag:s26] =	ssyncset.done $0x0  }
0xbf: {  	s28 =	rddreg [dreg:$0x7];
	[sflag:s26] =	ssyncadd.s32 $0xFFFF0000  }
0xc0: {  	[hbm4b:s28+s3] =	stream.linear.scatter [tilespmem:s13], [sflag:$0x2], $0x10000, $0x38;
	[tilespmem:$0x10080] =	vst v63  }
0xc1: {  	_ =	swait.ge [sflag:s12], $0x10000  }
0xc2: {  	[sflag:s12] =	ssyncset.done $0x0  }
0xc3: {  	s28 =	rddreg [dreg:$0x8];
	[sflag:s12] =	ssyncadd.s32 $0xFFFF0000  }
0xc4: {  	[tilespmem:s3], [sflag:$0x2] =	stream.linear.gather [hbm4b:s28+s3], $0x20, $0x38;
	[tilespmem:$0x10080] =	vst v63  }
0xc5: {  	_ =	swait.ge [sflag:s12], $0x20  }
0xc6: {  	[sflag:s12] =	ssyncset.done $0x0  }
0xc7: {  	[sflag:s12] =	ssyncadd.s32 $0xFFFFFFE0  }
0xc8: {  	v3 =	vld [tilespmem:$0x0];
	_ =	sdelay $0x4  }
0xc9: {  	v60 =	vshll.u32 v3, $0x4  }
0xca: {  	v3 =	vand.u32 $0x7, v3;
	v4 =	vand.u32 $0xFFFFFF80, v60  }
0xcb: {  	v3 =	vor.u32 v3, v4  }
0xcc: {  	v4 =	vperm.xlane v3, v0;
	_ =	sdelay $0x1  }
0xcd: {  	v4 =	vadd.s32 v1, v4;
	_ =	sdelay $0x4  }
0xce: {  	[tilespmem:s13], [sflag:$0x1] =	stream.indirect_vreg.gather [hbm4b:s1+s3], $0x80, v4, vm0, $0xb8;
	[tilespmem:$0x10080] =	vst v63  }
0xcf: {  	_ = 	snop  }
0xd0: {  	[tilespmem:s29], [sflag:$0x1] =	stream.indirect_vreg.gather [hbm4b:s4+s3], $0x80, v4, vm0, $0xb8;
	[tilespmem:$0x10080] =	vst v63  }
0xd1: {  	_ = 	snop  }
0xd2: {  	[tilespmem:s30], [sflag:$0x1] =	stream.indirect_vreg.gather [hbm4b:s5+s3], $0x80, v4, vm0, $0xb8;
	[tilespmem:$0x10080] =	vst v63  }
0xd3: {  	_ = 	snop  }
0xd4: {  	[tilespmem:s31], [sflag:$0x1] =	stream.indirect_vreg.gather [hbm4b:s6+s3], $0x80, v4, vm0, $0xb8;
	[tilespmem:$0x10080] =	vst v63  }
0xd5: {  	_ = 	snop  }
0xd6: {  	[tilespmem:s2], [sflag:$0x1] =	stream.indirect_vreg.gather [hbm4b:s7+s3], $0x80, v4, vm0, $0xb8;
	[tilespmem:$0x10080] =	vst v63  }
0xd7: {  	v3 =	vperm.xlane v3, v2  }
0xd8: {  	[tilespmem:s0], [sflag:$0x1] =	stream.indirect_vreg.gather [hbm4b:s8+s3], $0x80, v4, vm0, $0xb8;
	[tilespmem:$0x10080] =	vst v63  }
0xd9: {  	v3 =	vadd.s32 v1, v3  }
0xda: {  	[tilespmem:s14], [sflag:$0x1] =	stream.indirect_vreg.gather [hbm4b:s9+s3], $0x80, v4, vm0, $0xb8;
	[tilespmem:$0x10080] =	vst v63  }
0xdb: {  	_ = 	snop  }
0xdc: {  	[tilespmem:s15], [sflag:$0x1] =	stream.indirect_vreg.gather [hbm4b:s10+s3], $0x80, v4, vm0, $0xb8;
	[tilespmem:$0x10080] =	vst v63  }
0xdd: {  	_ = 	snop  }
0xde: {  	[tilespmem:s16], [sflag:$0x1] =	stream.indirect_vreg.gather [hbm4b:s1+s3], $0x80, v3, vm0, $0xb8;
	[tilespmem:$0x10080] =	vst v63  }
0xdf: {  	_ = 	snop  }
0xe0: {  	[tilespmem:s17], [sflag:$0x1] =	stream.indirect_vreg.gather [hbm4b:s4+s3], $0x80, v3, vm0, $0xb8;
	[tilespmem:$0x10080] =	vst v63  }
0xe1: {  	_ = 	snop  }
0xe2: {  	[tilespmem:s18], [sflag:$0x1] =	stream.indirect_vreg.gather [hbm4b:s5+s3], $0x80, v3, vm0, $0xb8;
	[tilespmem:$0x10080] =	vst v63  }
0xe3: {  	_ = 	snop  }
0xe4: {  	[tilespmem:s19], [sflag:$0x1] =	stream.indirect_vreg.gather [hbm4b:s6+s3], $0x80, v3, vm0, $0xb8;
	[tilespmem:$0x10080] =	vst v63  }
0xe5: {  	_ = 	snop  }
0xe6: {  	[tilespmem:s20], [sflag:$0x1] =	stream.indirect_vreg.gather [hbm4b:s7+s3], $0x80, v3, vm0, $0xb8;
	[tilespmem:$0x10080] =	vst v63  }
0xe7: {  	_ = 	snop  }
0xe8: {  	[tilespmem:s21], [sflag:$0x1] =	stream.indirect_vreg.gather [hbm4b:s8+s3], $0x80, v3, vm0, $0xb8;
	[tilespmem:$0x10080] =	vst v63  }
0xe9: {  	_ = 	snop  }
0xea: {  	[tilespmem:s22], [sflag:$0x1] =	stream.indirect_vreg.gather [hbm4b:s9+s3], $0x80, v3, vm0, $0xb8;
	[tilespmem:$0x10080] =	vst v63  }
0xeb: {  	_ = 	snop  }
0xec: {  	[tilespmem:s23], [sflag:$0x1] =	stream.indirect_vreg.gather [hbm4b:s10+s3], $0x80, v3, vm0, $0xb8;
	[tilespmem:$0x10080] =	vst v63  }
0xed: {  	v3 =	vld [tilespmem:$0x10];
	_ =	sdelay $0x4  }
0xee: {  	v61 =	vshll.u32 v3, $0x4  }
0xef: {  	v3 =	vand.u32 $0x7, v3;
	v4 =	vand.u32 $0xFFFFFF80, v61  }
0xf0: {  	v3 =	vor.u32 v3, v4  }
0xf1: {  	v4 =	vperm.xlane v3, v0;
	_ =	sdelay $0x1  }
0xf2: {  	v4 =	vadd.s32 v1, v4;
	_ =	sdelay $0x4  }
0xf3: {  	[tilespmem:s24], [sflag:$0x1] =	stream.indirect_vreg.gather [hbm4b:s1+s3], $0x80, v4, vm0, $0xb8;
	[tilespmem:$0x10080] =	vst v63  }
0xf4: {  	_ = 	snop  }
0xf5: {  	[tilespmem:s25], [sflag:$0x1] =	stream.indirect_vreg.gather [hbm4b:s4+s3], $0x80, v4, vm0, $0xb8;
	[tilespmem:$0x10080] =	vst v63  }
0xf6: {  	s28 =	simm.s32 $0x9080  }
0xf7: {  	[tilespmem:s28], [sflag:$0x1] =	stream.indirect_vreg.gather [hbm4b:s5+s3], $0x80, v4, vm0, $0xb8;
	[tilespmem:$0x10080] =	vst v63  }
0xf8: {  	s28 =	simm.s32 $0x9880  }
0xf9: {  	[tilespmem:s28], [sflag:$0x1] =	stream.indirect_vreg.gather [hbm4b:s6+s3], $0x80, v4, vm0, $0xb8;
	[tilespmem:$0x10080] =	vst v63  }
0xfa: {  	s28 =	simm.s32 $0xA080  }
0xfb: {  	[tilespmem:s28], [sflag:$0x1] =	stream.indirect_vreg.gather [hbm4b:s7+s3], $0x80, v4, vm0, $0xb8;
	[tilespmem:$0x10080] =	vst v63  }
0xfc: {  	v3 =	vperm.xlane v3, v2;
	s28 =	simm.s32 $0xA880  }
0xfd: {  	[tilespmem:s28], [sflag:$0x1] =	stream.indirect_vreg.gather [hbm4b:s8+s3], $0x80, v4, vm0, $0xb8;
	[tilespmem:$0x10080] =	vst v63  }
0xfe: {  	v3 =	vadd.s32 v1, v3;
	s28 =	simm.s32 $0xB080  }
0xff: {  	[tilespmem:s28], [sflag:$0x1] =	stream.indirect_vreg.gather [hbm4b:s9+s3], $0x80, v4, vm0, $0xb8;
	[tilespmem:$0x10080] =	vst v63  }
0x100: {  	s28 =	simm.s32 $0xB880  }
0x101: {  	[tilespmem:s28], [sflag:$0x1] =	stream.indirect_vreg.gather [hbm4b:s10+s3], $0x80, v4, vm0, $0xb8;
	[tilespmem:$0x10080] =	vst v63  }
0x102: {  	s28 =	simm.s32 $0xC080  }
0x103: {  	[tilespmem:s28], [sflag:$0x1] =	stream.indirect_vreg.gather [hbm4b:s1+s3], $0x80, v3, vm0, $0xb8;
	[tilespmem:$0x10080] =	vst v63  }
0x104: {  	s28 =	simm.s32 $0xC880  }
0x105: {  	[tilespmem:s28], [sflag:$0x1] =	stream.indirect_vreg.gather [hbm4b:s4+s3], $0x80, v3, vm0, $0xb8;
	[tilespmem:$0x10080] =	vst v63  }
0x106: {  	s28 =	simm.s32 $0xD080  }
0x107: {  	[tilespmem:s28], [sflag:$0x1] =	stream.indirect_vreg.gather [hbm4b:s5+s3], $0x80, v3, vm0, $0xb8;
	[tilespmem:$0x10080] =	vst v63  }
0x108: {  	s28 =	simm.s32 $0xD880  }
0x109: {  	[tilespmem:s28], [sflag:$0x1] =	stream.indirect_vreg.gather [hbm4b:s6+s3], $0x80, v3, vm0, $0xb8;
	[tilespmem:$0x10080] =	vst v63  }
0x10a: {  	s28 =	simm.s32 $0xE080  }
0x10b: {  	[tilespmem:s28], [sflag:$0x1] =	stream.indirect_vreg.gather [hbm4b:s7+s3], $0x80, v3, vm0, $0xb8;
	[tilespmem:$0x10080] =	vst v63  }
0x10c: {  	s28 =	simm.s32 $0xE880  }
0x10d: {  	[tilespmem:s28], [sflag:$0x1] =	stream.indirect_vreg.gather [hbm4b:s8+s3], $0x80, v3, vm0, $0xb8;
	[tilespmem:$0x10080] =	vst v63  }
0x10e: {  	s28 =	simm.s32 $0xF080  }
0x10f: {  	[tilespmem:s28], [sflag:$0x1] =	stream.indirect_vreg.gather [hbm4b:s9+s3], $0x80, v3, vm0, $0xb8;
	[tilespmem:$0x10080] =	vst v63  }
0x110: {  	s28 =	simm.s32 $0xF880  }
0x111: {  	[tilespmem:s28], [sflag:$0x1] =	stream.indirect_vreg.gather [hbm4b:s10+s3], $0x80, v3, vm0, $0xb8;
	[tilespmem:$0x10080] =	vst v63  }
0x112: {  	_ =	swait.ge [sflag:s26], $0x10000  }
0x113: {  	[sflag:s26] =	ssyncset.done $0x0  }
0x114: {  	s28 =	rddreg [dreg:$0x9];
	[sflag:s26] =	ssyncadd.s32 $0xFFFF0000  }
0x115: {  	[hbm4b:s28+s3] =	stream.linear.scatter [tilespmem:s13], [sflag:$0x2], $0x10000, $0x38;
	[tilespmem:$0x10080] =	vst v63  }
0x116: {  	_ =	swait.ge [sflag:s12], $0x10000  }
0x117: {  	[sflag:s12] =	ssyncset.done $0x0  }
0x118: {  	s28 =	rddreg [dreg:$0xa];
	[sflag:s12] =	ssyncadd.s32 $0xFFFF0000  }
0x119: {  	[tilespmem:s3], [sflag:$0x2] =	stream.linear.gather [hbm4b:s28+s3], $0x20, $0x38;
	[tilespmem:$0x10080] =	vst v63  }
0x11a: {  	_ =	swait.ge [sflag:s12], $0x20  }
0x11b: {  	[sflag:s12] =	ssyncset.done $0x0  }
0x11c: {  	[sflag:s12] =	ssyncadd.s32 $0xFFFFFFE0  }
0x11d: {  	v3 =	vld [tilespmem:$0x0];
	_ =	sdelay $0x4  }
0x11e: {  	v62 =	vshll.u32 v3, $0x4  }
0x11f: {  	v3 =	vand.u32 $0x7, v3;
	v4 =	vand.u32 $0xFFFFFF80, v62  }
0x120: {  	v3 =	vor.u32 v3, v4  }
0x121: {  	v4 =	vperm.xlane v3, v0;
	_ =	sdelay $0x1  }
0x122: {  	v4 =	vadd.s32 v1, v4;
	_ =	sdelay $0x4  }
0x123: {  	[tilespmem:s13], [sflag:$0x1] =	stream.indirect_vreg.gather [hbm4b:s1+s3], $0x80, v4, vm0, $0xb8;
	[tilespmem:$0x10080] =	vst v63  }
0x124: {  	_ = 	snop  }
0x125: {  	[tilespmem:s29], [sflag:$0x1] =	stream.indirect_vreg.gather [hbm4b:s4+s3], $0x80, v4, vm0, $0xb8;
	[tilespmem:$0x10080] =	vst v63  }
0x126: {  	_ = 	snop  }
0x127: {  	[tilespmem:s30], [sflag:$0x1] =	stream.indirect_vreg.gather [hbm4b:s5+s3], $0x80, v4, vm0, $0xb8;
	[tilespmem:$0x10080] =	vst v63  }
0x128: {  	_ = 	snop  }
0x129: {  	[tilespmem:s31], [sflag:$0x1] =	stream.indirect_vreg.gather [hbm4b:s6+s3], $0x80, v4, vm0, $0xb8;
	[tilespmem:$0x10080] =	vst v63  }
0x12a: {  	_ = 	snop  }
0x12b: {  	[tilespmem:s2], [sflag:$0x1] =	stream.indirect_vreg.gather [hbm4b:s7+s3], $0x80, v4, vm0, $0xb8;
	[tilespmem:$0x10080] =	vst v63  }
0x12c: {  	v3 =	vperm.xlane v3, v2  }
0x12d: {  	[tilespmem:s0], [sflag:$0x1] =	stream.indirect_vreg.gather [hbm4b:s8+s3], $0x80, v4, vm0, $0xb8;
	[tilespmem:$0x10080] =	vst v63  }
0x12e: {  	v3 =	vadd.s32 v1, v3  }
0x12f: {  	[tilespmem:s14], [sflag:$0x1] =	stream.indirect_vreg.gather [hbm4b:s9+s3], $0x80, v4, vm0, $0xb8;
	[tilespmem:$0x10080] =	vst v63  }
0x130: {  	_ = 	snop  }
0x131: {  	[tilespmem:s15], [sflag:$0x1] =	stream.indirect_vreg.gather [hbm4b:s10+s3], $0x80, v4, vm0, $0xb8;
	[tilespmem:$0x10080] =	vst v63  }
0x132: {  	_ = 	snop  }
0x133: {  	[tilespmem:s16], [sflag:$0x1] =	stream.indirect_vreg.gather [hbm4b:s1+s3], $0x80, v3, vm0, $0xb8;
	[tilespmem:$0x10080] =	vst v63  }
0x134: {  	_ = 	snop  }
0x135: {  	[tilespmem:s17], [sflag:$0x1] =	stream.indirect_vreg.gather [hbm4b:s4+s3], $0x80, v3, vm0, $0xb8;
	[tilespmem:$0x10080] =	vst v63  }
0x136: {  	_ = 	snop  }
0x137: {  	[tilespmem:s18], [sflag:$0x1] =	stream.indirect_vreg.gather [hbm4b:s5+s3], $0x80, v3, vm0, $0xb8;
	[tilespmem:$0x10080] =	vst v63  }
0x138: {  	_ = 	snop  }
0x139: {  	[tilespmem:s19], [sflag:$0x1] =	stream.indirect_vreg.gather [hbm4b:s6+s3], $0x80, v3, vm0, $0xb8;
	[tilespmem:$0x10080] =	vst v63  }
0x13a: {  	_ = 	snop  }
0x13b: {  	[tilespmem:s20], [sflag:$0x1] =	stream.indirect_vreg.gather [hbm4b:s7+s3], $0x80, v3, vm0, $0xb8;
	[tilespmem:$0x10080] =	vst v63  }
0x13c: {  	_ = 	snop  }
0x13d: {  	[tilespmem:s21], [sflag:$0x1] =	stream.indirect_vreg.gather [hbm4b:s8+s3], $0x80, v3, vm0, $0xb8;
	[tilespmem:$0x10080] =	vst v63  }
0x13e: {  	_ = 	snop  }
0x13f: {  	[tilespmem:s22], [sflag:$0x1] =	stream.indirect_vreg.gather [hbm4b:s9+s3], $0x80, v3, vm0, $0xb8;
	[tilespmem:$0x10080] =	vst v63  }
0x140: {  	_ = 	snop  }
0x141: {  	[tilespmem:s23], [sflag:$0x1] =	stream.indirect_vreg.gather [hbm4b:s10+s3], $0x80, v3, vm0, $0xb8;
	[tilespmem:$0x10080] =	vst v63  }
0x142: {  	v3 =	vld [tilespmem:$0x10];
	_ =	sdelay $0x4  }
0x143: {  	v63 =	vshll.u32 v3, $0x4  }
0x144: {  	v3 =	vand.u32 $0x7, v3;
	v4 =	vand.u32 $0xFFFFFF80, v63  }
0x145: {  	v3 =	vor.u32 v3, v4  }
0x146: {  	v4 =	vperm.xlane v3, v0;
	_ =	sdelay $0x1  }
0x147: {  	v4 =	vadd.s32 v1, v4;
	_ =	sdelay $0x4  }
0x148: {  	[tilespmem:s24], [sflag:$0x1] =	stream.indirect_vreg.gather [hbm4b:s1+s3], $0x80, v4, vm0, $0xb8;
	[tilespmem:$0x10080] =	vst v63  }
0x149: {  	_ = 	snop  }
0x14a: {  	[tilespmem:s25], [sflag:$0x1] =	stream.indirect_vreg.gather [hbm4b:s4+s3], $0x80, v4, vm0, $0xb8;
	[tilespmem:$0x10080] =	vst v63  }
0x14b: {  	s28 =	simm.s32 $0x9080  }
0x14c: {  	[tilespmem:s28], [sflag:$0x1] =	stream.indirect_vreg.gather [hbm4b:s5+s3], $0x80, v4, vm0, $0xb8;
	[tilespmem:$0x10080] =	vst v63  }
0x14d: {  	s28 =	simm.s32 $0x9880  }
0x14e: {  	[tilespmem:s28], [sflag:$0x1] =	stream.indirect_vreg.gather [hbm4b:s6+s3], $0x80, v4, vm0, $0xb8;
	[tilespmem:$0x10080] =	vst v63  }
0x14f: {  	s28 =	simm.s32 $0xA080  }
0x150: {  	[tilespmem:s28], [sflag:$0x1] =	stream.indirect_vreg.gather [hbm4b:s7+s3], $0x80, v4, vm0, $0xb8;
	[tilespmem:$0x10080] =	vst v63  }
0x151: {  	v3 =	vperm.xlane v3, v2;
	s28 =	simm.s32 $0xA880  }
0x152: {  	[tilespmem:s28], [sflag:$0x1] =	stream.indirect_vreg.gather [hbm4b:s8+s3], $0x80, v4, vm0, $0xb8;
	[tilespmem:$0x10080] =	vst v63  }
0x153: {  	v3 =	vadd.s32 v1, v3;
	s28 =	simm.s32 $0xB080  }
0x154: {  	[tilespmem:s28], [sflag:$0x1] =	stream.indirect_vreg.gather [hbm4b:s9+s3], $0x80, v4, vm0, $0xb8;
	[tilespmem:$0x10080] =	vst v63  }
0x155: {  	s28 =	simm.s32 $0xB880  }
0x156: {  	[tilespmem:s28], [sflag:$0x1] =	stream.indirect_vreg.gather [hbm4b:s10+s3], $0x80, v4, vm0, $0xb8;
	[tilespmem:$0x10080] =	vst v63  }
0x157: {  	s28 =	simm.s32 $0xC080  }
0x158: {  	[tilespmem:s28], [sflag:$0x1] =	stream.indirect_vreg.gather [hbm4b:s1+s3], $0x80, v3, vm0, $0xb8;
	[tilespmem:$0x10080] =	vst v63  }
0x159: {  	s28 =	simm.s32 $0xC880  }
0x15a: {  	[tilespmem:s28], [sflag:$0x1] =	stream.indirect_vreg.gather [hbm4b:s4+s3], $0x80, v3, vm0, $0xb8;
	[tilespmem:$0x10080] =	vst v63  }
0x15b: {  	s28 =	simm.s32 $0xD080  }
0x15c: {  	[tilespmem:s28], [sflag:$0x1] =	stream.indirect_vreg.gather [hbm4b:s5+s3], $0x80, v3, vm0, $0xb8;
	[tilespmem:$0x10080] =	vst v63  }
0x15d: {  	s28 =	simm.s32 $0xD880  }
0x15e: {  	[tilespmem:s28], [sflag:$0x1] =	stream.indirect_vreg.gather [hbm4b:s6+s3], $0x80, v3, vm0, $0xb8;
	[tilespmem:$0x10080] =	vst v63  }
0x15f: {  	s28 =	simm.s32 $0xE080  }
0x160: {  	[tilespmem:s28], [sflag:$0x1] =	stream.indirect_vreg.gather [hbm4b:s7+s3], $0x80, v3, vm0, $0xb8;
	[tilespmem:$0x10080] =	vst v63  }
0x161: {  	s28 =	simm.s32 $0xE880  }
0x162: {  	[tilespmem:s28], [sflag:$0x1] =	stream.indirect_vreg.gather [hbm4b:s8+s3], $0x80, v3, vm0, $0xb8;
	[tilespmem:$0x10080] =	vst v63  }
0x163: {  	s28 =	simm.s32 $0xF080  }
0x164: {  	[tilespmem:s28], [sflag:$0x1] =	stream.indirect_vreg.gather [hbm4b:s9+s3], $0x80, v3, vm0, $0xb8;
	[tilespmem:$0x10080] =	vst v63  }
0x165: {  	s28 =	simm.s32 $0xF880  }
0x166: {  	[tilespmem:s28], [sflag:$0x1] =	stream.indirect_vreg.gather [hbm4b:s10+s3], $0x80, v3, vm0, $0xb8;
	[tilespmem:$0x10080] =	vst v63  }
0x167: {  	_ =	swait.ge [sflag:s26], $0x10000  }
0x168: {  	p0 =	sne.s32 s11, $0x1;
	[sflag:s26] =	ssyncset.done $0x0  }
.Ltmp0:
0x169: {  	s0 =	rddreg [dreg:$0xb];
	[sflag:s26] =	ssyncadd.s32 $0xFFFF0000;
	(pc) =	sbr.rel @p0 .LBB2_1-.Ltmp0, $4  }
0x16a: {  	[hbm4b:s0+s3] =	stream.linear.scatter [tilespmem:s13], [sflag:$0x2], $0x10000, $0x38;
	[tilespmem:$0x10080] =	vst v63  }
0x16b: {  	_ =	swait.ge [sflag:s12], $0x10000  }
0x16c: {  	[sflag:s12] =	ssyncset.done $0x0  }
0x16d: {  	s11 =	sadd.s32 $0xFFFFFFFF, s11;
	[sflag:s12] =	ssyncadd.s32 $0xFFFF0000  }
0x16e: {  	_ =	sfence.sel $0x180000  }
0x16f: {  	[bflag:$0x0] =	sbarrier.arrive $0xFFFF  }
0x170: {  	_ =	strace $0x9000004D  }
0x171: {  	s0 =	stileid.u32;
	[bflag:$0x2] =	sbarrier.arrive $0xFFFF  }
0x172: {  	p0 =	sne.s32 s0, $0x0;
	s0 =	rddreg [dreg:$0x3]  }
0x173: {  	s0 =	sadd.s32 @!p0 $0x100000, s0  }
0x174: {  	[sflag:s0] =	ssyncadd.tile.s32 @!p0 $0x1;
	_ =	shalt  }
.Lfunc_end2:
_tile_overlayer_lowered:
.L_overlay_start_2:
0x175: {  	(tag) =	ssettag $0x2  }
0x176: {  	s0 =	rddreg [dreg:$0x0];
	s2 =	stileid.u32  }
0x177: {  	s1 =	rddreg [dreg:$0x1];
	p0 =	sne.s32 s2, $0x0  }
0x178: {  	s3 =	rddreg [dreg:$0x2];
	[bflag:$0x3] =	sbarrier.arrive $0xFFFF;
	s2 =	simm.s32 @!p0 $0x1C02  }
0x179: {  	[timem:s3], [sflag:s2] =	dma.local @!p0 [hbm:s0], s1  }
0x17a: {  	s0 =	simm.s32 @!p0 $0x2  }
0x17b: {  	_ =	swait.ge @!p0 [sflag:s0], s1  }
0x17c: {  	s1 =	ssub.s32 @!p0 $0x0, s1;
	[sflag:s0] =	ssyncset.done @!p0 $0x0  }
0x17d: {  	[sflag:s0] =	ssyncadd.s32 @!p0 s1  }
0x17e: {  	[bflag:$0x3] =	sbarrier.arrive $0xFFFF  }
0x17f: {  	_ =	shalt  }

// kernel: kernel.21.cloned.1.call-start
scs
__scs_entry_jumppad:
0x0: {  	(pc) =	sbr.rel $0x88, $3  }
0x1: {  	(tag) =	ssettag $0x0;
	lr =	simm.s32 $0x1  }
0x2: {  	[smem:$0x3F9C] =	sst lr;
	_ =	strace $0xD0000000  }
0x3: {  	_ = 	snop  }
0x4: {  	_ = 	snop  }
0x5: {  	_ = 	snop  }
0x6: {  	_ = 	snop  }
0x7: {  	_ = 	snop  }
__scs_overlays_trampoline_lowered:
0x8: {  	[smem:$0x3FAB] =	sst s0  }
0x9: {  	[smem:$0x3FAC] =	sst s1  }
0xa: {  	[smem:$0x3FAD] =	sst s2  }
0xb: {  	[smem:$0x3FAE] =	sst s3  }
0xc: {  	[smem:$0x3FAF] =	sst s4  }
0xd: {  	[smem:$0x3FB0] =	sst s5  }
0xe: {  	[smem:$0x3FB1] =	sst s6  }
0xf: {  	[smem:$0x3FB2] =	sst s7  }
0x10: {  	[smem:$0x3FB3] =	sst s8  }
0x11: {  	[smem:$0x3FB4] =	sst s9;
	s0 =	simm.s32 @!p0 $0x0  }
0x12: {  	s1 =	sld [smem:$0x3F9A];
	s0 =	simm.s32 @p0 $0x1  }
0x13: {  	[smem:$0x3FB5] =	sst s0;
	s0 =	simm.s32 @!p1 $0x0  }
0x14: {  	s2 =	sld [smem:$0x3F99];
	s0 =	simm.s32 @p1 $0x1  }
0x15: {  	[smem:$0x3FB6] =	sst s0;
	s0 =	simm.s32 @!p2 $0x0  }
0x16: {  	s3 =	sld [smem:$0x3FDB];
	s0 =	simm.s32 @p2 $0x1  }
0x17: {  	s4 =	simm.s32 $0x1BF5;
	[smem:$0x3FB8] =	sst s0  }
0x18: {  	s0 =	sld [smem:$0x3F9B];
	_ =	swait.ge [sflag:s4], $0x0  }
0x19: {  	s7 =	sld [smem:$0x3F9C]  }
0x1a: {  	s8 =	sadd.s32 $0xFFFFE003, lr  }
0x1b: {  	s9 =	sadd.s32 $0xFFFFFEF7, lr;
	s5 =	simm.s32 $0xFFFFFFFF;
	p2 =	slt.u32 s8, $0xFFFFF086  }
0x1c: {  	p1 =	slt.u32 s9, $0xF7A;
	s5 =	simm.s32 @!p2 $0x0  }
0x1d: {  	s5 =	simm.s32 @p1 $0x1;
	p0 =	seq.s32 s7, s2  }
0x1e: {  	s7 =	smul.u32 @!p0 $0xF7A, s2;
	p2 =	seq.s32 @!p0 s5, $0x0  }
0x1f: {  	s9 =	smul.u32 $0xF7A, s1;
	s8 =	simm.s32 @!p0 $0x1BF5;
	p2 =	por !p2, p0  }
0x20: {  	[sflag:s8] =	ssyncset.s32 @!p0 $0xFFFFF086;
	s6 =	sadd.s32 @!p0 s3, s7;
	s7 =	simm.s32 @!p0 $0x108  }
0x21: {  	s3 =	sadd.s32 s3, s9;
	s6 =	sadd.s32 @!p0 $0x88, s6;
	s7 =	simm.s32 @p2 $0x1082  }
0x22: {  	[simem:s7], [sflag:s8] =	dma.local @!p0 [hbm:s6], $0xF7A  }
0x23: {  	s9 =	sor.u32 $0xD0000000, s2;
	s6 =	simm.s32 $0x108;
	_ =	swait.ge @!p0 [sflag:s8], $0x0  }
0x24: {  	s3 =	sadd.s32 $0x88, s3;
	s6 =	simm.s32 @!p1 $0x1082;
	[sflag:s4] =	ssyncset.s32 $0xFFFFF086  }
0x25: {  	[simem:s6], [sflag:s4] =	dma.local [hbm:s3], $0xF7A  }
0x26: {  	[smem:$0x3F9C] =	sst s1;
	(tag) =	ssettag s2;
	_ =	strace s9  }
0x27: {  	s1 =	sld [smem:$0x3FAC]  }
0x28: {  	s2 =	sld [smem:$0x3FAD]  }
0x29: {  	s4 =	sld [smem:$0x3FAF]  }
0x2a: {  	p0 =	seq.s32 s5, $0x0;
	s5 =	sld [smem:$0x3FB0]  }
0x2b: {  	s6 =	sld [smem:$0x3FB1]  }
0x2c: {  	s7 =	sld [smem:$0x3FB2]  }
0x2d: {  	s3 =	simm.s32 $0x108;
	s8 =	sld [smem:$0x3FB3]  }
0x2e: {  	s3 =	simm.s32 @!p0 $0x1082;
	s9 =	sld [smem:$0x3FB4]  }
0x2f: {  	lr =	sadd.s32 s0, s3;
	s0 =	sld [smem:$0x3FAB]  }
0x30: {  	s3 =	sld [smem:$0x3FAE]  }
0x31: {  	[smem:$0x3FB7] =	sst s10  }
0x32: {  	s10 =	sld [smem:$0x3FB5];
	_ =	sdelay $0x3  }
0x33: {  	p0 =	seq.s32 s10, $0x1;
	s10 =	sld [smem:$0x3FB7];
	_ =	sdelay $0x3  }
0x34: {  	[smem:$0x3FB7] =	sst s10  }
0x35: {  	s10 =	sld [smem:$0x3FB6];
	_ =	sdelay $0x3  }
0x36: {  	p1 =	seq.s32 s10, $0x1;
	s10 =	sld [smem:$0x3FB7];
	_ =	sdelay $0x3  }
0x37: {  	[smem:$0x3FB7] =	sst s10  }
0x38: {  	s10 =	sld [smem:$0x3FB8]  }
0x39: {  	_ = 	snop;
	(pc) =	sbr.ind lr, $3  }
0x3a: {  	_ = 	snop  }
0x3b: {  	_ = 	snop  }
0x3c: {  	p2 =	seq.s32 s10, $0x1;
	s10 =	sld [smem:$0x3FB7]  }
0x3d: {  	_ =	shalt  }
0x3e: {  	_ =	shalt  }
0x3f: {  	_ =	shalt  }
0x40: {  	_ =	shalt  }
0x41: {  	_ =	shalt  }
0x42: {  	_ =	shalt  }
0x43: {  	_ =	shalt  }
0x44: {  	_ =	shalt  }
0x45: {  	_ =	shalt  }
0x46: {  	_ =	shalt  }
0x47: {  	_ =	shalt  }
0x48: {  	_ =	shalt  }
0x49: {  	_ =	shalt  }
0x4a: {  	_ =	shalt  }
0x4b: {  	_ =	shalt  }
0x4c: {  	_ =	shalt  }
0x4d: {  	_ =	shalt  }
0x4e: {  	_ =	shalt  }
0x4f: {  	_ =	shalt  }
0x50: {  	_ =	shalt  }
0x51: {  	_ =	shalt  }
0x52: {  	_ =	shalt  }
0x53: {  	_ =	shalt  }
0x54: {  	_ =	shalt  }
0x55: {  	_ =	shalt  }
0x56: {  	_ =	shalt  }
0x57: {  	_ =	shalt  }
0x58: {  	_ =	shalt  }
0x59: {  	_ =	shalt  }
0x5a: {  	_ =	shalt  }
0x5b: {  	_ =	shalt  }
0x5c: {  	_ =	shalt  }
0x5d: {  	_ =	shalt  }
0x5e: {  	_ =	shalt  }
0x5f: {  	_ =	shalt  }
0x60: {  	_ =	shalt  }
0x61: {  	_ =	shalt  }
0x62: {  	_ =	shalt  }
0x63: {  	_ =	shalt  }
0x64: {  	_ =	shalt  }
0x65: {  	_ =	shalt  }
0x66: {  	_ =	shalt  }
0x67: {  	_ =	shalt  }
0x68: {  	_ =	shalt  }
0x69: {  	_ =	shalt  }
0x6a: {  	_ =	shalt  }
0x6b: {  	_ =	shalt  }
0x6c: {  	_ =	shalt  }
0x6d: {  	_ =	shalt  }
0x6e: {  	_ =	shalt  }
0x6f: {  	_ =	shalt  }
0x70: {  	_ =	shalt  }
0x71: {  	_ =	shalt  }
0x72: {  	_ =	shalt  }
0x73: {  	_ =	shalt  }
0x74: {  	_ =	shalt  }
0x75: {  	_ =	shalt  }
0x76: {  	_ =	shalt  }
0x77: {  	_ =	shalt  }
0x78: {  	_ =	shalt  }
0x79: {  	_ =	shalt  }
0x7a: {  	_ =	shalt  }
0x7b: {  	_ =	shalt  }
0x7c: {  	_ =	shalt  }
0x7d: {  	_ =	shalt  }
0x7e: {  	_ =	shalt  }
0x7f: {  	_ =	shalt  }
0x80: {  	_ =	shalt  }
0x81: {  	_ =	shalt  }
0x82: {  	_ =	shalt  }
0x83: {  	_ =	shalt  }
0x84: {  	_ =	shalt  }
0x85: {  	_ =	shalt  }
0x86: {  	_ =	shalt  }
0x87: {  	_ =	shalt  }
.Lfunc_end0:
.L_simem_size_0:
called_computation.3_lowered:
.L_overlay_start_0:
0x88: {  	s2 =	sld [smem:$0x3FD9]  }
0x89: {  	s3 =	sld [smem:$0x3FFE];
	_ =	sdelay $0x1  }
0x8a: {  	s1 =	srdreg.scid  }
0x8b: {  	s0 =	sand.u32 $0x1, s1  }
0x8c: {  	s16 =	sshll.u32 s0, $0xA;
	s2 =	sadd.s32 s3, s2  }
0x8d: {  	s2 =	sadd.s32 s2, s16  }
0x8e: {  	[smem:$0x3FC3] =	sst s2  }
0x8f: {  	_ = 	snop  }
0x90: {  	(tm) =	ssettm $0x1  }
0x91: {  	s17 =	sld [smem:$0x3FFB];
	_ =	sdelay $0x3  }
0x92: {  	_ =	strace s17  }
0x93: {  	s2 =	sld [smem:$0x3FFC];
	_ =	sdelay $0x3  }
0x94: {  	_ =	strace s2  }
0x95: {  	s2 =	sld [smem:$0x3FFD];
	_ =	sdelay $0x3  }
0x96: {  	_ =	strace s2  }
0x97: {  	_ =	strace $0x8FFFFFFF  }
0x98: {  	s18 =	sld [smem:$0x3FDB];
	_ =	sdelay $0x1  }
0x99: {  	s19 =	simm.s32 $_scs_section_size  }
0x9a: {  	s4 =	simm.s32 $_size__tile_overlayer_lowered;
	s5 =	simm.s32 $_tile_overlayer_lowered  }
0x9b: {  	s22 =	simm.s32 $0x1BFF;
	s21 =	sshll.u32 s5, $0x1;
	s2 =	sadd.s32 s19, s18  }
0x9c: {  	s6 =	simm.s32 $0x0;
	s20 =	sshll.u32 s4, $0x1;
	s4 =	sadd.s32 s21, s2  }
0x9d: {  	[timem:s6], [sflag:s22] =	dma.local [hbm:s4], s20  }
0x9e: {  	_ =	swait.ge [sflag:s22], s20  }
0x9f: {  	s3 =	ssub.s32 $0x0, s20;
	[sflag:s22] =	ssyncset.done $0x0  }
0xa0: {  	[sflag:s22] =	ssyncadd.s32 s3;
	_ =	sdelay $0x1  }
0xa1: {  	s23 =	simm.s32 $0x1B8B  }
0xa2: {  	_ =	swait.ge [sflag:s23], $0x1  }
0xa3: {  	[sflag:s23] =	ssyncset.done $0x0  }
0xa4: {  	s25 =	simm.s32 $0x1B8E;
	s24 =	sld [smem:$0x3FFE];
	[sflag:s23] =	ssyncadd.s32 $0xFFFFFFFF  }
0xa5: {  	s26 =	simm.s32 $execute0_lowered;
	[smem:$0x3FD2] =	sst s25  }
0xa6: {  	s4 =	sshll.u32 s26, $0x1;
	_ =	strace $0x8000004F;
	[dreg:$0x1] =	wrdreg $0xFFFFFFFF  }
0xa7: {  	s28 =	simm.s32 $_size_execute0_lowered;
	s2 =	sadd.s32 s2, s4;
	[dreg:$0x0] =	wrdreg $0x0  }
0xa8: {  	s4 =	sshll.u32 s28, $0x1;
	[dreg:$0x2] =	wrdreg s2  }
0xa9: {  	[dreg:$0x3] =	wrdreg s4  }
0xaa: {  	[dreg:$0x4] =	wrdreg $0xC0  }
0xab: {  	_ =	task [dreg:s6], $0x5FFFF  }
0xac: {  	[dreg:$0x1] =	wrdreg $0xFFFFFFFF  }
0xad: {  	[dreg:$0x0] =	wrdreg $0x60  }
0xae: {  	[dreg:$0x2] =	wrdreg s24  }
0xaf: {  	[dreg:$0x3] =	wrdreg $0x9  }
0xb0: {  	_ =	task.clear_ibuf [dreg:s6], $0x4FFFF;
	_ =	strace $0x9000004F  }
0xb1: {  	s29 =	simm.s32 $0x9;
	_ =	strace $0x80000051  }
0xb2: {  	_ =	swait.ge [sflag:s29], $0x1  }
0xb3: {  	[sflag:s29] =	ssyncadd.s32 $0xFFFFFFFF  }
0xb4: {  	_ =	strace $0x90000051  }
0xb5: {  	_ =	sfence  }
0xb6: {  	s30 =	sld [smem:$0x0];
	_ =	sdelay $0x2  }
0xb7: {  	s31 =	sshll.u32 s1, $0xD;
	s1 =	sshrl.u32 s1, $0x2  }
0xb8: {  	s3 =	sand.u32 $0x4000, s31;
	s1 =	sadd.s32 s1, s30  }
0xb9: {  	s0 =	sor.u32 s3, s0;
	s1 =	sshll.u32 s1, $0x11  }
0xba: {  	s0 =	sor.u32 s1, s0  }
0xbb: {  	s0 =	sadd.s32 $0x8F2B, s0  }
0xbc: {  	[sflag:s0] =	ssyncadd.remote.s32 $0x1  }
0xbd: {  	_ =	sfence.sel $0xFFFF  }
0xbe: {  	[dreg:$0x0] =	wrdreg $0xFFFFFFFF;
	(pc) =	sbr.abs _section_cstart, $3  }
0xbf: {  	[dreg:$0x1] =	wrdreg $0xFFFFFFFF  }
0xc0: {  	_ =	task.clear_ibuf [dreg:s6], $0x2FFFF;
	_ =	strace $0x9FFFFFFF  }
0xc1: {  	(tm) =	ssettm $0x7FFFFFFF  }
tec
execute0_lowered:
.L_overlay_start_1:
0x0: {  	(tag) =	ssettag $0x1  }
0x1: {  	s0 =	rddreg [dreg:$0x0]  }
0x2: {  	s2 =	simm.s32 $0x0;
	s1 =	srdreg.scid;
	s4 =	stileid.u32  }
0x3: {  	s29 =	simm.s32 $0x880;
	s30 =	simm.s32 $0x1080;
	s31 =	simm.s32 $0x1880  }
0x4: {  	s15 =	simm.s32 $0x3880;
	s16 =	simm.s32 $0x4080;
	s17 =	simm.s32 $0x4880  }
0x5: {  	s18 =	simm.s32 $0x5080;
	s19 =	simm.s32 $0x5880;
	[smem:$0x7FF] =	sst s2  }
0x6: {  	s1 =	sand.u32 $0x1, s1;
	s3 =	sadd.s32 $0x11AC00, s0;
	s10 =	sadd.s32 $0x11AA00, s0  }
0x7: {  	s4 =	sshll.u32 s4, $0x8;
	s12 =	sadd.s32 $0x1AA00, s0;
	s6 =	sadd.s32 $0x11AF00, s0  }
0x8: {  	s7 =	sadd.s32 $0x11B000, s0;
	s8 =	sadd.s32 $0x11B100, s0;
	s5 =	sshll.u32 s1, $0x7  }
0x9: {  	_ =	strace $0x80000050;
	s1 =	ssub.s32 $0x2, s1;
	s11 =	sor.u32 s5, s4  }
0xa: {  	s20 =	sshrl.u32 s1, $0x1;
	s4 =	sadd.s32 $0x11AD00, s0;
	s5 =	sshrl.u32 s11, $0x3  }
0xb: {  	s1 =	ssub.s32 s1, s20;
	s9 =	sshll.u32 s11, $0x8;
	s13 =	sor.u32 $0x20, s11  }
0xc: {  	s22 =	sor.u32 $0x40, s11;
	s11 =	sor.u32 $0x60, s11;
	s20 =	simm.s32 $0x6080  }
0xd: {  	s5 =	sadd.s32 s10, s5;
	s9 =	sadd.s32 s12, s9;
	s14 =	sshrl.u32 s13, $0x3  }
0xe: {  	s13 =	sshll.u32 s13, $0x8;
	s23 =	sshrl.u32 s22, $0x3;
	s25 =	sshrl.u32 s11, $0x3  }
0xf: {  	s11 =	sshll.u32 s11, $0x8;
	[dreg:$0x2] =	wrdreg s5;
	s5 =	sadd.s32 $0x11AE00, s0  }
0x10: {  	[dreg:$0x3] =	wrdreg s9;
	s21 =	sadd.s32 s10, s14;
	s13 =	sadd.s32 s12, s13  }
0x11: {  	s9 =	sadd.s32 $0x11B200, s0;
	s14 =	sshll.u32 s22, $0x8;
	s26 =	sadd.s32 s10, s25  }
0x12: {  	s28 =	sadd.s32 s12, s11;
	s11 =	smax.u32 s1, $0x1;
	[dreg:$0x4] =	wrdreg s21  }
0x13: {  	s1 =	simm.s32 $0x2880;
	s22 =	simm.s32 $0x7080;
	[dreg:$0x5] =	wrdreg s13  }
0x14: {  	s25 =	simm.s32 $0x8880;
	s13 =	sadd.s32 s10, s23;
	[dreg:$0x8] =	wrdreg s26  }
0x15: {  	s24 =	sadd.s32 s12, s14;
	s10 =	sadd.s32 $0x11B300, s0;
	[dreg:$0x9] =	wrdreg s28  }
0x16: {  	v2 =	vlaneseq.u32;
	s12 =	simm.s32 $0x2;
	s26 =	simm.s32 $0x1;
	s14 =	simm.s32 $0x3080  }
0x17: {  	vm0 =	vmmov $0xffff;
	v1 =	vshrl.u32 v2, $0x3;
	s21 =	simm.s32 $0x6880;
	s23 =	simm.s32 $0x7880;
	[dreg:$0x6] =	wrdreg s13  }
0x18: {  	v0 =	vand.u32 $0x7, v2;
	v2 =	vor.u32 $0x8, v2;
	v1 =	vmul.u32 $0x8, v1;
	[dreg:$0x7] =	wrdreg s24;
	s13 =	simm.s32 $0x80;
	s24 =	simm.s32 $0x8080  }
.LBB2_1:
0x19: {  	s28 =	rddreg [dreg:$0x2]  }
0x1a: {  	[tilespmem:s2], [sflag:$0x2] =	stream.linear.gather [hbm4b:s28+s2], $0x20, $0x38;
	[tilespmem:$0x10080] =	vst v63  }
0x1b: {  	_ =	swait.ge [sflag:s12], $0x20  }
0x1c: {  	[sflag:s12] =	ssyncset.done $0x0  }
0x1d: {  	[sflag:s12] =	ssyncadd.s32 $0xFFFFFFE0  }
0x1e: {  	v3 =	vld [tilespmem:$0x0];
	_ =	sdelay $0x4  }
0x1f: {  	v4 =	vshll.u32 v3, $0x4  }
0x20: {  	v3 =	vand.u32 $0x7, v3;
	v4 =	vand.u32 $0xFFFFFF80, v4  }
0x21: {  	v3 =	vor.u32 v3, v4  }
0x22: {  	v4 =	vperm.xlane v3, v0;
	_ =	sdelay $0x1  }
0x23: {  	v4 =	vadd.s32 v1, v4;
	_ =	sdelay $0x4  }
0x24: {  	[tilespmem:s13], [sflag:$0x1] =	stream.indirect_vreg.gather [hbm4b:s3+s2], $0x80, v4, vm0, $0xb8;
	[tilespmem:$0x10080] =	vst v63  }
0x25: {  	_ = 	snop  }
0x26: {  	[tilespmem:s29], [sflag:$0x1] =	stream.indirect_vreg.gather [hbm4b:s4+s2], $0x80, v4, vm0, $0xb8;
	[tilespmem:$0x10080] =	vst v63  }
0x27: {  	_ = 	snop  }
0x28: {  	[tilespmem:s30], [sflag:$0x1] =	stream.indirect_vreg.gather [hbm4b:s5+s2], $0x80, v4, vm0, $0xb8;
	[tilespmem:$0x10080] =	vst v63  }
0x29: {  	_ = 	snop  }
0x2a: {  	[tilespmem:s31], [sflag:$0x1] =	stream.indirect_vreg.gather [hbm4b:s6+s2], $0x80, v4, vm0, $0xb8;
	[tilespmem:$0x10080] =	vst v63  }
0x2b: {  	s0 =	simm.s32 $0x2080  }
0x2c: {  	[tilespmem:s0], [sflag:$0x1] =	stream.indirect_vreg.gather [hbm4b:s7+s2], $0x80, v4, vm0, $0xb8;
	[tilespmem:$0x10080] =	vst v63  }
0x2d: {  	v3 =	vperm.xlane v3, v2  }
0x2e: {  	[tilespmem:s1], [sflag:$0x1] =	stream.indirect_vreg.gather [hbm4b:s8+s2], $0x80, v4, vm0, $0xb8;
	[tilespmem:$0x10080] =	vst v63  }
0x2f: {  	v3 =	vadd.s32 v1, v3  }
0x30: {  	[tilespmem:s14], [sflag:$0x1] =	stream.indirect_vreg.gather [hbm4b:s9+s2], $0x80, v4, vm0, $0xb8;
	[tilespmem:$0x10080] =	vst v63  }
0x31: {  	_ = 	snop  }
0x32: {  	[tilespmem:s15], [sflag:$0x1] =	stream.indirect_vreg.gather [hbm4b:s10+s2], $0x80, v4, vm0, $0xb8;
	[tilespmem:$0x10080] =	vst v63  }
0x33: {  	_ = 	snop  }
0x34: {  	[tilespmem:s16], [sflag:$0x1] =	stream.indirect_vreg.gather [hbm4b:s3+s2], $0x80, v3, vm0, $0xb8;
	[tilespmem:$0x10080] =	vst v63  }
0x35: {  	_ = 	snop  }
0x36: {  	[tilespmem:s17], [sflag:$0x1] =	stream.indirect_vreg.gather [hbm4b:s4+s2], $0x80, v3, vm0, $0xb8;
	[tilespmem:$0x10080] =	vst v63  }
0x37: {  	_ = 	snop  }
0x38: {  	[tilespmem:s18], [sflag:$0x1] =	stream.indirect_vreg.gather [hbm4b:s5+s2], $0x80, v3, vm0, $0xb8;
	[tilespmem:$0x10080] =	vst v63  }
0x39: {  	_ = 	snop  }
0x3a: {  	[tilespmem:s19], [sflag:$0x1] =	stream.indirect_vreg.gather [hbm4b:s6+s2], $0x80, v3, vm0, $0xb8;
	[tilespmem:$0x10080] =	vst v63  }
0x3b: {  	_ = 	snop  }
0x3c: {  	[tilespmem:s20], [sflag:$0x1] =	stream.indirect_vreg.gather [hbm4b:s7+s2], $0x80, v3, vm0, $0xb8;
	[tilespmem:$0x10080] =	vst v63  }
0x3d: {  	_ = 	snop  }
0x3e: {  	[tilespmem:s21], [sflag:$0x1] =	stream.indirect_vreg.gather [hbm4b:s8+s2], $0x80, v3, vm0, $0xb8;
	[tilespmem:$0x10080] =	vst v63  }
0x3f: {  	_ = 	snop  }
0x40: {  	[tilespmem:s22], [sflag:$0x1] =	stream.indirect_vreg.gather [hbm4b:s9+s2], $0x80, v3, vm0, $0xb8;
	[tilespmem:$0x10080] =	vst v63  }
0x41: {  	_ = 	snop  }
0x42: {  	[tilespmem:s23], [sflag:$0x1] =	stream.indirect_vreg.gather [hbm4b:s10+s2], $0x80, v3, vm0, $0xb8;
	[tilespmem:$0x10080] =	vst v63  }
0x43: {  	v3 =	vld [tilespmem:$0x10];
	_ =	sdelay $0x4  }
0x44: {  	v57 =	vshll.u32 v3, $0x4  }
0x45: {  	v3 =	vand.u32 $0x7, v3;
	v4 =	vand.u32 $0xFFFFFF80, v57  }
0x46: {  	v3 =	vor.u32 v3, v4  }
0x47: {  	v4 =	vperm.xlane v3, v0;
	_ =	sdelay $0x1  }
0x48: {  	v4 =	vadd.s32 v1, v4;
	_ =	sdelay $0x4  }
0x49: {  	[tilespmem:s24], [sflag:$0x1] =	stream.indirect_vreg.gather [hbm4b:s3+s2], $0x80, v4, vm0, $0xb8;
	[tilespmem:$0x10080] =	vst v63  }
0x4a: {  	_ = 	snop  }
0x4b: {  	[tilespmem:s25], [sflag:$0x1] =	stream.indirect_vreg.gather [hbm4b:s4+s2], $0x80, v4, vm0, $0xb8;
	[tilespmem:$0x10080] =	vst v63  }
0x4c: {  	s28 =	simm.s32 $0x9080  }
0x4d: {  	[tilespmem:s28], [sflag:$0x1] =	stream.indirect_vreg.gather [hbm4b:s5+s2], $0x80, v4, vm0, $0xb8;
	[tilespmem:$0x10080] =	vst v63  }
0x4e: {  	s28 =	simm.s32 $0x9880  }
0x4f: {  	[tilespmem:s28], [sflag:$0x1] =	stream.indirect_vreg.gather [hbm4b:s6+s2], $0x80, v4, vm0, $0xb8;
	[tilespmem:$0x10080] =	vst v63  }
0x50: {  	s28 =	simm.s32 $0xA080  }
0x51: {  	[tilespmem:s28], [sflag:$0x1] =	stream.indirect_vreg.gather [hbm4b:s7+s2], $0x80, v4, vm0, $0xb8;
	[tilespmem:$0x10080] =	vst v63  }
0x52: {  	v3 =	vperm.xlane v3, v2;
	s28 =	simm.s32 $0xA880  }
0x53: {  	[tilespmem:s28], [sflag:$0x1] =	stream.indirect_vreg.gather [hbm4b:s8+s2], $0x80, v4, vm0, $0xb8;
	[tilespmem:$0x10080] =	vst v63  }
0x54: {  	v3 =	vadd.s32 v1, v3;
	s28 =	simm.s32 $0xB080  }
0x55: {  	[tilespmem:s28], [sflag:$0x1] =	stream.indirect_vreg.gather [hbm4b:s9+s2], $0x80, v4, vm0, $0xb8;
	[tilespmem:$0x10080] =	vst v63  }
0x56: {  	s28 =	simm.s32 $0xB880  }
0x57: {  	[tilespmem:s28], [sflag:$0x1] =	stream.indirect_vreg.gather [hbm4b:s10+s2], $0x80, v4, vm0, $0xb8;
	[tilespmem:$0x10080] =	vst v63  }
0x58: {  	s28 =	simm.s32 $0xC080  }
0x59: {  	[tilespmem:s28], [sflag:$0x1] =	stream.indirect_vreg.gather [hbm4b:s3+s2], $0x80, v3, vm0, $0xb8;
	[tilespmem:$0x10080] =	vst v63  }
0x5a: {  	s28 =	simm.s32 $0xC880  }
0x5b: {  	[tilespmem:s28], [sflag:$0x1] =	stream.indirect_vreg.gather [hbm4b:s4+s2], $0x80, v3, vm0, $0xb8;
	[tilespmem:$0x10080] =	vst v63  }
0x5c: {  	s28 =	simm.s32 $0xD080  }
0x5d: {  	[tilespmem:s28], [sflag:$0x1] =	stream.indirect_vreg.gather [hbm4b:s5+s2], $0x80, v3, vm0, $0xb8;
	[tilespmem:$0x10080] =	vst v63  }
0x5e: {  	s28 =	simm.s32 $0xD880  }
0x5f: {  	[tilespmem:s28], [sflag:$0x1] =	stream.indirect_vreg.gather [hbm4b:s6+s2], $0x80, v3, vm0, $0xb8;
	[tilespmem:$0x10080] =	vst v63  }
0x60: {  	s28 =	simm.s32 $0xE080  }
0x61: {  	[tilespmem:s28], [sflag:$0x1] =	stream.indirect_vreg.gather [hbm4b:s7+s2], $0x80, v3, vm0, $0xb8;
	[tilespmem:$0x10080] =	vst v63  }
0x62: {  	s28 =	simm.s32 $0xE880  }
0x63: {  	[tilespmem:s28], [sflag:$0x1] =	stream.indirect_vreg.gather [hbm4b:s8+s2], $0x80, v3, vm0, $0xb8;
	[tilespmem:$0x10080] =	vst v63  }
0x64: {  	s28 =	simm.s32 $0xF080  }
0x65: {  	[tilespmem:s28], [sflag:$0x1] =	stream.indirect_vreg.gather [hbm4b:s9+s2], $0x80, v3, vm0, $0xb8;
	[tilespmem:$0x10080] =	vst v63  }
0x66: {  	s28 =	simm.s32 $0xF880  }
0x67: {  	[tilespmem:s28], [sflag:$0x1] =	stream.indirect_vreg.gather [hbm4b:s10+s2], $0x80, v3, vm0, $0xb8;
	[tilespmem:$0x10080] =	vst v63  }
0x68: {  	_ =	swait.ge [sflag:s26], $0x10000  }
0x69: {  	[sflag:s26] =	ssyncset.done $0x0  }
0x6a: {  	s28 =	rddreg [dreg:$0x3];
	[sflag:s26] =	ssyncadd.s32 $0xFFFF0000  }
0x6b: {  	[hbm4b:s28+s2] =	stream.linear.scatter [tilespmem:s13], [sflag:$0x2], $0x10000, $0x38;
	[tilespmem:$0x10080] =	vst v63  }
0x6c: {  	_ =	swait.ge [sflag:s12], $0x10000  }
0x6d: {  	[sflag:s12] =	ssyncset.done $0x0  }
0x6e: {  	s28 =	rddreg [dreg:$0x4];
	[sflag:s12] =	ssyncadd.s32 $0xFFFF0000  }
0x6f: {  	[tilespmem:s2], [sflag:$0x2] =	stream.linear.gather [hbm4b:s28+s2], $0x20, $0x38;
	[tilespmem:$0x10080] =	vst v63  }
0x70: {  	_ =	swait.ge [sflag:s12], $0x20  }
0x71: {  	[sflag:s12] =	ssyncset.done $0x0  }
0x72: {  	[sflag:s12] =	ssyncadd.s32 $0xFFFFFFE0  }
0x73: {  	v3 =	vld [tilespmem:$0x0];
	_ =	sdelay $0x4  }
0x74: {  	v58 =	vshll.u32 v3, $0x4  }
0x75: {  	v3 =	vand.u32 $0x7, v3;
	v4 =	vand.u32 $0xFFFFFF80, v58  }
0x76: {  	v3 =	vor.u32 v3, v4  }
0x77: {  	v4 =	vperm.xlane v3, v0;
	_ =	sdelay $0x1  }
0x78: {  	v4 =	vadd.s32 v1, v4;
	_ =	sdelay $0x4  }
0x79: {  	[tilespmem:s13], [sflag:$0x1] =	stream.indirect_vreg.gather [hbm4b:s3+s2], $0x80, v4, vm0, $0xb8;
	[tilespmem:$0x10080] =	vst v63  }
0x7a: {  	_ = 	snop  }
0x7b: {  	[tilespmem:s29], [sflag:$0x1] =	stream.indirect_vreg.gather [hbm4b:s4+s2], $0x80, v4, vm0, $0xb8;
	[tilespmem:$0x10080] =	vst v63  }
0x7c: {  	_ = 	snop  }
0x7d: {  	[tilespmem:s30], [sflag:$0x1] =	stream.indirect_vreg.gather [hbm4b:s5+s2], $0x80, v4, vm0, $0xb8;
	[tilespmem:$0x10080] =	vst v63  }
0x7e: {  	_ = 	snop  }
0x7f: {  	[tilespmem:s31], [sflag:$0x1] =	stream.indirect_vreg.gather [hbm4b:s6+s2], $0x80, v4, vm0, $0xb8;
	[tilespmem:$0x10080] =	vst v63  }
0x80: {  	_ = 	snop  }
0x81: {  	[tilespmem:s0], [sflag:$0x1] =	stream.indirect_vreg.gather [hbm4b:s7+s2], $0x80, v4, vm0, $0xb8;
	[tilespmem:$0x10080] =	vst v63  }
0x82: {  	v3 =	vperm.xlane v3, v2  }
0x83: {  	[tilespmem:s1], [sflag:$0x1] =	stream.indirect_vreg.gather [hbm4b:s8+s2], $0x80, v4, vm0, $0xb8;
	[tilespmem:$0x10080] =	vst v63  }
0x84: {  	v3 =	vadd.s32 v1, v3  }
0x85: {  	[tilespmem:s14], [sflag:$0x1] =	stream.indirect_vreg.gather [hbm4b:s9+s2], $0x80, v4, vm0, $0xb8;
	[tilespmem:$0x10080] =	vst v63  }
0x86: {  	_ = 	snop  }
0x87: {  	[tilespmem:s15], [sflag:$0x1] =	stream.indirect_vreg.gather [hbm4b:s10+s2], $0x80, v4, vm0, $0xb8;
	[tilespmem:$0x10080] =	vst v63  }
0x88: {  	_ = 	snop  }
0x89: {  	[tilespmem:s16], [sflag:$0x1] =	stream.indirect_vreg.gather [hbm4b:s3+s2], $0x80, v3, vm0, $0xb8;
	[tilespmem:$0x10080] =	vst v63  }
0x8a: {  	_ = 	snop  }
0x8b: {  	[tilespmem:s17], [sflag:$0x1] =	stream.indirect_vreg.gather [hbm4b:s4+s2], $0x80, v3, vm0, $0xb8;
	[tilespmem:$0x10080] =	vst v63  }
0x8c: {  	_ = 	snop  }
0x8d: {  	[tilespmem:s18], [sflag:$0x1] =	stream.indirect_vreg.gather [hbm4b:s5+s2], $0x80, v3, vm0, $0xb8;
	[tilespmem:$0x10080] =	vst v63  }
0x8e: {  	_ = 	snop  }
0x8f: {  	[tilespmem:s19], [sflag:$0x1] =	stream.indirect_vreg.gather [hbm4b:s6+s2], $0x80, v3, vm0, $0xb8;
	[tilespmem:$0x10080] =	vst v63  }
0x90: {  	_ = 	snop  }
0x91: {  	[tilespmem:s20], [sflag:$0x1] =	stream.indirect_vreg.gather [hbm4b:s7+s2], $0x80, v3, vm0, $0xb8;
	[tilespmem:$0x10080] =	vst v63  }
0x92: {  	_ = 	snop  }
0x93: {  	[tilespmem:s21], [sflag:$0x1] =	stream.indirect_vreg.gather [hbm4b:s8+s2], $0x80, v3, vm0, $0xb8;
	[tilespmem:$0x10080] =	vst v63  }
0x94: {  	_ = 	snop  }
0x95: {  	[tilespmem:s22], [sflag:$0x1] =	stream.indirect_vreg.gather [hbm4b:s9+s2], $0x80, v3, vm0, $0xb8;
	[tilespmem:$0x10080] =	vst v63  }
0x96: {  	_ = 	snop  }
0x97: {  	[tilespmem:s23], [sflag:$0x1] =	stream.indirect_vreg.gather [hbm4b:s10+s2], $0x80, v3, vm0, $0xb8;
	[tilespmem:$0x10080] =	vst v63  }
0x98: {  	v3 =	vld [tilespmem:$0x10];
	_ =	sdelay $0x4  }
0x99: {  	v59 =	vshll.u32 v3, $0x4  }
0x9a: {  	v3 =	vand.u32 $0x7, v3;
	v4 =	vand.u32 $0xFFFFFF80, v59  }
0x9b: {  	v3 =	vor.u32 v3, v4  }
0x9c: {  	v4 =	vperm.xlane v3, v0;
	_ =	sdelay $0x1  }
0x9d: {  	v4 =	vadd.s32 v1, v4;
	_ =	sdelay $0x4  }
0x9e: {  	[tilespmem:s24], [sflag:$0x1] =	stream.indirect_vreg.gather [hbm4b:s3+s2], $0x80, v4, vm0, $0xb8;
	[tilespmem:$0x10080] =	vst v63  }
0x9f: {  	_ = 	snop  }
0xa0: {  	[tilespmem:s25], [sflag:$0x1] =	stream.indirect_vreg.gather [hbm4b:s4+s2], $0x80, v4, vm0, $0xb8;
	[tilespmem:$0x10080] =	vst v63  }
0xa1: {  	s28 =	simm.s32 $0x9080  }
0xa2: {  	[tilespmem:s28], [sflag:$0x1] =	stream.indirect_vreg.gather [hbm4b:s5+s2], $0x80, v4, vm0, $0xb8;
	[tilespmem:$0x10080] =	vst v63  }
0xa3: {  	s28 =	simm.s32 $0x9880  }
0xa4: {  	[tilespmem:s28], [sflag:$0x1] =	stream.indirect_vreg.gather [hbm4b:s6+s2], $0x80, v4, vm0, $0xb8;
	[tilespmem:$0x10080] =	vst v63  }
0xa5: {  	s28 =	simm.s32 $0xA080  }
0xa6: {  	[tilespmem:s28], [sflag:$0x1] =	stream.indirect_vreg.gather [hbm4b:s7+s2], $0x80, v4, vm0, $0xb8;
	[tilespmem:$0x10080] =	vst v63  }
0xa7: {  	v3 =	vperm.xlane v3, v2;
	s28 =	simm.s32 $0xA880  }
0xa8: {  	[tilespmem:s28], [sflag:$0x1] =	stream.indirect_vreg.gather [hbm4b:s8+s2], $0x80, v4, vm0, $0xb8;
	[tilespmem:$0x10080] =	vst v63  }
0xa9: {  	v3 =	vadd.s32 v1, v3;
	s28 =	simm.s32 $0xB080  }
0xaa: {  	[tilespmem:s28], [sflag:$0x1] =	stream.indirect_vreg.gather [hbm4b:s9+s2], $0x80, v4, vm0, $0xb8;
	[tilespmem:$0x10080] =	vst v63  }
0xab: {  	s28 =	simm.s32 $0xB880  }
0xac: {  	[tilespmem:s28], [sflag:$0x1] =	stream.indirect_vreg.gather [hbm4b:s10+s2], $0x80, v4, vm0, $0xb8;
	[tilespmem:$0x10080] =	vst v63  }
0xad: {  	s28 =	simm.s32 $0xC080  }
0xae: {  	[tilespmem:s28], [sflag:$0x1] =	stream.indirect_vreg.gather [hbm4b:s3+s2], $0x80, v3, vm0, $0xb8;
	[tilespmem:$0x10080] =	vst v63  }
0xaf: {  	s28 =	simm.s32 $0xC880  }
0xb0: {  	[tilespmem:s28], [sflag:$0x1] =	stream.indirect_vreg.gather [hbm4b:s4+s2], $0x80, v3, vm0, $0xb8;
	[tilespmem:$0x10080] =	vst v63  }
0xb1: {  	s28 =	simm.s32 $0xD080  }
0xb2: {  	[tilespmem:s28], [sflag:$0x1] =	stream.indirect_vreg.gather [hbm4b:s5+s2], $0x80, v3, vm0, $0xb8;
	[tilespmem:$0x10080] =	vst v63  }
0xb3: {  	s28 =	simm.s32 $0xD880  }
0xb4: {  	[tilespmem:s28], [sflag:$0x1] =	stream.indirect_vreg.gather [hbm4b:s6+s2], $0x80, v3, vm0, $0xb8;
	[tilespmem:$0x10080] =	vst v63  }
0xb5: {  	s28 =	simm.s32 $0xE080  }
0xb6: {  	[tilespmem:s28], [sflag:$0x1] =	stream.indirect_vreg.gather [hbm4b:s7+s2], $0x80, v3, vm0, $0xb8;
	[tilespmem:$0x10080] =	vst v63  }
0xb7: {  	s28 =	simm.s32 $0xE880  }
0xb8: {  	[tilespmem:s28], [sflag:$0x1] =	stream.indirect_vreg.gather [hbm4b:s8+s2], $0x80, v3, vm0, $0xb8;
	[tilespmem:$0x10080] =	vst v63  }
0xb9: {  	s28 =	simm.s32 $0xF080  }
0xba: {  	[tilespmem:s28], [sflag:$0x1] =	stream.indirect_vreg.gather [hbm4b:s9+s2], $0x80, v3, vm0, $0xb8;
	[tilespmem:$0x10080] =	vst v63  }
0xbb: {  	s28 =	simm.s32 $0xF880  }
0xbc: {  	[tilespmem:s28], [sflag:$0x1] =	stream.indirect_vreg.gather [hbm4b:s10+s2], $0x80, v3, vm0, $0xb8;
	[tilespmem:$0x10080] =	vst v63  }
0xbd: {  	_ =	swait.ge [sflag:s26], $0x10000  }
0xbe: {  	[sflag:s26] =	ssyncset.done $0x0  }
0xbf: {  	s28 =	rddreg [dreg:$0x5];
	[sflag:s26] =	ssyncadd.s32 $0xFFFF0000  }
0xc0: {  	[hbm4b:s28+s2] =	stream.linear.scatter [tilespmem:s13], [sflag:$0x2], $0x10000, $0x38;
	[tilespmem:$0x10080] =	vst v63  }
0xc1: {  	_ =	swait.ge [sflag:s12], $0x10000  }
0xc2: {  	[sflag:s12] =	ssyncset.done $0x0  }
0xc3: {  	s28 =	rddreg [dreg:$0x6];
	[sflag:s12] =	ssyncadd.s32 $0xFFFF0000  }
0xc4: {  	[tilespmem:s2], [sflag:$0x2] =	stream.linear.gather [hbm4b:s28+s2], $0x20, $0x38;
	[tilespmem:$0x10080] =	vst v63  }
0xc5: {  	_ =	swait.ge [sflag:s12], $0x20  }
0xc6: {  	[sflag:s12] =	ssyncset.done $0x0  }
0xc7: {  	[sflag:s12] =	ssyncadd.s32 $0xFFFFFFE0  }
0xc8: {  	v3 =	vld [tilespmem:$0x0];
	_ =	sdelay $0x4  }
0xc9: {  	v60 =	vshll.u32 v3, $0x4  }
0xca: {  	v3 =	vand.u32 $0x7, v3;
	v4 =	vand.u32 $0xFFFFFF80, v60  }
0xcb: {  	v3 =	vor.u32 v3, v4  }
0xcc: {  	v4 =	vperm.xlane v3, v0;
	_ =	sdelay $0x1  }
0xcd: {  	v4 =	vadd.s32 v1, v4;
	_ =	sdelay $0x4  }
0xce: {  	[tilespmem:s13], [sflag:$0x1] =	stream.indirect_vreg.gather [hbm4b:s3+s2], $0x80, v4, vm0, $0xb8;
	[tilespmem:$0x10080] =	vst v63  }
0xcf: {  	_ = 	snop  }
0xd0: {  	[tilespmem:s29], [sflag:$0x1] =	stream.indirect_vreg.gather [hbm4b:s4+s2], $0x80, v4, vm0, $0xb8;
	[tilespmem:$0x10080] =	vst v63  }
0xd1: {  	_ = 	snop  }
0xd2: {  	[tilespmem:s30], [sflag:$0x1] =	stream.indirect_vreg.gather [hbm4b:s5+s2], $0x80, v4, vm0, $0xb8;
	[tilespmem:$0x10080] =	vst v63  }
0xd3: {  	_ = 	snop  }
0xd4: {  	[tilespmem:s31], [sflag:$0x1] =	stream.indirect_vreg.gather [hbm4b:s6+s2], $0x80, v4, vm0, $0xb8;
	[tilespmem:$0x10080] =	vst v63  }
0xd5: {  	_ = 	snop  }
0xd6: {  	[tilespmem:s0], [sflag:$0x1] =	stream.indirect_vreg.gather [hbm4b:s7+s2], $0x80, v4, vm0, $0xb8;
	[tilespmem:$0x10080] =	vst v63  }
0xd7: {  	v3 =	vperm.xlane v3, v2  }
0xd8: {  	[tilespmem:s1], [sflag:$0x1] =	stream.indirect_vreg.gather [hbm4b:s8+s2], $0x80, v4, vm0, $0xb8;
	[tilespmem:$0x10080] =	vst v63  }
0xd9: {  	v3 =	vadd.s32 v1, v3  }
0xda: {  	[tilespmem:s14], [sflag:$0x1] =	stream.indirect_vreg.gather [hbm4b:s9+s2], $0x80, v4, vm0, $0xb8;
	[tilespmem:$0x10080] =	vst v63  }
0xdb: {  	_ = 	snop  }
0xdc: {  	[tilespmem:s15], [sflag:$0x1] =	stream.indirect_vreg.gather [hbm4b:s10+s2], $0x80, v4, vm0, $0xb8;
	[tilespmem:$0x10080] =	vst v63  }
0xdd: {  	_ = 	snop  }
0xde: {  	[tilespmem:s16], [sflag:$0x1] =	stream.indirect_vreg.gather [hbm4b:s3+s2], $0x80, v3, vm0, $0xb8;
	[tilespmem:$0x10080] =	vst v63  }
0xdf: {  	_ = 	snop  }
0xe0: {  	[tilespmem:s17], [sflag:$0x1] =	stream.indirect_vreg.gather [hbm4b:s4+s2], $0x80, v3, vm0, $0xb8;
	[tilespmem:$0x10080] =	vst v63  }
0xe1: {  	_ = 	snop  }
0xe2: {  	[tilespmem:s18], [sflag:$0x1] =	stream.indirect_vreg.gather [hbm4b:s5+s2], $0x80, v3, vm0, $0xb8;
	[tilespmem:$0x10080] =	vst v63  }
0xe3: {  	_ = 	snop  }
0xe4: {  	[tilespmem:s19], [sflag:$0x1] =	stream.indirect_vreg.gather [hbm4b:s6+s2], $0x80, v3, vm0, $0xb8;
	[tilespmem:$0x10080] =	vst v63  }
0xe5: {  	_ = 	snop  }
0xe6: {  	[tilespmem:s20], [sflag:$0x1] =	stream.indirect_vreg.gather [hbm4b:s7+s2], $0x80, v3, vm0, $0xb8;
	[tilespmem:$0x10080] =	vst v63  }
0xe7: {  	_ = 	snop  }
0xe8: {  	[tilespmem:s21], [sflag:$0x1] =	stream.indirect_vreg.gather [hbm4b:s8+s2], $0x80, v3, vm0, $0xb8;
	[tilespmem:$0x10080] =	vst v63  }
0xe9: {  	_ = 	snop  }
0xea: {  	[tilespmem:s22], [sflag:$0x1] =	stream.indirect_vreg.gather [hbm4b:s9+s2], $0x80, v3, vm0, $0xb8;
	[tilespmem:$0x10080] =	vst v63  }
0xeb: {  	_ = 	snop  }
0xec: {  	[tilespmem:s23], [sflag:$0x1] =	stream.indirect_vreg.gather [hbm4b:s10+s2], $0x80, v3, vm0, $0xb8;
	[tilespmem:$0x10080] =	vst v63  }
0xed: {  	v3 =	vld [tilespmem:$0x10];
	_ =	sdelay $0x4  }
0xee: {  	v61 =	vshll.u32 v3, $0x4  }
0xef: {  	v3 =	vand.u32 $0x7, v3;
	v4 =	vand.u32 $0xFFFFFF80, v61  }
0xf0: {  	v3 =	vor.u32 v3, v4  }
0xf1: {  	v4 =	vperm.xlane v3, v0;
	_ =	sdelay $0x1  }
0xf2: {  	v4 =	vadd.s32 v1, v4;
	_ =	sdelay $0x4  }
0xf3: {  	[tilespmem:s24], [sflag:$0x1] =	stream.indirect_vreg.gather [hbm4b:s3+s2], $0x80, v4, vm0, $0xb8;
	[tilespmem:$0x10080] =	vst v63  }
0xf4: {  	_ = 	snop  }
0xf5: {  	[tilespmem:s25], [sflag:$0x1] =	stream.indirect_vreg.gather [hbm4b:s4+s2], $0x80, v4, vm0, $0xb8;
	[tilespmem:$0x10080] =	vst v63  }
0xf6: {  	s28 =	simm.s32 $0x9080  }
0xf7: {  	[tilespmem:s28], [sflag:$0x1] =	stream.indirect_vreg.gather [hbm4b:s5+s2], $0x80, v4, vm0, $0xb8;
	[tilespmem:$0x10080] =	vst v63  }
0xf8: {  	s28 =	simm.s32 $0x9880  }
0xf9: {  	[tilespmem:s28], [sflag:$0x1] =	stream.indirect_vreg.gather [hbm4b:s6+s2], $0x80, v4, vm0, $0xb8;
	[tilespmem:$0x10080] =	vst v63  }
0xfa: {  	s28 =	simm.s32 $0xA080  }
0xfb: {  	[tilespmem:s28], [sflag:$0x1] =	stream.indirect_vreg.gather [hbm4b:s7+s2], $0x80, v4, vm0, $0xb8;
	[tilespmem:$0x10080] =	vst v63  }
0xfc: {  	v3 =	vperm.xlane v3, v2;
	s28 =	simm.s32 $0xA880  }
0xfd: {  	[tilespmem:s28], [sflag:$0x1] =	stream.indirect_vreg.gather [hbm4b:s8+s2], $0x80, v4, vm0, $0xb8;
	[tilespmem:$0x10080] =	vst v63  }
0xfe: {  	v3 =	vadd.s32 v1, v3;
	s28 =	simm.s32 $0xB080  }
0xff: {  	[tilespmem:s28], [sflag:$0x1] =	stream.indirect_vreg.gather [hbm4b:s9+s2], $0x80, v4, vm0, $0xb8;
	[tilespmem:$0x10080] =	vst v63  }
0x100: {  	s28 =	simm.s32 $0xB880  }
0x101: {  	[tilespmem:s28], [sflag:$0x1] =	stream.indirect_vreg.gather [hbm4b:s10+s2], $0x80, v4, vm0, $0xb8;
	[tilespmem:$0x10080] =	vst v63  }
0x102: {  	s28 =	simm.s32 $0xC080  }
0x103: {  	[tilespmem:s28], [sflag:$0x1] =	stream.indirect_vreg.gather [hbm4b:s3+s2], $0x80, v3, vm0, $0xb8;
	[tilespmem:$0x10080] =	vst v63  }
0x104: {  	s28 =	simm.s32 $0xC880  }
0x105: {  	[tilespmem:s28], [sflag:$0x1] =	stream.indirect_vreg.gather [hbm4b:s4+s2], $0x80, v3, vm0, $0xb8;
	[tilespmem:$0x10080] =	vst v63  }
0x106: {  	s28 =	simm.s32 $0xD080  }
0x107: {  	[tilespmem:s28], [sflag:$0x1] =	stream.indirect_vreg.gather [hbm4b:s5+s2], $0x80, v3, vm0, $0xb8;
	[tilespmem:$0x10080] =	vst v63  }
0x108: {  	s28 =	simm.s32 $0xD880  }
0x109: {  	[tilespmem:s28], [sflag:$0x1] =	stream.indirect_vreg.gather [hbm4b:s6+s2], $0x80, v3, vm0, $0xb8;
	[tilespmem:$0x10080] =	vst v63  }
0x10a: {  	s28 =	simm.s32 $0xE080  }
0x10b: {  	[tilespmem:s28], [sflag:$0x1] =	stream.indirect_vreg.gather [hbm4b:s7+s2], $0x80, v3, vm0, $0xb8;
	[tilespmem:$0x10080] =	vst v63  }
0x10c: {  	s28 =	simm.s32 $0xE880  }
0x10d: {  	[tilespmem:s28], [sflag:$0x1] =	stream.indirect_vreg.gather [hbm4b:s8+s2], $0x80, v3, vm0, $0xb8;
	[tilespmem:$0x10080] =	vst v63  }
0x10e: {  	s28 =	simm.s32 $0xF080  }
0x10f: {  	[tilespmem:s28], [sflag:$0x1] =	stream.indirect_vreg.gather [hbm4b:s9+s2], $0x80, v3, vm0, $0xb8;
	[tilespmem:$0x10080] =	vst v63  }
0x110: {  	s28 =	simm.s32 $0xF880  }
0x111: {  	[tilespmem:s28], [sflag:$0x1] =	stream.indirect_vreg.gather [hbm4b:s10+s2], $0x80, v3, vm0, $0xb8;
	[tilespmem:$0x10080] =	vst v63  }
0x112: {  	_ =	swait.ge [sflag:s26], $0x10000  }
0x113: {  	[sflag:s26] =	ssyncset.done $0x0  }
0x114: {  	s28 =	rddreg [dreg:$0x7];
	[sflag:s26] =	ssyncadd.s32 $0xFFFF0000  }
0x115: {  	[hbm4b:s28+s2] =	stream.linear.scatter [tilespmem:s13], [sflag:$0x2], $0x10000, $0x38;
	[tilespmem:$0x10080] =	vst v63  }
0x116: {  	_ =	swait.ge [sflag:s12], $0x10000  }
0x117: {  	[sflag:s12] =	ssyncset.done $0x0  }
0x118: {  	s28 =	rddreg [dreg:$0x8];
	[sflag:s12] =	ssyncadd.s32 $0xFFFF0000  }
0x119: {  	[tilespmem:s2], [sflag:$0x2] =	stream.linear.gather [hbm4b:s28+s2], $0x20, $0x38;
	[tilespmem:$0x10080] =	vst v63  }
0x11a: {  	_ =	swait.ge [sflag:s12], $0x20  }
0x11b: {  	[sflag:s12] =	ssyncset.done $0x0  }
0x11c: {  	[sflag:s12] =	ssyncadd.s32 $0xFFFFFFE0  }
0x11d: {  	v3 =	vld [tilespmem:$0x0];
	_ =	sdelay $0x4  }
0x11e: {  	v62 =	vshll.u32 v3, $0x4  }
0x11f: {  	v3 =	vand.u32 $0x7, v3;
	v4 =	vand.u32 $0xFFFFFF80, v62  }
0x120: {  	v3 =	vor.u32 v3, v4  }
0x121: {  	v4 =	vperm.xlane v3, v0;
	_ =	sdelay $0x1  }
0x122: {  	v4 =	vadd.s32 v1, v4;
	_ =	sdelay $0x4  }
0x123: {  	[tilespmem:s13], [sflag:$0x1] =	stream.indirect_vreg.gather [hbm4b:s3+s2], $0x80, v4, vm0, $0xb8;
	[tilespmem:$0x10080] =	vst v63  }
0x124: {  	_ = 	snop  }
0x125: {  	[tilespmem:s29], [sflag:$0x1] =	stream.indirect_vreg.gather [hbm4b:s4+s2], $0x80, v4, vm0, $0xb8;
	[tilespmem:$0x10080] =	vst v63  }
0x126: {  	_ = 	snop  }
0x127: {  	[tilespmem:s30], [sflag:$0x1] =	stream.indirect_vreg.gather [hbm4b:s5+s2], $0x80, v4, vm0, $0xb8;
	[tilespmem:$0x10080] =	vst v63  }
0x128: {  	_ = 	snop  }
0x129: {  	[tilespmem:s31], [sflag:$0x1] =	stream.indirect_vreg.gather [hbm4b:s6+s2], $0x80, v4, vm0, $0xb8;
	[tilespmem:$0x10080] =	vst v63  }
0x12a: {  	_ = 	snop  }
0x12b: {  	[tilespmem:s0], [sflag:$0x1] =	stream.indirect_vreg.gather [hbm4b:s7+s2], $0x80, v4, vm0, $0xb8;
	[tilespmem:$0x10080] =	vst v63  }
0x12c: {  	v3 =	vperm.xlane v3, v2  }
0x12d: {  	[tilespmem:s1], [sflag:$0x1] =	stream.indirect_vreg.gather [hbm4b:s8+s2], $0x80, v4, vm0, $0xb8;
	[tilespmem:$0x10080] =	vst v63  }
0x12e: {  	v3 =	vadd.s32 v1, v3  }
0x12f: {  	[tilespmem:s14], [sflag:$0x1] =	stream.indirect_vreg.gather [hbm4b:s9+s2], $0x80, v4, vm0, $0xb8;
	[tilespmem:$0x10080] =	vst v63  }
0x130: {  	_ = 	snop  }
0x131: {  	[tilespmem:s15], [sflag:$0x1] =	stream.indirect_vreg.gather [hbm4b:s10+s2], $0x80, v4, vm0, $0xb8;
	[tilespmem:$0x10080] =	vst v63  }
0x132: {  	_ = 	snop  }
0x133: {  	[tilespmem:s16], [sflag:$0x1] =	stream.indirect_vreg.gather [hbm4b:s3+s2], $0x80, v3, vm0, $0xb8;
	[tilespmem:$0x10080] =	vst v63  }
0x134: {  	_ = 	snop  }
0x135: {  	[tilespmem:s17], [sflag:$0x1] =	stream.indirect_vreg.gather [hbm4b:s4+s2], $0x80, v3, vm0, $0xb8;
	[tilespmem:$0x10080] =	vst v63  }
0x136: {  	_ = 	snop  }
0x137: {  	[tilespmem:s18], [sflag:$0x1] =	stream.indirect_vreg.gather [hbm4b:s5+s2], $0x80, v3, vm0, $0xb8;
	[tilespmem:$0x10080] =	vst v63  }
0x138: {  	_ = 	snop  }
0x139: {  	[tilespmem:s19], [sflag:$0x1] =	stream.indirect_vreg.gather [hbm4b:s6+s2], $0x80, v3, vm0, $0xb8;
	[tilespmem:$0x10080] =	vst v63  }
0x13a: {  	_ = 	snop  }
0x13b: {  	[tilespmem:s20], [sflag:$0x1] =	stream.indirect_vreg.gather [hbm4b:s7+s2], $0x80, v3, vm0, $0xb8;
	[tilespmem:$0x10080] =	vst v63  }
0x13c: {  	_ = 	snop  }
0x13d: {  	[tilespmem:s21], [sflag:$0x1] =	stream.indirect_vreg.gather [hbm4b:s8+s2], $0x80, v3, vm0, $0xb8;
	[tilespmem:$0x10080] =	vst v63  }
0x13e: {  	_ = 	snop  }
0x13f: {  	[tilespmem:s22], [sflag:$0x1] =	stream.indirect_vreg.gather [hbm4b:s9+s2], $0x80, v3, vm0, $0xb8;
	[tilespmem:$0x10080] =	vst v63  }
0x140: {  	_ = 	snop  }
0x141: {  	[tilespmem:s23], [sflag:$0x1] =	stream.indirect_vreg.gather [hbm4b:s10+s2], $0x80, v3, vm0, $0xb8;
	[tilespmem:$0x10080] =	vst v63  }
0x142: {  	v3 =	vld [tilespmem:$0x10];
	_ =	sdelay $0x4  }
0x143: {  	v63 =	vshll.u32 v3, $0x4  }
0x144: {  	v3 =	vand.u32 $0x7, v3;
	v4 =	vand.u32 $0xFFFFFF80, v63  }
0x145: {  	v3 =	vor.u32 v3, v4  }
0x146: {  	v4 =	vperm.xlane v3, v0;
	_ =	sdelay $0x1  }
0x147: {  	v4 =	vadd.s32 v1, v4;
	_ =	sdelay $0x4  }
0x148: {  	[tilespmem:s24], [sflag:$0x1] =	stream.indirect_vreg.gather [hbm4b:s3+s2], $0x80, v4, vm0, $0xb8;
	[tilespmem:$0x10080] =	vst v63  }
0x149: {  	_ = 	snop  }
0x14a: {  	[tilespmem:s25], [sflag:$0x1] =	stream.indirect_vreg.gather [hbm4b:s4+s2], $0x80, v4, vm0, $0xb8;
	[tilespmem:$0x10080] =	vst v63  }
0x14b: {  	s28 =	simm.s32 $0x9080  }
0x14c: {  	[tilespmem:s28], [sflag:$0x1] =	stream.indirect_vreg.gather [hbm4b:s5+s2], $0x80, v4, vm0, $0xb8;
	[tilespmem:$0x10080] =	vst v63  }
0x14d: {  	s28 =	simm.s32 $0x9880  }
0x14e: {  	[tilespmem:s28], [sflag:$0x1] =	stream.indirect_vreg.gather [hbm4b:s6+s2], $0x80, v4, vm0, $0xb8;
	[tilespmem:$0x10080] =	vst v63  }
0x14f: {  	s28 =	simm.s32 $0xA080  }
0x150: {  	[tilespmem:s28], [sflag:$0x1] =	stream.indirect_vreg.gather [hbm4b:s7+s2], $0x80, v4, vm0, $0xb8;
	[tilespmem:$0x10080] =	vst v63  }
0x151: {  	v3 =	vperm.xlane v3, v2;
	s28 =	simm.s32 $0xA880  }
0x152: {  	[tilespmem:s28], [sflag:$0x1] =	stream.indirect_vreg.gather [hbm4b:s8+s2], $0x80, v4, vm0, $0xb8;
	[tilespmem:$0x10080] =	vst v63  }
0x153: {  	v3 =	vadd.s32 v1, v3;
	s28 =	simm.s32 $0xB080  }
0x154: {  	[tilespmem:s28], [sflag:$0x1] =	stream.indirect_vreg.gather [hbm4b:s9+s2], $0x80, v4, vm0, $0xb8;
	[tilespmem:$0x10080] =	vst v63  }
0x155: {  	s28 =	simm.s32 $0xB880  }
0x156: {  	[tilespmem:s28], [sflag:$0x1] =	stream.indirect_vreg.gather [hbm4b:s10+s2], $0x80, v4, vm0, $0xb8;
	[tilespmem:$0x10080] =	vst v63  }
0x157: {  	s28 =	simm.s32 $0xC080  }
0x158: {  	[tilespmem:s28], [sflag:$0x1] =	stream.indirect_vreg.gather [hbm4b:s3+s2], $0x80, v3, vm0, $0xb8;
	[tilespmem:$0x10080] =	vst v63  }
0x159: {  	s28 =	simm.s32 $0xC880  }
0x15a: {  	[tilespmem:s28], [sflag:$0x1] =	stream.indirect_vreg.gather [hbm4b:s4+s2], $0x80, v3, vm0, $0xb8;
	[tilespmem:$0x10080] =	vst v63  }
0x15b: {  	s28 =	simm.s32 $0xD080  }
0x15c: {  	[tilespmem:s28], [sflag:$0x1] =	stream.indirect_vreg.gather [hbm4b:s5+s2], $0x80, v3, vm0, $0xb8;
	[tilespmem:$0x10080] =	vst v63  }
0x15d: {  	s28 =	simm.s32 $0xD880  }
0x15e: {  	[tilespmem:s28], [sflag:$0x1] =	stream.indirect_vreg.gather [hbm4b:s6+s2], $0x80, v3, vm0, $0xb8;
	[tilespmem:$0x10080] =	vst v63  }
0x15f: {  	s28 =	simm.s32 $0xE080  }
0x160: {  	[tilespmem:s28], [sflag:$0x1] =	stream.indirect_vreg.gather [hbm4b:s7+s2], $0x80, v3, vm0, $0xb8;
	[tilespmem:$0x10080] =	vst v63  }
0x161: {  	s28 =	simm.s32 $0xE880  }
0x162: {  	[tilespmem:s28], [sflag:$0x1] =	stream.indirect_vreg.gather [hbm4b:s8+s2], $0x80, v3, vm0, $0xb8;
	[tilespmem:$0x10080] =	vst v63  }
0x163: {  	s28 =	simm.s32 $0xF080  }
0x164: {  	[tilespmem:s28], [sflag:$0x1] =	stream.indirect_vreg.gather [hbm4b:s9+s2], $0x80, v3, vm0, $0xb8;
	[tilespmem:$0x10080] =	vst v63  }
0x165: {  	s28 =	simm.s32 $0xF880  }
0x166: {  	[tilespmem:s28], [sflag:$0x1] =	stream.indirect_vreg.gather [hbm4b:s10+s2], $0x80, v3, vm0, $0xb8;
	[tilespmem:$0x10080] =	vst v63  }
0x167: {  	_ =	swait.ge [sflag:s26], $0x10000  }
0x168: {  	p0 =	sne.s32 s11, $0x1;
	[sflag:s26] =	ssyncset.done $0x0  }
.Ltmp0:
0x169: {  	s0 =	rddreg [dreg:$0x9];
	[sflag:s26] =	ssyncadd.s32 $0xFFFF0000;
	(pc) =	sbr.rel @p0 .LBB2_1-.Ltmp0, $4  }
0x16a: {  	[hbm4b:s0+s2] =	stream.linear.scatter [tilespmem:s13], [sflag:$0x2], $0x10000, $0x38;
	[tilespmem:$0x10080] =	vst v63  }
0x16b: {  	_ =	swait.ge [sflag:s12], $0x10000  }
0x16c: {  	[sflag:s12] =	ssyncset.done $0x0  }
0x16d: {  	s11 =	sadd.s32 $0xFFFFFFFF, s11;
	[sflag:s12] =	ssyncadd.s32 $0xFFFF0000  }
0x16e: {  	_ =	sfence.sel $0x180000  }
0x16f: {  	[bflag:$0x0] =	sbarrier.arrive $0xFFFF  }
0x170: {  	_ =	strace $0x90000050  }
0x171: {  	s0 =	stileid.u32;
	[bflag:$0x2] =	sbarrier.arrive $0xFFFF  }
0x172: {  	p0 =	sne.s32 s0, $0x0;
	s0 =	rddreg [dreg:$0x1]  }
0x173: {  	s0 =	sadd.s32 @!p0 $0x100000, s0  }
0x174: {  	[sflag:s0] =	ssyncadd.tile.s32 @!p0 $0x1;
	_ =	shalt  }
.Lfunc_end2:
_tile_overlayer_lowered:
.L_overlay_start_2:
0x175: {  	(tag) =	ssettag $0x2  }
0x176: {  	s0 =	rddreg [dreg:$0x0];
	s2 =	stileid.u32  }
0x177: {  	s1 =	rddreg [dreg:$0x1];
	p0 =	sne.s32 s2, $0x0  }
0x178: {  	s3 =	rddreg [dreg:$0x2];
	[bflag:$0x3] =	sbarrier.arrive $0xFFFF;
	s2 =	simm.s32 @!p0 $0x1C02  }
0x179: {  	[timem:s3], [sflag:s2] =	dma.local @!p0 [hbm:s0], s1  }
0x17a: {  	s0 =	simm.s32 @!p0 $0x2  }
0x17b: {  	_ =	swait.ge @!p0 [sflag:s0], s1  }
0x17c: {  	s1 =	ssub.s32 @!p0 $0x0, s1;
	[sflag:s0] =	ssyncset.done @!p0 $0x0  }
0x17d: {  	[sflag:s0] =	ssyncadd.s32 @!p0 s1  }
0x17e: {  	[bflag:$0x3] =	sbarrier.arrive $0xFFFF  }
0x17f: {  	_ =	shalt  }

</sc_bundles>
